<compile_context>
chip_gen: v7x
topology: tpu7x:2x2x1
jax: 0.10.2.dev20260603
libtpu: 0.0.44.dev20260713+nightly
codegen_flags: <defaults>
</compile_context>

<pallas_src>
import functools

import jax
import jax.numpy as jnp
from jax import lax
from jax.experimental import pallas as pl
from jax.experimental.pallas import tpu as pltpu
from jax.experimental.pallas import tpu_sc as plsc

N_ITEM = 4096
EMB = 64
QC = 16
N_ENT = 50000
N_USER = 4096
N_EDGE = 800000
N_REL = 16
HIST = 50

NC = 2
NS = 16
NW = NC * NS

EPT = N_EDGE // NS
EC = 1000
NCH = EPT // EC

PAD_ENT = 51200
STRIPE = PAD_ENT // NS

N_UI = N_USER * HIST
UIPT = N_UI // NW
UC = 640
NUC = UIPT // UC

CPT = N_EDGE // NW
CC = 1000
NCC = CPT // CC

BM = 256
DIVB = 400


_MESH = dict(core_axis_name="c", subcore_axis_name="s",
             num_cores=NC, num_subcores=NS)


def _sc_edge_body(launch, ent4, tails, heads, rels, w4, z16, seg_o,
                  acc_sh, wsh,
                  idx_r0, idx_r1, head_r0, head_r1, rel_r0, rel_r1,
                  idx2_0, idx2_1, ridx2_0, ridx2_1, rows_0, rows_1, wrows,
                  sem_i, sem_g, sem_w):
  idx_r = (idx_r0, idx_r1)
  head_r = (head_r0, head_r1)
  rel_r = (rel_r0, rel_r1)
  idx2 = (idx2_0, idx2_1)
  ridx2 = (ridx2_0, ridx2_1)
  rows = (rows_0, rows_1)

  c = lax.axis_index("c")
  s = lax.axis_index("s")
  q = launch * NC + c

  row0 = s * STRIPE
  pltpu.sync_copy(z16, acc_sh.at[pl.ds(row0, STRIPE), :])

  @pl.when(s == 0)
  def _():
    pltpu.sync_copy(w4.at[pl.ds(q * N_REL, N_REL), :], wsh)

  plsc.subcore_barrier()

  ebase = s * EPT
  nvec = (EC + 15) // 16

  def fire_loads(k, b):
    eb = ebase + k * EC
    pltpu.async_copy(tails.at[pl.ds(eb, EC)], idx_r[b], sem_i)
    pltpu.async_copy(heads.at[pl.ds(eb, EC)], head_r[b], sem_i)
    pltpu.async_copy(rels.at[pl.ds(eb, EC)], rel_r[b], sem_i)

  def wait_loads(b):
    pltpu.make_async_copy(tails.at[pl.ds(0, EC)], idx_r[b], sem_i).wait()
    pltpu.make_async_copy(heads.at[pl.ds(0, EC)], head_r[b], sem_i).wait()
    pltpu.make_async_copy(rels.at[pl.ds(0, EC)], rel_r[b], sem_i).wait()

  def adjust(b):
    def adj(j, carry):
      o = jnp.minimum(j * 16, EC - 16)
      idx2[b][pl.ds(o, 16)] = idx_r[b][pl.ds(o, 16)] * 4 + q
      ridx2[b][pl.ds(o, 16)] = (rel_r[b][pl.ds(o, 16)]
                                + (N_REL - 1)) % N_REL
      return carry
    lax.fori_loop(0, nvec, adj, 0)

  def fire_gathers(b):
    pltpu.async_copy(ent4.at[idx2[b]], rows[b], sem_g)
    pltpu.async_copy(wsh.at[ridx2[b]], wrows, sem_w)

  def wait_gathers(b):
    pltpu.make_async_copy(ent4.at[idx2[b]], rows[b], sem_g).wait()
    pltpu.make_async_copy(wsh.at[ridx2[b]], wrows, sem_w).wait()

  def mult(b):
    @plsc.parallel_loop(0, EC, 1, unroll=8)
    def mul_body(e):
      rows[b][e, :] = rows[b][e, :] * wrows[e, :]

  def scatter(b):
    pltpu.sync_copy(rows[b], acc_sh.at[head_r[b]], add=True)

  fire_loads(0, 0)
  wait_loads(0)
  adjust(0)
  fire_gathers(0)
  fire_loads(1, 1)

  def pair(j, carry):
    for b in (0, 1):
      k = 2 * j + b
      nb = 1 - b
      wait_gathers(b)
      mult(b)

      def prep():
        wait_loads(nb)
        adjust(nb)
        fire_gathers(nb)

      if b == 0:
        prep()
      else:
        pl.when(j < NCH // 2 - 1)(prep)
      scatter(b)
      pl.when(j < NCH // 2 - 1)(lambda: fire_loads(k + 2, b))
    return carry

  lax.fori_loop(0, NCH // 2, pair, 0)
  plsc.subcore_barrier()

  pltpu.sync_copy(acc_sh.at[pl.ds(row0, STRIPE), :],
                  seg_o.at[c, pl.ds(row0, STRIPE), :])


def _sc_cntui_body(heads, samp, item_tab, z8, ones8, cnt_o, ui_o,
                   cnt_sh, ones_t,
                   head_r0, head_r1, sidx_r0, sidx_r1, urow_0, urow_1,
                   sem_i, sem_g, sem_u):
  head_r = (head_r0, head_r1)
  sidx = (sidx_r0, sidx_r1)
  urow = (urow_0, urow_1)

  c = lax.axis_index("c")
  s = lax.axis_index("s")
  wid = s * NC + c

  row0 = s * STRIPE
  pltpu.sync_copy(z8, cnt_sh.at[pl.ds(row0, STRIPE), :])
  pltpu.sync_copy(ones8, ones_t)
  plsc.subcore_barrier()

  cbase = wid * CPT

  def fire_head(k, b):
    pltpu.async_copy(heads.at[pl.ds(cbase + k * CC, CC)], head_r[b], sem_i)

  def wait_head(b):
    pltpu.make_async_copy(heads.at[pl.ds(0, CC)], head_r[b], sem_i).wait()

  fire_head(0, 0)
  fire_head(1, 1)

  def cpair(j, carry):
    for b in (0, 1):
      k = 2 * j + b

      def step():
        wait_head(b)
        pltpu.sync_copy(ones_t, cnt_sh.at[head_r[b]], add=True)

      if b == 0:
        step()
        pl.when(j < 12)(lambda: fire_head(k + 2, b))
      else:
        pl.when(j < 12)(step)
        pl.when(j < 11)(lambda: fire_head(k + 2, b))
    return carry

  lax.fori_loop(0, (NCC + 1) // 2, cpair, 0)
  plsc.subcore_barrier()
  pltpu.sync_copy(cnt_sh.at[pl.ds(row0, STRIPE), :],
                  cnt_o.at[c, pl.ds(row0, STRIPE), :])

  ubase = wid * UIPT

  def fire_sidx(k, b):
    pltpu.async_copy(samp.at[pl.ds(ubase + k * UC, UC)], sidx[b], sem_u)

  def wait_sidx(b):
    pltpu.make_async_copy(samp.at[pl.ds(0, UC)], sidx[b], sem_u).wait()

  def fire_ug(b):
    pltpu.async_copy(item_tab.at[sidx[b]], urow[b], sem_g)

  def wait_ug(b):
    pltpu.make_async_copy(item_tab.at[sidx[b]], urow[b], sem_g).wait()

  fire_sidx(0, 0)
  wait_sidx(0)
  fire_ug(0)
  fire_sidx(1, 1)

  def upair(j, carry):
    for b in (0, 1):
      k = 2 * j + b
      nb = 1 - b
      wait_ug(b)

      def prep():
        wait_sidx(nb)
        fire_ug(nb)

      if b == 0:
        prep()
      else:
        pl.when(j < NUC // 2 - 1)(prep)
      pltpu.sync_copy(urow[b], ui_o.at[pl.ds(ubase + k * UC, UC), :])
      pl.when(j < NUC // 2 - 1)(lambda: fire_sidx(k + 2, b))
    return carry

  lax.fori_loop(0, NUC // 2, upair, 0)


def _sc_edge(launch, args):
  mesh = plsc.VectorSubcoreMesh(**_MESH)
  f = pl.kernel(
      functools.partial(_sc_edge_body, launch),
      out_type=[jax.ShapeDtypeStruct((NC, PAD_ENT, QC), jnp.float32)],
      mesh=mesh,
      scratch_types=[
          pltpu.VMEM_SHARED((PAD_ENT, QC), jnp.float32),
          pltpu.VMEM_SHARED((N_REL, QC), jnp.float32),
      ] + [pltpu.VMEM((EC,), jnp.int32)] * 10 + [
          pltpu.VMEM((EC, QC), jnp.float32),
          pltpu.VMEM((EC, QC), jnp.float32),
          pltpu.VMEM((EC, QC), jnp.float32),
          pltpu.SemaphoreType.DMA,
          pltpu.SemaphoreType.DMA,
          pltpu.SemaphoreType.DMA,
      ],
      compiler_params=pltpu.CompilerParams(use_tc_tiling_on_sc=False),
      name="kg_edge_aggregate_sc",
  )
  return f(*args)


def _sc_cntui(args):
  mesh = plsc.VectorSubcoreMesh(**_MESH)
  f = pl.kernel(
      _sc_cntui_body,
      out_type=[
          jax.ShapeDtypeStruct((NC, PAD_ENT, 8), jnp.float32),
          jax.ShapeDtypeStruct((N_UI, EMB), jnp.float32),
      ],
      mesh=mesh,
      scratch_types=[
          pltpu.VMEM_SHARED((PAD_ENT, 8), jnp.float32),
          pltpu.VMEM((CC, 8), jnp.float32),
          pltpu.VMEM((CC,), jnp.int32),
          pltpu.VMEM((CC,), jnp.int32),
          pltpu.VMEM((UC,), jnp.int32),
          pltpu.VMEM((UC,), jnp.int32),
          pltpu.VMEM((UC, EMB), jnp.float32),
          pltpu.VMEM((UC, EMB), jnp.float32),
          pltpu.SemaphoreType.DMA,
          pltpu.SemaphoreType.DMA,
          pltpu.SemaphoreType.DMA,
      ],
      compiler_params=pltpu.CompilerParams(use_tc_tiling_on_sc=False),
      name="kg_count_ui_sc",
  )
  return f(*args)


def _div_body(sa_ref, sb_ref, cnt_ref, out_ref):
  a = sa_ref[...]
  b = sb_ref[...]
  cnt = cnt_ref[...]
  csum = cnt[0][:, 0:1] + cnt[1][:, 0:1]
  kg = jnp.concatenate([a[0], a[1], b[0], b[1]], axis=1)
  out_ref[...] = kg / jnp.maximum(csum, 1.0)


def _seg_mean(seg_a, seg_b, cnt):
  grid = N_ENT // DIVB
  return pl.pallas_call(
      _div_body,
      grid=(grid,),
      in_specs=[
          pl.BlockSpec((NC, DIVB, QC), lambda i: (0, i, 0)),
          pl.BlockSpec((NC, DIVB, QC), lambda i: (0, i, 0)),
          pl.BlockSpec((NC, DIVB, 8), lambda i: (0, i, 0)),
      ],
      out_specs=pl.BlockSpec((DIVB, EMB), lambda i: (i, 0)),
      out_shape=jax.ShapeDtypeStruct((N_ENT, EMB), jnp.float32),
  )(seg_a, seg_b, cnt)


def _mm_body(item_adj_ref, user_adj_ref, item_emb_ref, user_emb_ref,
             aggn_out_ref, ucol_out_ref):
  aggn_out_ref[...] = jnp.dot(item_adj_ref[...], item_emb_ref[...],
                              preferred_element_type=jnp.float32)
  ucol_out_ref[...] = jnp.dot(user_adj_ref[...], user_emb_ref[...],
                              preferred_element_type=jnp.float32)


def _adj_matmuls(item_adj, user_adj, item_emb, user_emb):
  grid = N_ITEM // BM
  return pl.pallas_call(
      _mm_body,
      grid=(grid,),
      in_specs=[
          pl.BlockSpec((BM, N_ITEM), lambda i: (i, 0)),
          pl.BlockSpec((BM, N_USER), lambda i: (i, 0)),
          pl.BlockSpec((N_ITEM, EMB), lambda i: (0, 0)),
          pl.BlockSpec((N_USER, EMB), lambda i: (0, 0)),
      ],
      out_specs=[
          pl.BlockSpec((BM, EMB), lambda i: (i, 0)),
          pl.BlockSpec((BM, EMB), lambda i: (i, 0)),
      ],
      out_shape=[
          jax.ShapeDtypeStruct((N_ITEM, EMB), jnp.float32),
          jax.ShapeDtypeStruct((N_USER, EMB), jnp.float32),
      ],
  )(item_adj, user_adj, item_emb, user_emb)


def _fused_body(agg_nb_ref, ucol_ref, ue_blk_ref, kg_ref, ui_ref,
                uaW_ref, uab_ref, ikW_ref, ikb_ref, inW_ref, inb_ref,
                ugW_ref, ugb_ref, unW_ref, unb_ref,
                item_out_ref, user_out_ref, reg_ref):
  i = pl.program_id(0)
  dn = (((1,), (1,)), ((), ()))

  agg_nb = agg_nb_ref[...]
  kg = kg_ref[...]
  gate = jax.nn.sigmoid(
      lax.dot_general(kg, ikW_ref[...], dn,
                      preferred_element_type=jnp.float32) + ikb_ref[...]
      + lax.dot_general(agg_nb, inW_ref[...], dn,
                        preferred_element_type=jnp.float32) + inb_ref[...])
  item_out_ref[...] = gate * kg + (1.0 - gate) * agg_nb

  ucol = ucol_ref[...]
  ui3 = ui_ref[...]
  t = jnp.tanh(
      lax.dot_general(ui3.reshape(HIST * BM, EMB), uaW_ref[...], dn,
                      preferred_element_type=jnp.float32) + uab_ref[...])
  t3 = t.reshape(HIST, BM, EMB)
  ue = ue_blk_ref[...]
  score = jnp.concatenate(
      [jnp.sum(t3[l] * ue, axis=1, keepdims=True) for l in range(HIST)],
      axis=1)
  m = jnp.max(score, axis=1, keepdims=True)
  p = jnp.exp(score - m)
  attn = p / jnp.sum(p, axis=1, keepdims=True)
  agg = jnp.zeros((BM, EMB), jnp.float32)
  for l in range(HIST):
    agg = agg + ui3[l] * attn[:, l:l + 1]
  ugate = jax.nn.sigmoid(
      lax.dot_general(agg, ugW_ref[...], dn,
                      preferred_element_type=jnp.float32) + ugb_ref[...]
      + lax.dot_general(ucol, unW_ref[...], dn,
                        preferred_element_type=jnp.float32) + unb_ref[...])
  user_out_ref[...] = ugate * agg + (1.0 - ugate) * ucol

  @pl.when(i == 0)
  def _():
    reg = (jnp.sum(uaW_ref[...] ** 2) + jnp.sum(uab_ref[...] ** 2)
           + jnp.sum(ikW_ref[...] ** 2) + jnp.sum(ikb_ref[...] ** 2)
           + jnp.sum(inW_ref[...] ** 2) + jnp.sum(inb_ref[...] ** 2)
           + jnp.sum(ugW_ref[...] ** 2) + jnp.sum(ugb_ref[...] ** 2)
           + jnp.sum(unW_ref[...] ** 2) + jnp.sum(unb_ref[...] ** 2))
    reg_ref[...] = reg.reshape(1, 1)


def _fused_dense(agg_nb, ucol, user_emb, kg_full, ui,
                 uaW, uab, ikW, ikb, inW, inb, ugW, ugb, unW, unb):
  grid = N_ITEM // BM
  blk = pl.BlockSpec((BM, EMB), lambda i: (i, 0))
  full64 = pl.BlockSpec((EMB, EMB), lambda i: (0, 0))
  bias = pl.BlockSpec((1, EMB), lambda i: (0, 0))
  return pl.pallas_call(
      _fused_body,
      grid=(grid,),
      in_specs=[
          blk, blk, blk, blk,
          pl.BlockSpec((HIST, BM, EMB), lambda i: (0, i, 0)),
          full64, bias, full64, bias, full64, bias, full64, bias, full64,
          bias,
      ],
      out_specs=[
          pl.BlockSpec((BM, EMB), lambda i: (i, 0)),
          pl.BlockSpec((BM, EMB), lambda i: (i, 0)),
          pl.BlockSpec((1, 1), lambda i: (0, 0)),
      ],
      out_shape=[
          jax.ShapeDtypeStruct((N_ITEM, EMB), jnp.float32),
          jax.ShapeDtypeStruct((N_USER, EMB), jnp.float32),
          jax.ShapeDtypeStruct((1, 1), jnp.float32),
      ],
  )(agg_nb, ucol, user_emb, kg_full, ui,
    uaW, uab, ikW, ikb, inW, inb, ugW, ugb, unW, unb)


def kernel(entity_emb, user_emb, edge_index, edge_type, weight,
           norm_item_user_adj, norm_user_neibor, norm_item_neibor,
           sample_user_item,
           user_attend_W, user_attend_b, item_kg_gate_W, item_kg_gate_b,
           item_neibor_gate_W, item_neibor_gate_b, user_item_gate_W,
           user_item_gate_b, user_neibor_gate_W, user_neibor_gate_b):
  del norm_item_user_adj
  head = edge_index[0].astype(jnp.int32)
  tail = edge_index[1].astype(jnp.int32)
  rels = edge_type.astype(jnp.int32)

  ent4 = entity_emb.reshape(4 * N_ENT, QC)
  w4 = weight.reshape(N_REL, 4, QC).transpose(1, 0, 2).reshape(-1, QC)

  samp = sample_user_item.astype(jnp.int32).T.reshape(-1)
  z16 = jnp.zeros((STRIPE, QC), jnp.float32)
  z8 = jnp.zeros((STRIPE, 8), jnp.float32)
  ones8 = jnp.zeros((CC, 8), jnp.float32).at[:, 0].set(1.0)

  item_emb = lax.slice(entity_emb, (0, 0), (N_ITEM, EMB))

  cnt, ui = _sc_cntui((head, samp, item_emb, z8, ones8))
  seg_a, = _sc_edge(0, (ent4, tail, head, rels, w4, z16))
  seg_b, = _sc_edge(1, (ent4, tail, head, rels, w4, z16))

  agg_nb, ucol = _adj_matmuls(norm_item_neibor, norm_user_neibor,
                              item_emb, user_emb)

  kg_full = _seg_mean(seg_a, seg_b, cnt)

  b = lambda v: v.reshape(1, EMB)
  item_agg, user_agg, reg = _fused_dense(
      agg_nb, ucol, user_emb, kg_full,
      ui.reshape(HIST, N_USER, EMB),
      user_attend_W, b(user_attend_b), item_kg_gate_W, b(item_kg_gate_b),
      item_neibor_gate_W, b(item_neibor_gate_b), user_item_gate_W,
      b(user_item_gate_b), user_neibor_gate_W, b(user_neibor_gate_b))

  entity_agg = jnp.concatenate(
      [item_agg, lax.slice(kg_full, (N_ITEM, 0), (N_ENT, EMB))], axis=0)
  return entity_agg, user_agg, reg[0, 0]

# --- scband reference (transcript-rebuilt; emitter-appended) ---
"""Pipeline reference for scband-aggregator-27444841021984 (READ-ONLY COPY).

The authoritative reference and input builder live on the scoring server;
editing this copy changes nothing except your own understanding.
"""

import jax, jax.numpy as jnp
import numpy as np

N_ITEM = 4096
EMB = 64
N_ENT = 50000
N_USER = 4096
N_EDGE = 800000
N_REL = 16
HIST = 50


def _xavier(k, shape):
    lim = float(np.sqrt(6.0 / (shape[0] + shape[1])))
    return jax.random.uniform(k, shape, minval=-lim, maxval=lim, dtype=jnp.float32)


def setup_inputs(seed: int = 0):
    key = jax.random.key(seed)
    ks = jax.random.split(key, 20)
    inp = {}
    inp['entity_emb'] = jax.random.normal(ks[0], (N_ENT, EMB), dtype=jnp.float32)
    inp['user_emb'] = jax.random.normal(ks[1], (N_USER, EMB), dtype=jnp.float32)
    inp['edge_index'] = jax.random.randint(ks[2], (2, N_EDGE), 0, N_ENT)
    inp['edge_type'] = jax.random.randint(ks[3], (N_EDGE,), 0, N_REL)
    inp['weight'] = jax.random.normal(ks[4], (N_REL, EMB), dtype=jnp.float32)
    inp['norm_item_user_adj'] = jax.random.uniform(ks[5], (N_ITEM, N_USER), dtype=jnp.float32)
    inp['norm_user_neibor'] = jax.random.uniform(ks[6], (N_USER, N_USER), dtype=jnp.float32)
    inp['norm_item_neibor'] = jax.random.uniform(ks[7], (N_ITEM, N_ITEM), dtype=jnp.float32)
    inp['sample_user_item'] = jax.random.randint(ks[8], (N_USER, HIST), 0, N_ITEM)
    names = ['user_attend', 'item_kg_gate', 'item_neibor_gate', 'user_item_gate', 'user_neibor_gate']
    for i, nm in enumerate(names):
        inp[nm + '_W'] = _xavier(ks[9 + i], (EMB, EMB))
        inp[nm + '_b'] = jnp.zeros((EMB,), dtype=jnp.float32)
    return inp


def _linear(x, W, b):
    return x @ W.T + b


def _forward(entity_emb, user_emb, weight, norm_item_user_adj, norm_user_neibor, norm_item_neibor,
             user_attend_W, user_attend_b, item_kg_gate_W, item_kg_gate_b,
             item_neibor_gate_W, item_neibor_gate_b, user_item_gate_W, user_item_gate_b,
             user_neibor_gate_W, user_neibor_gate_b, edge_index, edge_type, sample_user_item):
    n_entities = entity_emb.shape[0]
    head = edge_index[0]
    tail = edge_index[1]
    edge_relation_emb = weight[edge_type - 1]
    neigh_relation_emb = entity_emb[tail] * edge_relation_emb
    seg_sum = jax.ops.segment_sum(neigh_relation_emb, head, num_segments=n_entities)
    seg_cnt = jax.ops.segment_sum(jnp.ones((head.shape[0],), jnp.float32), head, num_segments=n_entities)
    kg_entity_agg = seg_sum / jnp.clip(seg_cnt, 1.0, None)[:, None]
    item_emb = entity_emb[:N_ITEM]
    agg_item_neibor = norm_item_neibor @ item_emb
    item_score = jax.nn.sigmoid(_linear(kg_entity_agg[:N_ITEM], item_kg_gate_W, item_kg_gate_b)
                                + _linear(agg_item_neibor, item_neibor_gate_W, item_neibor_gate_b))
    item_agg = item_score * kg_entity_agg[:N_ITEM] + (1.0 - item_score) * agg_item_neibor
    entity_agg_emb = jnp.concatenate([item_agg, kg_entity_agg[N_ITEM:]], axis=0)
    user_item_emb = item_emb[sample_user_item]
    user_item_attend_emb = jnp.tanh(_linear(user_item_emb, user_attend_W, user_attend_b))
    user_score = jnp.einsum('uld,ud->ul', user_item_attend_emb, user_emb)
    norm_score = jax.nn.softmax(user_score, axis=1)
    user_item_agg = jnp.einsum('ul,uld->ud', norm_score, user_item_emb)
    user_collaborate_emb = norm_user_neibor @ user_emb
    user_gate_score = jax.nn.sigmoid(_linear(user_item_agg, user_item_gate_W, user_item_gate_b)
                                     + _linear(user_collaborate_emb, user_neibor_gate_W, user_neibor_gate_b))
    user_agg_emb = user_gate_score * user_item_agg + (1.0 - user_gate_score) * user_collaborate_emb
    regularizer_loss = (jnp.sum(user_attend_W ** 2) + jnp.sum(user_attend_b ** 2)
                        + jnp.sum(item_kg_gate_W ** 2) + jnp.sum(item_kg_gate_b ** 2)
                        + jnp.sum(item_neibor_gate_W ** 2) + jnp.sum(item_neibor_gate_b ** 2)
                        + jnp.sum(user_item_gate_W ** 2) + jnp.sum(user_item_gate_b ** 2)
                        + jnp.sum(user_neibor_gate_W ** 2) + jnp.sum(user_neibor_gate_b ** 2))
    return entity_agg_emb, user_agg_emb, regularizer_loss


def reference(entity_emb, user_emb, edge_index, edge_type, weight, norm_item_user_adj,
              norm_user_neibor, norm_item_neibor, sample_user_item,
              user_attend_W, user_attend_b, item_kg_gate_W, item_kg_gate_b,
              item_neibor_gate_W, item_neibor_gate_b, user_item_gate_W, user_item_gate_b,
              user_neibor_gate_W, user_neibor_gate_b):
    return _forward(entity_emb, user_emb, weight, norm_item_user_adj, norm_user_neibor, norm_item_neibor,
                    user_attend_W, user_attend_b, item_kg_gate_W, item_kg_gate_b,
                    item_neibor_gate_W, item_neibor_gate_b, user_item_gate_W, user_item_gate_b,
                    user_neibor_gate_W, user_neibor_gate_b, edge_index, edge_type, sample_user_item)

if __name__ == "__main__":
    import jax
    _d = setup_inputs()
    print(jax.jit(kernel)(*tuple(_d.values())))

</pallas_src>

<mosaic_0001>
#map = affine_map<(d0, d1) -> (0, 0)>
#map1 = affine_map<(d0, d1) -> (0)>
#map2 = affine_map<(d0, d1) -> (0, 0, 0)>
module attributes {stable_mosaic.version = 14 : i64} {
  func.func @kg_edge_aggregate_sc(%arg0: i32, %arg1: i32, %arg2: memref<200000x16xf32, #tpu.memory_space<hbm>>, %arg3: memref<800000xi32, #tpu.memory_space<hbm>>, %arg4: memref<800000xi32, #tpu.memory_space<hbm>>, %arg5: memref<800000xi32, #tpu.memory_space<hbm>>, %arg6: memref<64x16xf32, #tpu.memory_space<hbm>>, %arg7: memref<3200x16xf32, #tpu.memory_space<hbm>>, %arg8: memref<2x51200x16xf32, #tpu.memory_space<hbm>>, %arg9: memref<51200x16xf32, #tpu.memory_space<vmem_shared>>, %arg10: memref<16x16xf32, #tpu.memory_space<vmem_shared>>, %arg11: memref<1000xi32, #tpu.memory_space<vmem>>, %arg12: memref<1000xi32, #tpu.memory_space<vmem>>, %arg13: memref<1000xi32, #tpu.memory_space<vmem>>, %arg14: memref<1000xi32, #tpu.memory_space<vmem>>, %arg15: memref<1000xi32, #tpu.memory_space<vmem>>, %arg16: memref<1000xi32, #tpu.memory_space<vmem>>, %arg17: memref<1000xi32, #tpu.memory_space<vmem>>, %arg18: memref<1000xi32, #tpu.memory_space<vmem>>, %arg19: memref<1000xi32, #tpu.memory_space<vmem>>, %arg20: memref<1000xi32, #tpu.memory_space<vmem>>, %arg21: memref<1000x16xf32, #tpu.memory_space<vmem>>, %arg22: memref<1000x16xf32, #tpu.memory_space<vmem>>, %arg23: memref<1000x16xf32, #tpu.memory_space<vmem>>, %arg24: memref<!tpu.dma_semaphore, #tpu.memory_space<semaphore_mem>>, %arg25: memref<!tpu.dma_semaphore, #tpu.memory_space<semaphore_mem>>, %arg26: memref<!tpu.dma_semaphore, #tpu.memory_space<semaphore_mem>>) attributes {dimension_semantics = [#tpu.dimension_semantics<core_parallel>, #tpu.dimension_semantics<subcore_parallel>], iteration_bounds = array<i64: 2, 16>, scalar_prefetch = 0 : i64, scratch_operands = 18 : i64, tpu.core_type = #tpu.core_type<sc_vector_subcore>, window_params = [{transform_indices = #map}, {transform_indices = #map1}, {transform_indices = #map1}, {transform_indices = #map1}, {transform_indices = #map}, {transform_indices = #map}, {transform_indices = #map2}]} {
    %add3A = arith.constant 0 : i32
    %add3A_0 = arith.addi %add3A, %arg0 : i32
    %mul3A = arith.constant 3200 : i32
    %mul3A_1 = arith.muli %arg1, %mul3A : i32
    "tpu.region"() ({
      %run_scoped3A = tpu.sem_alloc : memref<!tpu.dma_semaphore, #tpu.memory_space<semaphore_mem>>
      %dma_start3A_50 = arith.constant 0 : i32
      %dma_start3A_51 = tpu.memref_slice %arg9[%mul3A_1, %dma_start3A_50] : memref<51200x16xf32, #tpu.memory_space<vmem_shared>> -> memref<3200x16xf32, #tpu.memory_space<vmem_shared>>
      tpu.enqueue_dma source(%arg7 : memref<3200x16xf32, #tpu.memory_space<hbm>>) target(%dma_start3A_51 : memref<3200x16xf32, #tpu.memory_space<vmem_shared>>) target_semaphore(%run_scoped3A : memref<!tpu.dma_semaphore, #tpu.memory_space<semaphore_mem>>)
      %dma_wait3A_52 = arith.constant 0 : i32
      %dma_wait3A_53 = tpu.memref_slice %arg9[%mul3A_1, %dma_wait3A_52] : memref<51200x16xf32, #tpu.memory_space<vmem_shared>> -> memref<3200x16xf32, #tpu.memory_space<vmem_shared>>
      tpu.wait_dma2 semaphore(%run_scoped3A : memref<!tpu.dma_semaphore, #tpu.memory_space<semaphore_mem>>) src(%arg7 : memref<3200x16xf32, #tpu.memory_space<hbm>>) dst(%dma_wait3A_53 : memref<3200x16xf32, #tpu.memory_space<vmem_shared>>)
      tpu.yield
    }) : () -> ()
    %eq3A = arith.constant 0 : i32
    %eq3A_2 = arith.cmpi eq, %arg1, %eq3A : i32
    %convert_element_type3A = arith.extui %eq3A_2 : i1 to i32
    %cond3A = arith.constant 0 : i32
    %cond3A_3 = arith.cmpi ne, %convert_element_type3A, %cond3A : i32
    scf.if %cond3A_3 {
      %mul3A_50 = arith.constant 16 : i32
      %mul3A_51 = arith.muli %add3A_0, %mul3A_50 : i32
      "tpu.region"() ({
        %run_scoped3A = tpu.sem_alloc : memref<!tpu.dma_semaphore, #tpu.memory_space<semaphore_mem>>
        %dma_start3A_52 = arith.constant 0 : i32
        %dma_start3A_53 = tpu.memref_slice %arg6[%mul3A_51, %dma_start3A_52] : memref<64x16xf32, #tpu.memory_space<hbm>> -> memref<16x16xf32, #tpu.memory_space<hbm>>
        tpu.enqueue_dma source(%dma_start3A_53 : memref<16x16xf32, #tpu.memory_space<hbm>>) target(%arg10 : memref<16x16xf32, #tpu.memory_space<vmem_shared>>) target_semaphore(%run_scoped3A : memref<!tpu.dma_semaphore, #tpu.memory_space<semaphore_mem>>)
        %dma_wait3A_54 = arith.constant 0 : i32
        %dma_wait3A_55 = tpu.memref_slice %arg6[%mul3A_51, %dma_wait3A_54] : memref<64x16xf32, #tpu.memory_space<hbm>> -> memref<16x16xf32, #tpu.memory_space<hbm>>
        tpu.wait_dma2 semaphore(%run_scoped3A : memref<!tpu.dma_semaphore, #tpu.memory_space<semaphore_mem>>) src(%dma_wait3A_55 : memref<16x16xf32, #tpu.memory_space<hbm>>) dst(%arg10 : memref<16x16xf32, #tpu.memory_space<vmem_shared>>)
        tpu.yield
      }) : () -> ()
    } else {
    }
    %barrier3A = arith.constant 0 : index
    tpu.barrier barrier_id(%barrier3A)
    %mul3A_4 = arith.constant 50000 : i32
    %mul3A_5 = arith.muli %arg1, %mul3A_4 : i32
    %add3A_6 = arith.constant 0 : i32
    %add3A_7 = arith.addi %mul3A_5, %add3A_6 : i32
    %dma_start3A = tpu.memref_slice %arg3[%add3A_7] : memref<800000xi32, #tpu.memory_space<hbm>> -> memref<1000xi32, #tpu.memory_space<hbm>>
    %dma_start3A_8 = tpu.memref_slice %arg3[%add3A_7] : memref<800000xi32, #tpu.memory_space<hbm>> -> memref<1000xi32, #tpu.memory_space<hbm>>
    tpu.enqueue_dma source(%dma_start3A_8 : memref<1000xi32, #tpu.memory_space<hbm>>) target(%arg11 : memref<1000xi32, #tpu.memory_space<vmem>>) target_semaphore(%arg24 : memref<!tpu.dma_semaphore, #tpu.memory_space<semaphore_mem>>)
    %dma_start3A_9 = tpu.memref_slice %arg4[%add3A_7] : memref<800000xi32, #tpu.memory_space<hbm>> -> memref<1000xi32, #tpu.memory_space<hbm>>
    %dma_start3A_10 = tpu.memref_slice %arg4[%add3A_7] : memref<800000xi32, #tpu.memory_space<hbm>> -> memref<1000xi32, #tpu.memory_space<hbm>>
    tpu.enqueue_dma source(%dma_start3A_10 : memref<1000xi32, #tpu.memory_space<hbm>>) target(%arg13 : memref<1000xi32, #tpu.memory_space<vmem>>) target_semaphore(%arg24 : memref<!tpu.dma_semaphore, #tpu.memory_space<semaphore_mem>>)
    %dma_start3A_11 = tpu.memref_slice %arg5[%add3A_7] : memref<800000xi32, #tpu.memory_space<hbm>> -> memref<1000xi32, #tpu.memory_space<hbm>>
    %dma_start3A_12 = tpu.memref_slice %arg5[%add3A_7] : memref<800000xi32, #tpu.memory_space<hbm>> -> memref<1000xi32, #tpu.memory_space<hbm>>
    tpu.enqueue_dma source(%dma_start3A_12 : memref<1000xi32, #tpu.memory_space<hbm>>) target(%arg15 : memref<1000xi32, #tpu.memory_space<vmem>>) target_semaphore(%arg24 : memref<!tpu.dma_semaphore, #tpu.memory_space<semaphore_mem>>)
    %dma_wait3A = arith.constant 0 : i32
    %dma_wait3A_13 = tpu.memref_slice %arg3[%dma_wait3A] : memref<800000xi32, #tpu.memory_space<hbm>> -> memref<1000xi32, #tpu.memory_space<hbm>>
    %dma_wait3A_14 = arith.constant 0 : i32
    %dma_wait3A_15 = tpu.memref_slice %arg3[%dma_wait3A_14] : memref<800000xi32, #tpu.memory_space<hbm>> -> memref<1000xi32, #tpu.memory_space<hbm>>
    tpu.wait_dma2 semaphore(%arg24 : memref<!tpu.dma_semaphore, #tpu.memory_space<semaphore_mem>>) src(%dma_wait3A_15 : memref<1000xi32, #tpu.memory_space<hbm>>) dst(%arg11 : memref<1000xi32, #tpu.memory_space<vmem>>)
    %dma_wait3A_16 = arith.constant 0 : i32
    %dma_wait3A_17 = tpu.memref_slice %arg4[%dma_wait3A_16] : memref<800000xi32, #tpu.memory_space<hbm>> -> memref<1000xi32, #tpu.memory_space<hbm>>
    %dma_wait3A_18 = arith.constant 0 : i32
    %dma_wait3A_19 = tpu.memref_slice %arg4[%dma_wait3A_18] : memref<800000xi32, #tpu.memory_space<hbm>> -> memref<1000xi32, #tpu.memory_space<hbm>>
    tpu.wait_dma2 semaphore(%arg24 : memref<!tpu.dma_semaphore, #tpu.memory_space<semaphore_mem>>) src(%dma_wait3A_19 : memref<1000xi32, #tpu.memory_space<hbm>>) dst(%arg13 : memref<1000xi32, #tpu.memory_space<vmem>>)
    %dma_wait3A_20 = arith.constant 0 : i32
    %dma_wait3A_21 = tpu.memref_slice %arg5[%dma_wait3A_20] : memref<800000xi32, #tpu.memory_space<hbm>> -> memref<1000xi32, #tpu.memory_space<hbm>>
    %dma_wait3A_22 = arith.constant 0 : i32
    %dma_wait3A_23 = tpu.memref_slice %arg5[%dma_wait3A_22] : memref<800000xi32, #tpu.memory_space<hbm>> -> memref<1000xi32, #tpu.memory_space<hbm>>
    tpu.wait_dma2 semaphore(%arg24 : memref<!tpu.dma_semaphore, #tpu.memory_space<semaphore_mem>>) src(%dma_wait3A_23 : memref<1000xi32, #tpu.memory_space<hbm>>) dst(%arg15 : memref<1000xi32, #tpu.memory_space<vmem>>)
    %scan3A = arith.constant 0 : i32
    %scan3A_24 = arith.constant 0 : i32
    %scan3A_25 = arith.constant 63 : i32
    %scan3A_26 = arith.addi %scan3A_24, %scan3A_25 : i32
    %scan3A_27 = arith.constant 1 : i32
    scf.for %scan3A_50 = %scan3A_24 to %scan3A_26 step %scan3A_27  : i32 {
      %mul3A_51 = arith.constant 16 : i32
      %mul3A_52 = arith.muli %scan3A_50, %mul3A_51 : i32
      %min3A = arith.constant 984 : i32
      %min3A_53 = arith.minsi %mul3A_52, %min3A : i32
      %get3A = arith.index_cast %min3A_53 : i32 to index
      %get3A_54 = tpu.vector_load %arg11[%get3A] {strides = array<i32>} : memref<1000xi32, #tpu.memory_space<vmem>>, vector<16xi32>,
      %get3A_55 = vector.shape_cast %get3A_54 : vector<16xi32> to vector<16xi32>
      %mul3A_56 = arith.constant 4 : i32
      %mul3A_57 = vector.broadcast %mul3A_56 : i32 to vector<16xi32>
      %mul3A_58 = arith.muli %get3A_55, %mul3A_57 : vector<16xi32>
      %add3A_59 = vector.broadcast %add3A_0 : i32 to vector<16xi32>
      %add3A_60 = arith.addi %mul3A_58, %add3A_59 : vector<16xi32>
      %swap3A = arith.index_cast %min3A_53 : i32 to index
      %swap3A_61 = tpu.vector_load %arg17[%swap3A] {strides = array<i32>} : memref<1000xi32, #tpu.memory_space<vmem>>, vector<16xi32>,
      %swap3A_62 = vector.shape_cast %swap3A_61 : vector<16xi32> to vector<16xi32>
      %swap3A_63 = vector.shape_cast %add3A_60 : vector<16xi32> to vector<16xi32>
      tpu.vector_store %arg17[%swap3A], %swap3A_63 {strides = array<i32>} : memref<1000xi32, #tpu.memory_space<vmem>>, vector<16xi32>,
      %get3A_64 = arith.index_cast %min3A_53 : i32 to index
      %get3A_65 = tpu.vector_load %arg15[%get3A_64] {strides = array<i32>} : memref<1000xi32, #tpu.memory_space<vmem>>, vector<16xi32>,
      %get3A_66 = vector.shape_cast %get3A_65 : vector<16xi32> to vector<16xi32>
      %add3A_67 = arith.constant 15 : i32
      %add3A_68 = vector.broadcast %add3A_67 : i32 to vector<16xi32>
      %add3A_69 = arith.addi %get3A_66, %add3A_68 : vector<16xi32>
      %jit3A = arith.constant 16 : i32
      %eq3A_70 = arith.constant 0 : i32
      %eq3A_71 = arith.cmpi eq, %jit3A, %eq3A_70 : i32
      %jit3A_72 = arith.constant 1 : i32
      %select_n3A = arith.select %eq3A_71, %jit3A_72, %jit3A : i32
      %rem3A = vector.broadcast %select_n3A : i32 to vector<16xi32>
      %rem3A_73 = arith.remsi %add3A_69, %rem3A : vector<16xi32>
      %ne3A = arith.constant 0 : i32
      %ne3A_74 = vector.broadcast %ne3A : i32 to vector<16xi32>
      %ne3A_75 = arith.cmpi ne, %rem3A_73, %ne3A_74 : vector<16xi32>
      %lt3A = arith.constant 0 : i32
      %lt3A_76 = vector.broadcast %lt3A : i32 to vector<16xi32>
      %lt3A_77 = arith.cmpi slt, %rem3A_73, %lt3A_76 : vector<16xi32>
      %lt3A_78 = arith.constant 0 : i32
      %lt3A_79 = arith.cmpi slt, %select_n3A, %lt3A_78 : i32
      %ne3A_80 = vector.broadcast %lt3A_79 : i1 to vector<16xi1>
      %ne3A_81 = vector.broadcast %ne3A_80 : vector<16xi1> to vector<16xi1>
      %ne3A_82 = arith.xori %lt3A_77, %ne3A_81 : vector<16xi1>
      %and3A = arith.andi %ne3A_82, %ne3A_75 : vector<16xi1>
      %add3A_83 = vector.broadcast %select_n3A : i32 to vector<16xi32>
      %add3A_84 = arith.addi %rem3A_73, %add3A_83 : vector<16xi32>
      %select_n3A_85 = arith.select %and3A, %add3A_84, %rem3A_73 : vector<16xi1>, vector<16xi32>
      %swap3A_86 = arith.index_cast %min3A_53 : i32 to index
      %swap3A_87 = tpu.vector_load %arg19[%swap3A_86] {strides = array<i32>} : memref<1000xi32, #tpu.memory_space<vmem>>, vector<16xi32>,
      %swap3A_88 = vector.shape_cast %swap3A_87 : vector<16xi32> to vector<16xi32>
      %swap3A_89 = vector.shape_cast %select_n3A_85 : vector<16xi32> to vector<16xi32>
      tpu.vector_store %arg19[%swap3A_86], %swap3A_89 {strides = array<i32>} : memref<1000xi32, #tpu.memory_space<vmem>>, vector<16xi32>,
    }
    %scan3A_28 = arith.constant 63 : i32
    %dma_start3A_29 = arith.constant 0 : i32
    %dma_start3A_30 = arith.constant 0 : i32
    %dma_start3A_31 = tpu.memref_slice %arg2[%dma_start3A_29, %dma_start3A_30] : memref<200000x16xf32, #tpu.memory_space<hbm>> -> memref<200000x16xf32, #tpu.memory_space<hbm>>
    tpu.enqueue_indirect_dma source(%dma_start3A_31 : memref<200000x16xf32, #tpu.memory_space<hbm>>) target(%arg21 : memref<1000x16xf32, #tpu.memory_space<vmem>>) offsets(%arg17 : memref<1000xi32, #tpu.memory_space<vmem>>) semaphore(%arg25 : memref<!tpu.dma_semaphore, #tpu.memory_space<semaphore_mem>>)
    %dma_start3A_32 = arith.constant 0 : i32
    %dma_start3A_33 = arith.constant 0 : i32
    %dma_start3A_34 = tpu.memref_slice %arg10[%dma_start3A_32, %dma_start3A_33] : memref<16x16xf32, #tpu.memory_space<vmem_shared>> -> memref<16x16xf32, #tpu.memory_space<vmem_shared>>
    tpu.enqueue_indirect_dma source(%dma_start3A_34 : memref<16x16xf32, #tpu.memory_space<vmem_shared>>) target(%arg23 : memref<1000x16xf32, #tpu.memory_space<vmem>>) offsets(%arg19 : memref<1000xi32, #tpu.memory_space<vmem>>) semaphore(%arg26 : memref<!tpu.dma_semaphore, #tpu.memory_space<semaphore_mem>>)
    %add3A_35 = arith.constant 1000 : i32
    %add3A_36 = arith.addi %mul3A_5, %add3A_35 : i32
    %dma_start3A_37 = tpu.memref_slice %arg3[%add3A_36] : memref<800000xi32, #tpu.memory_space<hbm>> -> memref<1000xi32, #tpu.memory_space<hbm>>
    %dma_start3A_38 = tpu.memref_slice %arg3[%add3A_36] : memref<800000xi32, #tpu.memory_space<hbm>> -> memref<1000xi32, #tpu.memory_space<hbm>>
    tpu.enqueue_dma source(%dma_start3A_38 : memref<1000xi32, #tpu.memory_space<hbm>>) target(%arg12 : memref<1000xi32, #tpu.memory_space<vmem>>) target_semaphore(%arg24 : memref<!tpu.dma_semaphore, #tpu.memory_space<semaphore_mem>>)
    %dma_start3A_39 = tpu.memref_slice %arg4[%add3A_36] : memref<800000xi32, #tpu.memory_space<hbm>> -> memref<1000xi32, #tpu.memory_space<hbm>>
    %dma_start3A_40 = tpu.memref_slice %arg4[%add3A_36] : memref<800000xi32, #tpu.memory_space<hbm>> -> memref<1000xi32, #tpu.memory_space<hbm>>
    tpu.enqueue_dma source(%dma_start3A_40 : memref<1000xi32, #tpu.memory_space<hbm>>) target(%arg14 : memref<1000xi32, #tpu.memory_space<vmem>>) target_semaphore(%arg24 : memref<!tpu.dma_semaphore, #tpu.memory_space<semaphore_mem>>)
    %dma_start3A_41 = tpu.memref_slice %arg5[%add3A_36] : memref<800000xi32, #tpu.memory_space<hbm>> -> memref<1000xi32, #tpu.memory_space<hbm>>
    %dma_start3A_42 = tpu.memref_slice %arg5[%add3A_36] : memref<800000xi32, #tpu.memory_space<hbm>> -> memref<1000xi32, #tpu.memory_space<hbm>>
    tpu.enqueue_dma source(%dma_start3A_42 : memref<1000xi32, #tpu.memory_space<hbm>>) target(%arg16 : memref<1000xi32, #tpu.memory_space<vmem>>) target_semaphore(%arg24 : memref<!tpu.dma_semaphore, #tpu.memory_space<semaphore_mem>>)
    %scan3A_43 = arith.constant 0 : i32
    %scan3A_44 = arith.constant 0 : i32
    %scan3A_45 = arith.constant 25 : i32
    %scan3A_46 = arith.addi %scan3A_44, %scan3A_45 : i32
    %scan3A_47 = arith.constant 1 : i32
    scf.for %scan3A_50 = %scan3A_44 to %scan3A_46 step %scan3A_47  : i32 {
      %mul3A_51 = arith.constant 2 : i32
      %mul3A_52 = arith.muli %mul3A_51, %scan3A_50 : i32
      %add3A_53 = arith.constant 0 : i32
      %add3A_54 = arith.addi %mul3A_52, %add3A_53 : i32
      %dma_wait3A_55 = arith.constant 0 : i32
      %dma_wait3A_56 = arith.constant 0 : i32
      %dma_wait3A_57 = tpu.memref_slice %arg2[%dma_wait3A_55, %dma_wait3A_56] : memref<200000x16xf32, #tpu.memory_space<hbm>> -> memref<200000x16xf32, #tpu.memory_space<hbm>>
      tpu.wait_indirect_dma semaphore(%arg25 : memref<!tpu.dma_semaphore, #tpu.memory_space<semaphore_mem>>) src(%dma_wait3A_57 : memref<200000x16xf32, #tpu.memory_space<hbm>>) dst(%arg21 : memref<1000x16xf32, #tpu.memory_space<vmem>>)
      %dma_wait3A_58 = arith.constant 0 : i32
      %dma_wait3A_59 = arith.constant 0 : i32
      %dma_wait3A_60 = tpu.memref_slice %arg10[%dma_wait3A_58, %dma_wait3A_59] : memref<16x16xf32, #tpu.memory_space<vmem_shared>> -> memref<16x16xf32, #tpu.memory_space<vmem_shared>>
      tpu.wait_indirect_dma semaphore(%arg26 : memref<!tpu.dma_semaphore, #tpu.memory_space<semaphore_mem>>) src(%dma_wait3A_60 : memref<16x16xf32, #tpu.memory_space<vmem_shared>>) dst(%arg23 : memref<1000x16xf32, #tpu.memory_space<vmem>>)
      %parallel_loop3A = arith.constant 0 : i32
      %parallel_loop3A_61 = arith.constant 1000 : i32
      %parallel_loop3A_62 = arith.constant 1 : i32
      scf.for %parallel_loop3A_114 = %parallel_loop3A to %parallel_loop3A_61 step %parallel_loop3A_62  : i32 {
        %parallel_loop3A_115 = arith.index_cast %parallel_loop3A_114 : i32 to index
        %parallel_loop3A_116 = arith.constant 0 : index
        %parallel_loop3A_117 = tpu.vector_load %arg21[%parallel_loop3A_115, %parallel_loop3A_116] {strides = array<i32>} : memref<1000x16xf32, #tpu.memory_space<vmem>>, vector<1x16xf32>,
        %parallel_loop3A_118 = vector.shape_cast %parallel_loop3A_117 : vector<1x16xf32> to vector<16xf32>
        %parallel_loop3A_119 = arith.index_cast %parallel_loop3A_114 : i32 to index
        %parallel_loop3A_120 = arith.constant 0 : index
        %parallel_loop3A_121 = tpu.vector_load %arg23[%parallel_loop3A_119, %parallel_loop3A_120] {strides = array<i32>} : memref<1000x16xf32, #tpu.memory_space<vmem>>, vector<1x16xf32>,
        %parallel_loop3A_122 = vector.shape_cast %parallel_loop3A_121 : vector<1x16xf32> to vector<16xf32>
        %parallel_loop3A_123 = arith.mulf %parallel_loop3A_118, %parallel_loop3A_122 : vector<16xf32>
        %parallel_loop3A_124 = arith.index_cast %parallel_loop3A_114 : i32 to index
        %parallel_loop3A_125 = arith.constant 0 : index
        %parallel_loop3A_126 = tpu.vector_load %arg21[%parallel_loop3A_124, %parallel_loop3A_125] {strides = array<i32>} : memref<1000x16xf32, #tpu.memory_space<vmem>>, vector<1x16xf32>,
        %parallel_loop3A_127 = vector.shape_cast %parallel_loop3A_126 : vector<1x16xf32> to vector<16xf32>
        %parallel_loop3A_128 = vector.shape_cast %parallel_loop3A_123 : vector<16xf32> to vector<1x16xf32>
        tpu.vector_store %arg21[%parallel_loop3A_124, %parallel_loop3A_125], %parallel_loop3A_128 {strides = array<i32>} : memref<1000x16xf32, #tpu.memory_space<vmem>>, vector<1x16xf32>,
      } {sc.loop_unroll_factor = 8 : i64, sc.parallel_access}
      %dma_wait3A_63 = arith.constant 0 : i32
      %dma_wait3A_64 = tpu.memref_slice %arg3[%dma_wait3A_63] : memref<800000xi32, #tpu.memory_space<hbm>> -> memref<1000xi32, #tpu.memory_space<hbm>>
      %dma_wait3A_65 = arith.constant 0 : i32
      %dma_wait3A_66 = tpu.memref_slice %arg3[%dma_wait3A_65] : memref<800000xi32, #tpu.memory_space<hbm>> -> memref<1000xi32, #tpu.memory_space<hbm>>
      tpu.wait_dma2 semaphore(%arg24 : memref<!tpu.dma_semaphore, #tpu.memory_space<semaphore_mem>>) src(%dma_wait3A_66 : memref<1000xi32, #tpu.memory_space<hbm>>) dst(%arg12 : memref<1000xi32, #tpu.memory_space<vmem>>)
      %dma_wait3A_67 = arith.constant 0 : i32
      %dma_wait3A_68 = tpu.memref_slice %arg4[%dma_wait3A_67] : memref<800000xi32, #tpu.memory_space<hbm>> -> memref<1000xi32, #tpu.memory_space<hbm>>
      %dma_wait3A_69 = arith.constant 0 : i32
      %dma_wait3A_70 = tpu.memref_slice %arg4[%dma_wait3A_69] : memref<800000xi32, #tpu.memory_space<hbm>> -> memref<1000xi32, #tpu.memory_space<hbm>>
      tpu.wait_dma2 semaphore(%arg24 : memref<!tpu.dma_semaphore, #tpu.memory_space<semaphore_mem>>) src(%dma_wait3A_70 : memref<1000xi32, #tpu.memory_space<hbm>>) dst(%arg14 : memref<1000xi32, #tpu.memory_space<vmem>>)
      %dma_wait3A_71 = arith.constant 0 : i32
      %dma_wait3A_72 = tpu.memref_slice %arg5[%dma_wait3A_71] : memref<800000xi32, #tpu.memory_space<hbm>> -> memref<1000xi32, #tpu.memory_space<hbm>>
      %dma_wait3A_73 = arith.constant 0 : i32
      %dma_wait3A_74 = tpu.memref_slice %arg5[%dma_wait3A_73] : memref<800000xi32, #tpu.memory_space<hbm>> -> memref<1000xi32, #tpu.memory_space<hbm>>
      tpu.wait_dma2 semaphore(%arg24 : memref<!tpu.dma_semaphore, #tpu.memory_space<semaphore_mem>>) src(%dma_wait3A_74 : memref<1000xi32, #tpu.memory_space<hbm>>) dst(%arg16 : memref<1000xi32, #tpu.memory_space<vmem>>)
      %scan3A_75 = arith.constant 0 : i32
      %scan3A_76 = arith.constant 0 : i32
      %scan3A_77 = arith.constant 63 : i32
      %scan3A_78 = arith.addi %scan3A_76, %scan3A_77 : i32
      %scan3A_79 = arith.constant 1 : i32
      scf.for %scan3A_114 = %scan3A_76 to %scan3A_78 step %scan3A_79  : i32 {
        %mul3A_115 = arith.constant 16 : i32
        %mul3A_116 = arith.muli %scan3A_114, %mul3A_115 : i32
        %min3A = arith.constant 984 : i32
        %min3A_117 = arith.minsi %mul3A_116, %min3A : i32
        %get3A = arith.index_cast %min3A_117 : i32 to index
        %get3A_118 = tpu.vector_load %arg12[%get3A] {strides = array<i32>} : memref<1000xi32, #tpu.memory_space<vmem>>, vector<16xi32>,
        %get3A_119 = vector.shape_cast %get3A_118 : vector<16xi32> to vector<16xi32>
        %mul3A_120 = arith.constant 4 : i32
        %mul3A_121 = vector.broadcast %mul3A_120 : i32 to vector<16xi32>
        %mul3A_122 = arith.muli %get3A_119, %mul3A_121 : vector<16xi32>
        %add3A_123 = vector.broadcast %add3A_0 : i32 to vector<16xi32>
        %add3A_124 = arith.addi %mul3A_122, %add3A_123 : vector<16xi32>
        %swap3A = arith.index_cast %min3A_117 : i32 to index
        %swap3A_125 = tpu.vector_load %arg18[%swap3A] {strides = array<i32>} : memref<1000xi32, #tpu.memory_space<vmem>>, vector<16xi32>,
        %swap3A_126 = vector.shape_cast %swap3A_125 : vector<16xi32> to vector<16xi32>
        %swap3A_127 = vector.shape_cast %add3A_124 : vector<16xi32> to vector<16xi32>
        tpu.vector_store %arg18[%swap3A], %swap3A_127 {strides = array<i32>} : memref<1000xi32, #tpu.memory_space<vmem>>, vector<16xi32>,
        %get3A_128 = arith.index_cast %min3A_117 : i32 to index
        %get3A_129 = tpu.vector_load %arg16[%get3A_128] {strides = array<i32>} : memref<1000xi32, #tpu.memory_space<vmem>>, vector<16xi32>,
        %get3A_130 = vector.shape_cast %get3A_129 : vector<16xi32> to vector<16xi32>
        %add3A_131 = arith.constant 15 : i32
        %add3A_132 = vector.broadcast %add3A_131 : i32 to vector<16xi32>
        %add3A_133 = arith.addi %get3A_130, %add3A_132 : vector<16xi32>
        %jit3A = arith.constant 16 : i32
        %eq3A_134 = arith.constant 0 : i32
        %eq3A_135 = arith.cmpi eq, %jit3A, %eq3A_134 : i32
        %jit3A_136 = arith.constant 1 : i32
        %select_n3A = arith.select %eq3A_135, %jit3A_136, %jit3A : i32
        %rem3A = vector.broadcast %select_n3A : i32 to vector<16xi32>
        %rem3A_137 = arith.remsi %add3A_133, %rem3A : vector<16xi32>
        %ne3A = arith.constant 0 : i32
        %ne3A_138 = vector.broadcast %ne3A : i32 to vector<16xi32>
        %ne3A_139 = arith.cmpi ne, %rem3A_137, %ne3A_138 : vector<16xi32>
        %lt3A_140 = arith.constant 0 : i32
        %lt3A_141 = vector.broadcast %lt3A_140 : i32 to vector<16xi32>
        %lt3A_142 = arith.cmpi slt, %rem3A_137, %lt3A_141 : vector<16xi32>
        %lt3A_143 = arith.constant 0 : i32
        %lt3A_144 = arith.cmpi slt, %select_n3A, %lt3A_143 : i32
        %ne3A_145 = vector.broadcast %lt3A_144 : i1 to vector<16xi1>
        %ne3A_146 = vector.broadcast %ne3A_145 : vector<16xi1> to vector<16xi1>
        %ne3A_147 = arith.xori %lt3A_142, %ne3A_146 : vector<16xi1>
        %and3A = arith.andi %ne3A_147, %ne3A_139 : vector<16xi1>
        %add3A_148 = vector.broadcast %select_n3A : i32 to vector<16xi32>
        %add3A_149 = arith.addi %rem3A_137, %add3A_148 : vector<16xi32>
        %select_n3A_150 = arith.select %and3A, %add3A_149, %rem3A_137 : vector<16xi1>, vector<16xi32>
        %swap3A_151 = arith.index_cast %min3A_117 : i32 to index
        %swap3A_152 = tpu.vector_load %arg20[%swap3A_151] {strides = array<i32>} : memref<1000xi32, #tpu.memory_space<vmem>>, vector<16xi32>,
        %swap3A_153 = vector.shape_cast %swap3A_152 : vector<16xi32> to vector<16xi32>
        %swap3A_154 = vector.shape_cast %select_n3A_150 : vector<16xi32> to vector<16xi32>
        tpu.vector_store %arg20[%swap3A_151], %swap3A_154 {strides = array<i32>} : memref<1000xi32, #tpu.memory_space<vmem>>, vector<16xi32>,
      }
      %scan3A_80 = arith.constant 63 : i32
      %dma_start3A_81 = arith.constant 0 : i32
      %dma_start3A_82 = arith.constant 0 : i32
      %dma_start3A_83 = tpu.memref_slice %arg2[%dma_start3A_81, %dma_start3A_82] : memref<200000x16xf32, #tpu.memory_space<hbm>> -> memref<200000x16xf32, #tpu.memory_space<hbm>>
      tpu.enqueue_indirect_dma source(%dma_start3A_83 : memref<200000x16xf32, #tpu.memory_space<hbm>>) target(%arg22 : memref<1000x16xf32, #tpu.memory_space<vmem>>) offsets(%arg18 : memref<1000xi32, #tpu.memory_space<vmem>>) semaphore(%arg25 : memref<!tpu.dma_semaphore, #tpu.memory_space<semaphore_mem>>)
      %dma_start3A_84 = arith.constant 0 : i32
      %dma_start3A_85 = arith.constant 0 : i32
      %dma_start3A_86 = tpu.memref_slice %arg10[%dma_start3A_84, %dma_start3A_85] : memref<16x16xf32, #tpu.memory_space<vmem_shared>> -> memref<16x16xf32, #tpu.memory_space<vmem_shared>>
      tpu.enqueue_indirect_dma source(%dma_start3A_86 : memref<16x16xf32, #tpu.memory_space<vmem_shared>>) target(%arg23 : memref<1000x16xf32, #tpu.memory_space<vmem>>) offsets(%arg20 : memref<1000xi32, #tpu.memory_space<vmem>>) semaphore(%arg26 : memref<!tpu.dma_semaphore, #tpu.memory_space<semaphore_mem>>)
      "tpu.region"() ({
        %run_scoped3A = tpu.sem_alloc : memref<!tpu.dma_semaphore, #tpu.memory_space<semaphore_mem>>
        %dma_start3A_114 = arith.constant 0 : i32
        %dma_start3A_115 = arith.constant 0 : i32
        %dma_start3A_116 = tpu.memref_slice %arg9[%dma_start3A_114, %dma_start3A_115] : memref<51200x16xf32, #tpu.memory_space<vmem_shared>> -> memref<51200x16xf32, #tpu.memory_space<vmem_shared>>
        tpu.enqueue_indirect_dma source(%arg21 : memref<1000x16xf32, #tpu.memory_space<vmem>>) target(%dma_start3A_116 : memref<51200x16xf32, #tpu.memory_space<vmem_shared>>) offsets(%arg13 : memref<1000xi32, #tpu.memory_space<vmem>>) semaphore(%run_scoped3A : memref<!tpu.dma_semaphore, #tpu.memory_space<semaphore_mem>>) {add = true}
        %dma_wait3A_117 = arith.constant 0 : i32
        %dma_wait3A_118 = arith.constant 0 : i32
        %dma_wait3A_119 = tpu.memref_slice %arg9[%dma_wait3A_117, %dma_wait3A_118] : memref<51200x16xf32, #tpu.memory_space<vmem_shared>> -> memref<51200x16xf32, #tpu.memory_space<vmem_shared>>
        tpu.wait_indirect_dma semaphore(%run_scoped3A : memref<!tpu.dma_semaphore, #tpu.memory_space<semaphore_mem>>) src(%arg21 : memref<1000x16xf32, #tpu.memory_space<vmem>>) dst(%dma_wait3A_119 : memref<51200x16xf32, #tpu.memory_space<vmem_shared>>)
        tpu.yield
      }) : () -> ()
      %lt3A = arith.constant 24 : i32
      %lt3A_87 = arith.cmpi slt, %scan3A_50, %lt3A : i32
      %convert_element_type3A_88 = arith.extui %lt3A_87 : i1 to i32
      %cond3A_89 = arith.constant 0 : i32
      %cond3A_90 = arith.cmpi ne, %convert_element_type3A_88, %cond3A_89 : i32
      scf.if %cond3A_90 {
        %add3A_114 = arith.constant 2 : i32
        %add3A_115 = arith.addi %add3A_54, %add3A_114 : i32
        %mul3A_116 = arith.constant 1000 : i32
        %mul3A_117 = arith.muli %add3A_115, %mul3A_116 : i32
        %add3A_118 = arith.addi %mul3A_5, %mul3A_117 : i32
        %dma_start3A_119 = tpu.memref_slice %arg3[%add3A_118] : memref<800000xi32, #tpu.memory_space<hbm>> -> memref<1000xi32, #tpu.memory_space<hbm>>
        %dma_start3A_120 = tpu.memref_slice %arg3[%add3A_118] : memref<800000xi32, #tpu.memory_space<hbm>> -> memref<1000xi32, #tpu.memory_space<hbm>>
        tpu.enqueue_dma source(%dma_start3A_120 : memref<1000xi32, #tpu.memory_space<hbm>>) target(%arg11 : memref<1000xi32, #tpu.memory_space<vmem>>) target_semaphore(%arg24 : memref<!tpu.dma_semaphore, #tpu.memory_space<semaphore_mem>>)
        %dma_start3A_121 = tpu.memref_slice %arg4[%add3A_118] : memref<800000xi32, #tpu.memory_space<hbm>> -> memref<1000xi32, #tpu.memory_space<hbm>>
        %dma_start3A_122 = tpu.memref_slice %arg4[%add3A_118] : memref<800000xi32, #tpu.memory_space<hbm>> -> memref<1000xi32, #tpu.memory_space<hbm>>
        tpu.enqueue_dma source(%dma_start3A_122 : memref<1000xi32, #tpu.memory_space<hbm>>) target(%arg13 : memref<1000xi32, #tpu.memory_space<vmem>>) target_semaphore(%arg24 : memref<!tpu.dma_semaphore, #tpu.memory_space<semaphore_mem>>)
        %dma_start3A_123 = tpu.memref_slice %arg5[%add3A_118] : memref<800000xi32, #tpu.memory_space<hbm>> -> memref<1000xi32, #tpu.memory_space<hbm>>
        %dma_start3A_124 = tpu.memref_slice %arg5[%add3A_118] : memref<800000xi32, #tpu.memory_space<hbm>> -> memref<1000xi32, #tpu.memory_space<hbm>>
        tpu.enqueue_dma source(%dma_start3A_124 : memref<1000xi32, #tpu.memory_space<hbm>>) target(%arg15 : memref<1000xi32, #tpu.memory_space<vmem>>) target_semaphore(%arg24 : memref<!tpu.dma_semaphore, #tpu.memory_space<semaphore_mem>>)
      } else {
      }
      %mul3A_91 = arith.constant 2 : i32
      %mul3A_92 = arith.muli %mul3A_91, %scan3A_50 : i32
      %add3A_93 = arith.constant 1 : i32
      %add3A_94 = arith.addi %mul3A_92, %add3A_93 : i32
      %dma_wait3A_95 = arith.constant 0 : i32
      %dma_wait3A_96 = arith.constant 0 : i32
      %dma_wait3A_97 = tpu.memref_slice %arg2[%dma_wait3A_95, %dma_wait3A_96] : memref<200000x16xf32, #tpu.memory_space<hbm>> -> memref<200000x16xf32, #tpu.memory_space<hbm>>
      tpu.wait_indirect_dma semaphore(%arg25 : memref<!tpu.dma_semaphore, #tpu.memory_space<semaphore_mem>>) src(%dma_wait3A_97 : memref<200000x16xf32, #tpu.memory_space<hbm>>) dst(%arg22 : memref<1000x16xf32, #tpu.memory_space<vmem>>)
      %dma_wait3A_98 = arith.constant 0 : i32
      %dma_wait3A_99 = arith.constant 0 : i32
      %dma_wait3A_100 = tpu.memref_slice %arg10[%dma_wait3A_98, %dma_wait3A_99] : memref<16x16xf32, #tpu.memory_space<vmem_shared>> -> memref<16x16xf32, #tpu.memory_space<vmem_shared>>
      tpu.wait_indirect_dma semaphore(%arg26 : memref<!tpu.dma_semaphore, #tpu.memory_space<semaphore_mem>>) src(%dma_wait3A_100 : memref<16x16xf32, #tpu.memory_space<vmem_shared>>) dst(%arg23 : memref<1000x16xf32, #tpu.memory_space<vmem>>)
      %parallel_loop3A_101 = arith.constant 0 : i32
      %parallel_loop3A_102 = arith.constant 1000 : i32
      %parallel_loop3A_103 = arith.constant 1 : i32
      scf.for %parallel_loop3A_114 = %parallel_loop3A_101 to %parallel_loop3A_102 step %parallel_loop3A_103  : i32 {
        %parallel_loop3A_115 = arith.index_cast %parallel_loop3A_114 : i32 to index
        %parallel_loop3A_116 = arith.constant 0 : index
        %parallel_loop3A_117 = tpu.vector_load %arg22[%parallel_loop3A_115, %parallel_loop3A_116] {strides = array<i32>} : memref<1000x16xf32, #tpu.memory_space<vmem>>, vector<1x16xf32>,
        %parallel_loop3A_118 = vector.shape_cast %parallel_loop3A_117 : vector<1x16xf32> to vector<16xf32>
        %parallel_loop3A_119 = arith.index_cast %parallel_loop3A_114 : i32 to index
        %parallel_loop3A_120 = arith.constant 0 : index
        %parallel_loop3A_121 = tpu.vector_load %arg23[%parallel_loop3A_119, %parallel_loop3A_120] {strides = array<i32>} : memref<1000x16xf32, #tpu.memory_space<vmem>>, vector<1x16xf32>,
        %parallel_loop3A_122 = vector.shape_cast %parallel_loop3A_121 : vector<1x16xf32> to vector<16xf32>
        %parallel_loop3A_123 = arith.mulf %parallel_loop3A_118, %parallel_loop3A_122 : vector<16xf32>
        %parallel_loop3A_124 = arith.index_cast %parallel_loop3A_114 : i32 to index
        %parallel_loop3A_125 = arith.constant 0 : index
        %parallel_loop3A_126 = tpu.vector_load %arg22[%parallel_loop3A_124, %parallel_loop3A_125] {strides = array<i32>} : memref<1000x16xf32, #tpu.memory_space<vmem>>, vector<1x16xf32>,
        %parallel_loop3A_127 = vector.shape_cast %parallel_loop3A_126 : vector<1x16xf32> to vector<16xf32>
        %parallel_loop3A_128 = vector.shape_cast %parallel_loop3A_123 : vector<16xf32> to vector<1x16xf32>
        tpu.vector_store %arg22[%parallel_loop3A_124, %parallel_loop3A_125], %parallel_loop3A_128 {strides = array<i32>} : memref<1000x16xf32, #tpu.memory_space<vmem>>, vector<1x16xf32>,
      } {sc.loop_unroll_factor = 8 : i64, sc.parallel_access}
      %lt3A_104 = arith.constant 24 : i32
      %lt3A_105 = arith.cmpi slt, %scan3A_50, %lt3A_104 : i32
      %convert_element_type3A_106 = arith.extui %lt3A_105 : i1 to i32
      %cond3A_107 = arith.constant 0 : i32
      %cond3A_108 = arith.cmpi ne, %convert_element_type3A_106, %cond3A_107 : i32
      scf.if %cond3A_108 {
        %dma_wait3A_114 = arith.constant 0 : i32
        %dma_wait3A_115 = tpu.memref_slice %arg3[%dma_wait3A_114] : memref<800000xi32, #tpu.memory_space<hbm>> -> memref<1000xi32, #tpu.memory_space<hbm>>
        %dma_wait3A_116 = arith.constant 0 : i32
        %dma_wait3A_117 = tpu.memref_slice %arg3[%dma_wait3A_116] : memref<800000xi32, #tpu.memory_space<hbm>> -> memref<1000xi32, #tpu.memory_space<hbm>>
        tpu.wait_dma2 semaphore(%arg24 : memref<!tpu.dma_semaphore, #tpu.memory_space<semaphore_mem>>) src(%dma_wait3A_117 : memref<1000xi32, #tpu.memory_space<hbm>>) dst(%arg11 : memref<1000xi32, #tpu.memory_space<vmem>>)
        %dma_wait3A_118 = arith.constant 0 : i32
        %dma_wait3A_119 = tpu.memref_slice %arg4[%dma_wait3A_118] : memref<800000xi32, #tpu.memory_space<hbm>> -> memref<1000xi32, #tpu.memory_space<hbm>>
        %dma_wait3A_120 = arith.constant 0 : i32
        %dma_wait3A_121 = tpu.memref_slice %arg4[%dma_wait3A_120] : memref<800000xi32, #tpu.memory_space<hbm>> -> memref<1000xi32, #tpu.memory_space<hbm>>
        tpu.wait_dma2 semaphore(%arg24 : memref<!tpu.dma_semaphore, #tpu.memory_space<semaphore_mem>>) src(%dma_wait3A_121 : memref<1000xi32, #tpu.memory_space<hbm>>) dst(%arg13 : memref<1000xi32, #tpu.memory_space<vmem>>)
        %dma_wait3A_122 = arith.constant 0 : i32
        %dma_wait3A_123 = tpu.memref_slice %arg5[%dma_wait3A_122] : memref<800000xi32, #tpu.memory_space<hbm>> -> memref<1000xi32, #tpu.memory_space<hbm>>
        %dma_wait3A_124 = arith.constant 0 : i32
        %dma_wait3A_125 = tpu.memref_slice %arg5[%dma_wait3A_124] : memref<800000xi32, #tpu.memory_space<hbm>> -> memref<1000xi32, #tpu.memory_space<hbm>>
        tpu.wait_dma2 semaphore(%arg24 : memref<!tpu.dma_semaphore, #tpu.memory_space<semaphore_mem>>) src(%dma_wait3A_125 : memref<1000xi32, #tpu.memory_space<hbm>>) dst(%arg15 : memref<1000xi32, #tpu.memory_space<vmem>>)
        %scan3A_126 = arith.constant 0 : i32
        %scan3A_127 = arith.constant 0 : i32
        %scan3A_128 = arith.constant 63 : i32
        %scan3A_129 = arith.addi %scan3A_127, %scan3A_128 : i32
        %scan3A_130 = arith.constant 1 : i32
        scf.for %scan3A_138 = %scan3A_127 to %scan3A_129 step %scan3A_130  : i32 {
          %mul3A_139 = arith.constant 16 : i32
          %mul3A_140 = arith.muli %scan3A_138, %mul3A_139 : i32
          %min3A = arith.constant 984 : i32
          %min3A_141 = arith.minsi %mul3A_140, %min3A : i32
          %get3A = arith.index_cast %min3A_141 : i32 to index
          %get3A_142 = tpu.vector_load %arg11[%get3A] {strides = array<i32>} : memref<1000xi32, #tpu.memory_space<vmem>>, vector<16xi32>,
          %get3A_143 = vector.shape_cast %get3A_142 : vector<16xi32> to vector<16xi32>
          %mul3A_144 = arith.constant 4 : i32
          %mul3A_145 = vector.broadcast %mul3A_144 : i32 to vector<16xi32>
          %mul3A_146 = arith.muli %get3A_143, %mul3A_145 : vector<16xi32>
          %add3A_147 = vector.broadcast %add3A_0 : i32 to vector<16xi32>
          %add3A_148 = arith.addi %mul3A_146, %add3A_147 : vector<16xi32>
          %swap3A = arith.index_cast %min3A_141 : i32 to index
          %swap3A_149 = tpu.vector_load %arg17[%swap3A] {strides = array<i32>} : memref<1000xi32, #tpu.memory_space<vmem>>, vector<16xi32>,
          %swap3A_150 = vector.shape_cast %swap3A_149 : vector<16xi32> to vector<16xi32>
          %swap3A_151 = vector.shape_cast %add3A_148 : vector<16xi32> to vector<16xi32>
          tpu.vector_store %arg17[%swap3A], %swap3A_151 {strides = array<i32>} : memref<1000xi32, #tpu.memory_space<vmem>>, vector<16xi32>,
          %get3A_152 = arith.index_cast %min3A_141 : i32 to index
          %get3A_153 = tpu.vector_load %arg15[%get3A_152] {strides = array<i32>} : memref<1000xi32, #tpu.memory_space<vmem>>, vector<16xi32>,
          %get3A_154 = vector.shape_cast %get3A_153 : vector<16xi32> to vector<16xi32>
          %add3A_155 = arith.constant 15 : i32
          %add3A_156 = vector.broadcast %add3A_155 : i32 to vector<16xi32>
          %add3A_157 = arith.addi %get3A_154, %add3A_156 : vector<16xi32>
          %jit3A = arith.constant 16 : i32
          %eq3A_158 = arith.constant 0 : i32
          %eq3A_159 = arith.cmpi eq, %jit3A, %eq3A_158 : i32
          %jit3A_160 = arith.constant 1 : i32
          %select_n3A = arith.select %eq3A_159, %jit3A_160, %jit3A : i32
          %rem3A = vector.broadcast %select_n3A : i32 to vector<16xi32>
          %rem3A_161 = arith.remsi %add3A_157, %rem3A : vector<16xi32>
          %ne3A = arith.constant 0 : i32
          %ne3A_162 = vector.broadcast %ne3A : i32 to vector<16xi32>
          %ne3A_163 = arith.cmpi ne, %rem3A_161, %ne3A_162 : vector<16xi32>
          %lt3A_164 = arith.constant 0 : i32
          %lt3A_165 = vector.broadcast %lt3A_164 : i32 to vector<16xi32>
          %lt3A_166 = arith.cmpi slt, %rem3A_161, %lt3A_165 : vector<16xi32>
          %lt3A_167 = arith.constant 0 : i32
          %lt3A_168 = arith.cmpi slt, %select_n3A, %lt3A_167 : i32
          %ne3A_169 = vector.broadcast %lt3A_168 : i1 to vector<16xi1>
          %ne3A_170 = vector.broadcast %ne3A_169 : vector<16xi1> to vector<16xi1>
          %ne3A_171 = arith.xori %lt3A_166, %ne3A_170 : vector<16xi1>
          %and3A = arith.andi %ne3A_171, %ne3A_163 : vector<16xi1>
          %add3A_172 = vector.broadcast %select_n3A : i32 to vector<16xi32>
          %add3A_173 = arith.addi %rem3A_161, %add3A_172 : vector<16xi32>
          %select_n3A_174 = arith.select %and3A, %add3A_173, %rem3A_161 : vector<16xi1>, vector<16xi32>
          %swap3A_175 = arith.index_cast %min3A_141 : i32 to index
          %swap3A_176 = tpu.vector_load %arg19[%swap3A_175] {strides = array<i32>} : memref<1000xi32, #tpu.memory_space<vmem>>, vector<16xi32>,
          %swap3A_177 = vector.shape_cast %swap3A_176 : vector<16xi32> to vector<16xi32>
          %swap3A_178 = vector.shape_cast %select_n3A_174 : vector<16xi32> to vector<16xi32>
          tpu.vector_store %arg19[%swap3A_175], %swap3A_178 {strides = array<i32>} : memref<1000xi32, #tpu.memory_space<vmem>>, vector<16xi32>,
        }
        %scan3A_131 = arith.constant 63 : i32
        %dma_start3A_132 = arith.constant 0 : i32
        %dma_start3A_133 = arith.constant 0 : i32
        %dma_start3A_134 = tpu.memref_slice %arg2[%dma_start3A_132, %dma_start3A_133] : memref<200000x16xf32, #tpu.memory_space<hbm>> -> memref<200000x16xf32, #tpu.memory_space<hbm>>
        tpu.enqueue_indirect_dma source(%dma_start3A_134 : memref<200000x16xf32, #tpu.memory_space<hbm>>) target(%arg21 : memref<1000x16xf32, #tpu.memory_space<vmem>>) offsets(%arg17 : memref<1000xi32, #tpu.memory_space<vmem>>) semaphore(%arg25 : memref<!tpu.dma_semaphore, #tpu.memory_space<semaphore_mem>>)
        %dma_start3A_135 = arith.constant 0 : i32
        %dma_start3A_136 = arith.constant 0 : i32
        %dma_start3A_137 = tpu.memref_slice %arg10[%dma_start3A_135, %dma_start3A_136] : memref<16x16xf32, #tpu.memory_space<vmem_shared>> -> memref<16x16xf32, #tpu.memory_space<vmem_shared>>
        tpu.enqueue_indirect_dma source(%dma_start3A_137 : memref<16x16xf32, #tpu.memory_space<vmem_shared>>) target(%arg23 : memref<1000x16xf32, #tpu.memory_space<vmem>>) offsets(%arg19 : memref<1000xi32, #tpu.memory_space<vmem>>) semaphore(%arg26 : memref<!tpu.dma_semaphore, #tpu.memory_space<semaphore_mem>>)
      } else {
      }
      "tpu.region"() ({
        %run_scoped3A = tpu.sem_alloc : memref<!tpu.dma_semaphore, #tpu.memory_space<semaphore_mem>>
        %dma_start3A_114 = arith.constant 0 : i32
        %dma_start3A_115 = arith.constant 0 : i32
        %dma_start3A_116 = tpu.memref_slice %arg9[%dma_start3A_114, %dma_start3A_115] : memref<51200x16xf32, #tpu.memory_space<vmem_shared>> -> memref<51200x16xf32, #tpu.memory_space<vmem_shared>>
        tpu.enqueue_indirect_dma source(%arg22 : memref<1000x16xf32, #tpu.memory_space<vmem>>) target(%dma_start3A_116 : memref<51200x16xf32, #tpu.memory_space<vmem_shared>>) offsets(%arg14 : memref<1000xi32, #tpu.memory_space<vmem>>) semaphore(%run_scoped3A : memref<!tpu.dma_semaphore, #tpu.memory_space<semaphore_mem>>) {add = true}
        %dma_wait3A_117 = arith.constant 0 : i32
        %dma_wait3A_118 = arith.constant 0 : i32
        %dma_wait3A_119 = tpu.memref_slice %arg9[%dma_wait3A_117, %dma_wait3A_118] : memref<51200x16xf32, #tpu.memory_space<vmem_shared>> -> memref<51200x16xf32, #tpu.memory_space<vmem_shared>>
        tpu.wait_indirect_dma semaphore(%run_scoped3A : memref<!tpu.dma_semaphore, #tpu.memory_space<semaphore_mem>>) src(%arg22 : memref<1000x16xf32, #tpu.memory_space<vmem>>) dst(%dma_wait3A_119 : memref<51200x16xf32, #tpu.memory_space<vmem_shared>>)
        tpu.yield
      }) : () -> ()
      %lt3A_109 = arith.constant 24 : i32
      %lt3A_110 = arith.cmpi slt, %scan3A_50, %lt3A_109 : i32
      %convert_element_type3A_111 = arith.extui %lt3A_110 : i1 to i32
      %cond3A_112 = arith.constant 0 : i32
      %cond3A_113 = arith.cmpi ne, %convert_element_type3A_111, %cond3A_112 : i32
      scf.if %cond3A_113 {
        %add3A_114 = arith.constant 2 : i32
        %add3A_115 = arith.addi %add3A_94, %add3A_114 : i32
        %mul3A_116 = arith.constant 1000 : i32
        %mul3A_117 = arith.muli %add3A_115, %mul3A_116 : i32
        %add3A_118 = arith.addi %mul3A_5, %mul3A_117 : i32
        %dma_start3A_119 = tpu.memref_slice %arg3[%add3A_118] : memref<800000xi32, #tpu.memory_space<hbm>> -> memref<1000xi32, #tpu.memory_space<hbm>>
        %dma_start3A_120 = tpu.memref_slice %arg3[%add3A_118] : memref<800000xi32, #tpu.memory_space<hbm>> -> memref<1000xi32, #tpu.memory_space<hbm>>
        tpu.enqueue_dma source(%dma_start3A_120 : memref<1000xi32, #tpu.memory_space<hbm>>) target(%arg12 : memref<1000xi32, #tpu.memory_space<vmem>>) target_semaphore(%arg24 : memref<!tpu.dma_semaphore, #tpu.memory_space<semaphore_mem>>)
        %dma_start3A_121 = tpu.memref_slice %arg4[%add3A_118] : memref<800000xi32, #tpu.memory_space<hbm>> -> memref<1000xi32, #tpu.memory_space<hbm>>
        %dma_start3A_122 = tpu.memref_slice %arg4[%add3A_118] : memref<800000xi32, #tpu.memory_space<hbm>> -> memref<1000xi32, #tpu.memory_space<hbm>>
        tpu.enqueue_dma source(%dma_start3A_122 : memref<1000xi32, #tpu.memory_space<hbm>>) target(%arg14 : memref<1000xi32, #tpu.memory_space<vmem>>) target_semaphore(%arg24 : memref<!tpu.dma_semaphore, #tpu.memory_space<semaphore_mem>>)
        %dma_start3A_123 = tpu.memref_slice %arg5[%add3A_118] : memref<800000xi32, #tpu.memory_space<hbm>> -> memref<1000xi32, #tpu.memory_space<hbm>>
        %dma_start3A_124 = tpu.memref_slice %arg5[%add3A_118] : memref<800000xi32, #tpu.memory_space<hbm>> -> memref<1000xi32, #tpu.memory_space<hbm>>
        tpu.enqueue_dma source(%dma_start3A_124 : memref<1000xi32, #tpu.memory_space<hbm>>) target(%arg16 : memref<1000xi32, #tpu.memory_space<vmem>>) target_semaphore(%arg24 : memref<!tpu.dma_semaphore, #tpu.memory_space<semaphore_mem>>)
      } else {
      }
    }
    %scan3A_48 = arith.constant 25 : i32
    %barrier3A_49 = arith.constant 0 : index
    tpu.barrier barrier_id(%barrier3A_49)
    "tpu.region"() ({
      %run_scoped3A = tpu.sem_alloc : memref<!tpu.dma_semaphore, #tpu.memory_space<semaphore_mem>>
      %dma_start3A_50 = arith.constant 0 : i32
      %dma_start3A_51 = tpu.memref_slice %arg8[%arg0, %mul3A_1, %dma_start3A_50] : memref<2x51200x16xf32, #tpu.memory_space<hbm>> -> memref<1x3200x16xf32, #tpu.memory_space<hbm>>
      %dma_start3A_52 = tpu.memref_squeeze %dma_start3A_51 : memref<1x3200x16xf32, #tpu.memory_space<hbm>> -> memref<3200x16xf32, #tpu.memory_space<hbm>>
      %dma_start3A_53 = arith.constant 0 : i32
      %dma_start3A_54 = tpu.memref_slice %arg9[%mul3A_1, %dma_start3A_53] : memref<51200x16xf32, #tpu.memory_space<vmem_shared>> -> memref<3200x16xf32, #tpu.memory_space<vmem_shared>>
      tpu.enqueue_dma source(%dma_start3A_54 : memref<3200x16xf32, #tpu.memory_space<vmem_shared>>) target(%dma_start3A_52 : memref<3200x16xf32, #tpu.memory_space<hbm>>) target_semaphore(%run_scoped3A : memref<!tpu.dma_semaphore, #tpu.memory_space<semaphore_mem>>)
      %dma_wait3A_55 = arith.constant 0 : i32
      %dma_wait3A_56 = tpu.memref_slice %arg8[%arg0, %mul3A_1, %dma_wait3A_55] : memref<2x51200x16xf32, #tpu.memory_space<hbm>> -> memref<1x3200x16xf32, #tpu.memory_space<hbm>>
      %dma_wait3A_57 = tpu.memref_squeeze %dma_wait3A_56 : memref<1x3200x16xf32, #tpu.memory_space<hbm>> -> memref<3200x16xf32, #tpu.memory_space<hbm>>
      %dma_wait3A_58 = arith.constant 0 : i32
      %dma_wait3A_59 = tpu.memref_slice %arg9[%mul3A_1, %dma_wait3A_58] : memref<51200x16xf32, #tpu.memory_space<vmem_shared>> -> memref<3200x16xf32, #tpu.memory_space<vmem_shared>>
      tpu.wait_dma2 semaphore(%run_scoped3A : memref<!tpu.dma_semaphore, #tpu.memory_space<semaphore_mem>>) src(%dma_wait3A_59 : memref<3200x16xf32, #tpu.memory_space<vmem_shared>>) dst(%dma_wait3A_57 : memref<3200x16xf32, #tpu.memory_space<hbm>>)
      tpu.yield
    }) : () -> ()
    return
  }
}

#map = affine_map<(d0, d1) -> (0, 0)>
#map1 = affine_map<(d0, d1) -> (0)>
#map2 = affine_map<(d0, d1) -> (0, 0, 0)>
module attributes {stable_mosaic.version = 14 : i64} {
  func.func @kg_edge_aggregate_sc(%arg0: i32, %arg1: i32, %arg2: memref<200000x16xf32, #tpu.memory_space<hbm>>, %arg3: memref<800000xi32, #tpu.memory_space<hbm>>, %arg4: memref<800000xi32, #tpu.memory_space<hbm>>, %arg5: memref<800000xi32, #tpu.memory_space<hbm>>, %arg6: memref<64x16xf32, #tpu.memory_space<hbm>>, %arg7: memref<3200x16xf32, #tpu.memory_space<hbm>>, %arg8: memref<2x51200x16xf32, #tpu.memory_space<hbm>>, %arg9: memref<51200x16xf32, #tpu.memory_space<vmem_shared>>, %arg10: memref<16x16xf32, #tpu.memory_space<vmem_shared>>, %arg11: memref<1000xi32, #tpu.memory_space<vmem>>, %arg12: memref<1000xi32, #tpu.memory_space<vmem>>, %arg13: memref<1000xi32, #tpu.memory_space<vmem>>, %arg14: memref<1000xi32, #tpu.memory_space<vmem>>, %arg15: memref<1000xi32, #tpu.memory_space<vmem>>, %arg16: memref<1000xi32, #tpu.memory_space<vmem>>, %arg17: memref<1000xi32, #tpu.memory_space<vmem>>, %arg18: memref<1000xi32, #tpu.memory_space<vmem>>, %arg19: memref<1000xi32, #tpu.memory_space<vmem>>, %arg20: memref<1000xi32, #tpu.memory_space<vmem>>, %arg21: memref<1000x16xf32, #tpu.memory_space<vmem>>, %arg22: memref<1000x16xf32, #tpu.memory_space<vmem>>, %arg23: memref<1000x16xf32, #tpu.memory_space<vmem>>, %arg24: memref<!tpu.dma_semaphore, #tpu.memory_space<semaphore_mem>>, %arg25: memref<!tpu.dma_semaphore, #tpu.memory_space<semaphore_mem>>, %arg26: memref<!tpu.dma_semaphore, #tpu.memory_space<semaphore_mem>>) attributes {dimension_semantics = [#tpu.dimension_semantics<core_parallel>, #tpu.dimension_semantics<subcore_parallel>], iteration_bounds = array<i64: 2, 16>, scalar_prefetch = 0 : i64, scratch_operands = 18 : i64, tpu.core_type = #tpu.core_type<sc_vector_subcore>, window_params = [{transform_indices = #map}, {transform_indices = #map1}, {transform_indices = #map1}, {transform_indices = #map1}, {transform_indices = #map}, {transform_indices = #map}, {transform_indices = #map2}]} {
    %add3A = arith.constant 2 : i32
    %add3A_0 = arith.addi %add3A, %arg0 : i32
    %mul3A = arith.constant 3200 : i32
    %mul3A_1 = arith.muli %arg1, %mul3A : i32
    "tpu.region"() ({
      %run_scoped3A = tpu.sem_alloc : memref<!tpu.dma_semaphore, #tpu.memory_space<semaphore_mem>>
      %dma_start3A_50 = arith.constant 0 : i32
      %dma_start3A_51 = tpu.memref_slice %arg9[%mul3A_1, %dma_start3A_50] : memref<51200x16xf32, #tpu.memory_space<vmem_shared>> -> memref<3200x16xf32, #tpu.memory_space<vmem_shared>>
      tpu.enqueue_dma source(%arg7 : memref<3200x16xf32, #tpu.memory_space<hbm>>) target(%dma_start3A_51 : memref<3200x16xf32, #tpu.memory_space<vmem_shared>>) target_semaphore(%run_scoped3A : memref<!tpu.dma_semaphore, #tpu.memory_space<semaphore_mem>>)
      %dma_wait3A_52 = arith.constant 0 : i32
      %dma_wait3A_53 = tpu.memref_slice %arg9[%mul3A_1, %dma_wait3A_52] : memref<51200x16xf32, #tpu.memory_space<vmem_shared>> -> memref<3200x16xf32, #tpu.memory_space<vmem_shared>>
      tpu.wait_dma2 semaphore(%run_scoped3A : memref<!tpu.dma_semaphore, #tpu.memory_space<semaphore_mem>>) src(%arg7 : memref<3200x16xf32, #tpu.memory_space<hbm>>) dst(%dma_wait3A_53 : memref<3200x16xf32, #tpu.memory_space<vmem_shared>>)
      tpu.yield
    }) : () -> ()
    %eq3A = arith.constant 0 : i32
    %eq3A_2 = arith.cmpi eq, %arg1, %eq3A : i32
    %convert_element_type3A = arith.extui %eq3A_2 : i1 to i32
    %cond3A = arith.constant 0 : i32
    %cond3A_3 = arith.cmpi ne, %convert_element_type3A, %cond3A : i32
    scf.if %cond3A_3 {
      %mul3A_50 = arith.constant 16 : i32
      %mul3A_51 = arith.muli %add3A_0, %mul3A_50 : i32
      "tpu.region"() ({
        %run_scoped3A = tpu.sem_alloc : memref<!tpu.dma_semaphore, #tpu.memory_space<semaphore_mem>>
        %dma_start3A_52 = arith.constant 0 : i32
        %dma_start3A_53 = tpu.memref_slice %arg6[%mul3A_51, %dma_start3A_52] : memref<64x16xf32, #tpu.memory_space<hbm>> -> memref<16x16xf32, #tpu.memory_space<hbm>>
        tpu.enqueue_dma source(%dma_start3A_53 : memref<16x16xf32, #tpu.memory_space<hbm>>) target(%arg10 : memref<16x16xf32, #tpu.memory_space<vmem_shared>>) target_semaphore(%run_scoped3A : memref<!tpu.dma_semaphore, #tpu.memory_space<semaphore_mem>>)
        %dma_wait3A_54 = arith.constant 0 : i32
        %dma_wait3A_55 = tpu.memref_slice %arg6[%mul3A_51, %dma_wait3A_54] : memref<64x16xf32, #tpu.memory_space<hbm>> -> memref<16x16xf32, #tpu.memory_space<hbm>>
        tpu.wait_dma2 semaphore(%run_scoped3A : memref<!tpu.dma_semaphore, #tpu.memory_space<semaphore_mem>>) src(%dma_wait3A_55 : memref<16x16xf32, #tpu.memory_space<hbm>>) dst(%arg10 : memref<16x16xf32, #tpu.memory_space<vmem_shared>>)
        tpu.yield
      }) : () -> ()
    } else {
    }
    %barrier3A = arith.constant 0 : index
    tpu.barrier barrier_id(%barrier3A)
    %mul3A_4 = arith.constant 50000 : i32
    %mul3A_5 = arith.muli %arg1, %mul3A_4 : i32
    %add3A_6 = arith.constant 0 : i32
    %add3A_7 = arith.addi %mul3A_5, %add3A_6 : i32
    %dma_start3A = tpu.memref_slice %arg3[%add3A_7] : memref<800000xi32, #tpu.memory_space<hbm>> -> memref<1000xi32, #tpu.memory_space<hbm>>
    %dma_start3A_8 = tpu.memref_slice %arg3[%add3A_7] : memref<800000xi32, #tpu.memory_space<hbm>> -> memref<1000xi32, #tpu.memory_space<hbm>>
    tpu.enqueue_dma source(%dma_start3A_8 : memref<1000xi32, #tpu.memory_space<hbm>>) target(%arg11 : memref<1000xi32, #tpu.memory_space<vmem>>) target_semaphore(%arg24 : memref<!tpu.dma_semaphore, #tpu.memory_space<semaphore_mem>>)
    %dma_start3A_9 = tpu.memref_slice %arg4[%add3A_7] : memref<800000xi32, #tpu.memory_space<hbm>> -> memref<1000xi32, #tpu.memory_space<hbm>>
    %dma_start3A_10 = tpu.memref_slice %arg4[%add3A_7] : memref<800000xi32, #tpu.memory_space<hbm>> -> memref<1000xi32, #tpu.memory_space<hbm>>
    tpu.enqueue_dma source(%dma_start3A_10 : memref<1000xi32, #tpu.memory_space<hbm>>) target(%arg13 : memref<1000xi32, #tpu.memory_space<vmem>>) target_semaphore(%arg24 : memref<!tpu.dma_semaphore, #tpu.memory_space<semaphore_mem>>)
    %dma_start3A_11 = tpu.memref_slice %arg5[%add3A_7] : memref<800000xi32, #tpu.memory_space<hbm>> -> memref<1000xi32, #tpu.memory_space<hbm>>
    %dma_start3A_12 = tpu.memref_slice %arg5[%add3A_7] : memref<800000xi32, #tpu.memory_space<hbm>> -> memref<1000xi32, #tpu.memory_space<hbm>>
    tpu.enqueue_dma source(%dma_start3A_12 : memref<1000xi32, #tpu.memory_space<hbm>>) target(%arg15 : memref<1000xi32, #tpu.memory_space<vmem>>) target_semaphore(%arg24 : memref<!tpu.dma_semaphore, #tpu.memory_space<semaphore_mem>>)
    %dma_wait3A = arith.constant 0 : i32
    %dma_wait3A_13 = tpu.memref_slice %arg3[%dma_wait3A] : memref<800000xi32, #tpu.memory_space<hbm>> -> memref<1000xi32, #tpu.memory_space<hbm>>
    %dma_wait3A_14 = arith.constant 0 : i32
    %dma_wait3A_15 = tpu.memref_slice %arg3[%dma_wait3A_14] : memref<800000xi32, #tpu.memory_space<hbm>> -> memref<1000xi32, #tpu.memory_space<hbm>>
    tpu.wait_dma2 semaphore(%arg24 : memref<!tpu.dma_semaphore, #tpu.memory_space<semaphore_mem>>) src(%dma_wait3A_15 : memref<1000xi32, #tpu.memory_space<hbm>>) dst(%arg11 : memref<1000xi32, #tpu.memory_space<vmem>>)
    %dma_wait3A_16 = arith.constant 0 : i32
    %dma_wait3A_17 = tpu.memref_slice %arg4[%dma_wait3A_16] : memref<800000xi32, #tpu.memory_space<hbm>> -> memref<1000xi32, #tpu.memory_space<hbm>>
    %dma_wait3A_18 = arith.constant 0 : i32
    %dma_wait3A_19 = tpu.memref_slice %arg4[%dma_wait3A_18] : memref<800000xi32, #tpu.memory_space<hbm>> -> memref<1000xi32, #tpu.memory_space<hbm>>
    tpu.wait_dma2 semaphore(%arg24 : memref<!tpu.dma_semaphore, #tpu.memory_space<semaphore_mem>>) src(%dma_wait3A_19 : memref<1000xi32, #tpu.memory_space<hbm>>) dst(%arg13 : memref<1000xi32, #tpu.memory_space<vmem>>)
    %dma_wait3A_20 = arith.constant 0 : i32
    %dma_wait3A_21 = tpu.memref_slice %arg5[%dma_wait3A_20] : memref<800000xi32, #tpu.memory_space<hbm>> -> memref<1000xi32, #tpu.memory_space<hbm>>
    %dma_wait3A_22 = arith.constant 0 : i32
    %dma_wait3A_23 = tpu.memref_slice %arg5[%dma_wait3A_22] : memref<800000xi32, #tpu.memory_space<hbm>> -> memref<1000xi32, #tpu.memory_space<hbm>>
    tpu.wait_dma2 semaphore(%arg24 : memref<!tpu.dma_semaphore, #tpu.memory_space<semaphore_mem>>) src(%dma_wait3A_23 : memref<1000xi32, #tpu.memory_space<hbm>>) dst(%arg15 : memref<1000xi32, #tpu.memory_space<vmem>>)
    %scan3A = arith.constant 0 : i32
    %scan3A_24 = arith.constant 0 : i32
    %scan3A_25 = arith.constant 63 : i32
    %scan3A_26 = arith.addi %scan3A_24, %scan3A_25 : i32
    %scan3A_27 = arith.constant 1 : i32
    scf.for %scan3A_50 = %scan3A_24 to %scan3A_26 step %scan3A_27  : i32 {
      %mul3A_51 = arith.constant 16 : i32
      %mul3A_52 = arith.muli %scan3A_50, %mul3A_51 : i32
      %min3A = arith.constant 984 : i32
      %min3A_53 = arith.minsi %mul3A_52, %min3A : i32
      %get3A = arith.index_cast %min3A_53 : i32 to index
      %get3A_54 = tpu.vector_load %arg11[%get3A] {strides = array<i32>} : memref<1000xi32, #tpu.memory_space<vmem>>, vector<16xi32>,
      %get3A_55 = vector.shape_cast %get3A_54 : vector<16xi32> to vector<16xi32>
      %mul3A_56 = arith.constant 4 : i32
      %mul3A_57 = vector.broadcast %mul3A_56 : i32 to vector<16xi32>
      %mul3A_58 = arith.muli %get3A_55, %mul3A_57 : vector<16xi32>
      %add3A_59 = vector.broadcast %add3A_0 : i32 to vector<16xi32>
      %add3A_60 = arith.addi %mul3A_58, %add3A_59 : vector<16xi32>
      %swap3A = arith.index_cast %min3A_53 : i32 to index
      %swap3A_61 = tpu.vector_load %arg17[%swap3A] {strides = array<i32>} : memref<1000xi32, #tpu.memory_space<vmem>>, vector<16xi32>,
      %swap3A_62 = vector.shape_cast %swap3A_61 : vector<16xi32> to vector<16xi32>
      %swap3A_63 = vector.shape_cast %add3A_60 : vector<16xi32> to vector<16xi32>
      tpu.vector_store %arg17[%swap3A], %swap3A_63 {strides = array<i32>} : memref<1000xi32, #tpu.memory_space<vmem>>, vector<16xi32>,
      %get3A_64 = arith.index_cast %min3A_53 : i32 to index
      %get3A_65 = tpu.vector_load %arg15[%get3A_64] {strides = array<i32>} : memref<1000xi32, #tpu.memory_space<vmem>>, vector<16xi32>,
      %get3A_66 = vector.shape_cast %get3A_65 : vector<16xi32> to vector<16xi32>
      %add3A_67 = arith.constant 15 : i32
      %add3A_68 = vector.broadcast %add3A_67 : i32 to vector<16xi32>
      %add3A_69 = arith.addi %get3A_66, %add3A_68 : vector<16xi32>
      %jit3A = arith.constant 16 : i32
      %eq3A_70 = arith.constant 0 : i32
      %eq3A_71 = arith.cmpi eq, %jit3A, %eq3A_70 : i32
      %jit3A_72 = arith.constant 1 : i32
      %select_n3A = arith.select %eq3A_71, %jit3A_72, %jit3A : i32
      %rem3A = vector.broadcast %select_n3A : i32 to vector<16xi32>
      %rem3A_73 = arith.remsi %add3A_69, %rem3A : vector<16xi32>
      %ne3A = arith.constant 0 : i32
      %ne3A_74 = vector.broadcast %ne3A : i32 to vector<16xi32>
      %ne3A_75 = arith.cmpi ne, %rem3A_73, %ne3A_74 : vector<16xi32>
      %lt3A = arith.constant 0 : i32
      %lt3A_76 = vector.broadcast %lt3A : i32 to vector<16xi32>
      %lt3A_77 = arith.cmpi slt, %rem3A_73, %lt3A_76 : vector<16xi32>
      %lt3A_78 = arith.constant 0 : i32
      %lt3A_79 = arith.cmpi slt, %select_n3A, %lt3A_78 : i32
      %ne3A_80 = vector.broadcast %lt3A_79 : i1 to vector<16xi1>
      %ne3A_81 = vector.broadcast %ne3A_80 : vector<16xi1> to vector<16xi1>
      %ne3A_82 = arith.xori %lt3A_77, %ne3A_81 : vector<16xi1>
      %and3A = arith.andi %ne3A_82, %ne3A_75 : vector<16xi1>
      %add3A_83 = vector.broadcast %select_n3A : i32 to vector<16xi32>
      %add3A_84 = arith.addi %rem3A_73, %add3A_83 : vector<16xi32>
      %select_n3A_85 = arith.select %and3A, %add3A_84, %rem3A_73 : vector<16xi1>, vector<16xi32>
      %swap3A_86 = arith.index_cast %min3A_53 : i32 to index
      %swap3A_87 = tpu.vector_load %arg19[%swap3A_86] {strides = array<i32>} : memref<1000xi32, #tpu.memory_space<vmem>>, vector<16xi32>,
      %swap3A_88 = vector.shape_cast %swap3A_87 : vector<16xi32> to vector<16xi32>
      %swap3A_89 = vector.shape_cast %select_n3A_85 : vector<16xi32> to vector<16xi32>
      tpu.vector_store %arg19[%swap3A_86], %swap3A_89 {strides = array<i32>} : memref<1000xi32, #tpu.memory_space<vmem>>, vector<16xi32>,
    }
    %scan3A_28 = arith.constant 63 : i32
    %dma_start3A_29 = arith.constant 0 : i32
    %dma_start3A_30 = arith.constant 0 : i32
    %dma_start3A_31 = tpu.memref_slice %arg2[%dma_start3A_29, %dma_start3A_30] : memref<200000x16xf32, #tpu.memory_space<hbm>> -> memref<200000x16xf32, #tpu.memory_space<hbm>>
    tpu.enqueue_indirect_dma source(%dma_start3A_31 : memref<200000x16xf32, #tpu.memory_space<hbm>>) target(%arg21 : memref<1000x16xf32, #tpu.memory_space<vmem>>) offsets(%arg17 : memref<1000xi32, #tpu.memory_space<vmem>>) semaphore(%arg25 : memref<!tpu.dma_semaphore, #tpu.memory_space<semaphore_mem>>)
    %dma_start3A_32 = arith.constant 0 : i32
    %dma_start3A_33 = arith.constant 0 : i32
    %dma_start3A_34 = tpu.memref_slice %arg10[%dma_start3A_32, %dma_start3A_33] : memref<16x16xf32, #tpu.memory_space<vmem_shared>> -> memref<16x16xf32, #tpu.memory_space<vmem_shared>>
    tpu.enqueue_indirect_dma source(%dma_start3A_34 : memref<16x16xf32, #tpu.memory_space<vmem_shared>>) target(%arg23 : memref<1000x16xf32, #tpu.memory_space<vmem>>) offsets(%arg19 : memref<1000xi32, #tpu.memory_space<vmem>>) semaphore(%arg26 : memref<!tpu.dma_semaphore, #tpu.memory_space<semaphore_mem>>)
    %add3A_35 = arith.constant 1000 : i32
    %add3A_36 = arith.addi %mul3A_5, %add3A_35 : i32
    %dma_start3A_37 = tpu.memref_slice %arg3[%add3A_36] : memref<800000xi32, #tpu.memory_space<hbm>> -> memref<1000xi32, #tpu.memory_space<hbm>>
    %dma_start3A_38 = tpu.memref_slice %arg3[%add3A_36] : memref<800000xi32, #tpu.memory_space<hbm>> -> memref<1000xi32, #tpu.memory_space<hbm>>
    tpu.enqueue_dma source(%dma_start3A_38 : memref<1000xi32, #tpu.memory_space<hbm>>) target(%arg12 : memref<1000xi32, #tpu.memory_space<vmem>>) target_semaphore(%arg24 : memref<!tpu.dma_semaphore, #tpu.memory_space<semaphore_mem>>)
    %dma_start3A_39 = tpu.memref_slice %arg4[%add3A_36] : memref<800000xi32, #tpu.memory_space<hbm>> -> memref<1000xi32, #tpu.memory_space<hbm>>
    %dma_start3A_40 = tpu.memref_slice %arg4[%add3A_36] : memref<800000xi32, #tpu.memory_space<hbm>> -> memref<1000xi32, #tpu.memory_space<hbm>>
    tpu.enqueue_dma source(%dma_start3A_40 : memref<1000xi32, #tpu.memory_space<hbm>>) target(%arg14 : memref<1000xi32, #tpu.memory_space<vmem>>) target_semaphore(%arg24 : memref<!tpu.dma_semaphore, #tpu.memory_space<semaphore_mem>>)
    %dma_start3A_41 = tpu.memref_slice %arg5[%add3A_36] : memref<800000xi32, #tpu.memory_space<hbm>> -> memref<1000xi32, #tpu.memory_space<hbm>>
    %dma_start3A_42 = tpu.memref_slice %arg5[%add3A_36] : memref<800000xi32, #tpu.memory_space<hbm>> -> memref<1000xi32, #tpu.memory_space<hbm>>
    tpu.enqueue_dma source(%dma_start3A_42 : memref<1000xi32, #tpu.memory_space<hbm>>) target(%arg16 : memref<1000xi32, #tpu.memory_space<vmem>>) target_semaphore(%arg24 : memref<!tpu.dma_semaphore, #tpu.memory_space<semaphore_mem>>)
    %scan3A_43 = arith.constant 0 : i32
    %scan3A_44 = arith.constant 0 : i32
    %scan3A_45 = arith.constant 25 : i32
    %scan3A_46 = arith.addi %scan3A_44, %scan3A_45 : i32
    %scan3A_47 = arith.constant 1 : i32
    scf.for %scan3A_50 = %scan3A_44 to %scan3A_46 step %scan3A_47  : i32 {
      %mul3A_51 = arith.constant 2 : i32
      %mul3A_52 = arith.muli %mul3A_51, %scan3A_50 : i32
      %add3A_53 = arith.constant 0 : i32
      %add3A_54 = arith.addi %mul3A_52, %add3A_53 : i32
      %dma_wait3A_55 = arith.constant 0 : i32
      %dma_wait3A_56 = arith.constant 0 : i32
      %dma_wait3A_57 = tpu.memref_slice %arg2[%dma_wait3A_55, %dma_wait3A_56] : memref<200000x16xf32, #tpu.memory_space<hbm>> -> memref<200000x16xf32, #tpu.memory_space<hbm>>
      tpu.wait_indirect_dma semaphore(%arg25 : memref<!tpu.dma_semaphore, #tpu.memory_space<semaphore_mem>>) src(%dma_wait3A_57 : memref<200000x16xf32, #tpu.memory_space<hbm>>) dst(%arg21 : memref<1000x16xf32, #tpu.memory_space<vmem>>)
      %dma_wait3A_58 = arith.constant 0 : i32
      %dma_wait3A_59 = arith.constant 0 : i32
      %dma_wait3A_60 = tpu.memref_slice %arg10[%dma_wait3A_58, %dma_wait3A_59] : memref<16x16xf32, #tpu.memory_space<vmem_shared>> -> memref<16x16xf32, #tpu.memory_space<vmem_shared>>
      tpu.wait_indirect_dma semaphore(%arg26 : memref<!tpu.dma_semaphore, #tpu.memory_space<semaphore_mem>>) src(%dma_wait3A_60 : memref<16x16xf32, #tpu.memory_space<vmem_shared>>) dst(%arg23 : memref<1000x16xf32, #tpu.memory_space<vmem>>)
      %parallel_loop3A = arith.constant 0 : i32
      %parallel_loop3A_61 = arith.constant 1000 : i32
      %parallel_loop3A_62 = arith.constant 1 : i32
      scf.for %parallel_loop3A_114 = %parallel_loop3A to %parallel_loop3A_61 step %parallel_loop3A_62  : i32 {
        %parallel_loop3A_115 = arith.index_cast %parallel_loop3A_114 : i32 to index
        %parallel_loop3A_116 = arith.constant 0 : index
        %parallel_loop3A_117 = tpu.vector_load %arg21[%parallel_loop3A_115, %parallel_loop3A_116] {strides = array<i32>} : memref<1000x16xf32, #tpu.memory_space<vmem>>, vector<1x16xf32>,
        %parallel_loop3A_118 = vector.shape_cast %parallel_loop3A_117 : vector<1x16xf32> to vector<16xf32>
        %parallel_loop3A_119 = arith.index_cast %parallel_loop3A_114 : i32 to index
        %parallel_loop3A_120 = arith.constant 0 : index
        %parallel_loop3A_121 = tpu.vector_load %arg23[%parallel_loop3A_119, %parallel_loop3A_120] {strides = array<i32>} : memref<1000x16xf32, #tpu.memory_space<vmem>>, vector<1x16xf32>,
        %parallel_loop3A_122 = vector.shape_cast %parallel_loop3A_121 : vector<1x16xf32> to vector<16xf32>
        %parallel_loop3A_123 = arith.mulf %parallel_loop3A_118, %parallel_loop3A_122 : vector<16xf32>
        %parallel_loop3A_124 = arith.index_cast %parallel_loop3A_114 : i32 to index
        %parallel_loop3A_125 = arith.constant 0 : index
        %parallel_loop3A_126 = tpu.vector_load %arg21[%parallel_loop3A_124, %parallel_loop3A_125] {strides = array<i32>} : memref<1000x16xf32, #tpu.memory_space<vmem>>, vector<1x16xf32>,
        %parallel_loop3A_127 = vector.shape_cast %parallel_loop3A_126 : vector<1x16xf32> to vector<16xf32>
        %parallel_loop3A_128 = vector.shape_cast %parallel_loop3A_123 : vector<16xf32> to vector<1x16xf32>
        tpu.vector_store %arg21[%parallel_loop3A_124, %parallel_loop3A_125], %parallel_loop3A_128 {strides = array<i32>} : memref<1000x16xf32, #tpu.memory_space<vmem>>, vector<1x16xf32>,
      } {sc.loop_unroll_factor = 8 : i64, sc.parallel_access}
      %dma_wait3A_63 = arith.constant 0 : i32
      %dma_wait3A_64 = tpu.memref_slice %arg3[%dma_wait3A_63] : memref<800000xi32, #tpu.memory_space<hbm>> -> memref<1000xi32, #tpu.memory_space<hbm>>
      %dma_wait3A_65 = arith.constant 0 : i32
      %dma_wait3A_66 = tpu.memref_slice %arg3[%dma_wait3A_65] : memref<800000xi32, #tpu.memory_space<hbm>> -> memref<1000xi32, #tpu.memory_space<hbm>>
      tpu.wait_dma2 semaphore(%arg24 : memref<!tpu.dma_semaphore, #tpu.memory_space<semaphore_mem>>) src(%dma_wait3A_66 : memref<1000xi32, #tpu.memory_space<hbm>>) dst(%arg12 : memref<1000xi32, #tpu.memory_space<vmem>>)
      %dma_wait3A_67 = arith.constant 0 : i32
      %dma_wait3A_68 = tpu.memref_slice %arg4[%dma_wait3A_67] : memref<800000xi32, #tpu.memory_space<hbm>> -> memref<1000xi32, #tpu.memory_space<hbm>>
      %dma_wait3A_69 = arith.constant 0 : i32
      %dma_wait3A_70 = tpu.memref_slice %arg4[%dma_wait3A_69] : memref<800000xi32, #tpu.memory_space<hbm>> -> memref<1000xi32, #tpu.memory_space<hbm>>
      tpu.wait_dma2 semaphore(%arg24 : memref<!tpu.dma_semaphore, #tpu.memory_space<semaphore_mem>>) src(%dma_wait3A_70 : memref<1000xi32, #tpu.memory_space<hbm>>) dst(%arg14 : memref<1000xi32, #tpu.memory_space<vmem>>)
      %dma_wait3A_71 = arith.constant 0 : i32
      %dma_wait3A_72 = tpu.memref_slice %arg5[%dma_wait3A_71] : memref<800000xi32, #tpu.memory_space<hbm>> -> memref<1000xi32, #tpu.memory_space<hbm>>
      %dma_wait3A_73 = arith.constant 0 : i32
      %dma_wait3A_74 = tpu.memref_slice %arg5[%dma_wait3A_73] : memref<800000xi32, #tpu.memory_space<hbm>> -> memref<1000xi32, #tpu.memory_space<hbm>>
      tpu.wait_dma2 semaphore(%arg24 : memref<!tpu.dma_semaphore, #tpu.memory_space<semaphore_mem>>) src(%dma_wait3A_74 : memref<1000xi32, #tpu.memory_space<hbm>>) dst(%arg16 : memref<1000xi32, #tpu.memory_space<vmem>>)
      %scan3A_75 = arith.constant 0 : i32
      %scan3A_76 = arith.constant 0 : i32
      %scan3A_77 = arith.constant 63 : i32
      %scan3A_78 = arith.addi %scan3A_76, %scan3A_77 : i32
      %scan3A_79 = arith.constant 1 : i32
      scf.for %scan3A_114 = %scan3A_76 to %scan3A_78 step %scan3A_79  : i32 {
        %mul3A_115 = arith.constant 16 : i32
        %mul3A_116 = arith.muli %scan3A_114, %mul3A_115 : i32
        %min3A = arith.constant 984 : i32
        %min3A_117 = arith.minsi %mul3A_116, %min3A : i32
        %get3A = arith.index_cast %min3A_117 : i32 to index
        %get3A_118 = tpu.vector_load %arg12[%get3A] {strides = array<i32>} : memref<1000xi32, #tpu.memory_space<vmem>>, vector<16xi32>,
        %get3A_119 = vector.shape_cast %get3A_118 : vector<16xi32> to vector<16xi32>
        %mul3A_120 = arith.constant 4 : i32
        %mul3A_121 = vector.broadcast %mul3A_120 : i32 to vector<16xi32>
        %mul3A_122 = arith.muli %get3A_119, %mul3A_121 : vector<16xi32>
        %add3A_123 = vector.broadcast %add3A_0 : i32 to vector<16xi32>
        %add3A_124 = arith.addi %mul3A_122, %add3A_123 : vector<16xi32>
        %swap3A = arith.index_cast %min3A_117 : i32 to index
        %swap3A_125 = tpu.vector_load %arg18[%swap3A] {strides = array<i32>} : memref<1000xi32, #tpu.memory_space<vmem>>, vector<16xi32>,
        %swap3A_126 = vector.shape_cast %swap3A_125 : vector<16xi32> to vector<16xi32>
        %swap3A_127 = vector.shape_cast %add3A_124 : vector<16xi32> to vector<16xi32>
        tpu.vector_store %arg18[%swap3A], %swap3A_127 {strides = array<i32>} : memref<1000xi32, #tpu.memory_space<vmem>>, vector<16xi32>,
        %get3A_128 = arith.index_cast %min3A_117 : i32 to index
        %get3A_129 = tpu.vector_load %arg16[%get3A_128] {strides = array<i32>} : memref<1000xi32, #tpu.memory_space<vmem>>, vector<16xi32>,
        %get3A_130 = vector.shape_cast %get3A_129 : vector<16xi32> to vector<16xi32>
        %add3A_131 = arith.constant 15 : i32
        %add3A_132 = vector.broadcast %add3A_131 : i32 to vector<16xi32>
        %add3A_133 = arith.addi %get3A_130, %add3A_132 : vector<16xi32>
        %jit3A = arith.constant 16 : i32
        %eq3A_134 = arith.constant 0 : i32
        %eq3A_135 = arith.cmpi eq, %jit3A, %eq3A_134 : i32
        %jit3A_136 = arith.constant 1 : i32
        %select_n3A = arith.select %eq3A_135, %jit3A_136, %jit3A : i32
        %rem3A = vector.broadcast %select_n3A : i32 to vector<16xi32>
        %rem3A_137 = arith.remsi %add3A_133, %rem3A : vector<16xi32>
        %ne3A = arith.constant 0 : i32
        %ne3A_138 = vector.broadcast %ne3A : i32 to vector<16xi32>
        %ne3A_139 = arith.cmpi ne, %rem3A_137, %ne3A_138 : vector<16xi32>
        %lt3A_140 = arith.constant 0 : i32
        %lt3A_141 = vector.broadcast %lt3A_140 : i32 to vector<16xi32>
        %lt3A_142 = arith.cmpi slt, %rem3A_137, %lt3A_141 : vector<16xi32>
        %lt3A_143 = arith.constant 0 : i32
        %lt3A_144 = arith.cmpi slt, %select_n3A, %lt3A_143 : i32
        %ne3A_145 = vector.broadcast %lt3A_144 : i1 to vector<16xi1>
        %ne3A_146 = vector.broadcast %ne3A_145 : vector<16xi1> to vector<16xi1>
        %ne3A_147 = arith.xori %lt3A_142, %ne3A_146 : vector<16xi1>
        %and3A = arith.andi %ne3A_147, %ne3A_139 : vector<16xi1>
        %add3A_148 = vector.broadcast %select_n3A : i32 to vector<16xi32>
        %add3A_149 = arith.addi %rem3A_137, %add3A_148 : vector<16xi32>
        %select_n3A_150 = arith.select %and3A, %add3A_149, %rem3A_137 : vector<16xi1>, vector<16xi32>
        %swap3A_151 = arith.index_cast %min3A_117 : i32 to index
        %swap3A_152 = tpu.vector_load %arg20[%swap3A_151] {strides = array<i32>} : memref<1000xi32, #tpu.memory_space<vmem>>, vector<16xi32>,
        %swap3A_153 = vector.shape_cast %swap3A_152 : vector<16xi32> to vector<16xi32>
        %swap3A_154 = vector.shape_cast %select_n3A_150 : vector<16xi32> to vector<16xi32>
        tpu.vector_store %arg20[%swap3A_151], %swap3A_154 {strides = array<i32>} : memref<1000xi32, #tpu.memory_space<vmem>>, vector<16xi32>,
      }
      %scan3A_80 = arith.constant 63 : i32
      %dma_start3A_81 = arith.constant 0 : i32
      %dma_start3A_82 = arith.constant 0 : i32
      %dma_start3A_83 = tpu.memref_slice %arg2[%dma_start3A_81, %dma_start3A_82] : memref<200000x16xf32, #tpu.memory_space<hbm>> -> memref<200000x16xf32, #tpu.memory_space<hbm>>
      tpu.enqueue_indirect_dma source(%dma_start3A_83 : memref<200000x16xf32, #tpu.memory_space<hbm>>) target(%arg22 : memref<1000x16xf32, #tpu.memory_space<vmem>>) offsets(%arg18 : memref<1000xi32, #tpu.memory_space<vmem>>) semaphore(%arg25 : memref<!tpu.dma_semaphore, #tpu.memory_space<semaphore_mem>>)
      %dma_start3A_84 = arith.constant 0 : i32
      %dma_start3A_85 = arith.constant 0 : i32
      %dma_start3A_86 = tpu.memref_slice %arg10[%dma_start3A_84, %dma_start3A_85] : memref<16x16xf32, #tpu.memory_space<vmem_shared>> -> memref<16x16xf32, #tpu.memory_space<vmem_shared>>
      tpu.enqueue_indirect_dma source(%dma_start3A_86 : memref<16x16xf32, #tpu.memory_space<vmem_shared>>) target(%arg23 : memref<1000x16xf32, #tpu.memory_space<vmem>>) offsets(%arg20 : memref<1000xi32, #tpu.memory_space<vmem>>) semaphore(%arg26 : memref<!tpu.dma_semaphore, #tpu.memory_space<semaphore_mem>>)
      "tpu.region"() ({
        %run_scoped3A = tpu.sem_alloc : memref<!tpu.dma_semaphore, #tpu.memory_space<semaphore_mem>>
        %dma_start3A_114 = arith.constant 0 : i32
        %dma_start3A_115 = arith.constant 0 : i32
        %dma_start3A_116 = tpu.memref_slice %arg9[%dma_start3A_114, %dma_start3A_115] : memref<51200x16xf32, #tpu.memory_space<vmem_shared>> -> memref<51200x16xf32, #tpu.memory_space<vmem_shared>>
        tpu.enqueue_indirect_dma source(%arg21 : memref<1000x16xf32, #tpu.memory_space<vmem>>) target(%dma_start3A_116 : memref<51200x16xf32, #tpu.memory_space<vmem_shared>>) offsets(%arg13 : memref<1000xi32, #tpu.memory_space<vmem>>) semaphore(%run_scoped3A : memref<!tpu.dma_semaphore, #tpu.memory_space<semaphore_mem>>) {add = true}
        %dma_wait3A_117 = arith.constant 0 : i32
        %dma_wait3A_118 = arith.constant 0 : i32
        %dma_wait3A_119 = tpu.memref_slice %arg9[%dma_wait3A_117, %dma_wait3A_118] : memref<51200x16xf32, #tpu.memory_space<vmem_shared>> -> memref<51200x16xf32, #tpu.memory_space<vmem_shared>>
        tpu.wait_indirect_dma semaphore(%run_scoped3A : memref<!tpu.dma_semaphore, #tpu.memory_space<semaphore_mem>>) src(%arg21 : memref<1000x16xf32, #tpu.memory_space<vmem>>) dst(%dma_wait3A_119 : memref<51200x16xf32, #tpu.memory_space<vmem_shared>>)
        tpu.yield
      }) : () -> ()
      %lt3A = arith.constant 24 : i32
      %lt3A_87 = arith.cmpi slt, %scan3A_50, %lt3A : i32
      %convert_element_type3A_88 = arith.extui %lt3A_87 : i1 to i32
      %cond3A_89 = arith.constant 0 : i32
      %cond3A_90 = arith.cmpi ne, %convert_element_type3A_88, %cond3A_89 : i32
      scf.if %cond3A_90 {
        %add3A_114 = arith.constant 2 : i32
        %add3A_115 = arith.addi %add3A_54, %add3A_114 : i32
        %mul3A_116 = arith.constant 1000 : i32
        %mul3A_117 = arith.muli %add3A_115, %mul3A_116 : i32
        %add3A_118 = arith.addi %mul3A_5, %mul3A_117 : i32
        %dma_start3A_119 = tpu.memref_slice %arg3[%add3A_118] : memref<800000xi32, #tpu.memory_space<hbm>> -> memref<1000xi32, #tpu.memory_space<hbm>>
        %dma_start3A_120 = tpu.memref_slice %arg3[%add3A_118] : memref<800000xi32, #tpu.memory_space<hbm>> -> memref<1000xi32, #tpu.memory_space<hbm>>
        tpu.enqueue_dma source(%dma_start3A_120 : memref<1000xi32, #tpu.memory_space<hbm>>) target(%arg11 : memref<1000xi32, #tpu.memory_space<vmem>>) target_semaphore(%arg24 : memref<!tpu.dma_semaphore, #tpu.memory_space<semaphore_mem>>)
        %dma_start3A_121 = tpu.memref_slice %arg4[%add3A_118] : memref<800000xi32, #tpu.memory_space<hbm>> -> memref<1000xi32, #tpu.memory_space<hbm>>
        %dma_start3A_122 = tpu.memref_slice %arg4[%add3A_118] : memref<800000xi32, #tpu.memory_space<hbm>> -> memref<1000xi32, #tpu.memory_space<hbm>>
        tpu.enqueue_dma source(%dma_start3A_122 : memref<1000xi32, #tpu.memory_space<hbm>>) target(%arg13 : memref<1000xi32, #tpu.memory_space<vmem>>) target_semaphore(%arg24 : memref<!tpu.dma_semaphore, #tpu.memory_space<semaphore_mem>>)
        %dma_start3A_123 = tpu.memref_slice %arg5[%add3A_118] : memref<800000xi32, #tpu.memory_space<hbm>> -> memref<1000xi32, #tpu.memory_space<hbm>>
        %dma_start3A_124 = tpu.memref_slice %arg5[%add3A_118] : memref<800000xi32, #tpu.memory_space<hbm>> -> memref<1000xi32, #tpu.memory_space<hbm>>
        tpu.enqueue_dma source(%dma_start3A_124 : memref<1000xi32, #tpu.memory_space<hbm>>) target(%arg15 : memref<1000xi32, #tpu.memory_space<vmem>>) target_semaphore(%arg24 : memref<!tpu.dma_semaphore, #tpu.memory_space<semaphore_mem>>)
      } else {
      }
      %mul3A_91 = arith.constant 2 : i32
      %mul3A_92 = arith.muli %mul3A_91, %scan3A_50 : i32
      %add3A_93 = arith.constant 1 : i32
      %add3A_94 = arith.addi %mul3A_92, %add3A_93 : i32
      %dma_wait3A_95 = arith.constant 0 : i32
      %dma_wait3A_96 = arith.constant 0 : i32
      %dma_wait3A_97 = tpu.memref_slice %arg2[%dma_wait3A_95, %dma_wait3A_96] : memref<200000x16xf32, #tpu.memory_space<hbm>> -> memref<200000x16xf32, #tpu.memory_space<hbm>>
      tpu.wait_indirect_dma semaphore(%arg25 : memref<!tpu.dma_semaphore, #tpu.memory_space<semaphore_mem>>) src(%dma_wait3A_97 : memref<200000x16xf32, #tpu.memory_space<hbm>>) dst(%arg22 : memref<1000x16xf32, #tpu.memory_space<vmem>>)
      %dma_wait3A_98 = arith.constant 0 : i32
      %dma_wait3A_99 = arith.constant 0 : i32
      %dma_wait3A_100 = tpu.memref_slice %arg10[%dma_wait3A_98, %dma_wait3A_99] : memref<16x16xf32, #tpu.memory_space<vmem_shared>> -> memref<16x16xf32, #tpu.memory_space<vmem_shared>>
      tpu.wait_indirect_dma semaphore(%arg26 : memref<!tpu.dma_semaphore, #tpu.memory_space<semaphore_mem>>) src(%dma_wait3A_100 : memref<16x16xf32, #tpu.memory_space<vmem_shared>>) dst(%arg23 : memref<1000x16xf32, #tpu.memory_space<vmem>>)
      %parallel_loop3A_101 = arith.constant 0 : i32
      %parallel_loop3A_102 = arith.constant 1000 : i32
      %parallel_loop3A_103 = arith.constant 1 : i32
      scf.for %parallel_loop3A_114 = %parallel_loop3A_101 to %parallel_loop3A_102 step %parallel_loop3A_103  : i32 {
        %parallel_loop3A_115 = arith.index_cast %parallel_loop3A_114 : i32 to index
        %parallel_loop3A_116 = arith.constant 0 : index
        %parallel_loop3A_117 = tpu.vector_load %arg22[%parallel_loop3A_115, %parallel_loop3A_116] {strides = array<i32>} : memref<1000x16xf32, #tpu.memory_space<vmem>>, vector<1x16xf32>,
        %parallel_loop3A_118 = vector.shape_cast %parallel_loop3A_117 : vector<1x16xf32> to vector<16xf32>
        %parallel_loop3A_119 = arith.index_cast %parallel_loop3A_114 : i32 to index
        %parallel_loop3A_120 = arith.constant 0 : index
        %parallel_loop3A_121 = tpu.vector_load %arg23[%parallel_loop3A_119, %parallel_loop3A_120] {strides = array<i32>} : memref<1000x16xf32, #tpu.memory_space<vmem>>, vector<1x16xf32>,
        %parallel_loop3A_122 = vector.shape_cast %parallel_loop3A_121 : vector<1x16xf32> to vector<16xf32>
        %parallel_loop3A_123 = arith.mulf %parallel_loop3A_118, %parallel_loop3A_122 : vector<16xf32>
        %parallel_loop3A_124 = arith.index_cast %parallel_loop3A_114 : i32 to index
        %parallel_loop3A_125 = arith.constant 0 : index
        %parallel_loop3A_126 = tpu.vector_load %arg22[%parallel_loop3A_124, %parallel_loop3A_125] {strides = array<i32>} : memref<1000x16xf32, #tpu.memory_space<vmem>>, vector<1x16xf32>,
        %parallel_loop3A_127 = vector.shape_cast %parallel_loop3A_126 : vector<1x16xf32> to vector<16xf32>
        %parallel_loop3A_128 = vector.shape_cast %parallel_loop3A_123 : vector<16xf32> to vector<1x16xf32>
        tpu.vector_store %arg22[%parallel_loop3A_124, %parallel_loop3A_125], %parallel_loop3A_128 {strides = array<i32>} : memref<1000x16xf32, #tpu.memory_space<vmem>>, vector<1x16xf32>,
      } {sc.loop_unroll_factor = 8 : i64, sc.parallel_access}
      %lt3A_104 = arith.constant 24 : i32
      %lt3A_105 = arith.cmpi slt, %scan3A_50, %lt3A_104 : i32
      %convert_element_type3A_106 = arith.extui %lt3A_105 : i1 to i32
      %cond3A_107 = arith.constant 0 : i32
      %cond3A_108 = arith.cmpi ne, %convert_element_type3A_106, %cond3A_107 : i32
      scf.if %cond3A_108 {
        %dma_wait3A_114 = arith.constant 0 : i32
        %dma_wait3A_115 = tpu.memref_slice %arg3[%dma_wait3A_114] : memref<800000xi32, #tpu.memory_space<hbm>> -> memref<1000xi32, #tpu.memory_space<hbm>>
        %dma_wait3A_116 = arith.constant 0 : i32
        %dma_wait3A_117 = tpu.memref_slice %arg3[%dma_wait3A_116] : memref<800000xi32, #tpu.memory_space<hbm>> -> memref<1000xi32, #tpu.memory_space<hbm>>
        tpu.wait_dma2 semaphore(%arg24 : memref<!tpu.dma_semaphore, #tpu.memory_space<semaphore_mem>>) src(%dma_wait3A_117 : memref<1000xi32, #tpu.memory_space<hbm>>) dst(%arg11 : memref<1000xi32, #tpu.memory_space<vmem>>)
        %dma_wait3A_118 = arith.constant 0 : i32
        %dma_wait3A_119 = tpu.memref_slice %arg4[%dma_wait3A_118] : memref<800000xi32, #tpu.memory_space<hbm>> -> memref<1000xi32, #tpu.memory_space<hbm>>
        %dma_wait3A_120 = arith.constant 0 : i32
        %dma_wait3A_121 = tpu.memref_slice %arg4[%dma_wait3A_120] : memref<800000xi32, #tpu.memory_space<hbm>> -> memref<1000xi32, #tpu.memory_space<hbm>>
        tpu.wait_dma2 semaphore(%arg24 : memref<!tpu.dma_semaphore, #tpu.memory_space<semaphore_mem>>) src(%dma_wait3A_121 : memref<1000xi32, #tpu.memory_space<hbm>>) dst(%arg13 : memref<1000xi32, #tpu.memory_space<vmem>>)
        %dma_wait3A_122 = arith.constant 0 : i32
        %dma_wait3A_123 = tpu.memref_slice %arg5[%dma_wait3A_122] : memref<800000xi32, #tpu.memory_space<hbm>> -> memref<1000xi32, #tpu.memory_space<hbm>>
        %dma_wait3A_124 = arith.constant 0 : i32
        %dma_wait3A_125 = tpu.memref_slice %arg5[%dma_wait3A_124] : memref<800000xi32, #tpu.memory_space<hbm>> -> memref<1000xi32, #tpu.memory_space<hbm>>
        tpu.wait_dma2 semaphore(%arg24 : memref<!tpu.dma_semaphore, #tpu.memory_space<semaphore_mem>>) src(%dma_wait3A_125 : memref<1000xi32, #tpu.memory_space<hbm>>) dst(%arg15 : memref<1000xi32, #tpu.memory_space<vmem>>)
        %scan3A_126 = arith.constant 0 : i32
        %scan3A_127 = arith.constant 0 : i32
        %scan3A_128 = arith.constant 63 : i32
        %scan3A_129 = arith.addi %scan3A_127, %scan3A_128 : i32
        %scan3A_130 = arith.constant 1 : i32
        scf.for %scan3A_138 = %scan3A_127 to %scan3A_129 step %scan3A_130  : i32 {
          %mul3A_139 = arith.constant 16 : i32
          %mul3A_140 = arith.muli %scan3A_138, %mul3A_139 : i32
          %min3A = arith.constant 984 : i32
          %min3A_141 = arith.minsi %mul3A_140, %min3A : i32
          %get3A = arith.index_cast %min3A_141 : i32 to index
          %get3A_142 = tpu.vector_load %arg11[%get3A] {strides = array<i32>} : memref<1000xi32, #tpu.memory_space<vmem>>, vector<16xi32>,
          %get3A_143 = vector.shape_cast %get3A_142 : vector<16xi32> to vector<16xi32>
          %mul3A_144 = arith.constant 4 : i32
          %mul3A_145 = vector.broadcast %mul3A_144 : i32 to vector<16xi32>
          %mul3A_146 = arith.muli %get3A_143, %mul3A_145 : vector<16xi32>
          %add3A_147 = vector.broadcast %add3A_0 : i32 to vector<16xi32>
          %add3A_148 = arith.addi %mul3A_146, %add3A_147 : vector<16xi32>
          %swap3A = arith.index_cast %min3A_141 : i32 to index
          %swap3A_149 = tpu.vector_load %arg17[%swap3A] {strides = array<i32>} : memref<1000xi32, #tpu.memory_space<vmem>>, vector<16xi32>,
          %swap3A_150 = vector.shape_cast %swap3A_149 : vector<16xi32> to vector<16xi32>
          %swap3A_151 = vector.shape_cast %add3A_148 : vector<16xi32> to vector<16xi32>
          tpu.vector_store %arg17[%swap3A], %swap3A_151 {strides = array<i32>} : memref<1000xi32, #tpu.memory_space<vmem>>, vector<16xi32>,
          %get3A_152 = arith.index_cast %min3A_141 : i32 to index
          %get3A_153 = tpu.vector_load %arg15[%get3A_152] {strides = array<i32>} : memref<1000xi32, #tpu.memory_space<vmem>>, vector<16xi32>,
          %get3A_154 = vector.shape_cast %get3A_153 : vector<16xi32> to vector<16xi32>
          %add3A_155 = arith.constant 15 : i32
          %add3A_156 = vector.broadcast %add3A_155 : i32 to vector<16xi32>
          %add3A_157 = arith.addi %get3A_154, %add3A_156 : vector<16xi32>
          %jit3A = arith.constant 16 : i32
          %eq3A_158 = arith.constant 0 : i32
          %eq3A_159 = arith.cmpi eq, %jit3A, %eq3A_158 : i32
          %jit3A_160 = arith.constant 1 : i32
          %select_n3A = arith.select %eq3A_159, %jit3A_160, %jit3A : i32
          %rem3A = vector.broadcast %select_n3A : i32 to vector<16xi32>
          %rem3A_161 = arith.remsi %add3A_157, %rem3A : vector<16xi32>
          %ne3A = arith.constant 0 : i32
          %ne3A_162 = vector.broadcast %ne3A : i32 to vector<16xi32>
          %ne3A_163 = arith.cmpi ne, %rem3A_161, %ne3A_162 : vector<16xi32>
          %lt3A_164 = arith.constant 0 : i32
          %lt3A_165 = vector.broadcast %lt3A_164 : i32 to vector<16xi32>
          %lt3A_166 = arith.cmpi slt, %rem3A_161, %lt3A_165 : vector<16xi32>
          %lt3A_167 = arith.constant 0 : i32
          %lt3A_168 = arith.cmpi slt, %select_n3A, %lt3A_167 : i32
          %ne3A_169 = vector.broadcast %lt3A_168 : i1 to vector<16xi1>
          %ne3A_170 = vector.broadcast %ne3A_169 : vector<16xi1> to vector<16xi1>
          %ne3A_171 = arith.xori %lt3A_166, %ne3A_170 : vector<16xi1>
          %and3A = arith.andi %ne3A_171, %ne3A_163 : vector<16xi1>
          %add3A_172 = vector.broadcast %select_n3A : i32 to vector<16xi32>
          %add3A_173 = arith.addi %rem3A_161, %add3A_172 : vector<16xi32>
          %select_n3A_174 = arith.select %and3A, %add3A_173, %rem3A_161 : vector<16xi1>, vector<16xi32>
          %swap3A_175 = arith.index_cast %min3A_141 : i32 to index
          %swap3A_176 = tpu.vector_load %arg19[%swap3A_175] {strides = array<i32>} : memref<1000xi32, #tpu.memory_space<vmem>>, vector<16xi32>,
          %swap3A_177 = vector.shape_cast %swap3A_176 : vector<16xi32> to vector<16xi32>
          %swap3A_178 = vector.shape_cast %select_n3A_174 : vector<16xi32> to vector<16xi32>
          tpu.vector_store %arg19[%swap3A_175], %swap3A_178 {strides = array<i32>} : memref<1000xi32, #tpu.memory_space<vmem>>, vector<16xi32>,
        }
        %scan3A_131 = arith.constant 63 : i32
        %dma_start3A_132 = arith.constant 0 : i32
        %dma_start3A_133 = arith.constant 0 : i32
        %dma_start3A_134 = tpu.memref_slice %arg2[%dma_start3A_132, %dma_start3A_133] : memref<200000x16xf32, #tpu.memory_space<hbm>> -> memref<200000x16xf32, #tpu.memory_space<hbm>>
        tpu.enqueue_indirect_dma source(%dma_start3A_134 : memref<200000x16xf32, #tpu.memory_space<hbm>>) target(%arg21 : memref<1000x16xf32, #tpu.memory_space<vmem>>) offsets(%arg17 : memref<1000xi32, #tpu.memory_space<vmem>>) semaphore(%arg25 : memref<!tpu.dma_semaphore, #tpu.memory_space<semaphore_mem>>)
        %dma_start3A_135 = arith.constant 0 : i32
        %dma_start3A_136 = arith.constant 0 : i32
        %dma_start3A_137 = tpu.memref_slice %arg10[%dma_start3A_135, %dma_start3A_136] : memref<16x16xf32, #tpu.memory_space<vmem_shared>> -> memref<16x16xf32, #tpu.memory_space<vmem_shared>>
        tpu.enqueue_indirect_dma source(%dma_start3A_137 : memref<16x16xf32, #tpu.memory_space<vmem_shared>>) target(%arg23 : memref<1000x16xf32, #tpu.memory_space<vmem>>) offsets(%arg19 : memref<1000xi32, #tpu.memory_space<vmem>>) semaphore(%arg26 : memref<!tpu.dma_semaphore, #tpu.memory_space<semaphore_mem>>)
      } else {
      }
      "tpu.region"() ({
        %run_scoped3A = tpu.sem_alloc : memref<!tpu.dma_semaphore, #tpu.memory_space<semaphore_mem>>
        %dma_start3A_114 = arith.constant 0 : i32
        %dma_start3A_115 = arith.constant 0 : i32
        %dma_start3A_116 = tpu.memref_slice %arg9[%dma_start3A_114, %dma_start3A_115] : memref<51200x16xf32, #tpu.memory_space<vmem_shared>> -> memref<51200x16xf32, #tpu.memory_space<vmem_shared>>
        tpu.enqueue_indirect_dma source(%arg22 : memref<1000x16xf32, #tpu.memory_space<vmem>>) target(%dma_start3A_116 : memref<51200x16xf32, #tpu.memory_space<vmem_shared>>) offsets(%arg14 : memref<1000xi32, #tpu.memory_space<vmem>>) semaphore(%run_scoped3A : memref<!tpu.dma_semaphore, #tpu.memory_space<semaphore_mem>>) {add = true}
        %dma_wait3A_117 = arith.constant 0 : i32
        %dma_wait3A_118 = arith.constant 0 : i32
        %dma_wait3A_119 = tpu.memref_slice %arg9[%dma_wait3A_117, %dma_wait3A_118] : memref<51200x16xf32, #tpu.memory_space<vmem_shared>> -> memref<51200x16xf32, #tpu.memory_space<vmem_shared>>
        tpu.wait_indirect_dma semaphore(%run_scoped3A : memref<!tpu.dma_semaphore, #tpu.memory_space<semaphore_mem>>) src(%arg22 : memref<1000x16xf32, #tpu.memory_space<vmem>>) dst(%dma_wait3A_119 : memref<51200x16xf32, #tpu.memory_space<vmem_shared>>)
        tpu.yield
      }) : () -> ()
      %lt3A_109 = arith.constant 24 : i32
      %lt3A_110 = arith.cmpi slt, %scan3A_50, %lt3A_109 : i32
      %convert_element_type3A_111 = arith.extui %lt3A_110 : i1 to i32
      %cond3A_112 = arith.constant 0 : i32
      %cond3A_113 = arith.cmpi ne, %convert_element_type3A_111, %cond3A_112 : i32
      scf.if %cond3A_113 {
        %add3A_114 = arith.constant 2 : i32
        %add3A_115 = arith.addi %add3A_94, %add3A_114 : i32
        %mul3A_116 = arith.constant 1000 : i32
        %mul3A_117 = arith.muli %add3A_115, %mul3A_116 : i32
        %add3A_118 = arith.addi %mul3A_5, %mul3A_117 : i32
        %dma_start3A_119 = tpu.memref_slice %arg3[%add3A_118] : memref<800000xi32, #tpu.memory_space<hbm>> -> memref<1000xi32, #tpu.memory_space<hbm>>
        %dma_start3A_120 = tpu.memref_slice %arg3[%add3A_118] : memref<800000xi32, #tpu.memory_space<hbm>> -> memref<1000xi32, #tpu.memory_space<hbm>>
        tpu.enqueue_dma source(%dma_start3A_120 : memref<1000xi32, #tpu.memory_space<hbm>>) target(%arg12 : memref<1000xi32, #tpu.memory_space<vmem>>) target_semaphore(%arg24 : memref<!tpu.dma_semaphore, #tpu.memory_space<semaphore_mem>>)
        %dma_start3A_121 = tpu.memref_slice %arg4[%add3A_118] : memref<800000xi32, #tpu.memory_space<hbm>> -> memref<1000xi32, #tpu.memory_space<hbm>>
        %dma_start3A_122 = tpu.memref_slice %arg4[%add3A_118] : memref<800000xi32, #tpu.memory_space<hbm>> -> memref<1000xi32, #tpu.memory_space<hbm>>
        tpu.enqueue_dma source(%dma_start3A_122 : memref<1000xi32, #tpu.memory_space<hbm>>) target(%arg14 : memref<1000xi32, #tpu.memory_space<vmem>>) target_semaphore(%arg24 : memref<!tpu.dma_semaphore, #tpu.memory_space<semaphore_mem>>)
        %dma_start3A_123 = tpu.memref_slice %arg5[%add3A_118] : memref<800000xi32, #tpu.memory_space<hbm>> -> memref<1000xi32, #tpu.memory_space<hbm>>
        %dma_start3A_124 = tpu.memref_slice %arg5[%add3A_118] : memref<800000xi32, #tpu.memory_space<hbm>> -> memref<1000xi32, #tpu.memory_space<hbm>>
        tpu.enqueue_dma source(%dma_start3A_124 : memref<1000xi32, #tpu.memory_space<hbm>>) target(%arg16 : memref<1000xi32, #tpu.memory_space<vmem>>) target_semaphore(%arg24 : memref<!tpu.dma_semaphore, #tpu.memory_space<semaphore_mem>>)
      } else {
      }
    }
    %scan3A_48 = arith.constant 25 : i32
    %barrier3A_49 = arith.constant 0 : index
    tpu.barrier barrier_id(%barrier3A_49)
    "tpu.region"() ({
      %run_scoped3A = tpu.sem_alloc : memref<!tpu.dma_semaphore, #tpu.memory_space<semaphore_mem>>
      %dma_start3A_50 = arith.constant 0 : i32
      %dma_start3A_51 = tpu.memref_slice %arg8[%arg0, %mul3A_1, %dma_start3A_50] : memref<2x51200x16xf32, #tpu.memory_space<hbm>> -> memref<1x3200x16xf32, #tpu.memory_space<hbm>>
      %dma_start3A_52 = tpu.memref_squeeze %dma_start3A_51 : memref<1x3200x16xf32, #tpu.memory_space<hbm>> -> memref<3200x16xf32, #tpu.memory_space<hbm>>
      %dma_start3A_53 = arith.constant 0 : i32
      %dma_start3A_54 = tpu.memref_slice %arg9[%mul3A_1, %dma_start3A_53] : memref<51200x16xf32, #tpu.memory_space<vmem_shared>> -> memref<3200x16xf32, #tpu.memory_space<vmem_shared>>
      tpu.enqueue_dma source(%dma_start3A_54 : memref<3200x16xf32, #tpu.memory_space<vmem_shared>>) target(%dma_start3A_52 : memref<3200x16xf32, #tpu.memory_space<hbm>>) target_semaphore(%run_scoped3A : memref<!tpu.dma_semaphore, #tpu.memory_space<semaphore_mem>>)
      %dma_wait3A_55 = arith.constant 0 : i32
      %dma_wait3A_56 = tpu.memref_slice %arg8[%arg0, %mul3A_1, %dma_wait3A_55] : memref<2x51200x16xf32, #tpu.memory_space<hbm>> -> memref<1x3200x16xf32, #tpu.memory_space<hbm>>
      %dma_wait3A_57 = tpu.memref_squeeze %dma_wait3A_56 : memref<1x3200x16xf32, #tpu.memory_space<hbm>> -> memref<3200x16xf32, #tpu.memory_space<hbm>>
      %dma_wait3A_58 = arith.constant 0 : i32
      %dma_wait3A_59 = tpu.memref_slice %arg9[%mul3A_1, %dma_wait3A_58] : memref<51200x16xf32, #tpu.memory_space<vmem_shared>> -> memref<3200x16xf32, #tpu.memory_space<vmem_shared>>
      tpu.wait_dma2 semaphore(%run_scoped3A : memref<!tpu.dma_semaphore, #tpu.memory_space<semaphore_mem>>) src(%dma_wait3A_59 : memref<3200x16xf32, #tpu.memory_space<vmem_shared>>) dst(%dma_wait3A_57 : memref<3200x16xf32, #tpu.memory_space<hbm>>)
      tpu.yield
    }) : () -> ()
    return
  }
}

#map = affine_map<(d0, d1) -> (0)>
#map1 = affine_map<(d0, d1) -> (0, 0)>
#map2 = affine_map<(d0, d1) -> (0, 0, 0)>
module attributes {stable_mosaic.version = 14 : i64} {
  func.func @kg_count_ui_sc(%arg0: i32, %arg1: i32, %arg2: memref<800000xi32, #tpu.memory_space<hbm>>, %arg3: memref<204800xi32, #tpu.memory_space<hbm>>, %arg4: memref<4096x64xf32, #tpu.memory_space<hbm>>, %arg5: memref<3200x8xf32, #tpu.memory_space<hbm>>, %arg6: memref<1000x8xf32, #tpu.memory_space<hbm>>, %arg7: memref<2x51200x8xf32, #tpu.memory_space<hbm>>, %arg8: memref<204800x64xf32, #tpu.memory_space<hbm>>, %arg9: memref<51200x8xf32, #tpu.memory_space<vmem_shared>>, %arg10: memref<1000x8xf32, #tpu.memory_space<vmem>>, %arg11: memref<1000xi32, #tpu.memory_space<vmem>>, %arg12: memref<1000xi32, #tpu.memory_space<vmem>>, %arg13: memref<640xi32, #tpu.memory_space<vmem>>, %arg14: memref<640xi32, #tpu.memory_space<vmem>>, %arg15: memref<640x64xf32, #tpu.memory_space<vmem>>, %arg16: memref<640x64xf32, #tpu.memory_space<vmem>>, %arg17: memref<!tpu.dma_semaphore, #tpu.memory_space<semaphore_mem>>, %arg18: memref<!tpu.dma_semaphore, #tpu.memory_space<semaphore_mem>>, %arg19: memref<!tpu.dma_semaphore, #tpu.memory_space<semaphore_mem>>) attributes {dimension_semantics = [#tpu.dimension_semantics<core_parallel>, #tpu.dimension_semantics<subcore_parallel>], iteration_bounds = array<i64: 2, 16>, scalar_prefetch = 0 : i64, scratch_operands = 11 : i64, tpu.core_type = #tpu.core_type<sc_vector_subcore>, window_params = [{transform_indices = #map}, {transform_indices = #map}, {transform_indices = #map1}, {transform_indices = #map1}, {transform_indices = #map1}, {transform_indices = #map2}, {transform_indices = #map1}]} {
    %mul3A = arith.constant 2 : i32
    %mul3A_0 = arith.muli %arg1, %mul3A : i32
    %add3A = arith.addi %mul3A_0, %arg0 : i32
    %mul3A_1 = arith.constant 3200 : i32
    %mul3A_2 = arith.muli %arg1, %mul3A_1 : i32
    "tpu.region"() ({
      %run_scoped3A = tpu.sem_alloc : memref<!tpu.dma_semaphore, #tpu.memory_space<semaphore_mem>>
      %dma_start3A_40 = arith.constant 0 : i32
      %dma_start3A_41 = tpu.memref_slice %arg9[%mul3A_2, %dma_start3A_40] : memref<51200x8xf32, #tpu.memory_space<vmem_shared>> -> memref<3200x8xf32, #tpu.memory_space<vmem_shared>>
      tpu.enqueue_dma source(%arg5 : memref<3200x8xf32, #tpu.memory_space<hbm>>) target(%dma_start3A_41 : memref<3200x8xf32, #tpu.memory_space<vmem_shared>>) target_semaphore(%run_scoped3A : memref<!tpu.dma_semaphore, #tpu.memory_space<semaphore_mem>>)
      %dma_wait3A_42 = arith.constant 0 : i32
      %dma_wait3A_43 = tpu.memref_slice %arg9[%mul3A_2, %dma_wait3A_42] : memref<51200x8xf32, #tpu.memory_space<vmem_shared>> -> memref<3200x8xf32, #tpu.memory_space<vmem_shared>>
      tpu.wait_dma2 semaphore(%run_scoped3A : memref<!tpu.dma_semaphore, #tpu.memory_space<semaphore_mem>>) src(%arg5 : memref<3200x8xf32, #tpu.memory_space<hbm>>) dst(%dma_wait3A_43 : memref<3200x8xf32, #tpu.memory_space<vmem_shared>>)
      tpu.yield
    }) : () -> ()
    "tpu.region"() ({
      %run_scoped3A = tpu.sem_alloc : memref<!tpu.dma_semaphore, #tpu.memory_space<semaphore_mem>>
      tpu.enqueue_dma source(%arg6 : memref<1000x8xf32, #tpu.memory_space<hbm>>) target(%arg10 : memref<1000x8xf32, #tpu.memory_space<vmem>>) target_semaphore(%run_scoped3A : memref<!tpu.dma_semaphore, #tpu.memory_space<semaphore_mem>>)
      tpu.wait_dma2 semaphore(%run_scoped3A : memref<!tpu.dma_semaphore, #tpu.memory_space<semaphore_mem>>) src(%arg6 : memref<1000x8xf32, #tpu.memory_space<hbm>>) dst(%arg10 : memref<1000x8xf32, #tpu.memory_space<vmem>>)
      tpu.yield
    }) : () -> ()
    %barrier3A = arith.constant 0 : index
    tpu.barrier barrier_id(%barrier3A)
    %mul3A_3 = arith.constant 25000 : i32
    %mul3A_4 = arith.muli %add3A, %mul3A_3 : i32
    %add3A_5 = arith.constant 0 : i32
    %add3A_6 = arith.addi %mul3A_4, %add3A_5 : i32
    %dma_start3A = tpu.memref_slice %arg2[%add3A_6] : memref<800000xi32, #tpu.memory_space<hbm>> -> memref<1000xi32, #tpu.memory_space<hbm>>
    %dma_start3A_7 = tpu.memref_slice %arg2[%add3A_6] : memref<800000xi32, #tpu.memory_space<hbm>> -> memref<1000xi32, #tpu.memory_space<hbm>>
    tpu.enqueue_dma source(%dma_start3A_7 : memref<1000xi32, #tpu.memory_space<hbm>>) target(%arg11 : memref<1000xi32, #tpu.memory_space<vmem>>) target_semaphore(%arg17 : memref<!tpu.dma_semaphore, #tpu.memory_space<semaphore_mem>>)
    %add3A_8 = arith.constant 1000 : i32
    %add3A_9 = arith.addi %mul3A_4, %add3A_8 : i32
    %dma_start3A_10 = tpu.memref_slice %arg2[%add3A_9] : memref<800000xi32, #tpu.memory_space<hbm>> -> memref<1000xi32, #tpu.memory_space<hbm>>
    %dma_start3A_11 = tpu.memref_slice %arg2[%add3A_9] : memref<800000xi32, #tpu.memory_space<hbm>> -> memref<1000xi32, #tpu.memory_space<hbm>>
    tpu.enqueue_dma source(%dma_start3A_11 : memref<1000xi32, #tpu.memory_space<hbm>>) target(%arg12 : memref<1000xi32, #tpu.memory_space<vmem>>) target_semaphore(%arg17 : memref<!tpu.dma_semaphore, #tpu.memory_space<semaphore_mem>>)
    %scan3A = arith.constant 0 : i32
    %scan3A_12 = arith.constant 0 : i32
    %scan3A_13 = arith.constant 13 : i32
    %scan3A_14 = arith.addi %scan3A_12, %scan3A_13 : i32
    %scan3A_15 = arith.constant 1 : i32
    scf.for %scan3A_40 = %scan3A_12 to %scan3A_14 step %scan3A_15  : i32 {
      %mul3A_41 = arith.constant 2 : i32
      %mul3A_42 = arith.muli %mul3A_41, %scan3A_40 : i32
      %add3A_43 = arith.constant 0 : i32
      %add3A_44 = arith.addi %mul3A_42, %add3A_43 : i32
      %dma_wait3A_45 = arith.constant 0 : i32
      %dma_wait3A_46 = tpu.memref_slice %arg2[%dma_wait3A_45] : memref<800000xi32, #tpu.memory_space<hbm>> -> memref<1000xi32, #tpu.memory_space<hbm>>
      %dma_wait3A_47 = arith.constant 0 : i32
      %dma_wait3A_48 = tpu.memref_slice %arg2[%dma_wait3A_47] : memref<800000xi32, #tpu.memory_space<hbm>> -> memref<1000xi32, #tpu.memory_space<hbm>>
      tpu.wait_dma2 semaphore(%arg17 : memref<!tpu.dma_semaphore, #tpu.memory_space<semaphore_mem>>) src(%dma_wait3A_48 : memref<1000xi32, #tpu.memory_space<hbm>>) dst(%arg11 : memref<1000xi32, #tpu.memory_space<vmem>>)
      "tpu.region"() ({
        %run_scoped3A = tpu.sem_alloc : memref<!tpu.dma_semaphore, #tpu.memory_space<semaphore_mem>>
        %dma_start3A_65 = arith.constant 0 : i32
        %dma_start3A_66 = arith.constant 0 : i32
        %dma_start3A_67 = tpu.memref_slice %arg9[%dma_start3A_65, %dma_start3A_66] : memref<51200x8xf32, #tpu.memory_space<vmem_shared>> -> memref<51200x8xf32, #tpu.memory_space<vmem_shared>>
        tpu.enqueue_indirect_dma source(%arg10 : memref<1000x8xf32, #tpu.memory_space<vmem>>) target(%dma_start3A_67 : memref<51200x8xf32, #tpu.memory_space<vmem_shared>>) offsets(%arg11 : memref<1000xi32, #tpu.memory_space<vmem>>) semaphore(%run_scoped3A : memref<!tpu.dma_semaphore, #tpu.memory_space<semaphore_mem>>) {add = true}
        %dma_wait3A_68 = arith.constant 0 : i32
        %dma_wait3A_69 = arith.constant 0 : i32
        %dma_wait3A_70 = tpu.memref_slice %arg9[%dma_wait3A_68, %dma_wait3A_69] : memref<51200x8xf32, #tpu.memory_space<vmem_shared>> -> memref<51200x8xf32, #tpu.memory_space<vmem_shared>>
        tpu.wait_indirect_dma semaphore(%run_scoped3A : memref<!tpu.dma_semaphore, #tpu.memory_space<semaphore_mem>>) src(%arg10 : memref<1000x8xf32, #tpu.memory_space<vmem>>) dst(%dma_wait3A_70 : memref<51200x8xf32, #tpu.memory_space<vmem_shared>>)
        tpu.yield
      }) : () -> ()
      %lt3A = arith.constant 12 : i32
      %lt3A_49 = arith.cmpi slt, %scan3A_40, %lt3A : i32
      %convert_element_type3A = arith.extui %lt3A_49 : i1 to i32
      %cond3A = arith.constant 0 : i32
      %cond3A_50 = arith.cmpi ne, %convert_element_type3A, %cond3A : i32
      scf.if %cond3A_50 {
        %add3A_65 = arith.constant 2 : i32
        %add3A_66 = arith.addi %add3A_44, %add3A_65 : i32
        %mul3A_67 = arith.constant 1000 : i32
        %mul3A_68 = arith.muli %add3A_66, %mul3A_67 : i32
        %add3A_69 = arith.addi %mul3A_4, %mul3A_68 : i32
        %dma_start3A_70 = tpu.memref_slice %arg2[%add3A_69] : memref<800000xi32, #tpu.memory_space<hbm>> -> memref<1000xi32, #tpu.memory_space<hbm>>
        %dma_start3A_71 = tpu.memref_slice %arg2[%add3A_69] : memref<800000xi32, #tpu.memory_space<hbm>> -> memref<1000xi32, #tpu.memory_space<hbm>>
        tpu.enqueue_dma source(%dma_start3A_71 : memref<1000xi32, #tpu.memory_space<hbm>>) target(%arg11 : memref<1000xi32, #tpu.memory_space<vmem>>) target_semaphore(%arg17 : memref<!tpu.dma_semaphore, #tpu.memory_space<semaphore_mem>>)
      } else {
      }
      %mul3A_51 = arith.constant 2 : i32
      %mul3A_52 = arith.muli %mul3A_51, %scan3A_40 : i32
      %add3A_53 = arith.constant 1 : i32
      %add3A_54 = arith.addi %mul3A_52, %add3A_53 : i32
      %lt3A_55 = arith.constant 12 : i32
      %lt3A_56 = arith.cmpi slt, %scan3A_40, %lt3A_55 : i32
      %convert_element_type3A_57 = arith.extui %lt3A_56 : i1 to i32
      %cond3A_58 = arith.constant 0 : i32
      %cond3A_59 = arith.cmpi ne, %convert_element_type3A_57, %cond3A_58 : i32
      scf.if %cond3A_59 {
        %dma_wait3A_65 = arith.constant 0 : i32
        %dma_wait3A_66 = tpu.memref_slice %arg2[%dma_wait3A_65] : memref<800000xi32, #tpu.memory_space<hbm>> -> memref<1000xi32, #tpu.memory_space<hbm>>
        %dma_wait3A_67 = arith.constant 0 : i32
        %dma_wait3A_68 = tpu.memref_slice %arg2[%dma_wait3A_67] : memref<800000xi32, #tpu.memory_space<hbm>> -> memref<1000xi32, #tpu.memory_space<hbm>>
        tpu.wait_dma2 semaphore(%arg17 : memref<!tpu.dma_semaphore, #tpu.memory_space<semaphore_mem>>) src(%dma_wait3A_68 : memref<1000xi32, #tpu.memory_space<hbm>>) dst(%arg12 : memref<1000xi32, #tpu.memory_space<vmem>>)
        "tpu.region"() ({
          %run_scoped3A = tpu.sem_alloc : memref<!tpu.dma_semaphore, #tpu.memory_space<semaphore_mem>>
          %dma_start3A_69 = arith.constant 0 : i32
          %dma_start3A_70 = arith.constant 0 : i32
          %dma_start3A_71 = tpu.memref_slice %arg9[%dma_start3A_69, %dma_start3A_70] : memref<51200x8xf32, #tpu.memory_space<vmem_shared>> -> memref<51200x8xf32, #tpu.memory_space<vmem_shared>>
          tpu.enqueue_indirect_dma source(%arg10 : memref<1000x8xf32, #tpu.memory_space<vmem>>) target(%dma_start3A_71 : memref<51200x8xf32, #tpu.memory_space<vmem_shared>>) offsets(%arg12 : memref<1000xi32, #tpu.memory_space<vmem>>) semaphore(%run_scoped3A : memref<!tpu.dma_semaphore, #tpu.memory_space<semaphore_mem>>) {add = true}
          %dma_wait3A_72 = arith.constant 0 : i32
          %dma_wait3A_73 = arith.constant 0 : i32
          %dma_wait3A_74 = tpu.memref_slice %arg9[%dma_wait3A_72, %dma_wait3A_73] : memref<51200x8xf32, #tpu.memory_space<vmem_shared>> -> memref<51200x8xf32, #tpu.memory_space<vmem_shared>>
          tpu.wait_indirect_dma semaphore(%run_scoped3A : memref<!tpu.dma_semaphore, #tpu.memory_space<semaphore_mem>>) src(%arg10 : memref<1000x8xf32, #tpu.memory_space<vmem>>) dst(%dma_wait3A_74 : memref<51200x8xf32, #tpu.memory_space<vmem_shared>>)
          tpu.yield
        }) : () -> ()
      } else {
      }
      %lt3A_60 = arith.constant 11 : i32
      %lt3A_61 = arith.cmpi slt, %scan3A_40, %lt3A_60 : i32
      %convert_element_type3A_62 = arith.extui %lt3A_61 : i1 to i32
      %cond3A_63 = arith.constant 0 : i32
      %cond3A_64 = arith.cmpi ne, %convert_element_type3A_62, %cond3A_63 : i32
      scf.if %cond3A_64 {
        %add3A_65 = arith.constant 2 : i32
        %add3A_66 = arith.addi %add3A_54, %add3A_65 : i32
        %mul3A_67 = arith.constant 1000 : i32
        %mul3A_68 = arith.muli %add3A_66, %mul3A_67 : i32
        %add3A_69 = arith.addi %mul3A_4, %mul3A_68 : i32
        %dma_start3A_70 = tpu.memref_slice %arg2[%add3A_69] : memref<800000xi32, #tpu.memory_space<hbm>> -> memref<1000xi32, #tpu.memory_space<hbm>>
        %dma_start3A_71 = tpu.memref_slice %arg2[%add3A_69] : memref<800000xi32, #tpu.memory_space<hbm>> -> memref<1000xi32, #tpu.memory_space<hbm>>
        tpu.enqueue_dma source(%dma_start3A_71 : memref<1000xi32, #tpu.memory_space<hbm>>) target(%arg12 : memref<1000xi32, #tpu.memory_space<vmem>>) target_semaphore(%arg17 : memref<!tpu.dma_semaphore, #tpu.memory_space<semaphore_mem>>)
      } else {
      }
    }
    %scan3A_16 = arith.constant 13 : i32
    %barrier3A_17 = arith.constant 0 : index
    tpu.barrier barrier_id(%barrier3A_17)
    "tpu.region"() ({
      %run_scoped3A = tpu.sem_alloc : memref<!tpu.dma_semaphore, #tpu.memory_space<semaphore_mem>>
      %dma_start3A_40 = arith.constant 0 : i32
      %dma_start3A_41 = tpu.memref_slice %arg7[%arg0, %mul3A_2, %dma_start3A_40] : memref<2x51200x8xf32, #tpu.memory_space<hbm>> -> memref<1x3200x8xf32, #tpu.memory_space<hbm>>
      %dma_start3A_42 = tpu.memref_squeeze %dma_start3A_41 : memref<1x3200x8xf32, #tpu.memory_space<hbm>> -> memref<3200x8xf32, #tpu.memory_space<hbm>>
      %dma_start3A_43 = arith.constant 0 : i32
      %dma_start3A_44 = tpu.memref_slice %arg9[%mul3A_2, %dma_start3A_43] : memref<51200x8xf32, #tpu.memory_space<vmem_shared>> -> memref<3200x8xf32, #tpu.memory_space<vmem_shared>>
      tpu.enqueue_dma source(%dma_start3A_44 : memref<3200x8xf32, #tpu.memory_space<vmem_shared>>) target(%dma_start3A_42 : memref<3200x8xf32, #tpu.memory_space<hbm>>) target_semaphore(%run_scoped3A : memref<!tpu.dma_semaphore, #tpu.memory_space<semaphore_mem>>)
      %dma_wait3A_45 = arith.constant 0 : i32
      %dma_wait3A_46 = tpu.memref_slice %arg7[%arg0, %mul3A_2, %dma_wait3A_45] : memref<2x51200x8xf32, #tpu.memory_space<hbm>> -> memref<1x3200x8xf32, #tpu.memory_space<hbm>>
      %dma_wait3A_47 = tpu.memref_squeeze %dma_wait3A_46 : memref<1x3200x8xf32, #tpu.memory_space<hbm>> -> memref<3200x8xf32, #tpu.memory_space<hbm>>
      %dma_wait3A_48 = arith.constant 0 : i32
      %dma_wait3A_49 = tpu.memref_slice %arg9[%mul3A_2, %dma_wait3A_48] : memref<51200x8xf32, #tpu.memory_space<vmem_shared>> -> memref<3200x8xf32, #tpu.memory_space<vmem_shared>>
      tpu.wait_dma2 semaphore(%run_scoped3A : memref<!tpu.dma_semaphore, #tpu.memory_space<semaphore_mem>>) src(%dma_wait3A_49 : memref<3200x8xf32, #tpu.memory_space<vmem_shared>>) dst(%dma_wait3A_47 : memref<3200x8xf32, #tpu.memory_space<hbm>>)
      tpu.yield
    }) : () -> ()
    %mul3A_18 = arith.constant 6400 : i32
    %mul3A_19 = arith.muli %add3A, %mul3A_18 : i32
    %add3A_20 = arith.constant 0 : i32
    %add3A_21 = arith.addi %mul3A_19, %add3A_20 : i32
    %dma_start3A_22 = tpu.memref_slice %arg3[%add3A_21] : memref<204800xi32, #tpu.memory_space<hbm>> -> memref<640xi32, #tpu.memory_space<hbm>>
    %dma_start3A_23 = tpu.memref_slice %arg3[%add3A_21] : memref<204800xi32, #tpu.memory_space<hbm>> -> memref<640xi32, #tpu.memory_space<hbm>>
    tpu.enqueue_dma source(%dma_start3A_23 : memref<640xi32, #tpu.memory_space<hbm>>) target(%arg13 : memref<640xi32, #tpu.memory_space<vmem>>) target_semaphore(%arg19 : memref<!tpu.dma_semaphore, #tpu.memory_space<semaphore_mem>>)
    %dma_wait3A = arith.constant 0 : i32
    %dma_wait3A_24 = tpu.memref_slice %arg3[%dma_wait3A] : memref<204800xi32, #tpu.memory_space<hbm>> -> memref<640xi32, #tpu.memory_space<hbm>>
    %dma_wait3A_25 = arith.constant 0 : i32
    %dma_wait3A_26 = tpu.memref_slice %arg3[%dma_wait3A_25] : memref<204800xi32, #tpu.memory_space<hbm>> -> memref<640xi32, #tpu.memory_space<hbm>>
    tpu.wait_dma2 semaphore(%arg19 : memref<!tpu.dma_semaphore, #tpu.memory_space<semaphore_mem>>) src(%dma_wait3A_26 : memref<640xi32, #tpu.memory_space<hbm>>) dst(%arg13 : memref<640xi32, #tpu.memory_space<vmem>>)
    %dma_start3A_27 = arith.constant 0 : i32
    %dma_start3A_28 = arith.constant 0 : i32
    %dma_start3A_29 = tpu.memref_slice %arg4[%dma_start3A_27, %dma_start3A_28] : memref<4096x64xf32, #tpu.memory_space<hbm>> -> memref<4096x64xf32, #tpu.memory_space<hbm>>
    tpu.enqueue_indirect_dma source(%dma_start3A_29 : memref<4096x64xf32, #tpu.memory_space<hbm>>) target(%arg15 : memref<640x64xf32, #tpu.memory_space<vmem>>) offsets(%arg13 : memref<640xi32, #tpu.memory_space<vmem>>) semaphore(%arg18 : memref<!tpu.dma_semaphore, #tpu.memory_space<semaphore_mem>>)
    %add3A_30 = arith.constant 640 : i32
    %add3A_31 = arith.addi %mul3A_19, %add3A_30 : i32
    %dma_start3A_32 = tpu.memref_slice %arg3[%add3A_31] : memref<204800xi32, #tpu.memory_space<hbm>> -> memref<640xi32, #tpu.memory_space<hbm>>
    %dma_start3A_33 = tpu.memref_slice %arg3[%add3A_31] : memref<204800xi32, #tpu.memory_space<hbm>> -> memref<640xi32, #tpu.memory_space<hbm>>
    tpu.enqueue_dma source(%dma_start3A_33 : memref<640xi32, #tpu.memory_space<hbm>>) target(%arg14 : memref<640xi32, #tpu.memory_space<vmem>>) target_semaphore(%arg19 : memref<!tpu.dma_semaphore, #tpu.memory_space<semaphore_mem>>)
    %scan3A_34 = arith.constant 0 : i32
    %scan3A_35 = arith.constant 0 : i32
    %scan3A_36 = arith.constant 5 : i32
    %scan3A_37 = arith.addi %scan3A_35, %scan3A_36 : i32
    %scan3A_38 = arith.constant 1 : i32
    scf.for %scan3A_40 = %scan3A_35 to %scan3A_37 step %scan3A_38  : i32 {
      %mul3A_41 = arith.constant 2 : i32
      %mul3A_42 = arith.muli %mul3A_41, %scan3A_40 : i32
      %add3A_43 = arith.constant 0 : i32
      %add3A_44 = arith.addi %mul3A_42, %add3A_43 : i32
      %dma_wait3A_45 = arith.constant 0 : i32
      %dma_wait3A_46 = arith.constant 0 : i32
      %dma_wait3A_47 = tpu.memref_slice %arg4[%dma_wait3A_45, %dma_wait3A_46] : memref<4096x64xf32, #tpu.memory_space<hbm>> -> memref<4096x64xf32, #tpu.memory_space<hbm>>
      tpu.wait_indirect_dma semaphore(%arg18 : memref<!tpu.dma_semaphore, #tpu.memory_space<semaphore_mem>>) src(%dma_wait3A_47 : memref<4096x64xf32, #tpu.memory_space<hbm>>) dst(%arg15 : memref<640x64xf32, #tpu.memory_space<vmem>>)
      %dma_wait3A_48 = arith.constant 0 : i32
      %dma_wait3A_49 = tpu.memref_slice %arg3[%dma_wait3A_48] : memref<204800xi32, #tpu.memory_space<hbm>> -> memref<640xi32, #tpu.memory_space<hbm>>
      %dma_wait3A_50 = arith.constant 0 : i32
      %dma_wait3A_51 = tpu.memref_slice %arg3[%dma_wait3A_50] : memref<204800xi32, #tpu.memory_space<hbm>> -> memref<640xi32, #tpu.memory_space<hbm>>
      tpu.wait_dma2 semaphore(%arg19 : memref<!tpu.dma_semaphore, #tpu.memory_space<semaphore_mem>>) src(%dma_wait3A_51 : memref<640xi32, #tpu.memory_space<hbm>>) dst(%arg14 : memref<640xi32, #tpu.memory_space<vmem>>)
      %dma_start3A_52 = arith.constant 0 : i32
      %dma_start3A_53 = arith.constant 0 : i32
      %dma_start3A_54 = tpu.memref_slice %arg4[%dma_start3A_52, %dma_start3A_53] : memref<4096x64xf32, #tpu.memory_space<hbm>> -> memref<4096x64xf32, #tpu.memory_space<hbm>>
      tpu.enqueue_indirect_dma source(%dma_start3A_54 : memref<4096x64xf32, #tpu.memory_space<hbm>>) target(%arg16 : memref<640x64xf32, #tpu.memory_space<vmem>>) offsets(%arg14 : memref<640xi32, #tpu.memory_space<vmem>>) semaphore(%arg18 : memref<!tpu.dma_semaphore, #tpu.memory_space<semaphore_mem>>)
      %mul3A_55 = arith.constant 640 : i32
      %mul3A_56 = arith.muli %add3A_44, %mul3A_55 : i32
      %add3A_57 = arith.addi %mul3A_19, %mul3A_56 : i32
      "tpu.region"() ({
        %run_scoped3A = tpu.sem_alloc : memref<!tpu.dma_semaphore, #tpu.memory_space<semaphore_mem>>
        %dma_start3A_80 = arith.constant 0 : i32
        %dma_start3A_81 = tpu.memref_slice %arg8[%add3A_57, %dma_start3A_80] : memref<204800x64xf32, #tpu.memory_space<hbm>> -> memref<640x64xf32, #tpu.memory_space<hbm>>
        %dma_start3A_82 = arith.constant 0 : i32
        %dma_start3A_83 = tpu.memref_slice %arg8[%add3A_57, %dma_start3A_82] : memref<204800x64xf32, #tpu.memory_space<hbm>> -> memref<640x64xf32, #tpu.memory_space<hbm>>
        tpu.enqueue_dma source(%arg15 : memref<640x64xf32, #tpu.memory_space<vmem>>) target(%dma_start3A_83 : memref<640x64xf32, #tpu.memory_space<hbm>>) target_semaphore(%run_scoped3A : memref<!tpu.dma_semaphore, #tpu.memory_space<semaphore_mem>>)
        %dma_wait3A_84 = arith.constant 0 : i32
        %dma_wait3A_85 = tpu.memref_slice %arg8[%add3A_57, %dma_wait3A_84] : memref<204800x64xf32, #tpu.memory_space<hbm>> -> memref<640x64xf32, #tpu.memory_space<hbm>>
        %dma_wait3A_86 = arith.constant 0 : i32
        %dma_wait3A_87 = tpu.memref_slice %arg8[%add3A_57, %dma_wait3A_86] : memref<204800x64xf32, #tpu.memory_space<hbm>> -> memref<640x64xf32, #tpu.memory_space<hbm>>
        tpu.wait_dma2 semaphore(%run_scoped3A : memref<!tpu.dma_semaphore, #tpu.memory_space<semaphore_mem>>) src(%arg15 : memref<640x64xf32, #tpu.memory_space<vmem>>) dst(%dma_wait3A_87 : memref<640x64xf32, #tpu.memory_space<hbm>>)
        tpu.yield
      }) : () -> ()
      %lt3A = arith.constant 4 : i32
      %lt3A_58 = arith.cmpi slt, %scan3A_40, %lt3A : i32
      %convert_element_type3A = arith.extui %lt3A_58 : i1 to i32
      %cond3A = arith.constant 0 : i32
      %cond3A_59 = arith.cmpi ne, %convert_element_type3A, %cond3A : i32
      scf.if %cond3A_59 {
        %add3A_80 = arith.constant 2 : i32
        %add3A_81 = arith.addi %add3A_44, %add3A_80 : i32
        %mul3A_82 = arith.constant 640 : i32
        %mul3A_83 = arith.muli %add3A_81, %mul3A_82 : i32
        %add3A_84 = arith.addi %mul3A_19, %mul3A_83 : i32
        %dma_start3A_85 = tpu.memref_slice %arg3[%add3A_84] : memref<204800xi32, #tpu.memory_space<hbm>> -> memref<640xi32, #tpu.memory_space<hbm>>
        %dma_start3A_86 = tpu.memref_slice %arg3[%add3A_84] : memref<204800xi32, #tpu.memory_space<hbm>> -> memref<640xi32, #tpu.memory_space<hbm>>
        tpu.enqueue_dma source(%dma_start3A_86 : memref<640xi32, #tpu.memory_space<hbm>>) target(%arg13 : memref<640xi32, #tpu.memory_space<vmem>>) target_semaphore(%arg19 : memref<!tpu.dma_semaphore, #tpu.memory_space<semaphore_mem>>)
      } else {
      }
      %mul3A_60 = arith.constant 2 : i32
      %mul3A_61 = arith.muli %mul3A_60, %scan3A_40 : i32
      %add3A_62 = arith.constant 1 : i32
      %add3A_63 = arith.addi %mul3A_61, %add3A_62 : i32
      %dma_wait3A_64 = arith.constant 0 : i32
      %dma_wait3A_65 = arith.constant 0 : i32
      %dma_wait3A_66 = tpu.memref_slice %arg4[%dma_wait3A_64, %dma_wait3A_65] : memref<4096x64xf32, #tpu.memory_space<hbm>> -> memref<4096x64xf32, #tpu.memory_space<hbm>>
      tpu.wait_indirect_dma semaphore(%arg18 : memref<!tpu.dma_semaphore, #tpu.memory_space<semaphore_mem>>) src(%dma_wait3A_66 : memref<4096x64xf32, #tpu.memory_space<hbm>>) dst(%arg16 : memref<640x64xf32, #tpu.memory_space<vmem>>)
      %lt3A_67 = arith.constant 4 : i32
      %lt3A_68 = arith.cmpi slt, %scan3A_40, %lt3A_67 : i32
      %convert_element_type3A_69 = arith.extui %lt3A_68 : i1 to i32
      %cond3A_70 = arith.constant 0 : i32
      %cond3A_71 = arith.cmpi ne, %convert_element_type3A_69, %cond3A_70 : i32
      scf.if %cond3A_71 {
        %dma_wait3A_80 = arith.constant 0 : i32
        %dma_wait3A_81 = tpu.memref_slice %arg3[%dma_wait3A_80] : memref<204800xi32, #tpu.memory_space<hbm>> -> memref<640xi32, #tpu.memory_space<hbm>>
        %dma_wait3A_82 = arith.constant 0 : i32
        %dma_wait3A_83 = tpu.memref_slice %arg3[%dma_wait3A_82] : memref<204800xi32, #tpu.memory_space<hbm>> -> memref<640xi32, #tpu.memory_space<hbm>>
        tpu.wait_dma2 semaphore(%arg19 : memref<!tpu.dma_semaphore, #tpu.memory_space<semaphore_mem>>) src(%dma_wait3A_83 : memref<640xi32, #tpu.memory_space<hbm>>) dst(%arg13 : memref<640xi32, #tpu.memory_space<vmem>>)
        %dma_start3A_84 = arith.constant 0 : i32
        %dma_start3A_85 = arith.constant 0 : i32
        %dma_start3A_86 = tpu.memref_slice %arg4[%dma_start3A_84, %dma_start3A_85] : memref<4096x64xf32, #tpu.memory_space<hbm>> -> memref<4096x64xf32, #tpu.memory_space<hbm>>
        tpu.enqueue_indirect_dma source(%dma_start3A_86 : memref<4096x64xf32, #tpu.memory_space<hbm>>) target(%arg15 : memref<640x64xf32, #tpu.memory_space<vmem>>) offsets(%arg13 : memref<640xi32, #tpu.memory_space<vmem>>) semaphore(%arg18 : memref<!tpu.dma_semaphore, #tpu.memory_space<semaphore_mem>>)
      } else {
      }
      %mul3A_72 = arith.constant 640 : i32
      %mul3A_73 = arith.muli %add3A_63, %mul3A_72 : i32
      %add3A_74 = arith.addi %mul3A_19, %mul3A_73 : i32
      "tpu.region"() ({
        %run_scoped3A = tpu.sem_alloc : memref<!tpu.dma_semaphore, #tpu.memory_space<semaphore_mem>>
        %dma_start3A_80 = arith.constant 0 : i32
        %dma_start3A_81 = tpu.memref_slice %arg8[%add3A_74, %dma_start3A_80] : memref<204800x64xf32, #tpu.memory_space<hbm>> -> memref<640x64xf32, #tpu.memory_space<hbm>>
        %dma_start3A_82 = arith.constant 0 : i32
        %dma_start3A_83 = tpu.memref_slice %arg8[%add3A_74, %dma_start3A_82] : memref<204800x64xf32, #tpu.memory_space<hbm>> -> memref<640x64xf32, #tpu.memory_space<hbm>>
        tpu.enqueue_dma source(%arg16 : memref<640x64xf32, #tpu.memory_space<vmem>>) target(%dma_start3A_83 : memref<640x64xf32, #tpu.memory_space<hbm>>) target_semaphore(%run_scoped3A : memref<!tpu.dma_semaphore, #tpu.memory_space<semaphore_mem>>)
        %dma_wait3A_84 = arith.constant 0 : i32
        %dma_wait3A_85 = tpu.memref_slice %arg8[%add3A_74, %dma_wait3A_84] : memref<204800x64xf32, #tpu.memory_space<hbm>> -> memref<640x64xf32, #tpu.memory_space<hbm>>
        %dma_wait3A_86 = arith.constant 0 : i32
        %dma_wait3A_87 = tpu.memref_slice %arg8[%add3A_74, %dma_wait3A_86] : memref<204800x64xf32, #tpu.memory_space<hbm>> -> memref<640x64xf32, #tpu.memory_space<hbm>>
        tpu.wait_dma2 semaphore(%run_scoped3A : memref<!tpu.dma_semaphore, #tpu.memory_space<semaphore_mem>>) src(%arg16 : memref<640x64xf32, #tpu.memory_space<vmem>>) dst(%dma_wait3A_87 : memref<640x64xf32, #tpu.memory_space<hbm>>)
        tpu.yield
      }) : () -> ()
      %lt3A_75 = arith.constant 4 : i32
      %lt3A_76 = arith.cmpi slt, %scan3A_40, %lt3A_75 : i32
      %convert_element_type3A_77 = arith.extui %lt3A_76 : i1 to i32
      %cond3A_78 = arith.constant 0 : i32
      %cond3A_79 = arith.cmpi ne, %convert_element_type3A_77, %cond3A_78 : i32
      scf.if %cond3A_79 {
        %add3A_80 = arith.constant 2 : i32
        %add3A_81 = arith.addi %add3A_63, %add3A_80 : i32
        %mul3A_82 = arith.constant 640 : i32
        %mul3A_83 = arith.muli %add3A_81, %mul3A_82 : i32
        %add3A_84 = arith.addi %mul3A_19, %mul3A_83 : i32
        %dma_start3A_85 = tpu.memref_slice %arg3[%add3A_84] : memref<204800xi32, #tpu.memory_space<hbm>> -> memref<640xi32, #tpu.memory_space<hbm>>
        %dma_start3A_86 = tpu.memref_slice %arg3[%add3A_84] : memref<204800xi32, #tpu.memory_space<hbm>> -> memref<640xi32, #tpu.memory_space<hbm>>
        tpu.enqueue_dma source(%dma_start3A_86 : memref<640xi32, #tpu.memory_space<hbm>>) target(%arg14 : memref<640xi32, #tpu.memory_space<vmem>>) target_semaphore(%arg19 : memref<!tpu.dma_semaphore, #tpu.memory_space<semaphore_mem>>)
      } else {
      }
    }
    %scan3A_39 = arith.constant 5 : i32
    return
  }
}

module attributes {stable_mosaic.version = 14 : i64} {
  func.func @_mm_body(%arg0: i32, %arg1: memref<256x4096xf32, #tpu.memory_space<vmem>>, %arg2: memref<256x4096xf32, #tpu.memory_space<vmem>>, %arg3: memref<4096x64xf32, #tpu.memory_space<vmem>>, %arg4: memref<4096x64xf32, #tpu.memory_space<vmem>>, %arg5: memref<256x64xf32, #tpu.memory_space<vmem>>, %arg6: memref<256x64xf32, #tpu.memory_space<vmem>>) attributes {dimension_semantics = [#tpu.dimension_semantics<arbitrary>], iteration_bounds = array<i64: 16>, scalar_prefetch = 0 : i64, scratch_operands = 0 : i64, tpu.core_type = #tpu.core_type<tc>, window_params = [{transform_indices = @transform_0, window_bounds = array<i64: 256, 4096>}, {transform_indices = @transform_1, window_bounds = array<i64: 256, 4096>}, {pipeline_mode = #tpu.pipeline_mode<synchronous>, transform_indices = @transform_2, window_bounds = array<i64: 4096, 64>}, {pipeline_mode = #tpu.pipeline_mode<synchronous>, transform_indices = @transform_3, window_bounds = array<i64: 4096, 64>}, {transform_indices = @transform_4, window_bounds = array<i64: 256, 64>}, {transform_indices = @transform_5, window_bounds = array<i64: 256, 64>}]} {
    %get3A = arith.constant 0 : index
    %get3A_0 = arith.constant 0 : index
    %get3A_1 = vector.load %arg1[%get3A, %get3A_0] : memref<256x4096xf32, #tpu.memory_space<vmem>>, vector<256x4096xf32>
    %get3A_2 = arith.constant 0 : index
    %get3A_3 = arith.constant 0 : index
    %get3A_4 = vector.load %arg3[%get3A_2, %get3A_3] : memref<4096x64xf32, #tpu.memory_space<vmem>>, vector<4096x64xf32>
    %dot_general3A = arith.constant dense<0.000000e+00> : vector<256x64xf32>
    %dot_general3A_5 = tpu.matmul %get3A_1, %get3A_4, %dot_general3A {dimension_numbers = #tpu.dot_dimension_numbers<[1], [0], [0], [1], [0, 0, 1, 1], [], []>, transpose_lhs_hint = false} : vector<256x4096xf32>, vector<4096x64xf32>, vector<256x64xf32> -> vector<256x64xf32>
    %swap3A = arith.constant 0 : index
    %swap3A_6 = arith.constant 0 : index
    %swap3A_7 = vector.load %arg5[%swap3A, %swap3A_6] : memref<256x64xf32, #tpu.memory_space<vmem>>, vector<256x64xf32>
    tpu.vector_store %arg5[%swap3A, %swap3A_6], %dot_general3A_5 {strides = array<i32>} : memref<256x64xf32, #tpu.memory_space<vmem>>, vector<256x64xf32>,
    %get3A_8 = arith.constant 0 : index
    %get3A_9 = arith.constant 0 : index
    %get3A_10 = vector.load %arg2[%get3A_8, %get3A_9] : memref<256x4096xf32, #tpu.memory_space<vmem>>, vector<256x4096xf32>
    %get3A_11 = arith.constant 0 : index
    %get3A_12 = arith.constant 0 : index
    %get3A_13 = vector.load %arg4[%get3A_11, %get3A_12] : memref<4096x64xf32, #tpu.memory_space<vmem>>, vector<4096x64xf32>
    %dot_general3A_14 = arith.constant dense<0.000000e+00> : vector<256x64xf32>
    %dot_general3A_15 = tpu.matmul %get3A_10, %get3A_13, %dot_general3A_14 {dimension_numbers = #tpu.dot_dimension_numbers<[1], [0], [0], [1], [0, 0, 1, 1], [], []>, transpose_lhs_hint = false} : vector<256x4096xf32>, vector<4096x64xf32>, vector<256x64xf32> -> vector<256x64xf32>
    %swap3A_16 = arith.constant 0 : index
    %swap3A_17 = arith.constant 0 : index
    %swap3A_18 = vector.load %arg6[%swap3A_16, %swap3A_17] : memref<256x64xf32, #tpu.memory_space<vmem>>, vector<256x64xf32>
    tpu.vector_store %arg6[%swap3A_16, %swap3A_17], %dot_general3A_15 {strides = array<i32>} : memref<256x64xf32, #tpu.memory_space<vmem>>, vector<256x64xf32>,
    return
  }
  func.func @transform_0(%arg0: i32) -> (i32, i32) {
    %c0_i32 = arith.constant 0 : i32
    %c0_i32_0 = arith.constant 0 : i32
    return %arg0, %c0_i32 : i32, i32
  }
  func.func @transform_1(%arg0: i32) -> (i32, i32) {
    %c0_i32 = arith.constant 0 : i32
    %c0_i32_0 = arith.constant 0 : i32
    return %arg0, %c0_i32 : i32, i32
  }
  func.func @transform_2(%arg0: i32) -> (i32, i32) {
    %c0_i32 = arith.constant 0 : i32
    %c0_i32_0 = arith.constant 0 : i32
    %c0_i32_1 = arith.constant 0 : i32
    return %c0_i32, %c0_i32_0 : i32, i32
  }
  func.func @transform_3(%arg0: i32) -> (i32, i32) {
    %c0_i32 = arith.constant 0 : i32
    %c0_i32_0 = arith.constant 0 : i32
    %c0_i32_1 = arith.constant 0 : i32
    return %c0_i32, %c0_i32_0 : i32, i32
  }
  func.func @transform_4(%arg0: i32) -> (i32, i32) {
    %c0_i32 = arith.constant 0 : i32
    %c0_i32_0 = arith.constant 0 : i32
    return %arg0, %c0_i32 : i32, i32
  }
  func.func @transform_5(%arg0: i32) -> (i32, i32) {
    %c0_i32 = arith.constant 0 : i32
    %c0_i32_0 = arith.constant 0 : i32
    return %arg0, %c0_i32 : i32, i32
  }
}

module attributes {stable_mosaic.version = 14 : i64} {
  func.func @_div_body(%arg0: i32, %arg1: memref<2x400x16xf32, #tpu.memory_space<vmem>>, %arg2: memref<2x400x16xf32, #tpu.memory_space<vmem>>, %arg3: memref<2x400x8xf32, #tpu.memory_space<vmem>>, %arg4: memref<400x64xf32, #tpu.memory_space<vmem>>) attributes {dimension_semantics = [#tpu.dimension_semantics<arbitrary>], iteration_bounds = array<i64: 125>, scalar_prefetch = 0 : i64, scratch_operands = 0 : i64, tpu.core_type = #tpu.core_type<tc>, window_params = [{transform_indices = @transform_0, window_bounds = array<i64: 2, 400, 16>}, {transform_indices = @transform_1, window_bounds = array<i64: 2, 400, 16>}, {transform_indices = @transform_2, window_bounds = array<i64: 2, 400, 8>}, {transform_indices = @transform_3, window_bounds = array<i64: 400, 64>}]} {
    %get3A = arith.constant 0 : index
    %get3A_0 = arith.constant 0 : index
    %get3A_1 = arith.constant 0 : index
    %get3A_2 = vector.load %arg1[%get3A, %get3A_0, %get3A_1] : memref<2x400x16xf32, #tpu.memory_space<vmem>>, vector<2x400x16xf32>
    %get3A_3 = arith.constant 0 : index
    %get3A_4 = arith.constant 0 : index
    %get3A_5 = arith.constant 0 : index
    %get3A_6 = vector.load %arg2[%get3A_3, %get3A_4, %get3A_5] : memref<2x400x16xf32, #tpu.memory_space<vmem>>, vector<2x400x16xf32>
    %get3A_7 = arith.constant 0 : index
    %get3A_8 = arith.constant 0 : index
    %get3A_9 = arith.constant 0 : index
    %get3A_10 = vector.load %arg3[%get3A_7, %get3A_8, %get3A_9] : memref<2x400x8xf32, #tpu.memory_space<vmem>>, vector<2x400x8xf32>
    %slice3A = vector.extract_strided_slice %get3A_10 {offsets = [0, 0, 0], sizes = [1, 400, 8], strides = [1, 1, 1]} : vector<2x400x8xf32> to vector<1x400x8xf32>
    %squeeze3A = vector.shape_cast %slice3A : vector<1x400x8xf32> to vector<400x8xf32>
    %slice3A_11 = vector.extract_strided_slice %squeeze3A {offsets = [0, 0], sizes = [400, 1], strides = [1, 1]} : vector<400x8xf32> to vector<400x1xf32>
    %slice3A_12 = vector.extract_strided_slice %get3A_10 {offsets = [1, 0, 0], sizes = [1, 400, 8], strides = [1, 1, 1]} : vector<2x400x8xf32> to vector<1x400x8xf32>
    %squeeze3A_13 = vector.shape_cast %slice3A_12 : vector<1x400x8xf32> to vector<400x8xf32>
    %slice3A_14 = vector.extract_strided_slice %squeeze3A_13 {offsets = [0, 0], sizes = [400, 1], strides = [1, 1]} : vector<400x8xf32> to vector<400x1xf32>
    %add3A = arith.addf %slice3A_11, %slice3A_14 : vector<400x1xf32>
    %slice3A_15 = vector.extract_strided_slice %get3A_2 {offsets = [0, 0, 0], sizes = [1, 400, 16], strides = [1, 1, 1]} : vector<2x400x16xf32> to vector<1x400x16xf32>
    %squeeze3A_16 = vector.shape_cast %slice3A_15 : vector<1x400x16xf32> to vector<400x16xf32>
    %slice3A_17 = vector.extract_strided_slice %get3A_2 {offsets = [1, 0, 0], sizes = [1, 400, 16], strides = [1, 1, 1]} : vector<2x400x16xf32> to vector<1x400x16xf32>
    %squeeze3A_18 = vector.shape_cast %slice3A_17 : vector<1x400x16xf32> to vector<400x16xf32>
    %slice3A_19 = vector.extract_strided_slice %get3A_6 {offsets = [0, 0, 0], sizes = [1, 400, 16], strides = [1, 1, 1]} : vector<2x400x16xf32> to vector<1x400x16xf32>
    %squeeze3A_20 = vector.shape_cast %slice3A_19 : vector<1x400x16xf32> to vector<400x16xf32>
    %slice3A_21 = vector.extract_strided_slice %get3A_6 {offsets = [1, 0, 0], sizes = [1, 400, 16], strides = [1, 1, 1]} : vector<2x400x16xf32> to vector<1x400x16xf32>
    %squeeze3A_22 = vector.shape_cast %slice3A_21 : vector<1x400x16xf32> to vector<400x16xf32>
    %concatenate3A = tpu.concatenate %squeeze3A_16, %squeeze3A_18, %squeeze3A_20, %squeeze3A_22 in 1 : vector<400x16xf32>, vector<400x16xf32>, vector<400x16xf32>, vector<400x16xf32> -> vector<400x64xf32>
    %max3A = arith.constant 1.000000e+00 : f32
    %max3A_23 = vector.broadcast %max3A : f32 to vector<400x1xf32>
    %max3A_24 = arith.maximumf %add3A, %max3A_23 : vector<400x1xf32>
    %div3A = vector.broadcast %max3A_24 : vector<400x1xf32> to vector<400x64xf32>
    %div3A_25 = arith.divf %concatenate3A, %div3A : vector<400x64xf32>
    %swap3A = arith.constant 0 : index
    %swap3A_26 = arith.constant 0 : index
    %swap3A_27 = vector.load %arg4[%swap3A, %swap3A_26] : memref<400x64xf32, #tpu.memory_space<vmem>>, vector<400x64xf32>
    tpu.vector_store %arg4[%swap3A, %swap3A_26], %div3A_25 {strides = array<i32>} : memref<400x64xf32, #tpu.memory_space<vmem>>, vector<400x64xf32>,
    return
  }
  func.func @transform_0(%arg0: i32) -> (i32, i32, i32) {
    %c0_i32 = arith.constant 0 : i32
    %c0_i32_0 = arith.constant 0 : i32
    %c0_i32_1 = arith.constant 0 : i32
    return %c0_i32, %arg0, %c0_i32_0 : i32, i32, i32
  }
  func.func @transform_1(%arg0: i32) -> (i32, i32, i32) {
    %c0_i32 = arith.constant 0 : i32
    %c0_i32_0 = arith.constant 0 : i32
    %c0_i32_1 = arith.constant 0 : i32
    return %c0_i32, %arg0, %c0_i32_0 : i32, i32, i32
  }
  func.func @transform_2(%arg0: i32) -> (i32, i32, i32) {
    %c0_i32 = arith.constant 0 : i32
    %c0_i32_0 = arith.constant 0 : i32
    %c0_i32_1 = arith.constant 0 : i32
    return %c0_i32, %arg0, %c0_i32_0 : i32, i32, i32
  }
  func.func @transform_3(%arg0: i32) -> (i32, i32) {
    %c0_i32 = arith.constant 0 : i32
    %c0_i32_0 = arith.constant 0 : i32
    return %arg0, %c0_i32 : i32, i32
  }
}

module attributes {stable_mosaic.version = 14 : i64} {
  func.func @_fused_body(%arg0: i32, %arg1: memref<256x64xf32, #tpu.memory_space<vmem>>, %arg2: memref<256x64xf32, #tpu.memory_space<vmem>>, %arg3: memref<256x64xf32, #tpu.memory_space<vmem>>, %arg4: memref<256x64xf32, #tpu.memory_space<vmem>>, %arg5: memref<50x256x64xf32, #tpu.memory_space<vmem>>, %arg6: memref<64x64xf32, #tpu.memory_space<vmem>>, %arg7: memref<1x64xf32, #tpu.memory_space<vmem>>, %arg8: memref<64x64xf32, #tpu.memory_space<vmem>>, %arg9: memref<1x64xf32, #tpu.memory_space<vmem>>, %arg10: memref<64x64xf32, #tpu.memory_space<vmem>>, %arg11: memref<1x64xf32, #tpu.memory_space<vmem>>, %arg12: memref<64x64xf32, #tpu.memory_space<vmem>>, %arg13: memref<1x64xf32, #tpu.memory_space<vmem>>, %arg14: memref<64x64xf32, #tpu.memory_space<vmem>>, %arg15: memref<1x64xf32, #tpu.memory_space<vmem>>, %arg16: memref<256x64xf32, #tpu.memory_space<vmem>>, %arg17: memref<256x64xf32, #tpu.memory_space<vmem>>, %arg18: memref<1x1xf32, #tpu.memory_space<vmem>>) attributes {dimension_semantics = [#tpu.dimension_semantics<arbitrary>], iteration_bounds = array<i64: 16>, scalar_prefetch = 0 : i64, scratch_operands = 0 : i64, tpu.core_type = #tpu.core_type<tc>, window_params = [{transform_indices = @transform_0, window_bounds = array<i64: 256, 64>}, {transform_indices = @transform_1, window_bounds = array<i64: 256, 64>}, {transform_indices = @transform_2, window_bounds = array<i64: 256, 64>}, {transform_indices = @transform_3, window_bounds = array<i64: 256, 64>}, {transform_indices = @transform_4, window_bounds = array<i64: 50, 256, 64>}, {pipeline_mode = #tpu.pipeline_mode<synchronous>, transform_indices = @transform_5, window_bounds = array<i64: 64, 64>}, {pipeline_mode = #tpu.pipeline_mode<synchronous>, transform_indices = @transform_6, window_bounds = array<i64: 1, 64>}, {pipeline_mode = #tpu.pipeline_mode<synchronous>, transform_indices = @transform_7, window_bounds = array<i64: 64, 64>}, {pipeline_mode = #tpu.pipeline_mode<synchronous>, transform_indices = @transform_8, window_bounds = array<i64: 1, 64>}, {pipeline_mode = #tpu.pipeline_mode<synchronous>, transform_indices = @transform_9, window_bounds = array<i64: 64, 64>}, {pipeline_mode = #tpu.pipeline_mode<synchronous>, transform_indices = @transform_10, window_bounds = array<i64: 1, 64>}, {pipeline_mode = #tpu.pipeline_mode<synchronous>, transform_indices = @transform_11, window_bounds = array<i64: 64, 64>}, {pipeline_mode = #tpu.pipeline_mode<synchronous>, transform_indices = @transform_12, window_bounds = array<i64: 1, 64>}, {pipeline_mode = #tpu.pipeline_mode<synchronous>, transform_indices = @transform_13, window_bounds = array<i64: 64, 64>}, {pipeline_mode = #tpu.pipeline_mode<synchronous>, transform_indices = @transform_14, window_bounds = array<i64: 1, 64>}, {transform_indices = @transform_15, window_bounds = array<i64: 256, 64>}, {transform_indices = @transform_16, window_bounds = array<i64: 256, 64>}, {pipeline_mode = #tpu.pipeline_mode<synchronous>, transform_indices = @transform_17, window_bounds = array<i64: 1, 1>}]} {
    %get3A = arith.constant 0 : index
    %get3A_0 = arith.constant 0 : index
    %get3A_1 = vector.load %arg1[%get3A, %get3A_0] : memref<256x64xf32, #tpu.memory_space<vmem>>, vector<256x64xf32>
    %get3A_2 = arith.constant 0 : index
    %get3A_3 = arith.constant 0 : index
    %get3A_4 = vector.load %arg4[%get3A_2, %get3A_3] : memref<256x64xf32, #tpu.memory_space<vmem>>, vector<256x64xf32>
    %get3A_5 = arith.constant 0 : index
    %get3A_6 = arith.constant 0 : index
    %get3A_7 = vector.load %arg8[%get3A_5, %get3A_6] : memref<64x64xf32, #tpu.memory_space<vmem>>, vector<64x64xf32>
    %dot_general3A = arith.constant dense<0.000000e+00> : vector<256x64xf32>
    %dot_general3A_8 = tpu.matmul %get3A_4, %get3A_7, %dot_general3A {dimension_numbers = #tpu.dot_dimension_numbers<[1], [1], [0], [0], [0, 0, 1, 0], [], []>, transpose_lhs_hint = false} : vector<256x64xf32>, vector<64x64xf32>, vector<256x64xf32> -> vector<256x64xf32>
    %get3A_9 = arith.constant 0 : index
    %get3A_10 = arith.constant 0 : index
    %get3A_11 = vector.load %arg9[%get3A_9, %get3A_10] : memref<1x64xf32, #tpu.memory_space<vmem>>, vector<1x64xf32>
    %add3A = vector.broadcast %get3A_11 : vector<1x64xf32> to vector<256x64xf32>
    %add3A_12 = arith.addf %dot_general3A_8, %add3A : vector<256x64xf32>
    %get3A_13 = arith.constant 0 : index
    %get3A_14 = arith.constant 0 : index
    %get3A_15 = vector.load %arg10[%get3A_13, %get3A_14] : memref<64x64xf32, #tpu.memory_space<vmem>>, vector<64x64xf32>
    %dot_general3A_16 = arith.constant dense<0.000000e+00> : vector<256x64xf32>
    %dot_general3A_17 = tpu.matmul %get3A_1, %get3A_15, %dot_general3A_16 {dimension_numbers = #tpu.dot_dimension_numbers<[1], [1], [0], [0], [0, 0, 1, 0], [], []>, transpose_lhs_hint = false} : vector<256x64xf32>, vector<64x64xf32>, vector<256x64xf32> -> vector<256x64xf32>
    %add3A_18 = arith.addf %add3A_12, %dot_general3A_17 : vector<256x64xf32>
    %get3A_19 = arith.constant 0 : index
    %get3A_20 = arith.constant 0 : index
    %get3A_21 = vector.load %arg11[%get3A_19, %get3A_20] : memref<1x64xf32, #tpu.memory_space<vmem>>, vector<1x64xf32>
    %add3A_22 = vector.broadcast %get3A_21 : vector<1x64xf32> to vector<256x64xf32>
    %add3A_23 = arith.addf %add3A_18, %add3A_22 : vector<256x64xf32>
    %logistic3A = arith.negf %add3A_23 : vector<256x64xf32>
    %logistic3A_24 = math.exp %logistic3A : vector<256x64xf32>
    %logistic3A_25 = arith.constant 1.000000e+00 : f32
    %logistic3A_26 = vector.broadcast %logistic3A_25 : f32 to vector<256x64xf32>
    %logistic3A_27 = arith.addf %logistic3A_26, %logistic3A_24 : vector<256x64xf32>
    %logistic3A_28 = arith.divf %logistic3A_26, %logistic3A_27 : vector<256x64xf32>
    %mul3A = arith.mulf %logistic3A_28, %get3A_4 : vector<256x64xf32>
    %sub3A = arith.constant 1.000000e+00 : f32
    %sub3A_29 = vector.broadcast %sub3A : f32 to vector<256x64xf32>
    %sub3A_30 = arith.subf %sub3A_29, %logistic3A_28 : vector<256x64xf32>
    %mul3A_31 = arith.mulf %sub3A_30, %get3A_1 : vector<256x64xf32>
    %add3A_32 = arith.addf %mul3A, %mul3A_31 : vector<256x64xf32>
    %swap3A = arith.constant 0 : index
    %swap3A_33 = arith.constant 0 : index
    %swap3A_34 = vector.load %arg16[%swap3A, %swap3A_33] : memref<256x64xf32, #tpu.memory_space<vmem>>, vector<256x64xf32>
    tpu.vector_store %arg16[%swap3A, %swap3A_33], %add3A_32 {strides = array<i32>} : memref<256x64xf32, #tpu.memory_space<vmem>>, vector<256x64xf32>,
    %get3A_35 = arith.constant 0 : index
    %get3A_36 = arith.constant 0 : index
    %get3A_37 = vector.load %arg2[%get3A_35, %get3A_36] : memref<256x64xf32, #tpu.memory_space<vmem>>, vector<256x64xf32>
    %get3A_38 = arith.constant 0 : index
    %get3A_39 = arith.constant 0 : index
    %get3A_40 = arith.constant 0 : index
    %get3A_41 = vector.load %arg5[%get3A_38, %get3A_39, %get3A_40] : memref<50x256x64xf32, #tpu.memory_space<vmem>>, vector<50x256x64xf32>
    %reshape3A = vector.shape_cast %get3A_41 : vector<50x256x64xf32> to vector<12800x64xf32>
    %get3A_42 = arith.constant 0 : index
    %get3A_43 = arith.constant 0 : index
    %get3A_44 = vector.load %arg6[%get3A_42, %get3A_43] : memref<64x64xf32, #tpu.memory_space<vmem>>, vector<64x64xf32>
    %dot_general3A_45 = arith.constant dense<0.000000e+00> : vector<12800x64xf32>
    %dot_general3A_46 = tpu.matmul %reshape3A, %get3A_44, %dot_general3A_45 {dimension_numbers = #tpu.dot_dimension_numbers<[1], [1], [0], [0], [0, 0, 1, 0], [], []>, transpose_lhs_hint = false} : vector<12800x64xf32>, vector<64x64xf32>, vector<12800x64xf32> -> vector<12800x64xf32>
    %get3A_47 = arith.constant 0 : index
    %get3A_48 = arith.constant 0 : index
    %get3A_49 = vector.load %arg7[%get3A_47, %get3A_48] : memref<1x64xf32, #tpu.memory_space<vmem>>, vector<1x64xf32>
    %add3A_50 = vector.broadcast %get3A_49 : vector<1x64xf32> to vector<12800x64xf32>
    %add3A_51 = arith.addf %dot_general3A_46, %add3A_50 : vector<12800x64xf32>
    %tanh3A = math.tanh %add3A_51 : vector<12800x64xf32>
    %reshape3A_52 = vector.shape_cast %tanh3A : vector<12800x64xf32> to vector<50x256x64xf32>
    %get3A_53 = arith.constant 0 : index
    %get3A_54 = arith.constant 0 : index
    %get3A_55 = vector.load %arg3[%get3A_53, %get3A_54] : memref<256x64xf32, #tpu.memory_space<vmem>>, vector<256x64xf32>
    %slice3A = vector.extract_strided_slice %reshape3A_52 {offsets = [0, 0, 0], sizes = [1, 256, 64], strides = [1, 1, 1]} : vector<50x256x64xf32> to vector<1x256x64xf32>
    %squeeze3A = vector.shape_cast %slice3A : vector<1x256x64xf32> to vector<256x64xf32>
    %mul3A_56 = arith.mulf %squeeze3A, %get3A_55 : vector<256x64xf32>
    %reduce_sum3A = arith.constant dense<0.000000e+00> : vector<256xf32>
    %reduce_sum3A_57 = vector.multi_reduction <add>, %mul3A_56, %reduce_sum3A [1] : vector<256x64xf32> to vector<256xf32>
    %broadcast_in_dim3A = vector.shape_cast %reduce_sum3A_57 : vector<256xf32> to vector<256x1xf32>
    %slice3A_58 = vector.extract_strided_slice %reshape3A_52 {offsets = [1, 0, 0], sizes = [1, 256, 64], strides = [1, 1, 1]} : vector<50x256x64xf32> to vector<1x256x64xf32>
    %squeeze3A_59 = vector.shape_cast %slice3A_58 : vector<1x256x64xf32> to vector<256x64xf32>
    %mul3A_60 = arith.mulf %squeeze3A_59, %get3A_55 : vector<256x64xf32>
    %reduce_sum3A_61 = arith.constant dense<0.000000e+00> : vector<256xf32>
    %reduce_sum3A_62 = vector.multi_reduction <add>, %mul3A_60, %reduce_sum3A_61 [1] : vector<256x64xf32> to vector<256xf32>
    %broadcast_in_dim3A_63 = vector.shape_cast %reduce_sum3A_62 : vector<256xf32> to vector<256x1xf32>
    %slice3A_64 = vector.extract_strided_slice %reshape3A_52 {offsets = [2, 0, 0], sizes = [1, 256, 64], strides = [1, 1, 1]} : vector<50x256x64xf32> to vector<1x256x64xf32>
    %squeeze3A_65 = vector.shape_cast %slice3A_64 : vector<1x256x64xf32> to vector<256x64xf32>
    %mul3A_66 = arith.mulf %squeeze3A_65, %get3A_55 : vector<256x64xf32>
    %reduce_sum3A_67 = arith.constant dense<0.000000e+00> : vector<256xf32>
    %reduce_sum3A_68 = vector.multi_reduction <add>, %mul3A_66, %reduce_sum3A_67 [1] : vector<256x64xf32> to vector<256xf32>
    %broadcast_in_dim3A_69 = vector.shape_cast %reduce_sum3A_68 : vector<256xf32> to vector<256x1xf32>
    %slice3A_70 = vector.extract_strided_slice %reshape3A_52 {offsets = [3, 0, 0], sizes = [1, 256, 64], strides = [1, 1, 1]} : vector<50x256x64xf32> to vector<1x256x64xf32>
    %squeeze3A_71 = vector.shape_cast %slice3A_70 : vector<1x256x64xf32> to vector<256x64xf32>
    %mul3A_72 = arith.mulf %squeeze3A_71, %get3A_55 : vector<256x64xf32>
    %reduce_sum3A_73 = arith.constant dense<0.000000e+00> : vector<256xf32>
    %reduce_sum3A_74 = vector.multi_reduction <add>, %mul3A_72, %reduce_sum3A_73 [1] : vector<256x64xf32> to vector<256xf32>
    %broadcast_in_dim3A_75 = vector.shape_cast %reduce_sum3A_74 : vector<256xf32> to vector<256x1xf32>
    %slice3A_76 = vector.extract_strided_slice %reshape3A_52 {offsets = [4, 0, 0], sizes = [1, 256, 64], strides = [1, 1, 1]} : vector<50x256x64xf32> to vector<1x256x64xf32>
    %squeeze3A_77 = vector.shape_cast %slice3A_76 : vector<1x256x64xf32> to vector<256x64xf32>
    %mul3A_78 = arith.mulf %squeeze3A_77, %get3A_55 : vector<256x64xf32>
    %reduce_sum3A_79 = arith.constant dense<0.000000e+00> : vector<256xf32>
    %reduce_sum3A_80 = vector.multi_reduction <add>, %mul3A_78, %reduce_sum3A_79 [1] : vector<256x64xf32> to vector<256xf32>
    %broadcast_in_dim3A_81 = vector.shape_cast %reduce_sum3A_80 : vector<256xf32> to vector<256x1xf32>
    %slice3A_82 = vector.extract_strided_slice %reshape3A_52 {offsets = [5, 0, 0], sizes = [1, 256, 64], strides = [1, 1, 1]} : vector<50x256x64xf32> to vector<1x256x64xf32>
    %squeeze3A_83 = vector.shape_cast %slice3A_82 : vector<1x256x64xf32> to vector<256x64xf32>
    %mul3A_84 = arith.mulf %squeeze3A_83, %get3A_55 : vector<256x64xf32>
    %reduce_sum3A_85 = arith.constant dense<0.000000e+00> : vector<256xf32>
    %reduce_sum3A_86 = vector.multi_reduction <add>, %mul3A_84, %reduce_sum3A_85 [1] : vector<256x64xf32> to vector<256xf32>
    %broadcast_in_dim3A_87 = vector.shape_cast %reduce_sum3A_86 : vector<256xf32> to vector<256x1xf32>
    %slice3A_88 = vector.extract_strided_slice %reshape3A_52 {offsets = [6, 0, 0], sizes = [1, 256, 64], strides = [1, 1, 1]} : vector<50x256x64xf32> to vector<1x256x64xf32>
    %squeeze3A_89 = vector.shape_cast %slice3A_88 : vector<1x256x64xf32> to vector<256x64xf32>
    %mul3A_90 = arith.mulf %squeeze3A_89, %get3A_55 : vector<256x64xf32>
    %reduce_sum3A_91 = arith.constant dense<0.000000e+00> : vector<256xf32>
    %reduce_sum3A_92 = vector.multi_reduction <add>, %mul3A_90, %reduce_sum3A_91 [1] : vector<256x64xf32> to vector<256xf32>
    %broadcast_in_dim3A_93 = vector.shape_cast %reduce_sum3A_92 : vector<256xf32> to vector<256x1xf32>
    %slice3A_94 = vector.extract_strided_slice %reshape3A_52 {offsets = [7, 0, 0], sizes = [1, 256, 64], strides = [1, 1, 1]} : vector<50x256x64xf32> to vector<1x256x64xf32>
    %squeeze3A_95 = vector.shape_cast %slice3A_94 : vector<1x256x64xf32> to vector<256x64xf32>
    %mul3A_96 = arith.mulf %squeeze3A_95, %get3A_55 : vector<256x64xf32>
    %reduce_sum3A_97 = arith.constant dense<0.000000e+00> : vector<256xf32>
    %reduce_sum3A_98 = vector.multi_reduction <add>, %mul3A_96, %reduce_sum3A_97 [1] : vector<256x64xf32> to vector<256xf32>
    %broadcast_in_dim3A_99 = vector.shape_cast %reduce_sum3A_98 : vector<256xf32> to vector<256x1xf32>
    %slice3A_100 = vector.extract_strided_slice %reshape3A_52 {offsets = [8, 0, 0], sizes = [1, 256, 64], strides = [1, 1, 1]} : vector<50x256x64xf32> to vector<1x256x64xf32>
    %squeeze3A_101 = vector.shape_cast %slice3A_100 : vector<1x256x64xf32> to vector<256x64xf32>
    %mul3A_102 = arith.mulf %squeeze3A_101, %get3A_55 : vector<256x64xf32>
    %reduce_sum3A_103 = arith.constant dense<0.000000e+00> : vector<256xf32>
    %reduce_sum3A_104 = vector.multi_reduction <add>, %mul3A_102, %reduce_sum3A_103 [1] : vector<256x64xf32> to vector<256xf32>
    %broadcast_in_dim3A_105 = vector.shape_cast %reduce_sum3A_104 : vector<256xf32> to vector<256x1xf32>
    %slice3A_106 = vector.extract_strided_slice %reshape3A_52 {offsets = [9, 0, 0], sizes = [1, 256, 64], strides = [1, 1, 1]} : vector<50x256x64xf32> to vector<1x256x64xf32>
    %squeeze3A_107 = vector.shape_cast %slice3A_106 : vector<1x256x64xf32> to vector<256x64xf32>
    %mul3A_108 = arith.mulf %squeeze3A_107, %get3A_55 : vector<256x64xf32>
    %reduce_sum3A_109 = arith.constant dense<0.000000e+00> : vector<256xf32>
    %reduce_sum3A_110 = vector.multi_reduction <add>, %mul3A_108, %reduce_sum3A_109 [1] : vector<256x64xf32> to vector<256xf32>
    %broadcast_in_dim3A_111 = vector.shape_cast %reduce_sum3A_110 : vector<256xf32> to vector<256x1xf32>
    %slice3A_112 = vector.extract_strided_slice %reshape3A_52 {offsets = [10, 0, 0], sizes = [1, 256, 64], strides = [1, 1, 1]} : vector<50x256x64xf32> to vector<1x256x64xf32>
    %squeeze3A_113 = vector.shape_cast %slice3A_112 : vector<1x256x64xf32> to vector<256x64xf32>
    %mul3A_114 = arith.mulf %squeeze3A_113, %get3A_55 : vector<256x64xf32>
    %reduce_sum3A_115 = arith.constant dense<0.000000e+00> : vector<256xf32>
    %reduce_sum3A_116 = vector.multi_reduction <add>, %mul3A_114, %reduce_sum3A_115 [1] : vector<256x64xf32> to vector<256xf32>
    %broadcast_in_dim3A_117 = vector.shape_cast %reduce_sum3A_116 : vector<256xf32> to vector<256x1xf32>
    %slice3A_118 = vector.extract_strided_slice %reshape3A_52 {offsets = [11, 0, 0], sizes = [1, 256, 64], strides = [1, 1, 1]} : vector<50x256x64xf32> to vector<1x256x64xf32>
    %squeeze3A_119 = vector.shape_cast %slice3A_118 : vector<1x256x64xf32> to vector<256x64xf32>
    %mul3A_120 = arith.mulf %squeeze3A_119, %get3A_55 : vector<256x64xf32>
    %reduce_sum3A_121 = arith.constant dense<0.000000e+00> : vector<256xf32>
    %reduce_sum3A_122 = vector.multi_reduction <add>, %mul3A_120, %reduce_sum3A_121 [1] : vector<256x64xf32> to vector<256xf32>
    %broadcast_in_dim3A_123 = vector.shape_cast %reduce_sum3A_122 : vector<256xf32> to vector<256x1xf32>
    %slice3A_124 = vector.extract_strided_slice %reshape3A_52 {offsets = [12, 0, 0], sizes = [1, 256, 64], strides = [1, 1, 1]} : vector<50x256x64xf32> to vector<1x256x64xf32>
    %squeeze3A_125 = vector.shape_cast %slice3A_124 : vector<1x256x64xf32> to vector<256x64xf32>
    %mul3A_126 = arith.mulf %squeeze3A_125, %get3A_55 : vector<256x64xf32>
    %reduce_sum3A_127 = arith.constant dense<0.000000e+00> : vector<256xf32>
    %reduce_sum3A_128 = vector.multi_reduction <add>, %mul3A_126, %reduce_sum3A_127 [1] : vector<256x64xf32> to vector<256xf32>
    %broadcast_in_dim3A_129 = vector.shape_cast %reduce_sum3A_128 : vector<256xf32> to vector<256x1xf32>
    %slice3A_130 = vector.extract_strided_slice %reshape3A_52 {offsets = [13, 0, 0], sizes = [1, 256, 64], strides = [1, 1, 1]} : vector<50x256x64xf32> to vector<1x256x64xf32>
    %squeeze3A_131 = vector.shape_cast %slice3A_130 : vector<1x256x64xf32> to vector<256x64xf32>
    %mul3A_132 = arith.mulf %squeeze3A_131, %get3A_55 : vector<256x64xf32>
    %reduce_sum3A_133 = arith.constant dense<0.000000e+00> : vector<256xf32>
    %reduce_sum3A_134 = vector.multi_reduction <add>, %mul3A_132, %reduce_sum3A_133 [1] : vector<256x64xf32> to vector<256xf32>
    %broadcast_in_dim3A_135 = vector.shape_cast %reduce_sum3A_134 : vector<256xf32> to vector<256x1xf32>
    %slice3A_136 = vector.extract_strided_slice %reshape3A_52 {offsets = [14, 0, 0], sizes = [1, 256, 64], strides = [1, 1, 1]} : vector<50x256x64xf32> to vector<1x256x64xf32>
    %squeeze3A_137 = vector.shape_cast %slice3A_136 : vector<1x256x64xf32> to vector<256x64xf32>
    %mul3A_138 = arith.mulf %squeeze3A_137, %get3A_55 : vector<256x64xf32>
    %reduce_sum3A_139 = arith.constant dense<0.000000e+00> : vector<256xf32>
    %reduce_sum3A_140 = vector.multi_reduction <add>, %mul3A_138, %reduce_sum3A_139 [1] : vector<256x64xf32> to vector<256xf32>
    %broadcast_in_dim3A_141 = vector.shape_cast %reduce_sum3A_140 : vector<256xf32> to vector<256x1xf32>
    %slice3A_142 = vector.extract_strided_slice %reshape3A_52 {offsets = [15, 0, 0], sizes = [1, 256, 64], strides = [1, 1, 1]} : vector<50x256x64xf32> to vector<1x256x64xf32>
    %squeeze3A_143 = vector.shape_cast %slice3A_142 : vector<1x256x64xf32> to vector<256x64xf32>
    %mul3A_144 = arith.mulf %squeeze3A_143, %get3A_55 : vector<256x64xf32>
    %reduce_sum3A_145 = arith.constant dense<0.000000e+00> : vector<256xf32>
    %reduce_sum3A_146 = vector.multi_reduction <add>, %mul3A_144, %reduce_sum3A_145 [1] : vector<256x64xf32> to vector<256xf32>
    %broadcast_in_dim3A_147 = vector.shape_cast %reduce_sum3A_146 : vector<256xf32> to vector<256x1xf32>
    %slice3A_148 = vector.extract_strided_slice %reshape3A_52 {offsets = [16, 0, 0], sizes = [1, 256, 64], strides = [1, 1, 1]} : vector<50x256x64xf32> to vector<1x256x64xf32>
    %squeeze3A_149 = vector.shape_cast %slice3A_148 : vector<1x256x64xf32> to vector<256x64xf32>
    %mul3A_150 = arith.mulf %squeeze3A_149, %get3A_55 : vector<256x64xf32>
    %reduce_sum3A_151 = arith.constant dense<0.000000e+00> : vector<256xf32>
    %reduce_sum3A_152 = vector.multi_reduction <add>, %mul3A_150, %reduce_sum3A_151 [1] : vector<256x64xf32> to vector<256xf32>
    %broadcast_in_dim3A_153 = vector.shape_cast %reduce_sum3A_152 : vector<256xf32> to vector<256x1xf32>
    %slice3A_154 = vector.extract_strided_slice %reshape3A_52 {offsets = [17, 0, 0], sizes = [1, 256, 64], strides = [1, 1, 1]} : vector<50x256x64xf32> to vector<1x256x64xf32>
    %squeeze3A_155 = vector.shape_cast %slice3A_154 : vector<1x256x64xf32> to vector<256x64xf32>
    %mul3A_156 = arith.mulf %squeeze3A_155, %get3A_55 : vector<256x64xf32>
    %reduce_sum3A_157 = arith.constant dense<0.000000e+00> : vector<256xf32>
    %reduce_sum3A_158 = vector.multi_reduction <add>, %mul3A_156, %reduce_sum3A_157 [1] : vector<256x64xf32> to vector<256xf32>
    %broadcast_in_dim3A_159 = vector.shape_cast %reduce_sum3A_158 : vector<256xf32> to vector<256x1xf32>
    %slice3A_160 = vector.extract_strided_slice %reshape3A_52 {offsets = [18, 0, 0], sizes = [1, 256, 64], strides = [1, 1, 1]} : vector<50x256x64xf32> to vector<1x256x64xf32>
    %squeeze3A_161 = vector.shape_cast %slice3A_160 : vector<1x256x64xf32> to vector<256x64xf32>
    %mul3A_162 = arith.mulf %squeeze3A_161, %get3A_55 : vector<256x64xf32>
    %reduce_sum3A_163 = arith.constant dense<0.000000e+00> : vector<256xf32>
    %reduce_sum3A_164 = vector.multi_reduction <add>, %mul3A_162, %reduce_sum3A_163 [1] : vector<256x64xf32> to vector<256xf32>
    %broadcast_in_dim3A_165 = vector.shape_cast %reduce_sum3A_164 : vector<256xf32> to vector<256x1xf32>
    %slice3A_166 = vector.extract_strided_slice %reshape3A_52 {offsets = [19, 0, 0], sizes = [1, 256, 64], strides = [1, 1, 1]} : vector<50x256x64xf32> to vector<1x256x64xf32>
    %squeeze3A_167 = vector.shape_cast %slice3A_166 : vector<1x256x64xf32> to vector<256x64xf32>
    %mul3A_168 = arith.mulf %squeeze3A_167, %get3A_55 : vector<256x64xf32>
    %reduce_sum3A_169 = arith.constant dense<0.000000e+00> : vector<256xf32>
    %reduce_sum3A_170 = vector.multi_reduction <add>, %mul3A_168, %reduce_sum3A_169 [1] : vector<256x64xf32> to vector<256xf32>
    %broadcast_in_dim3A_171 = vector.shape_cast %reduce_sum3A_170 : vector<256xf32> to vector<256x1xf32>
    %slice3A_172 = vector.extract_strided_slice %reshape3A_52 {offsets = [20, 0, 0], sizes = [1, 256, 64], strides = [1, 1, 1]} : vector<50x256x64xf32> to vector<1x256x64xf32>
    %squeeze3A_173 = vector.shape_cast %slice3A_172 : vector<1x256x64xf32> to vector<256x64xf32>
    %mul3A_174 = arith.mulf %squeeze3A_173, %get3A_55 : vector<256x64xf32>
    %reduce_sum3A_175 = arith.constant dense<0.000000e+00> : vector<256xf32>
    %reduce_sum3A_176 = vector.multi_reduction <add>, %mul3A_174, %reduce_sum3A_175 [1] : vector<256x64xf32> to vector<256xf32>
    %broadcast_in_dim3A_177 = vector.shape_cast %reduce_sum3A_176 : vector<256xf32> to vector<256x1xf32>
    %slice3A_178 = vector.extract_strided_slice %reshape3A_52 {offsets = [21, 0, 0], sizes = [1, 256, 64], strides = [1, 1, 1]} : vector<50x256x64xf32> to vector<1x256x64xf32>
    %squeeze3A_179 = vector.shape_cast %slice3A_178 : vector<1x256x64xf32> to vector<256x64xf32>
    %mul3A_180 = arith.mulf %squeeze3A_179, %get3A_55 : vector<256x64xf32>
    %reduce_sum3A_181 = arith.constant dense<0.000000e+00> : vector<256xf32>
    %reduce_sum3A_182 = vector.multi_reduction <add>, %mul3A_180, %reduce_sum3A_181 [1] : vector<256x64xf32> to vector<256xf32>
    %broadcast_in_dim3A_183 = vector.shape_cast %reduce_sum3A_182 : vector<256xf32> to vector<256x1xf32>
    %slice3A_184 = vector.extract_strided_slice %reshape3A_52 {offsets = [22, 0, 0], sizes = [1, 256, 64], strides = [1, 1, 1]} : vector<50x256x64xf32> to vector<1x256x64xf32>
    %squeeze3A_185 = vector.shape_cast %slice3A_184 : vector<1x256x64xf32> to vector<256x64xf32>
    %mul3A_186 = arith.mulf %squeeze3A_185, %get3A_55 : vector<256x64xf32>
    %reduce_sum3A_187 = arith.constant dense<0.000000e+00> : vector<256xf32>
    %reduce_sum3A_188 = vector.multi_reduction <add>, %mul3A_186, %reduce_sum3A_187 [1] : vector<256x64xf32> to vector<256xf32>
    %broadcast_in_dim3A_189 = vector.shape_cast %reduce_sum3A_188 : vector<256xf32> to vector<256x1xf32>
    %slice3A_190 = vector.extract_strided_slice %reshape3A_52 {offsets = [23, 0, 0], sizes = [1, 256, 64], strides = [1, 1, 1]} : vector<50x256x64xf32> to vector<1x256x64xf32>
    %squeeze3A_191 = vector.shape_cast %slice3A_190 : vector<1x256x64xf32> to vector<256x64xf32>
    %mul3A_192 = arith.mulf %squeeze3A_191, %get3A_55 : vector<256x64xf32>
    %reduce_sum3A_193 = arith.constant dense<0.000000e+00> : vector<256xf32>
    %reduce_sum3A_194 = vector.multi_reduction <add>, %mul3A_192, %reduce_sum3A_193 [1] : vector<256x64xf32> to vector<256xf32>
    %broadcast_in_dim3A_195 = vector.shape_cast %reduce_sum3A_194 : vector<256xf32> to vector<256x1xf32>
    %slice3A_196 = vector.extract_strided_slice %reshape3A_52 {offsets = [24, 0, 0], sizes = [1, 256, 64], strides = [1, 1, 1]} : vector<50x256x64xf32> to vector<1x256x64xf32>
    %squeeze3A_197 = vector.shape_cast %slice3A_196 : vector<1x256x64xf32> to vector<256x64xf32>
    %mul3A_198 = arith.mulf %squeeze3A_197, %get3A_55 : vector<256x64xf32>
    %reduce_sum3A_199 = arith.constant dense<0.000000e+00> : vector<256xf32>
    %reduce_sum3A_200 = vector.multi_reduction <add>, %mul3A_198, %reduce_sum3A_199 [1] : vector<256x64xf32> to vector<256xf32>
    %broadcast_in_dim3A_201 = vector.shape_cast %reduce_sum3A_200 : vector<256xf32> to vector<256x1xf32>
    %slice3A_202 = vector.extract_strided_slice %reshape3A_52 {offsets = [25, 0, 0], sizes = [1, 256, 64], strides = [1, 1, 1]} : vector<50x256x64xf32> to vector<1x256x64xf32>
    %squeeze3A_203 = vector.shape_cast %slice3A_202 : vector<1x256x64xf32> to vector<256x64xf32>
    %mul3A_204 = arith.mulf %squeeze3A_203, %get3A_55 : vector<256x64xf32>
    %reduce_sum3A_205 = arith.constant dense<0.000000e+00> : vector<256xf32>
    %reduce_sum3A_206 = vector.multi_reduction <add>, %mul3A_204, %reduce_sum3A_205 [1] : vector<256x64xf32> to vector<256xf32>
    %broadcast_in_dim3A_207 = vector.shape_cast %reduce_sum3A_206 : vector<256xf32> to vector<256x1xf32>
    %slice3A_208 = vector.extract_strided_slice %reshape3A_52 {offsets = [26, 0, 0], sizes = [1, 256, 64], strides = [1, 1, 1]} : vector<50x256x64xf32> to vector<1x256x64xf32>
    %squeeze3A_209 = vector.shape_cast %slice3A_208 : vector<1x256x64xf32> to vector<256x64xf32>
    %mul3A_210 = arith.mulf %squeeze3A_209, %get3A_55 : vector<256x64xf32>
    %reduce_sum3A_211 = arith.constant dense<0.000000e+00> : vector<256xf32>
    %reduce_sum3A_212 = vector.multi_reduction <add>, %mul3A_210, %reduce_sum3A_211 [1] : vector<256x64xf32> to vector<256xf32>
    %broadcast_in_dim3A_213 = vector.shape_cast %reduce_sum3A_212 : vector<256xf32> to vector<256x1xf32>
    %slice3A_214 = vector.extract_strided_slice %reshape3A_52 {offsets = [27, 0, 0], sizes = [1, 256, 64], strides = [1, 1, 1]} : vector<50x256x64xf32> to vector<1x256x64xf32>
    %squeeze3A_215 = vector.shape_cast %slice3A_214 : vector<1x256x64xf32> to vector<256x64xf32>
    %mul3A_216 = arith.mulf %squeeze3A_215, %get3A_55 : vector<256x64xf32>
    %reduce_sum3A_217 = arith.constant dense<0.000000e+00> : vector<256xf32>
    %reduce_sum3A_218 = vector.multi_reduction <add>, %mul3A_216, %reduce_sum3A_217 [1] : vector<256x64xf32> to vector<256xf32>
    %broadcast_in_dim3A_219 = vector.shape_cast %reduce_sum3A_218 : vector<256xf32> to vector<256x1xf32>
    %slice3A_220 = vector.extract_strided_slice %reshape3A_52 {offsets = [28, 0, 0], sizes = [1, 256, 64], strides = [1, 1, 1]} : vector<50x256x64xf32> to vector<1x256x64xf32>
    %squeeze3A_221 = vector.shape_cast %slice3A_220 : vector<1x256x64xf32> to vector<256x64xf32>
    %mul3A_222 = arith.mulf %squeeze3A_221, %get3A_55 : vector<256x64xf32>
    %reduce_sum3A_223 = arith.constant dense<0.000000e+00> : vector<256xf32>
    %reduce_sum3A_224 = vector.multi_reduction <add>, %mul3A_222, %reduce_sum3A_223 [1] : vector<256x64xf32> to vector<256xf32>
    %broadcast_in_dim3A_225 = vector.shape_cast %reduce_sum3A_224 : vector<256xf32> to vector<256x1xf32>
    %slice3A_226 = vector.extract_strided_slice %reshape3A_52 {offsets = [29, 0, 0], sizes = [1, 256, 64], strides = [1, 1, 1]} : vector<50x256x64xf32> to vector<1x256x64xf32>
    %squeeze3A_227 = vector.shape_cast %slice3A_226 : vector<1x256x64xf32> to vector<256x64xf32>
    %mul3A_228 = arith.mulf %squeeze3A_227, %get3A_55 : vector<256x64xf32>
    %reduce_sum3A_229 = arith.constant dense<0.000000e+00> : vector<256xf32>
    %reduce_sum3A_230 = vector.multi_reduction <add>, %mul3A_228, %reduce_sum3A_229 [1] : vector<256x64xf32> to vector<256xf32>
    %broadcast_in_dim3A_231 = vector.shape_cast %reduce_sum3A_230 : vector<256xf32> to vector<256x1xf32>
    %slice3A_232 = vector.extract_strided_slice %reshape3A_52 {offsets = [30, 0, 0], sizes = [1, 256, 64], strides = [1, 1, 1]} : vector<50x256x64xf32> to vector<1x256x64xf32>
    %squeeze3A_233 = vector.shape_cast %slice3A_232 : vector<1x256x64xf32> to vector<256x64xf32>
    %mul3A_234 = arith.mulf %squeeze3A_233, %get3A_55 : vector<256x64xf32>
    %reduce_sum3A_235 = arith.constant dense<0.000000e+00> : vector<256xf32>
    %reduce_sum3A_236 = vector.multi_reduction <add>, %mul3A_234, %reduce_sum3A_235 [1] : vector<256x64xf32> to vector<256xf32>
    %broadcast_in_dim3A_237 = vector.shape_cast %reduce_sum3A_236 : vector<256xf32> to vector<256x1xf32>
    %slice3A_238 = vector.extract_strided_slice %reshape3A_52 {offsets = [31, 0, 0], sizes = [1, 256, 64], strides = [1, 1, 1]} : vector<50x256x64xf32> to vector<1x256x64xf32>
    %squeeze3A_239 = vector.shape_cast %slice3A_238 : vector<1x256x64xf32> to vector<256x64xf32>
    %mul3A_240 = arith.mulf %squeeze3A_239, %get3A_55 : vector<256x64xf32>
    %reduce_sum3A_241 = arith.constant dense<0.000000e+00> : vector<256xf32>
    %reduce_sum3A_242 = vector.multi_reduction <add>, %mul3A_240, %reduce_sum3A_241 [1] : vector<256x64xf32> to vector<256xf32>
    %broadcast_in_dim3A_243 = vector.shape_cast %reduce_sum3A_242 : vector<256xf32> to vector<256x1xf32>
    %slice3A_244 = vector.extract_strided_slice %reshape3A_52 {offsets = [32, 0, 0], sizes = [1, 256, 64], strides = [1, 1, 1]} : vector<50x256x64xf32> to vector<1x256x64xf32>
    %squeeze3A_245 = vector.shape_cast %slice3A_244 : vector<1x256x64xf32> to vector<256x64xf32>
    %mul3A_246 = arith.mulf %squeeze3A_245, %get3A_55 : vector<256x64xf32>
    %reduce_sum3A_247 = arith.constant dense<0.000000e+00> : vector<256xf32>
    %reduce_sum3A_248 = vector.multi_reduction <add>, %mul3A_246, %reduce_sum3A_247 [1] : vector<256x64xf32> to vector<256xf32>
    %broadcast_in_dim3A_249 = vector.shape_cast %reduce_sum3A_248 : vector<256xf32> to vector<256x1xf32>
    %slice3A_250 = vector.extract_strided_slice %reshape3A_52 {offsets = [33, 0, 0], sizes = [1, 256, 64], strides = [1, 1, 1]} : vector<50x256x64xf32> to vector<1x256x64xf32>
    %squeeze3A_251 = vector.shape_cast %slice3A_250 : vector<1x256x64xf32> to vector<256x64xf32>
    %mul3A_252 = arith.mulf %squeeze3A_251, %get3A_55 : vector<256x64xf32>
    %reduce_sum3A_253 = arith.constant dense<0.000000e+00> : vector<256xf32>
    %reduce_sum3A_254 = vector.multi_reduction <add>, %mul3A_252, %reduce_sum3A_253 [1] : vector<256x64xf32> to vector<256xf32>
    %broadcast_in_dim3A_255 = vector.shape_cast %reduce_sum3A_254 : vector<256xf32> to vector<256x1xf32>
    %slice3A_256 = vector.extract_strided_slice %reshape3A_52 {offsets = [34, 0, 0], sizes = [1, 256, 64], strides = [1, 1, 1]} : vector<50x256x64xf32> to vector<1x256x64xf32>
    %squeeze3A_257 = vector.shape_cast %slice3A_256 : vector<1x256x64xf32> to vector<256x64xf32>
    %mul3A_258 = arith.mulf %squeeze3A_257, %get3A_55 : vector<256x64xf32>
    %reduce_sum3A_259 = arith.constant dense<0.000000e+00> : vector<256xf32>
    %reduce_sum3A_260 = vector.multi_reduction <add>, %mul3A_258, %reduce_sum3A_259 [1] : vector<256x64xf32> to vector<256xf32>
    %broadcast_in_dim3A_261 = vector.shape_cast %reduce_sum3A_260 : vector<256xf32> to vector<256x1xf32>
    %slice3A_262 = vector.extract_strided_slice %reshape3A_52 {offsets = [35, 0, 0], sizes = [1, 256, 64], strides = [1, 1, 1]} : vector<50x256x64xf32> to vector<1x256x64xf32>
    %squeeze3A_263 = vector.shape_cast %slice3A_262 : vector<1x256x64xf32> to vector<256x64xf32>
    %mul3A_264 = arith.mulf %squeeze3A_263, %get3A_55 : vector<256x64xf32>
    %reduce_sum3A_265 = arith.constant dense<0.000000e+00> : vector<256xf32>
    %reduce_sum3A_266 = vector.multi_reduction <add>, %mul3A_264, %reduce_sum3A_265 [1] : vector<256x64xf32> to vector<256xf32>
    %broadcast_in_dim3A_267 = vector.shape_cast %reduce_sum3A_266 : vector<256xf32> to vector<256x1xf32>
    %slice3A_268 = vector.extract_strided_slice %reshape3A_52 {offsets = [36, 0, 0], sizes = [1, 256, 64], strides = [1, 1, 1]} : vector<50x256x64xf32> to vector<1x256x64xf32>
    %squeeze3A_269 = vector.shape_cast %slice3A_268 : vector<1x256x64xf32> to vector<256x64xf32>
    %mul3A_270 = arith.mulf %squeeze3A_269, %get3A_55 : vector<256x64xf32>
    %reduce_sum3A_271 = arith.constant dense<0.000000e+00> : vector<256xf32>
    %reduce_sum3A_272 = vector.multi_reduction <add>, %mul3A_270, %reduce_sum3A_271 [1] : vector<256x64xf32> to vector<256xf32>
    %broadcast_in_dim3A_273 = vector.shape_cast %reduce_sum3A_272 : vector<256xf32> to vector<256x1xf32>
    %slice3A_274 = vector.extract_strided_slice %reshape3A_52 {offsets = [37, 0, 0], sizes = [1, 256, 64], strides = [1, 1, 1]} : vector<50x256x64xf32> to vector<1x256x64xf32>
    %squeeze3A_275 = vector.shape_cast %slice3A_274 : vector<1x256x64xf32> to vector<256x64xf32>
    %mul3A_276 = arith.mulf %squeeze3A_275, %get3A_55 : vector<256x64xf32>
    %reduce_sum3A_277 = arith.constant dense<0.000000e+00> : vector<256xf32>
    %reduce_sum3A_278 = vector.multi_reduction <add>, %mul3A_276, %reduce_sum3A_277 [1] : vector<256x64xf32> to vector<256xf32>
    %broadcast_in_dim3A_279 = vector.shape_cast %reduce_sum3A_278 : vector<256xf32> to vector<256x1xf32>
    %slice3A_280 = vector.extract_strided_slice %reshape3A_52 {offsets = [38, 0, 0], sizes = [1, 256, 64], strides = [1, 1, 1]} : vector<50x256x64xf32> to vector<1x256x64xf32>
    %squeeze3A_281 = vector.shape_cast %slice3A_280 : vector<1x256x64xf32> to vector<256x64xf32>
    %mul3A_282 = arith.mulf %squeeze3A_281, %get3A_55 : vector<256x64xf32>
    %reduce_sum3A_283 = arith.constant dense<0.000000e+00> : vector<256xf32>
    %reduce_sum3A_284 = vector.multi_reduction <add>, %mul3A_282, %reduce_sum3A_283 [1] : vector<256x64xf32> to vector<256xf32>
    %broadcast_in_dim3A_285 = vector.shape_cast %reduce_sum3A_284 : vector<256xf32> to vector<256x1xf32>
    %slice3A_286 = vector.extract_strided_slice %reshape3A_52 {offsets = [39, 0, 0], sizes = [1, 256, 64], strides = [1, 1, 1]} : vector<50x256x64xf32> to vector<1x256x64xf32>
    %squeeze3A_287 = vector.shape_cast %slice3A_286 : vector<1x256x64xf32> to vector<256x64xf32>
    %mul3A_288 = arith.mulf %squeeze3A_287, %get3A_55 : vector<256x64xf32>
    %reduce_sum3A_289 = arith.constant dense<0.000000e+00> : vector<256xf32>
    %reduce_sum3A_290 = vector.multi_reduction <add>, %mul3A_288, %reduce_sum3A_289 [1] : vector<256x64xf32> to vector<256xf32>
    %broadcast_in_dim3A_291 = vector.shape_cast %reduce_sum3A_290 : vector<256xf32> to vector<256x1xf32>
    %slice3A_292 = vector.extract_strided_slice %reshape3A_52 {offsets = [40, 0, 0], sizes = [1, 256, 64], strides = [1, 1, 1]} : vector<50x256x64xf32> to vector<1x256x64xf32>
    %squeeze3A_293 = vector.shape_cast %slice3A_292 : vector<1x256x64xf32> to vector<256x64xf32>
    %mul3A_294 = arith.mulf %squeeze3A_293, %get3A_55 : vector<256x64xf32>
    %reduce_sum3A_295 = arith.constant dense<0.000000e+00> : vector<256xf32>
    %reduce_sum3A_296 = vector.multi_reduction <add>, %mul3A_294, %reduce_sum3A_295 [1] : vector<256x64xf32> to vector<256xf32>
    %broadcast_in_dim3A_297 = vector.shape_cast %reduce_sum3A_296 : vector<256xf32> to vector<256x1xf32>
    %slice3A_298 = vector.extract_strided_slice %reshape3A_52 {offsets = [41, 0, 0], sizes = [1, 256, 64], strides = [1, 1, 1]} : vector<50x256x64xf32> to vector<1x256x64xf32>
    %squeeze3A_299 = vector.shape_cast %slice3A_298 : vector<1x256x64xf32> to vector<256x64xf32>
    %mul3A_300 = arith.mulf %squeeze3A_299, %get3A_55 : vector<256x64xf32>
    %reduce_sum3A_301 = arith.constant dense<0.000000e+00> : vector<256xf32>
    %reduce_sum3A_302 = vector.multi_reduction <add>, %mul3A_300, %reduce_sum3A_301 [1] : vector<256x64xf32> to vector<256xf32>
    %broadcast_in_dim3A_303 = vector.shape_cast %reduce_sum3A_302 : vector<256xf32> to vector<256x1xf32>
    %slice3A_304 = vector.extract_strided_slice %reshape3A_52 {offsets = [42, 0, 0], sizes = [1, 256, 64], strides = [1, 1, 1]} : vector<50x256x64xf32> to vector<1x256x64xf32>
    %squeeze3A_305 = vector.shape_cast %slice3A_304 : vector<1x256x64xf32> to vector<256x64xf32>
    %mul3A_306 = arith.mulf %squeeze3A_305, %get3A_55 : vector<256x64xf32>
    %reduce_sum3A_307 = arith.constant dense<0.000000e+00> : vector<256xf32>
    %reduce_sum3A_308 = vector.multi_reduction <add>, %mul3A_306, %reduce_sum3A_307 [1] : vector<256x64xf32> to vector<256xf32>
    %broadcast_in_dim3A_309 = vector.shape_cast %reduce_sum3A_308 : vector<256xf32> to vector<256x1xf32>
    %slice3A_310 = vector.extract_strided_slice %reshape3A_52 {offsets = [43, 0, 0], sizes = [1, 256, 64], strides = [1, 1, 1]} : vector<50x256x64xf32> to vector<1x256x64xf32>
    %squeeze3A_311 = vector.shape_cast %slice3A_310 : vector<1x256x64xf32> to vector<256x64xf32>
    %mul3A_312 = arith.mulf %squeeze3A_311, %get3A_55 : vector<256x64xf32>
    %reduce_sum3A_313 = arith.constant dense<0.000000e+00> : vector<256xf32>
    %reduce_sum3A_314 = vector.multi_reduction <add>, %mul3A_312, %reduce_sum3A_313 [1] : vector<256x64xf32> to vector<256xf32>
    %broadcast_in_dim3A_315 = vector.shape_cast %reduce_sum3A_314 : vector<256xf32> to vector<256x1xf32>
    %slice3A_316 = vector.extract_strided_slice %reshape3A_52 {offsets = [44, 0, 0], sizes = [1, 256, 64], strides = [1, 1, 1]} : vector<50x256x64xf32> to vector<1x256x64xf32>
    %squeeze3A_317 = vector.shape_cast %slice3A_316 : vector<1x256x64xf32> to vector<256x64xf32>
    %mul3A_318 = arith.mulf %squeeze3A_317, %get3A_55 : vector<256x64xf32>
    %reduce_sum3A_319 = arith.constant dense<0.000000e+00> : vector<256xf32>
    %reduce_sum3A_320 = vector.multi_reduction <add>, %mul3A_318, %reduce_sum3A_319 [1] : vector<256x64xf32> to vector<256xf32>
    %broadcast_in_dim3A_321 = vector.shape_cast %reduce_sum3A_320 : vector<256xf32> to vector<256x1xf32>
    %slice3A_322 = vector.extract_strided_slice %reshape3A_52 {offsets = [45, 0, 0], sizes = [1, 256, 64], strides = [1, 1, 1]} : vector<50x256x64xf32> to vector<1x256x64xf32>
    %squeeze3A_323 = vector.shape_cast %slice3A_322 : vector<1x256x64xf32> to vector<256x64xf32>
    %mul3A_324 = arith.mulf %squeeze3A_323, %get3A_55 : vector<256x64xf32>
    %reduce_sum3A_325 = arith.constant dense<0.000000e+00> : vector<256xf32>
    %reduce_sum3A_326 = vector.multi_reduction <add>, %mul3A_324, %reduce_sum3A_325 [1] : vector<256x64xf32> to vector<256xf32>
    %broadcast_in_dim3A_327 = vector.shape_cast %reduce_sum3A_326 : vector<256xf32> to vector<256x1xf32>
    %slice3A_328 = vector.extract_strided_slice %reshape3A_52 {offsets = [46, 0, 0], sizes = [1, 256, 64], strides = [1, 1, 1]} : vector<50x256x64xf32> to vector<1x256x64xf32>
    %squeeze3A_329 = vector.shape_cast %slice3A_328 : vector<1x256x64xf32> to vector<256x64xf32>
    %mul3A_330 = arith.mulf %squeeze3A_329, %get3A_55 : vector<256x64xf32>
    %reduce_sum3A_331 = arith.constant dense<0.000000e+00> : vector<256xf32>
    %reduce_sum3A_332 = vector.multi_reduction <add>, %mul3A_330, %reduce_sum3A_331 [1] : vector<256x64xf32> to vector<256xf32>
    %broadcast_in_dim3A_333 = vector.shape_cast %reduce_sum3A_332 : vector<256xf32> to vector<256x1xf32>
    %slice3A_334 = vector.extract_strided_slice %reshape3A_52 {offsets = [47, 0, 0], sizes = [1, 256, 64], strides = [1, 1, 1]} : vector<50x256x64xf32> to vector<1x256x64xf32>
    %squeeze3A_335 = vector.shape_cast %slice3A_334 : vector<1x256x64xf32> to vector<256x64xf32>
    %mul3A_336 = arith.mulf %squeeze3A_335, %get3A_55 : vector<256x64xf32>
    %reduce_sum3A_337 = arith.constant dense<0.000000e+00> : vector<256xf32>
    %reduce_sum3A_338 = vector.multi_reduction <add>, %mul3A_336, %reduce_sum3A_337 [1] : vector<256x64xf32> to vector<256xf32>
    %broadcast_in_dim3A_339 = vector.shape_cast %reduce_sum3A_338 : vector<256xf32> to vector<256x1xf32>
    %slice3A_340 = vector.extract_strided_slice %reshape3A_52 {offsets = [48, 0, 0], sizes = [1, 256, 64], strides = [1, 1, 1]} : vector<50x256x64xf32> to vector<1x256x64xf32>
    %squeeze3A_341 = vector.shape_cast %slice3A_340 : vector<1x256x64xf32> to vector<256x64xf32>
    %mul3A_342 = arith.mulf %squeeze3A_341, %get3A_55 : vector<256x64xf32>
    %reduce_sum3A_343 = arith.constant dense<0.000000e+00> : vector<256xf32>
    %reduce_sum3A_344 = vector.multi_reduction <add>, %mul3A_342, %reduce_sum3A_343 [1] : vector<256x64xf32> to vector<256xf32>
    %broadcast_in_dim3A_345 = vector.shape_cast %reduce_sum3A_344 : vector<256xf32> to vector<256x1xf32>
    %slice3A_346 = vector.extract_strided_slice %reshape3A_52 {offsets = [49, 0, 0], sizes = [1, 256, 64], strides = [1, 1, 1]} : vector<50x256x64xf32> to vector<1x256x64xf32>
    %squeeze3A_347 = vector.shape_cast %slice3A_346 : vector<1x256x64xf32> to vector<256x64xf32>
    %mul3A_348 = arith.mulf %squeeze3A_347, %get3A_55 : vector<256x64xf32>
    %reduce_sum3A_349 = arith.constant dense<0.000000e+00> : vector<256xf32>
    %reduce_sum3A_350 = vector.multi_reduction <add>, %mul3A_348, %reduce_sum3A_349 [1] : vector<256x64xf32> to vector<256xf32>
    %broadcast_in_dim3A_351 = vector.shape_cast %reduce_sum3A_350 : vector<256xf32> to vector<256x1xf32>
    %concatenate3A = tpu.concatenate %broadcast_in_dim3A, %broadcast_in_dim3A_63, %broadcast_in_dim3A_69, %broadcast_in_dim3A_75, %broadcast_in_dim3A_81, %broadcast_in_dim3A_87, %broadcast_in_dim3A_93, %broadcast_in_dim3A_99, %broadcast_in_dim3A_105, %broadcast_in_dim3A_111, %broadcast_in_dim3A_117, %broadcast_in_dim3A_123, %broadcast_in_dim3A_129, %broadcast_in_dim3A_135, %broadcast_in_dim3A_141, %broadcast_in_dim3A_147, %broadcast_in_dim3A_153, %broadcast_in_dim3A_159, %broadcast_in_dim3A_165, %broadcast_in_dim3A_171, %broadcast_in_dim3A_177, %broadcast_in_dim3A_183, %broadcast_in_dim3A_189, %broadcast_in_dim3A_195, %broadcast_in_dim3A_201, %broadcast_in_dim3A_207, %broadcast_in_dim3A_213, %broadcast_in_dim3A_219, %broadcast_in_dim3A_225, %broadcast_in_dim3A_231, %broadcast_in_dim3A_237, %broadcast_in_dim3A_243, %broadcast_in_dim3A_249, %broadcast_in_dim3A_255, %broadcast_in_dim3A_261, %broadcast_in_dim3A_267, %broadcast_in_dim3A_273, %broadcast_in_dim3A_279, %broadcast_in_dim3A_285, %broadcast_in_dim3A_291, %broadcast_in_dim3A_297, %broadcast_in_dim3A_303, %broadcast_in_dim3A_309, %broadcast_in_dim3A_315, %broadcast_in_dim3A_321, %broadcast_in_dim3A_327, %broadcast_in_dim3A_333, %broadcast_in_dim3A_339, %broadcast_in_dim3A_345, %broadcast_in_dim3A_351 in 1 : vector<256x1xf32>, vector<256x1xf32>, vector<256x1xf32>, vector<256x1xf32>, vector<256x1xf32>, vector<256x1xf32>, vector<256x1xf32>, vector<256x1xf32>, vector<256x1xf32>, vector<256x1xf32>, vector<256x1xf32>, vector<256x1xf32>, vector<256x1xf32>, vector<256x1xf32>, vector<256x1xf32>, vector<256x1xf32>, vector<256x1xf32>, vector<256x1xf32>, vector<256x1xf32>, vector<256x1xf32>, vector<256x1xf32>, vector<256x1xf32>, vector<256x1xf32>, vector<256x1xf32>, vector<256x1xf32>, vector<256x1xf32>, vector<256x1xf32>, vector<256x1xf32>, vector<256x1xf32>, vector<256x1xf32>, vector<256x1xf32>, vector<256x1xf32>, vector<256x1xf32>, vector<256x1xf32>, vector<256x1xf32>, vector<256x1xf32>, vector<256x1xf32>, vector<256x1xf32>, vector<256x1xf32>, vector<256x1xf32>, vector<256x1xf32>, vector<256x1xf32>, vector<256x1xf32>, vector<256x1xf32>, vector<256x1xf32>, vector<256x1xf32>, vector<256x1xf32>, vector<256x1xf32>, vector<256x1xf32>, vector<256x1xf32> -> vector<256x50xf32>
    %reduce_max3A = arith.constant dense<0xFF800000> : vector<256xf32>
    %reduce_max3A_352 = vector.multi_reduction <maximumf>, %concatenate3A, %reduce_max3A [1] : vector<256x50xf32> to vector<256xf32>
    %broadcast_in_dim3A_353 = vector.shape_cast %reduce_max3A_352 : vector<256xf32> to vector<256x1xf32>
    %sub3A_354 = vector.broadcast %broadcast_in_dim3A_353 : vector<256x1xf32> to vector<256x50xf32>
    %sub3A_355 = arith.subf %concatenate3A, %sub3A_354 : vector<256x50xf32>
    %exp3A = math.exp %sub3A_355 : vector<256x50xf32>
    %reduce_sum3A_356 = arith.constant dense<0.000000e+00> : vector<256xf32>
    %reduce_sum3A_357 = vector.multi_reduction <add>, %exp3A, %reduce_sum3A_356 [1] : vector<256x50xf32> to vector<256xf32>
    %broadcast_in_dim3A_358 = vector.shape_cast %reduce_sum3A_357 : vector<256xf32> to vector<256x1xf32>
    %div3A = vector.broadcast %broadcast_in_dim3A_358 : vector<256x1xf32> to vector<256x50xf32>
    %div3A_359 = arith.divf %exp3A, %div3A : vector<256x50xf32>
    %broadcast_in_dim3A_360 = arith.constant 0.000000e+00 : f32
    %broadcast_in_dim3A_361 = vector.broadcast %broadcast_in_dim3A_360 : f32 to vector<256x64xf32>
    %slice3A_362 = vector.extract_strided_slice %get3A_41 {offsets = [0, 0, 0], sizes = [1, 256, 64], strides = [1, 1, 1]} : vector<50x256x64xf32> to vector<1x256x64xf32>
    %squeeze3A_363 = vector.shape_cast %slice3A_362 : vector<1x256x64xf32> to vector<256x64xf32>
    %slice3A_364 = vector.extract_strided_slice %div3A_359 {offsets = [0, 0], sizes = [256, 1], strides = [1, 1]} : vector<256x50xf32> to vector<256x1xf32>
    %mul3A_365 = vector.broadcast %slice3A_364 : vector<256x1xf32> to vector<256x64xf32>
    %mul3A_366 = arith.mulf %squeeze3A_363, %mul3A_365 : vector<256x64xf32>
    %add3A_367 = arith.addf %broadcast_in_dim3A_361, %mul3A_366 : vector<256x64xf32>
    %slice3A_368 = vector.extract_strided_slice %get3A_41 {offsets = [1, 0, 0], sizes = [1, 256, 64], strides = [1, 1, 1]} : vector<50x256x64xf32> to vector<1x256x64xf32>
    %squeeze3A_369 = vector.shape_cast %slice3A_368 : vector<1x256x64xf32> to vector<256x64xf32>
    %slice3A_370 = vector.extract_strided_slice %div3A_359 {offsets = [0, 1], sizes = [256, 1], strides = [1, 1]} : vector<256x50xf32> to vector<256x1xf32>
    %mul3A_371 = vector.broadcast %slice3A_370 : vector<256x1xf32> to vector<256x64xf32>
    %mul3A_372 = arith.mulf %squeeze3A_369, %mul3A_371 : vector<256x64xf32>
    %add3A_373 = arith.addf %add3A_367, %mul3A_372 : vector<256x64xf32>
    %slice3A_374 = vector.extract_strided_slice %get3A_41 {offsets = [2, 0, 0], sizes = [1, 256, 64], strides = [1, 1, 1]} : vector<50x256x64xf32> to vector<1x256x64xf32>
    %squeeze3A_375 = vector.shape_cast %slice3A_374 : vector<1x256x64xf32> to vector<256x64xf32>
    %slice3A_376 = vector.extract_strided_slice %div3A_359 {offsets = [0, 2], sizes = [256, 1], strides = [1, 1]} : vector<256x50xf32> to vector<256x1xf32>
    %mul3A_377 = vector.broadcast %slice3A_376 : vector<256x1xf32> to vector<256x64xf32>
    %mul3A_378 = arith.mulf %squeeze3A_375, %mul3A_377 : vector<256x64xf32>
    %add3A_379 = arith.addf %add3A_373, %mul3A_378 : vector<256x64xf32>
    %slice3A_380 = vector.extract_strided_slice %get3A_41 {offsets = [3, 0, 0], sizes = [1, 256, 64], strides = [1, 1, 1]} : vector<50x256x64xf32> to vector<1x256x64xf32>
    %squeeze3A_381 = vector.shape_cast %slice3A_380 : vector<1x256x64xf32> to vector<256x64xf32>
    %slice3A_382 = vector.extract_strided_slice %div3A_359 {offsets = [0, 3], sizes = [256, 1], strides = [1, 1]} : vector<256x50xf32> to vector<256x1xf32>
    %mul3A_383 = vector.broadcast %slice3A_382 : vector<256x1xf32> to vector<256x64xf32>
    %mul3A_384 = arith.mulf %squeeze3A_381, %mul3A_383 : vector<256x64xf32>
    %add3A_385 = arith.addf %add3A_379, %mul3A_384 : vector<256x64xf32>
    %slice3A_386 = vector.extract_strided_slice %get3A_41 {offsets = [4, 0, 0], sizes = [1, 256, 64], strides = [1, 1, 1]} : vector<50x256x64xf32> to vector<1x256x64xf32>
    %squeeze3A_387 = vector.shape_cast %slice3A_386 : vector<1x256x64xf32> to vector<256x64xf32>
    %slice3A_388 = vector.extract_strided_slice %div3A_359 {offsets = [0, 4], sizes = [256, 1], strides = [1, 1]} : vector<256x50xf32> to vector<256x1xf32>
    %mul3A_389 = vector.broadcast %slice3A_388 : vector<256x1xf32> to vector<256x64xf32>
    %mul3A_390 = arith.mulf %squeeze3A_387, %mul3A_389 : vector<256x64xf32>
    %add3A_391 = arith.addf %add3A_385, %mul3A_390 : vector<256x64xf32>
    %slice3A_392 = vector.extract_strided_slice %get3A_41 {offsets = [5, 0, 0], sizes = [1, 256, 64], strides = [1, 1, 1]} : vector<50x256x64xf32> to vector<1x256x64xf32>
    %squeeze3A_393 = vector.shape_cast %slice3A_392 : vector<1x256x64xf32> to vector<256x64xf32>
    %slice3A_394 = vector.extract_strided_slice %div3A_359 {offsets = [0, 5], sizes = [256, 1], strides = [1, 1]} : vector<256x50xf32> to vector<256x1xf32>
    %mul3A_395 = vector.broadcast %slice3A_394 : vector<256x1xf32> to vector<256x64xf32>
    %mul3A_396 = arith.mulf %squeeze3A_393, %mul3A_395 : vector<256x64xf32>
    %add3A_397 = arith.addf %add3A_391, %mul3A_396 : vector<256x64xf32>
    %slice3A_398 = vector.extract_strided_slice %get3A_41 {offsets = [6, 0, 0], sizes = [1, 256, 64], strides = [1, 1, 1]} : vector<50x256x64xf32> to vector<1x256x64xf32>
    %squeeze3A_399 = vector.shape_cast %slice3A_398 : vector<1x256x64xf32> to vector<256x64xf32>
    %slice3A_400 = vector.extract_strided_slice %div3A_359 {offsets = [0, 6], sizes = [256, 1], strides = [1, 1]} : vector<256x50xf32> to vector<256x1xf32>
    %mul3A_401 = vector.broadcast %slice3A_400 : vector<256x1xf32> to vector<256x64xf32>
    %mul3A_402 = arith.mulf %squeeze3A_399, %mul3A_401 : vector<256x64xf32>
    %add3A_403 = arith.addf %add3A_397, %mul3A_402 : vector<256x64xf32>
    %slice3A_404 = vector.extract_strided_slice %get3A_41 {offsets = [7, 0, 0], sizes = [1, 256, 64], strides = [1, 1, 1]} : vector<50x256x64xf32> to vector<1x256x64xf32>
    %squeeze3A_405 = vector.shape_cast %slice3A_404 : vector<1x256x64xf32> to vector<256x64xf32>
    %slice3A_406 = vector.extract_strided_slice %div3A_359 {offsets = [0, 7], sizes = [256, 1], strides = [1, 1]} : vector<256x50xf32> to vector<256x1xf32>
    %mul3A_407 = vector.broadcast %slice3A_406 : vector<256x1xf32> to vector<256x64xf32>
    %mul3A_408 = arith.mulf %squeeze3A_405, %mul3A_407 : vector<256x64xf32>
    %add3A_409 = arith.addf %add3A_403, %mul3A_408 : vector<256x64xf32>
    %slice3A_410 = vector.extract_strided_slice %get3A_41 {offsets = [8, 0, 0], sizes = [1, 256, 64], strides = [1, 1, 1]} : vector<50x256x64xf32> to vector<1x256x64xf32>
    %squeeze3A_411 = vector.shape_cast %slice3A_410 : vector<1x256x64xf32> to vector<256x64xf32>
    %slice3A_412 = vector.extract_strided_slice %div3A_359 {offsets = [0, 8], sizes = [256, 1], strides = [1, 1]} : vector<256x50xf32> to vector<256x1xf32>
    %mul3A_413 = vector.broadcast %slice3A_412 : vector<256x1xf32> to vector<256x64xf32>
    %mul3A_414 = arith.mulf %squeeze3A_411, %mul3A_413 : vector<256x64xf32>
    %add3A_415 = arith.addf %add3A_409, %mul3A_414 : vector<256x64xf32>
    %slice3A_416 = vector.extract_strided_slice %get3A_41 {offsets = [9, 0, 0], sizes = [1, 256, 64], strides = [1, 1, 1]} : vector<50x256x64xf32> to vector<1x256x64xf32>
    %squeeze3A_417 = vector.shape_cast %slice3A_416 : vector<1x256x64xf32> to vector<256x64xf32>
    %slice3A_418 = vector.extract_strided_slice %div3A_359 {offsets = [0, 9], sizes = [256, 1], strides = [1, 1]} : vector<256x50xf32> to vector<256x1xf32>
    %mul3A_419 = vector.broadcast %slice3A_418 : vector<256x1xf32> to vector<256x64xf32>
    %mul3A_420 = arith.mulf %squeeze3A_417, %mul3A_419 : vector<256x64xf32>
    %add3A_421 = arith.addf %add3A_415, %mul3A_420 : vector<256x64xf32>
    %slice3A_422 = vector.extract_strided_slice %get3A_41 {offsets = [10, 0, 0], sizes = [1, 256, 64], strides = [1, 1, 1]} : vector<50x256x64xf32> to vector<1x256x64xf32>
    %squeeze3A_423 = vector.shape_cast %slice3A_422 : vector<1x256x64xf32> to vector<256x64xf32>
    %slice3A_424 = vector.extract_strided_slice %div3A_359 {offsets = [0, 10], sizes = [256, 1], strides = [1, 1]} : vector<256x50xf32> to vector<256x1xf32>
    %mul3A_425 = vector.broadcast %slice3A_424 : vector<256x1xf32> to vector<256x64xf32>
    %mul3A_426 = arith.mulf %squeeze3A_423, %mul3A_425 : vector<256x64xf32>
    %add3A_427 = arith.addf %add3A_421, %mul3A_426 : vector<256x64xf32>
    %slice3A_428 = vector.extract_strided_slice %get3A_41 {offsets = [11, 0, 0], sizes = [1, 256, 64], strides = [1, 1, 1]} : vector<50x256x64xf32> to vector<1x256x64xf32>
    %squeeze3A_429 = vector.shape_cast %slice3A_428 : vector<1x256x64xf32> to vector<256x64xf32>
    %slice3A_430 = vector.extract_strided_slice %div3A_359 {offsets = [0, 11], sizes = [256, 1], strides = [1, 1]} : vector<256x50xf32> to vector<256x1xf32>
    %mul3A_431 = vector.broadcast %slice3A_430 : vector<256x1xf32> to vector<256x64xf32>
    %mul3A_432 = arith.mulf %squeeze3A_429, %mul3A_431 : vector<256x64xf32>
    %add3A_433 = arith.addf %add3A_427, %mul3A_432 : vector<256x64xf32>
    %slice3A_434 = vector.extract_strided_slice %get3A_41 {offsets = [12, 0, 0], sizes = [1, 256, 64], strides = [1, 1, 1]} : vector<50x256x64xf32> to vector<1x256x64xf32>
    %squeeze3A_435 = vector.shape_cast %slice3A_434 : vector<1x256x64xf32> to vector<256x64xf32>
    %slice3A_436 = vector.extract_strided_slice %div3A_359 {offsets = [0, 12], sizes = [256, 1], strides = [1, 1]} : vector<256x50xf32> to vector<256x1xf32>
    %mul3A_437 = vector.broadcast %slice3A_436 : vector<256x1xf32> to vector<256x64xf32>
    %mul3A_438 = arith.mulf %squeeze3A_435, %mul3A_437 : vector<256x64xf32>
    %add3A_439 = arith.addf %add3A_433, %mul3A_438 : vector<256x64xf32>
    %slice3A_440 = vector.extract_strided_slice %get3A_41 {offsets = [13, 0, 0], sizes = [1, 256, 64], strides = [1, 1, 1]} : vector<50x256x64xf32> to vector<1x256x64xf32>
    %squeeze3A_441 = vector.shape_cast %slice3A_440 : vector<1x256x64xf32> to vector<256x64xf32>
    %slice3A_442 = vector.extract_strided_slice %div3A_359 {offsets = [0, 13], sizes = [256, 1], strides = [1, 1]} : vector<256x50xf32> to vector<256x1xf32>
    %mul3A_443 = vector.broadcast %slice3A_442 : vector<256x1xf32> to vector<256x64xf32>
    %mul3A_444 = arith.mulf %squeeze3A_441, %mul3A_443 : vector<256x64xf32>
    %add3A_445 = arith.addf %add3A_439, %mul3A_444 : vector<256x64xf32>
    %slice3A_446 = vector.extract_strided_slice %get3A_41 {offsets = [14, 0, 0], sizes = [1, 256, 64], strides = [1, 1, 1]} : vector<50x256x64xf32> to vector<1x256x64xf32>
    %squeeze3A_447 = vector.shape_cast %slice3A_446 : vector<1x256x64xf32> to vector<256x64xf32>
    %slice3A_448 = vector.extract_strided_slice %div3A_359 {offsets = [0, 14], sizes = [256, 1], strides = [1, 1]} : vector<256x50xf32> to vector<256x1xf32>
    %mul3A_449 = vector.broadcast %slice3A_448 : vector<256x1xf32> to vector<256x64xf32>
    %mul3A_450 = arith.mulf %squeeze3A_447, %mul3A_449 : vector<256x64xf32>
    %add3A_451 = arith.addf %add3A_445, %mul3A_450 : vector<256x64xf32>
    %slice3A_452 = vector.extract_strided_slice %get3A_41 {offsets = [15, 0, 0], sizes = [1, 256, 64], strides = [1, 1, 1]} : vector<50x256x64xf32> to vector<1x256x64xf32>
    %squeeze3A_453 = vector.shape_cast %slice3A_452 : vector<1x256x64xf32> to vector<256x64xf32>
    %slice3A_454 = vector.extract_strided_slice %div3A_359 {offsets = [0, 15], sizes = [256, 1], strides = [1, 1]} : vector<256x50xf32> to vector<256x1xf32>
    %mul3A_455 = vector.broadcast %slice3A_454 : vector<256x1xf32> to vector<256x64xf32>
    %mul3A_456 = arith.mulf %squeeze3A_453, %mul3A_455 : vector<256x64xf32>
    %add3A_457 = arith.addf %add3A_451, %mul3A_456 : vector<256x64xf32>
    %slice3A_458 = vector.extract_strided_slice %get3A_41 {offsets = [16, 0, 0], sizes = [1, 256, 64], strides = [1, 1, 1]} : vector<50x256x64xf32> to vector<1x256x64xf32>
    %squeeze3A_459 = vector.shape_cast %slice3A_458 : vector<1x256x64xf32> to vector<256x64xf32>
    %slice3A_460 = vector.extract_strided_slice %div3A_359 {offsets = [0, 16], sizes = [256, 1], strides = [1, 1]} : vector<256x50xf32> to vector<256x1xf32>
    %mul3A_461 = vector.broadcast %slice3A_460 : vector<256x1xf32> to vector<256x64xf32>
    %mul3A_462 = arith.mulf %squeeze3A_459, %mul3A_461 : vector<256x64xf32>
    %add3A_463 = arith.addf %add3A_457, %mul3A_462 : vector<256x64xf32>
    %slice3A_464 = vector.extract_strided_slice %get3A_41 {offsets = [17, 0, 0], sizes = [1, 256, 64], strides = [1, 1, 1]} : vector<50x256x64xf32> to vector<1x256x64xf32>
    %squeeze3A_465 = vector.shape_cast %slice3A_464 : vector<1x256x64xf32> to vector<256x64xf32>
    %slice3A_466 = vector.extract_strided_slice %div3A_359 {offsets = [0, 17], sizes = [256, 1], strides = [1, 1]} : vector<256x50xf32> to vector<256x1xf32>
    %mul3A_467 = vector.broadcast %slice3A_466 : vector<256x1xf32> to vector<256x64xf32>
    %mul3A_468 = arith.mulf %squeeze3A_465, %mul3A_467 : vector<256x64xf32>
    %add3A_469 = arith.addf %add3A_463, %mul3A_468 : vector<256x64xf32>
    %slice3A_470 = vector.extract_strided_slice %get3A_41 {offsets = [18, 0, 0], sizes = [1, 256, 64], strides = [1, 1, 1]} : vector<50x256x64xf32> to vector<1x256x64xf32>
    %squeeze3A_471 = vector.shape_cast %slice3A_470 : vector<1x256x64xf32> to vector<256x64xf32>
    %slice3A_472 = vector.extract_strided_slice %div3A_359 {offsets = [0, 18], sizes = [256, 1], strides = [1, 1]} : vector<256x50xf32> to vector<256x1xf32>
    %mul3A_473 = vector.broadcast %slice3A_472 : vector<256x1xf32> to vector<256x64xf32>
    %mul3A_474 = arith.mulf %squeeze3A_471, %mul3A_473 : vector<256x64xf32>
    %add3A_475 = arith.addf %add3A_469, %mul3A_474 : vector<256x64xf32>
    %slice3A_476 = vector.extract_strided_slice %get3A_41 {offsets = [19, 0, 0], sizes = [1, 256, 64], strides = [1, 1, 1]} : vector<50x256x64xf32> to vector<1x256x64xf32>
    %squeeze3A_477 = vector.shape_cast %slice3A_476 : vector<1x256x64xf32> to vector<256x64xf32>
    %slice3A_478 = vector.extract_strided_slice %div3A_359 {offsets = [0, 19], sizes = [256, 1], strides = [1, 1]} : vector<256x50xf32> to vector<256x1xf32>
    %mul3A_479 = vector.broadcast %slice3A_478 : vector<256x1xf32> to vector<256x64xf32>
    %mul3A_480 = arith.mulf %squeeze3A_477, %mul3A_479 : vector<256x64xf32>
    %add3A_481 = arith.addf %add3A_475, %mul3A_480 : vector<256x64xf32>
    %slice3A_482 = vector.extract_strided_slice %get3A_41 {offsets = [20, 0, 0], sizes = [1, 256, 64], strides = [1, 1, 1]} : vector<50x256x64xf32> to vector<1x256x64xf32>
    %squeeze3A_483 = vector.shape_cast %slice3A_482 : vector<1x256x64xf32> to vector<256x64xf32>
    %slice3A_484 = vector.extract_strided_slice %div3A_359 {offsets = [0, 20], sizes = [256, 1], strides = [1, 1]} : vector<256x50xf32> to vector<256x1xf32>
    %mul3A_485 = vector.broadcast %slice3A_484 : vector<256x1xf32> to vector<256x64xf32>
    %mul3A_486 = arith.mulf %squeeze3A_483, %mul3A_485 : vector<256x64xf32>
    %add3A_487 = arith.addf %add3A_481, %mul3A_486 : vector<256x64xf32>
    %slice3A_488 = vector.extract_strided_slice %get3A_41 {offsets = [21, 0, 0], sizes = [1, 256, 64], strides = [1, 1, 1]} : vector<50x256x64xf32> to vector<1x256x64xf32>
    %squeeze3A_489 = vector.shape_cast %slice3A_488 : vector<1x256x64xf32> to vector<256x64xf32>
    %slice3A_490 = vector.extract_strided_slice %div3A_359 {offsets = [0, 21], sizes = [256, 1], strides = [1, 1]} : vector<256x50xf32> to vector<256x1xf32>
    %mul3A_491 = vector.broadcast %slice3A_490 : vector<256x1xf32> to vector<256x64xf32>
    %mul3A_492 = arith.mulf %squeeze3A_489, %mul3A_491 : vector<256x64xf32>
    %add3A_493 = arith.addf %add3A_487, %mul3A_492 : vector<256x64xf32>
    %slice3A_494 = vector.extract_strided_slice %get3A_41 {offsets = [22, 0, 0], sizes = [1, 256, 64], strides = [1, 1, 1]} : vector<50x256x64xf32> to vector<1x256x64xf32>
    %squeeze3A_495 = vector.shape_cast %slice3A_494 : vector<1x256x64xf32> to vector<256x64xf32>
    %slice3A_496 = vector.extract_strided_slice %div3A_359 {offsets = [0, 22], sizes = [256, 1], strides = [1, 1]} : vector<256x50xf32> to vector<256x1xf32>
    %mul3A_497 = vector.broadcast %slice3A_496 : vector<256x1xf32> to vector<256x64xf32>
    %mul3A_498 = arith.mulf %squeeze3A_495, %mul3A_497 : vector<256x64xf32>
    %add3A_499 = arith.addf %add3A_493, %mul3A_498 : vector<256x64xf32>
    %slice3A_500 = vector.extract_strided_slice %get3A_41 {offsets = [23, 0, 0], sizes = [1, 256, 64], strides = [1, 1, 1]} : vector<50x256x64xf32> to vector<1x256x64xf32>
    %squeeze3A_501 = vector.shape_cast %slice3A_500 : vector<1x256x64xf32> to vector<256x64xf32>
    %slice3A_502 = vector.extract_strided_slice %div3A_359 {offsets = [0, 23], sizes = [256, 1], strides = [1, 1]} : vector<256x50xf32> to vector<256x1xf32>
    %mul3A_503 = vector.broadcast %slice3A_502 : vector<256x1xf32> to vector<256x64xf32>
    %mul3A_504 = arith.mulf %squeeze3A_501, %mul3A_503 : vector<256x64xf32>
    %add3A_505 = arith.addf %add3A_499, %mul3A_504 : vector<256x64xf32>
    %slice3A_506 = vector.extract_strided_slice %get3A_41 {offsets = [24, 0, 0], sizes = [1, 256, 64], strides = [1, 1, 1]} : vector<50x256x64xf32> to vector<1x256x64xf32>
    %squeeze3A_507 = vector.shape_cast %slice3A_506 : vector<1x256x64xf32> to vector<256x64xf32>
    %slice3A_508 = vector.extract_strided_slice %div3A_359 {offsets = [0, 24], sizes = [256, 1], strides = [1, 1]} : vector<256x50xf32> to vector<256x1xf32>
    %mul3A_509 = vector.broadcast %slice3A_508 : vector<256x1xf32> to vector<256x64xf32>
    %mul3A_510 = arith.mulf %squeeze3A_507, %mul3A_509 : vector<256x64xf32>
    %add3A_511 = arith.addf %add3A_505, %mul3A_510 : vector<256x64xf32>
    %slice3A_512 = vector.extract_strided_slice %get3A_41 {offsets = [25, 0, 0], sizes = [1, 256, 64], strides = [1, 1, 1]} : vector<50x256x64xf32> to vector<1x256x64xf32>
    %squeeze3A_513 = vector.shape_cast %slice3A_512 : vector<1x256x64xf32> to vector<256x64xf32>
    %slice3A_514 = vector.extract_strided_slice %div3A_359 {offsets = [0, 25], sizes = [256, 1], strides = [1, 1]} : vector<256x50xf32> to vector<256x1xf32>
    %mul3A_515 = vector.broadcast %slice3A_514 : vector<256x1xf32> to vector<256x64xf32>
    %mul3A_516 = arith.mulf %squeeze3A_513, %mul3A_515 : vector<256x64xf32>
    %add3A_517 = arith.addf %add3A_511, %mul3A_516 : vector<256x64xf32>
    %slice3A_518 = vector.extract_strided_slice %get3A_41 {offsets = [26, 0, 0], sizes = [1, 256, 64], strides = [1, 1, 1]} : vector<50x256x64xf32> to vector<1x256x64xf32>
    %squeeze3A_519 = vector.shape_cast %slice3A_518 : vector<1x256x64xf32> to vector<256x64xf32>
    %slice3A_520 = vector.extract_strided_slice %div3A_359 {offsets = [0, 26], sizes = [256, 1], strides = [1, 1]} : vector<256x50xf32> to vector<256x1xf32>
    %mul3A_521 = vector.broadcast %slice3A_520 : vector<256x1xf32> to vector<256x64xf32>
    %mul3A_522 = arith.mulf %squeeze3A_519, %mul3A_521 : vector<256x64xf32>
    %add3A_523 = arith.addf %add3A_517, %mul3A_522 : vector<256x64xf32>
    %slice3A_524 = vector.extract_strided_slice %get3A_41 {offsets = [27, 0, 0], sizes = [1, 256, 64], strides = [1, 1, 1]} : vector<50x256x64xf32> to vector<1x256x64xf32>
    %squeeze3A_525 = vector.shape_cast %slice3A_524 : vector<1x256x64xf32> to vector<256x64xf32>
    %slice3A_526 = vector.extract_strided_slice %div3A_359 {offsets = [0, 27], sizes = [256, 1], strides = [1, 1]} : vector<256x50xf32> to vector<256x1xf32>
    %mul3A_527 = vector.broadcast %slice3A_526 : vector<256x1xf32> to vector<256x64xf32>
    %mul3A_528 = arith.mulf %squeeze3A_525, %mul3A_527 : vector<256x64xf32>
    %add3A_529 = arith.addf %add3A_523, %mul3A_528 : vector<256x64xf32>
    %slice3A_530 = vector.extract_strided_slice %get3A_41 {offsets = [28, 0, 0], sizes = [1, 256, 64], strides = [1, 1, 1]} : vector<50x256x64xf32> to vector<1x256x64xf32>
    %squeeze3A_531 = vector.shape_cast %slice3A_530 : vector<1x256x64xf32> to vector<256x64xf32>
    %slice3A_532 = vector.extract_strided_slice %div3A_359 {offsets = [0, 28], sizes = [256, 1], strides = [1, 1]} : vector<256x50xf32> to vector<256x1xf32>
    %mul3A_533 = vector.broadcast %slice3A_532 : vector<256x1xf32> to vector<256x64xf32>
    %mul3A_534 = arith.mulf %squeeze3A_531, %mul3A_533 : vector<256x64xf32>
    %add3A_535 = arith.addf %add3A_529, %mul3A_534 : vector<256x64xf32>
    %slice3A_536 = vector.extract_strided_slice %get3A_41 {offsets = [29, 0, 0], sizes = [1, 256, 64], strides = [1, 1, 1]} : vector<50x256x64xf32> to vector<1x256x64xf32>
    %squeeze3A_537 = vector.shape_cast %slice3A_536 : vector<1x256x64xf32> to vector<256x64xf32>
    %slice3A_538 = vector.extract_strided_slice %div3A_359 {offsets = [0, 29], sizes = [256, 1], strides = [1, 1]} : vector<256x50xf32> to vector<256x1xf32>
    %mul3A_539 = vector.broadcast %slice3A_538 : vector<256x1xf32> to vector<256x64xf32>
    %mul3A_540 = arith.mulf %squeeze3A_537, %mul3A_539 : vector<256x64xf32>
    %add3A_541 = arith.addf %add3A_535, %mul3A_540 : vector<256x64xf32>
    %slice3A_542 = vector.extract_strided_slice %get3A_41 {offsets = [30, 0, 0], sizes = [1, 256, 64], strides = [1, 1, 1]} : vector<50x256x64xf32> to vector<1x256x64xf32>
    %squeeze3A_543 = vector.shape_cast %slice3A_542 : vector<1x256x64xf32> to vector<256x64xf32>
    %slice3A_544 = vector.extract_strided_slice %div3A_359 {offsets = [0, 30], sizes = [256, 1], strides = [1, 1]} : vector<256x50xf32> to vector<256x1xf32>
    %mul3A_545 = vector.broadcast %slice3A_544 : vector<256x1xf32> to vector<256x64xf32>
    %mul3A_546 = arith.mulf %squeeze3A_543, %mul3A_545 : vector<256x64xf32>
    %add3A_547 = arith.addf %add3A_541, %mul3A_546 : vector<256x64xf32>
    %slice3A_548 = vector.extract_strided_slice %get3A_41 {offsets = [31, 0, 0], sizes = [1, 256, 64], strides = [1, 1, 1]} : vector<50x256x64xf32> to vector<1x256x64xf32>
    %squeeze3A_549 = vector.shape_cast %slice3A_548 : vector<1x256x64xf32> to vector<256x64xf32>
    %slice3A_550 = vector.extract_strided_slice %div3A_359 {offsets = [0, 31], sizes = [256, 1], strides = [1, 1]} : vector<256x50xf32> to vector<256x1xf32>
    %mul3A_551 = vector.broadcast %slice3A_550 : vector<256x1xf32> to vector<256x64xf32>
    %mul3A_552 = arith.mulf %squeeze3A_549, %mul3A_551 : vector<256x64xf32>
    %add3A_553 = arith.addf %add3A_547, %mul3A_552 : vector<256x64xf32>
    %slice3A_554 = vector.extract_strided_slice %get3A_41 {offsets = [32, 0, 0], sizes = [1, 256, 64], strides = [1, 1, 1]} : vector<50x256x64xf32> to vector<1x256x64xf32>
    %squeeze3A_555 = vector.shape_cast %slice3A_554 : vector<1x256x64xf32> to vector<256x64xf32>
    %slice3A_556 = vector.extract_strided_slice %div3A_359 {offsets = [0, 32], sizes = [256, 1], strides = [1, 1]} : vector<256x50xf32> to vector<256x1xf32>
    %mul3A_557 = vector.broadcast %slice3A_556 : vector<256x1xf32> to vector<256x64xf32>
    %mul3A_558 = arith.mulf %squeeze3A_555, %mul3A_557 : vector<256x64xf32>
    %add3A_559 = arith.addf %add3A_553, %mul3A_558 : vector<256x64xf32>
    %slice3A_560 = vector.extract_strided_slice %get3A_41 {offsets = [33, 0, 0], sizes = [1, 256, 64], strides = [1, 1, 1]} : vector<50x256x64xf32> to vector<1x256x64xf32>
    %squeeze3A_561 = vector.shape_cast %slice3A_560 : vector<1x256x64xf32> to vector<256x64xf32>
    %slice3A_562 = vector.extract_strided_slice %div3A_359 {offsets = [0, 33], sizes = [256, 1], strides = [1, 1]} : vector<256x50xf32> to vector<256x1xf32>
    %mul3A_563 = vector.broadcast %slice3A_562 : vector<256x1xf32> to vector<256x64xf32>
    %mul3A_564 = arith.mulf %squeeze3A_561, %mul3A_563 : vector<256x64xf32>
    %add3A_565 = arith.addf %add3A_559, %mul3A_564 : vector<256x64xf32>
    %slice3A_566 = vector.extract_strided_slice %get3A_41 {offsets = [34, 0, 0], sizes = [1, 256, 64], strides = [1, 1, 1]} : vector<50x256x64xf32> to vector<1x256x64xf32>
    %squeeze3A_567 = vector.shape_cast %slice3A_566 : vector<1x256x64xf32> to vector<256x64xf32>
    %slice3A_568 = vector.extract_strided_slice %div3A_359 {offsets = [0, 34], sizes = [256, 1], strides = [1, 1]} : vector<256x50xf32> to vector<256x1xf32>
    %mul3A_569 = vector.broadcast %slice3A_568 : vector<256x1xf32> to vector<256x64xf32>
    %mul3A_570 = arith.mulf %squeeze3A_567, %mul3A_569 : vector<256x64xf32>
    %add3A_571 = arith.addf %add3A_565, %mul3A_570 : vector<256x64xf32>
    %slice3A_572 = vector.extract_strided_slice %get3A_41 {offsets = [35, 0, 0], sizes = [1, 256, 64], strides = [1, 1, 1]} : vector<50x256x64xf32> to vector<1x256x64xf32>
    %squeeze3A_573 = vector.shape_cast %slice3A_572 : vector<1x256x64xf32> to vector<256x64xf32>
    %slice3A_574 = vector.extract_strided_slice %div3A_359 {offsets = [0, 35], sizes = [256, 1], strides = [1, 1]} : vector<256x50xf32> to vector<256x1xf32>
    %mul3A_575 = vector.broadcast %slice3A_574 : vector<256x1xf32> to vector<256x64xf32>
    %mul3A_576 = arith.mulf %squeeze3A_573, %mul3A_575 : vector<256x64xf32>
    %add3A_577 = arith.addf %add3A_571, %mul3A_576 : vector<256x64xf32>
    %slice3A_578 = vector.extract_strided_slice %get3A_41 {offsets = [36, 0, 0], sizes = [1, 256, 64], strides = [1, 1, 1]} : vector<50x256x64xf32> to vector<1x256x64xf32>
    %squeeze3A_579 = vector.shape_cast %slice3A_578 : vector<1x256x64xf32> to vector<256x64xf32>
    %slice3A_580 = vector.extract_strided_slice %div3A_359 {offsets = [0, 36], sizes = [256, 1], strides = [1, 1]} : vector<256x50xf32> to vector<256x1xf32>
    %mul3A_581 = vector.broadcast %slice3A_580 : vector<256x1xf32> to vector<256x64xf32>
    %mul3A_582 = arith.mulf %squeeze3A_579, %mul3A_581 : vector<256x64xf32>
    %add3A_583 = arith.addf %add3A_577, %mul3A_582 : vector<256x64xf32>
    %slice3A_584 = vector.extract_strided_slice %get3A_41 {offsets = [37, 0, 0], sizes = [1, 256, 64], strides = [1, 1, 1]} : vector<50x256x64xf32> to vector<1x256x64xf32>
    %squeeze3A_585 = vector.shape_cast %slice3A_584 : vector<1x256x64xf32> to vector<256x64xf32>
    %slice3A_586 = vector.extract_strided_slice %div3A_359 {offsets = [0, 37], sizes = [256, 1], strides = [1, 1]} : vector<256x50xf32> to vector<256x1xf32>
    %mul3A_587 = vector.broadcast %slice3A_586 : vector<256x1xf32> to vector<256x64xf32>
    %mul3A_588 = arith.mulf %squeeze3A_585, %mul3A_587 : vector<256x64xf32>
    %add3A_589 = arith.addf %add3A_583, %mul3A_588 : vector<256x64xf32>
    %slice3A_590 = vector.extract_strided_slice %get3A_41 {offsets = [38, 0, 0], sizes = [1, 256, 64], strides = [1, 1, 1]} : vector<50x256x64xf32> to vector<1x256x64xf32>
    %squeeze3A_591 = vector.shape_cast %slice3A_590 : vector<1x256x64xf32> to vector<256x64xf32>
    %slice3A_592 = vector.extract_strided_slice %div3A_359 {offsets = [0, 38], sizes = [256, 1], strides = [1, 1]} : vector<256x50xf32> to vector<256x1xf32>
    %mul3A_593 = vector.broadcast %slice3A_592 : vector<256x1xf32> to vector<256x64xf32>
    %mul3A_594 = arith.mulf %squeeze3A_591, %mul3A_593 : vector<256x64xf32>
    %add3A_595 = arith.addf %add3A_589, %mul3A_594 : vector<256x64xf32>
    %slice3A_596 = vector.extract_strided_slice %get3A_41 {offsets = [39, 0, 0], sizes = [1, 256, 64], strides = [1, 1, 1]} : vector<50x256x64xf32> to vector<1x256x64xf32>
    %squeeze3A_597 = vector.shape_cast %slice3A_596 : vector<1x256x64xf32> to vector<256x64xf32>
    %slice3A_598 = vector.extract_strided_slice %div3A_359 {offsets = [0, 39], sizes = [256, 1], strides = [1, 1]} : vector<256x50xf32> to vector<256x1xf32>
    %mul3A_599 = vector.broadcast %slice3A_598 : vector<256x1xf32> to vector<256x64xf32>
    %mul3A_600 = arith.mulf %squeeze3A_597, %mul3A_599 : vector<256x64xf32>
    %add3A_601 = arith.addf %add3A_595, %mul3A_600 : vector<256x64xf32>
    %slice3A_602 = vector.extract_strided_slice %get3A_41 {offsets = [40, 0, 0], sizes = [1, 256, 64], strides = [1, 1, 1]} : vector<50x256x64xf32> to vector<1x256x64xf32>
    %squeeze3A_603 = vector.shape_cast %slice3A_602 : vector<1x256x64xf32> to vector<256x64xf32>
    %slice3A_604 = vector.extract_strided_slice %div3A_359 {offsets = [0, 40], sizes = [256, 1], strides = [1, 1]} : vector<256x50xf32> to vector<256x1xf32>
    %mul3A_605 = vector.broadcast %slice3A_604 : vector<256x1xf32> to vector<256x64xf32>
    %mul3A_606 = arith.mulf %squeeze3A_603, %mul3A_605 : vector<256x64xf32>
    %add3A_607 = arith.addf %add3A_601, %mul3A_606 : vector<256x64xf32>
    %slice3A_608 = vector.extract_strided_slice %get3A_41 {offsets = [41, 0, 0], sizes = [1, 256, 64], strides = [1, 1, 1]} : vector<50x256x64xf32> to vector<1x256x64xf32>
    %squeeze3A_609 = vector.shape_cast %slice3A_608 : vector<1x256x64xf32> to vector<256x64xf32>
    %slice3A_610 = vector.extract_strided_slice %div3A_359 {offsets = [0, 41], sizes = [256, 1], strides = [1, 1]} : vector<256x50xf32> to vector<256x1xf32>
    %mul3A_611 = vector.broadcast %slice3A_610 : vector<256x1xf32> to vector<256x64xf32>
    %mul3A_612 = arith.mulf %squeeze3A_609, %mul3A_611 : vector<256x64xf32>
    %add3A_613 = arith.addf %add3A_607, %mul3A_612 : vector<256x64xf32>
    %slice3A_614 = vector.extract_strided_slice %get3A_41 {offsets = [42, 0, 0], sizes = [1, 256, 64], strides = [1, 1, 1]} : vector<50x256x64xf32> to vector<1x256x64xf32>
    %squeeze3A_615 = vector.shape_cast %slice3A_614 : vector<1x256x64xf32> to vector<256x64xf32>
    %slice3A_616 = vector.extract_strided_slice %div3A_359 {offsets = [0, 42], sizes = [256, 1], strides = [1, 1]} : vector<256x50xf32> to vector<256x1xf32>
    %mul3A_617 = vector.broadcast %slice3A_616 : vector<256x1xf32> to vector<256x64xf32>
    %mul3A_618 = arith.mulf %squeeze3A_615, %mul3A_617 : vector<256x64xf32>
    %add3A_619 = arith.addf %add3A_613, %mul3A_618 : vector<256x64xf32>
    %slice3A_620 = vector.extract_strided_slice %get3A_41 {offsets = [43, 0, 0], sizes = [1, 256, 64], strides = [1, 1, 1]} : vector<50x256x64xf32> to vector<1x256x64xf32>
    %squeeze3A_621 = vector.shape_cast %slice3A_620 : vector<1x256x64xf32> to vector<256x64xf32>
    %slice3A_622 = vector.extract_strided_slice %div3A_359 {offsets = [0, 43], sizes = [256, 1], strides = [1, 1]} : vector<256x50xf32> to vector<256x1xf32>
    %mul3A_623 = vector.broadcast %slice3A_622 : vector<256x1xf32> to vector<256x64xf32>
    %mul3A_624 = arith.mulf %squeeze3A_621, %mul3A_623 : vector<256x64xf32>
    %add3A_625 = arith.addf %add3A_619, %mul3A_624 : vector<256x64xf32>
    %slice3A_626 = vector.extract_strided_slice %get3A_41 {offsets = [44, 0, 0], sizes = [1, 256, 64], strides = [1, 1, 1]} : vector<50x256x64xf32> to vector<1x256x64xf32>
    %squeeze3A_627 = vector.shape_cast %slice3A_626 : vector<1x256x64xf32> to vector<256x64xf32>
    %slice3A_628 = vector.extract_strided_slice %div3A_359 {offsets = [0, 44], sizes = [256, 1], strides = [1, 1]} : vector<256x50xf32> to vector<256x1xf32>
    %mul3A_629 = vector.broadcast %slice3A_628 : vector<256x1xf32> to vector<256x64xf32>
    %mul3A_630 = arith.mulf %squeeze3A_627, %mul3A_629 : vector<256x64xf32>
    %add3A_631 = arith.addf %add3A_625, %mul3A_630 : vector<256x64xf32>
    %slice3A_632 = vector.extract_strided_slice %get3A_41 {offsets = [45, 0, 0], sizes = [1, 256, 64], strides = [1, 1, 1]} : vector<50x256x64xf32> to vector<1x256x64xf32>
    %squeeze3A_633 = vector.shape_cast %slice3A_632 : vector<1x256x64xf32> to vector<256x64xf32>
    %slice3A_634 = vector.extract_strided_slice %div3A_359 {offsets = [0, 45], sizes = [256, 1], strides = [1, 1]} : vector<256x50xf32> to vector<256x1xf32>
    %mul3A_635 = vector.broadcast %slice3A_634 : vector<256x1xf32> to vector<256x64xf32>
    %mul3A_636 = arith.mulf %squeeze3A_633, %mul3A_635 : vector<256x64xf32>
    %add3A_637 = arith.addf %add3A_631, %mul3A_636 : vector<256x64xf32>
    %slice3A_638 = vector.extract_strided_slice %get3A_41 {offsets = [46, 0, 0], sizes = [1, 256, 64], strides = [1, 1, 1]} : vector<50x256x64xf32> to vector<1x256x64xf32>
    %squeeze3A_639 = vector.shape_cast %slice3A_638 : vector<1x256x64xf32> to vector<256x64xf32>
    %slice3A_640 = vector.extract_strided_slice %div3A_359 {offsets = [0, 46], sizes = [256, 1], strides = [1, 1]} : vector<256x50xf32> to vector<256x1xf32>
    %mul3A_641 = vector.broadcast %slice3A_640 : vector<256x1xf32> to vector<256x64xf32>
    %mul3A_642 = arith.mulf %squeeze3A_639, %mul3A_641 : vector<256x64xf32>
    %add3A_643 = arith.addf %add3A_637, %mul3A_642 : vector<256x64xf32>
    %slice3A_644 = vector.extract_strided_slice %get3A_41 {offsets = [47, 0, 0], sizes = [1, 256, 64], strides = [1, 1, 1]} : vector<50x256x64xf32> to vector<1x256x64xf32>
    %squeeze3A_645 = vector.shape_cast %slice3A_644 : vector<1x256x64xf32> to vector<256x64xf32>
    %slice3A_646 = vector.extract_strided_slice %div3A_359 {offsets = [0, 47], sizes = [256, 1], strides = [1, 1]} : vector<256x50xf32> to vector<256x1xf32>
    %mul3A_647 = vector.broadcast %slice3A_646 : vector<256x1xf32> to vector<256x64xf32>
    %mul3A_648 = arith.mulf %squeeze3A_645, %mul3A_647 : vector<256x64xf32>
    %add3A_649 = arith.addf %add3A_643, %mul3A_648 : vector<256x64xf32>
    %slice3A_650 = vector.extract_strided_slice %get3A_41 {offsets = [48, 0, 0], sizes = [1, 256, 64], strides = [1, 1, 1]} : vector<50x256x64xf32> to vector<1x256x64xf32>
    %squeeze3A_651 = vector.shape_cast %slice3A_650 : vector<1x256x64xf32> to vector<256x64xf32>
    %slice3A_652 = vector.extract_strided_slice %div3A_359 {offsets = [0, 48], sizes = [256, 1], strides = [1, 1]} : vector<256x50xf32> to vector<256x1xf32>
    %mul3A_653 = vector.broadcast %slice3A_652 : vector<256x1xf32> to vector<256x64xf32>
    %mul3A_654 = arith.mulf %squeeze3A_651, %mul3A_653 : vector<256x64xf32>
    %add3A_655 = arith.addf %add3A_649, %mul3A_654 : vector<256x64xf32>
    %slice3A_656 = vector.extract_strided_slice %get3A_41 {offsets = [49, 0, 0], sizes = [1, 256, 64], strides = [1, 1, 1]} : vector<50x256x64xf32> to vector<1x256x64xf32>
    %squeeze3A_657 = vector.shape_cast %slice3A_656 : vector<1x256x64xf32> to vector<256x64xf32>
    %slice3A_658 = vector.extract_strided_slice %div3A_359 {offsets = [0, 49], sizes = [256, 1], strides = [1, 1]} : vector<256x50xf32> to vector<256x1xf32>
    %mul3A_659 = vector.broadcast %slice3A_658 : vector<256x1xf32> to vector<256x64xf32>
    %mul3A_660 = arith.mulf %squeeze3A_657, %mul3A_659 : vector<256x64xf32>
    %add3A_661 = arith.addf %add3A_655, %mul3A_660 : vector<256x64xf32>
    %get3A_662 = arith.constant 0 : index
    %get3A_663 = arith.constant 0 : index
    %get3A_664 = vector.load %arg12[%get3A_662, %get3A_663] : memref<64x64xf32, #tpu.memory_space<vmem>>, vector<64x64xf32>
    %dot_general3A_665 = arith.constant dense<0.000000e+00> : vector<256x64xf32>
    %dot_general3A_666 = tpu.matmul %add3A_661, %get3A_664, %dot_general3A_665 {dimension_numbers = #tpu.dot_dimension_numbers<[1], [1], [0], [0], [0, 0, 1, 0], [], []>, transpose_lhs_hint = false} : vector<256x64xf32>, vector<64x64xf32>, vector<256x64xf32> -> vector<256x64xf32>
    %get3A_667 = arith.constant 0 : index
    %get3A_668 = arith.constant 0 : index
    %get3A_669 = vector.load %arg13[%get3A_667, %get3A_668] : memref<1x64xf32, #tpu.memory_space<vmem>>, vector<1x64xf32>
    %add3A_670 = vector.broadcast %get3A_669 : vector<1x64xf32> to vector<256x64xf32>
    %add3A_671 = arith.addf %dot_general3A_666, %add3A_670 : vector<256x64xf32>
    %get3A_672 = arith.constant 0 : index
    %get3A_673 = arith.constant 0 : index
    %get3A_674 = vector.load %arg14[%get3A_672, %get3A_673] : memref<64x64xf32, #tpu.memory_space<vmem>>, vector<64x64xf32>
    %dot_general3A_675 = arith.constant dense<0.000000e+00> : vector<256x64xf32>
    %dot_general3A_676 = tpu.matmul %get3A_37, %get3A_674, %dot_general3A_675 {dimension_numbers = #tpu.dot_dimension_numbers<[1], [1], [0], [0], [0, 0, 1, 0], [], []>, transpose_lhs_hint = false} : vector<256x64xf32>, vector<64x64xf32>, vector<256x64xf32> -> vector<256x64xf32>
    %add3A_677 = arith.addf %add3A_671, %dot_general3A_676 : vector<256x64xf32>
    %get3A_678 = arith.constant 0 : index
    %get3A_679 = arith.constant 0 : index
    %get3A_680 = vector.load %arg15[%get3A_678, %get3A_679] : memref<1x64xf32, #tpu.memory_space<vmem>>, vector<1x64xf32>
    %add3A_681 = vector.broadcast %get3A_680 : vector<1x64xf32> to vector<256x64xf32>
    %add3A_682 = arith.addf %add3A_677, %add3A_681 : vector<256x64xf32>
    %logistic3A_683 = arith.negf %add3A_682 : vector<256x64xf32>
    %logistic3A_684 = math.exp %logistic3A_683 : vector<256x64xf32>
    %logistic3A_685 = arith.constant 1.000000e+00 : f32
    %logistic3A_686 = vector.broadcast %logistic3A_685 : f32 to vector<256x64xf32>
    %logistic3A_687 = arith.addf %logistic3A_686, %logistic3A_684 : vector<256x64xf32>
    %logistic3A_688 = arith.divf %logistic3A_686, %logistic3A_687 : vector<256x64xf32>
    %mul3A_689 = arith.mulf %logistic3A_688, %add3A_661 : vector<256x64xf32>
    %sub3A_690 = arith.constant 1.000000e+00 : f32
    %sub3A_691 = vector.broadcast %sub3A_690 : f32 to vector<256x64xf32>
    %sub3A_692 = arith.subf %sub3A_691, %logistic3A_688 : vector<256x64xf32>
    %mul3A_693 = arith.mulf %sub3A_692, %get3A_37 : vector<256x64xf32>
    %add3A_694 = arith.addf %mul3A_689, %mul3A_693 : vector<256x64xf32>
    %swap3A_695 = arith.constant 0 : index
    %swap3A_696 = arith.constant 0 : index
    %swap3A_697 = vector.load %arg17[%swap3A_695, %swap3A_696] : memref<256x64xf32, #tpu.memory_space<vmem>>, vector<256x64xf32>
    tpu.vector_store %arg17[%swap3A_695, %swap3A_696], %add3A_694 {strides = array<i32>} : memref<256x64xf32, #tpu.memory_space<vmem>>, vector<256x64xf32>,
    %eq3A = arith.constant 0 : i32
    %eq3A_698 = arith.cmpi eq, %arg0, %eq3A : i32
    %convert_element_type3A = arith.extui %eq3A_698 : i1 to i32
    %cond3A = arith.constant 0 : i32
    %cond3A_699 = arith.cmpi ne, %convert_element_type3A, %cond3A : i32
    scf.if %cond3A_699 {
      %get3A_700 = arith.constant 0 : index
      %get3A_701 = arith.constant 0 : index
      %get3A_702 = vector.load %arg6[%get3A_700, %get3A_701] : memref<64x64xf32, #tpu.memory_space<vmem>>, vector<64x64xf32>
      %integer_pow3A = arith.mulf %get3A_702, %get3A_702 : vector<64x64xf32>
      %reduce_sum3A_703 = vector.shape_cast %integer_pow3A : vector<64x64xf32> to vector<1x64x64xf32>
      %reduce_sum3A_704 = arith.constant dense<0.000000e+00> : vector<1xf32>
      %reduce_sum3A_705 = vector.multi_reduction <add>, %reduce_sum3A_703, %reduce_sum3A_704 [1, 2] : vector<1x64x64xf32> to vector<1xf32>
      %reduce_sum3A_706 = vector.shape_cast %reduce_sum3A_705 : vector<1xf32> to vector<1x1x1xf32>
      %reduce_sum3A_707 = vector.extract %reduce_sum3A_706[0, 0, 0] : f32 from vector<1x1x1xf32>
      %get3A_708 = arith.constant 0 : index
      %get3A_709 = arith.constant 0 : index
      %get3A_710 = vector.load %arg7[%get3A_708, %get3A_709] : memref<1x64xf32, #tpu.memory_space<vmem>>, vector<1x64xf32>
      %integer_pow3A_711 = arith.mulf %get3A_710, %get3A_710 : vector<1x64xf32>
      %reduce_sum3A_712 = vector.shape_cast %integer_pow3A_711 : vector<1x64xf32> to vector<1x1x64xf32>
      %reduce_sum3A_713 = arith.constant dense<0.000000e+00> : vector<1xf32>
      %reduce_sum3A_714 = vector.multi_reduction <add>, %reduce_sum3A_712, %reduce_sum3A_713 [1, 2] : vector<1x1x64xf32> to vector<1xf32>
      %reduce_sum3A_715 = vector.shape_cast %reduce_sum3A_714 : vector<1xf32> to vector<1x1x1xf32>
      %reduce_sum3A_716 = vector.extract %reduce_sum3A_715[0, 0, 0] : f32 from vector<1x1x1xf32>
      %add3A_717 = arith.addf %reduce_sum3A_707, %reduce_sum3A_716 : f32
      %get3A_718 = arith.constant 0 : index
      %get3A_719 = arith.constant 0 : index
      %get3A_720 = vector.load %arg8[%get3A_718, %get3A_719] : memref<64x64xf32, #tpu.memory_space<vmem>>, vector<64x64xf32>
      %integer_pow3A_721 = arith.mulf %get3A_720, %get3A_720 : vector<64x64xf32>
      %reduce_sum3A_722 = vector.shape_cast %integer_pow3A_721 : vector<64x64xf32> to vector<1x64x64xf32>
      %reduce_sum3A_723 = arith.constant dense<0.000000e+00> : vector<1xf32>
      %reduce_sum3A_724 = vector.multi_reduction <add>, %reduce_sum3A_722, %reduce_sum3A_723 [1, 2] : vector<1x64x64xf32> to vector<1xf32>
      %reduce_sum3A_725 = vector.shape_cast %reduce_sum3A_724 : vector<1xf32> to vector<1x1x1xf32>
      %reduce_sum3A_726 = vector.extract %reduce_sum3A_725[0, 0, 0] : f32 from vector<1x1x1xf32>
      %add3A_727 = arith.addf %add3A_717, %reduce_sum3A_726 : f32
      %get3A_728 = arith.constant 0 : index
      %get3A_729 = arith.constant 0 : index
      %get3A_730 = vector.load %arg9[%get3A_728, %get3A_729] : memref<1x64xf32, #tpu.memory_space<vmem>>, vector<1x64xf32>
      %integer_pow3A_731 = arith.mulf %get3A_730, %get3A_730 : vector<1x64xf32>
      %reduce_sum3A_732 = vector.shape_cast %integer_pow3A_731 : vector<1x64xf32> to vector<1x1x64xf32>
      %reduce_sum3A_733 = arith.constant dense<0.000000e+00> : vector<1xf32>
      %reduce_sum3A_734 = vector.multi_reduction <add>, %reduce_sum3A_732, %reduce_sum3A_733 [1, 2] : vector<1x1x64xf32> to vector<1xf32>
      %reduce_sum3A_735 = vector.shape_cast %reduce_sum3A_734 : vector<1xf32> to vector<1x1x1xf32>
      %reduce_sum3A_736 = vector.extract %reduce_sum3A_735[0, 0, 0] : f32 from vector<1x1x1xf32>
      %add3A_737 = arith.addf %add3A_727, %reduce_sum3A_736 : f32
      %get3A_738 = arith.constant 0 : index
      %get3A_739 = arith.constant 0 : index
      %get3A_740 = vector.load %arg10[%get3A_738, %get3A_739] : memref<64x64xf32, #tpu.memory_space<vmem>>, vector<64x64xf32>
      %integer_pow3A_741 = arith.mulf %get3A_740, %get3A_740 : vector<64x64xf32>
      %reduce_sum3A_742 = vector.shape_cast %integer_pow3A_741 : vector<64x64xf32> to vector<1x64x64xf32>
      %reduce_sum3A_743 = arith.constant dense<0.000000e+00> : vector<1xf32>
      %reduce_sum3A_744 = vector.multi_reduction <add>, %reduce_sum3A_742, %reduce_sum3A_743 [1, 2] : vector<1x64x64xf32> to vector<1xf32>
      %reduce_sum3A_745 = vector.shape_cast %reduce_sum3A_744 : vector<1xf32> to vector<1x1x1xf32>
      %reduce_sum3A_746 = vector.extract %reduce_sum3A_745[0, 0, 0] : f32 from vector<1x1x1xf32>
      %add3A_747 = arith.addf %add3A_737, %reduce_sum3A_746 : f32
      %get3A_748 = arith.constant 0 : index
      %get3A_749 = arith.constant 0 : index
      %get3A_750 = vector.load %arg11[%get3A_748, %get3A_749] : memref<1x64xf32, #tpu.memory_space<vmem>>, vector<1x64xf32>
      %integer_pow3A_751 = arith.mulf %get3A_750, %get3A_750 : vector<1x64xf32>
      %reduce_sum3A_752 = vector.shape_cast %integer_pow3A_751 : vector<1x64xf32> to vector<1x1x64xf32>
      %reduce_sum3A_753 = arith.constant dense<0.000000e+00> : vector<1xf32>
      %reduce_sum3A_754 = vector.multi_reduction <add>, %reduce_sum3A_752, %reduce_sum3A_753 [1, 2] : vector<1x1x64xf32> to vector<1xf32>
      %reduce_sum3A_755 = vector.shape_cast %reduce_sum3A_754 : vector<1xf32> to vector<1x1x1xf32>
      %reduce_sum3A_756 = vector.extract %reduce_sum3A_755[0, 0, 0] : f32 from vector<1x1x1xf32>
      %add3A_757 = arith.addf %add3A_747, %reduce_sum3A_756 : f32
      %get3A_758 = arith.constant 0 : index
      %get3A_759 = arith.constant 0 : index
      %get3A_760 = vector.load %arg12[%get3A_758, %get3A_759] : memref<64x64xf32, #tpu.memory_space<vmem>>, vector<64x64xf32>
      %integer_pow3A_761 = arith.mulf %get3A_760, %get3A_760 : vector<64x64xf32>
      %reduce_sum3A_762 = vector.shape_cast %integer_pow3A_761 : vector<64x64xf32> to vector<1x64x64xf32>
      %reduce_sum3A_763 = arith.constant dense<0.000000e+00> : vector<1xf32>
      %reduce_sum3A_764 = vector.multi_reduction <add>, %reduce_sum3A_762, %reduce_sum3A_763 [1, 2] : vector<1x64x64xf32> to vector<1xf32>
      %reduce_sum3A_765 = vector.shape_cast %reduce_sum3A_764 : vector<1xf32> to vector<1x1x1xf32>
      %reduce_sum3A_766 = vector.extract %reduce_sum3A_765[0, 0, 0] : f32 from vector<1x1x1xf32>
      %add3A_767 = arith.addf %add3A_757, %reduce_sum3A_766 : f32
      %get3A_768 = arith.constant 0 : index
      %get3A_769 = arith.constant 0 : index
      %get3A_770 = vector.load %arg13[%get3A_768, %get3A_769] : memref<1x64xf32, #tpu.memory_space<vmem>>, vector<1x64xf32>
      %integer_pow3A_771 = arith.mulf %get3A_770, %get3A_770 : vector<1x64xf32>
      %reduce_sum3A_772 = vector.shape_cast %integer_pow3A_771 : vector<1x64xf32> to vector<1x1x64xf32>
      %reduce_sum3A_773 = arith.constant dense<0.000000e+00> : vector<1xf32>
      %reduce_sum3A_774 = vector.multi_reduction <add>, %reduce_sum3A_772, %reduce_sum3A_773 [1, 2] : vector<1x1x64xf32> to vector<1xf32>
      %reduce_sum3A_775 = vector.shape_cast %reduce_sum3A_774 : vector<1xf32> to vector<1x1x1xf32>
      %reduce_sum3A_776 = vector.extract %reduce_sum3A_775[0, 0, 0] : f32 from vector<1x1x1xf32>
      %add3A_777 = arith.addf %add3A_767, %reduce_sum3A_776 : f32
      %get3A_778 = arith.constant 0 : index
      %get3A_779 = arith.constant 0 : index
      %get3A_780 = vector.load %arg14[%get3A_778, %get3A_779] : memref<64x64xf32, #tpu.memory_space<vmem>>, vector<64x64xf32>
      %integer_pow3A_781 = arith.mulf %get3A_780, %get3A_780 : vector<64x64xf32>
      %reduce_sum3A_782 = vector.shape_cast %integer_pow3A_781 : vector<64x64xf32> to vector<1x64x64xf32>
      %reduce_sum3A_783 = arith.constant dense<0.000000e+00> : vector<1xf32>
      %reduce_sum3A_784 = vector.multi_reduction <add>, %reduce_sum3A_782, %reduce_sum3A_783 [1, 2] : vector<1x64x64xf32> to vector<1xf32>
      %reduce_sum3A_785 = vector.shape_cast %reduce_sum3A_784 : vector<1xf32> to vector<1x1x1xf32>
      %reduce_sum3A_786 = vector.extract %reduce_sum3A_785[0, 0, 0] : f32 from vector<1x1x1xf32>
      %add3A_787 = arith.addf %add3A_777, %reduce_sum3A_786 : f32
      %get3A_788 = arith.constant 0 : index
      %get3A_789 = arith.constant 0 : index
      %get3A_790 = vector.load %arg15[%get3A_788, %get3A_789] : memref<1x64xf32, #tpu.memory_space<vmem>>, vector<1x64xf32>
      %integer_pow3A_791 = arith.mulf %get3A_790, %get3A_790 : vector<1x64xf32>
      %reduce_sum3A_792 = vector.shape_cast %integer_pow3A_791 : vector<1x64xf32> to vector<1x1x64xf32>
      %reduce_sum3A_793 = arith.constant dense<0.000000e+00> : vector<1xf32>
      %reduce_sum3A_794 = vector.multi_reduction <add>, %reduce_sum3A_792, %reduce_sum3A_793 [1, 2] : vector<1x1x64xf32> to vector<1xf32>
      %reduce_sum3A_795 = vector.shape_cast %reduce_sum3A_794 : vector<1xf32> to vector<1x1x1xf32>
      %reduce_sum3A_796 = vector.extract %reduce_sum3A_795[0, 0, 0] : f32 from vector<1x1x1xf32>
      %add3A_797 = arith.addf %add3A_787, %reduce_sum3A_796 : f32
      %reshape3A_798 = vector.broadcast %add3A_797 : f32 to vector<1x1xf32>
      %swap3A_799 = arith.constant 0 : index
      %swap3A_800 = arith.constant 0 : index
      %swap3A_801 = vector.load %arg18[%swap3A_799, %swap3A_800] : memref<1x1xf32, #tpu.memory_space<vmem>>, vector<1x1xf32>
      tpu.vector_store %arg18[%swap3A_799, %swap3A_800], %reshape3A_798 {strides = array<i32>} : memref<1x1xf32, #tpu.memory_space<vmem>>, vector<1x1xf32>,
    } else {
    }
    return
  }
  func.func @transform_0(%arg0: i32) -> (i32, i32) {
    %c0_i32 = arith.constant 0 : i32
    %c0_i32_0 = arith.constant 0 : i32
    return %arg0, %c0_i32 : i32, i32
  }
  func.func @transform_1(%arg0: i32) -> (i32, i32) {
    %c0_i32 = arith.constant 0 : i32
    %c0_i32_0 = arith.constant 0 : i32
    return %arg0, %c0_i32 : i32, i32
  }
  func.func @transform_2(%arg0: i32) -> (i32, i32) {
    %c0_i32 = arith.constant 0 : i32
    %c0_i32_0 = arith.constant 0 : i32
    return %arg0, %c0_i32 : i32, i32
  }
  func.func @transform_3(%arg0: i32) -> (i32, i32) {
    %c0_i32 = arith.constant 0 : i32
    %c0_i32_0 = arith.constant 0 : i32
    return %arg0, %c0_i32 : i32, i32
  }
  func.func @transform_4(%arg0: i32) -> (i32, i32, i32) {
    %c0_i32 = arith.constant 0 : i32
    %c0_i32_0 = arith.constant 0 : i32
    %c0_i32_1 = arith.constant 0 : i32
    return %c0_i32, %arg0, %c0_i32_0 : i32, i32, i32
  }
  func.func @transform_5(%arg0: i32) -> (i32, i32) {
    %c0_i32 = arith.constant 0 : i32
    %c0_i32_0 = arith.constant 0 : i32
    %c0_i32_1 = arith.constant 0 : i32
    return %c0_i32, %c0_i32_0 : i32, i32
  }
  func.func @transform_6(%arg0: i32) -> (i32, i32) {
    %c0_i32 = arith.constant 0 : i32
    %c0_i32_0 = arith.constant 0 : i32
    %c0_i32_1 = arith.constant 0 : i32
    return %c0_i32, %c0_i32_0 : i32, i32
  }
  func.func @transform_7(%arg0: i32) -> (i32, i32) {
    %c0_i32 = arith.constant 0 : i32
    %c0_i32_0 = arith.constant 0 : i32
    %c0_i32_1 = arith.constant 0 : i32
    return %c0_i32, %c0_i32_0 : i32, i32
  }
  func.func @transform_8(%arg0: i32) -> (i32, i32) {
    %c0_i32 = arith.constant 0 : i32
    %c0_i32_0 = arith.constant 0 : i32
    %c0_i32_1 = arith.constant 0 : i32
    return %c0_i32, %c0_i32_0 : i32, i32
  }
  func.func @transform_9(%arg0: i32) -> (i32, i32) {
    %c0_i32 = arith.constant 0 : i32
    %c0_i32_0 = arith.constant 0 : i32
    %c0_i32_1 = arith.constant 0 : i32
    return %c0_i32, %c0_i32_0 : i32, i32
  }
  func.func @transform_10(%arg0: i32) -> (i32, i32) {
    %c0_i32 = arith.constant 0 : i32
    %c0_i32_0 = arith.constant 0 : i32
    %c0_i32_1 = arith.constant 0 : i32
    return %c0_i32, %c0_i32_0 : i32, i32
  }
  func.func @transform_11(%arg0: i32) -> (i32, i32) {
    %c0_i32 = arith.constant 0 : i32
    %c0_i32_0 = arith.constant 0 : i32
    %c0_i32_1 = arith.constant 0 : i32
    return %c0_i32, %c0_i32_0 : i32, i32
  }
  func.func @transform_12(%arg0: i32) -> (i32, i32) {
    %c0_i32 = arith.constant 0 : i32
    %c0_i32_0 = arith.constant 0 : i32
    %c0_i32_1 = arith.constant 0 : i32
    return %c0_i32, %c0_i32_0 : i32, i32
  }
  func.func @transform_13(%arg0: i32) -> (i32, i32) {
    %c0_i32 = arith.constant 0 : i32
    %c0_i32_0 = arith.constant 0 : i32
    %c0_i32_1 = arith.constant 0 : i32
    return %c0_i32, %c0_i32_0 : i32, i32
  }
  func.func @transform_14(%arg0: i32) -> (i32, i32) {
    %c0_i32 = arith.constant 0 : i32
    %c0_i32_0 = arith.constant 0 : i32
    %c0_i32_1 = arith.constant 0 : i32
    return %c0_i32, %c0_i32_0 : i32, i32
  }
  func.func @transform_15(%arg0: i32) -> (i32, i32) {
    %c0_i32 = arith.constant 0 : i32
    %c0_i32_0 = arith.constant 0 : i32
    return %arg0, %c0_i32 : i32, i32
  }
  func.func @transform_16(%arg0: i32) -> (i32, i32) {
    %c0_i32 = arith.constant 0 : i32
    %c0_i32_0 = arith.constant 0 : i32
    return %arg0, %c0_i32 : i32, i32
  }
  func.func @transform_17(%arg0: i32) -> (i32, i32) {
    %c0_i32 = arith.constant 0 : i32
    %c0_i32_0 = arith.constant 0 : i32
    %c0_i32_1 = arith.constant 0 : i32
    return %c0_i32, %c0_i32_0 : i32, i32
  }
}

</mosaic_0001>

<sc_bundles>
// kernel: kg_count_ui_sc.3.cloned.1.call-start
scs
__scs_entry_jumppad:
0x0: {  	(pc) =	sbr.rel $0x88, $3  }
0x1: {  	(tag) =	ssettag $0x0;
	lr =	simm.s32 $0x1  }
0x2: {  	[smem:$0x3F8F] =	sst lr;
	_ =	strace $0xD0000000  }
0x3: {  	_ = 	snop  }
0x4: {  	_ = 	snop  }
0x5: {  	_ = 	snop  }
0x6: {  	_ = 	snop  }
0x7: {  	_ = 	snop  }
__scs_overlays_trampoline_lowered:
0x8: {  	[smem:$0x3F9E] =	sst s0  }
0x9: {  	[smem:$0x3F9F] =	sst s1  }
0xa: {  	[smem:$0x3FA0] =	sst s2  }
0xb: {  	[smem:$0x3FA1] =	sst s3  }
0xc: {  	[smem:$0x3FA2] =	sst s4  }
0xd: {  	[smem:$0x3FA3] =	sst s5  }
0xe: {  	[smem:$0x3FA4] =	sst s6  }
0xf: {  	[smem:$0x3FA5] =	sst s7  }
0x10: {  	[smem:$0x3FA6] =	sst s8  }
0x11: {  	[smem:$0x3FA7] =	sst s9;
	s0 =	simm.s32 @!p0 $0x0  }
0x12: {  	s1 =	sld [smem:$0x3F8D];
	s0 =	simm.s32 @p0 $0x1  }
0x13: {  	[smem:$0x3FA8] =	sst s0;
	s0 =	simm.s32 @!p1 $0x0  }
0x14: {  	s2 =	sld [smem:$0x3F8C];
	s0 =	simm.s32 @p1 $0x1  }
0x15: {  	[smem:$0x3FA9] =	sst s0;
	s0 =	simm.s32 @!p2 $0x0  }
0x16: {  	s3 =	sld [smem:$0x3FDB];
	s0 =	simm.s32 @p2 $0x1  }
0x17: {  	s4 =	simm.s32 $0x1BF5;
	[smem:$0x3FAB] =	sst s0  }
0x18: {  	s0 =	sld [smem:$0x3F8E];
	_ =	swait.ge [sflag:s4], $0x0  }
0x19: {  	s7 =	sld [smem:$0x3F8F]  }
0x1a: {  	s8 =	sadd.s32 $0xFFFFE003, lr  }
0x1b: {  	s9 =	sadd.s32 $0xFFFFFEF7, lr;
	s5 =	simm.s32 $0xFFFFFFFF;
	p2 =	slt.u32 s8, $0xFFFFF086  }
0x1c: {  	p1 =	slt.u32 s9, $0xF7A;
	s5 =	simm.s32 @!p2 $0x0  }
0x1d: {  	s5 =	simm.s32 @p1 $0x1;
	p0 =	seq.s32 s7, s2  }
0x1e: {  	s7 =	smul.u32 @!p0 $0xF7A, s2;
	p2 =	seq.s32 @!p0 s5, $0x0  }
0x1f: {  	s9 =	smul.u32 $0xF7A, s1;
	s8 =	simm.s32 @!p0 $0x1BF5;
	p2 =	por !p2, p0  }
0x20: {  	[sflag:s8] =	ssyncset.s32 @!p0 $0xFFFFF086;
	s6 =	sadd.s32 @!p0 s3, s7;
	s7 =	simm.s32 @!p0 $0x108  }
0x21: {  	s3 =	sadd.s32 s3, s9;
	s6 =	sadd.s32 @!p0 $0x88, s6;
	s7 =	simm.s32 @p2 $0x1082  }
0x22: {  	[simem:s7], [sflag:s8] =	dma.local @!p0 [hbm:s6], $0xF7A  }
0x23: {  	s9 =	sor.u32 $0xD0000000, s2;
	s6 =	simm.s32 $0x108;
	_ =	swait.ge @!p0 [sflag:s8], $0x0  }
0x24: {  	s3 =	sadd.s32 $0x88, s3;
	s6 =	simm.s32 @!p1 $0x1082;
	[sflag:s4] =	ssyncset.s32 $0xFFFFF086  }
0x25: {  	[simem:s6], [sflag:s4] =	dma.local [hbm:s3], $0xF7A  }
0x26: {  	[smem:$0x3F8F] =	sst s1;
	(tag) =	ssettag s2;
	_ =	strace s9  }
0x27: {  	s1 =	sld [smem:$0x3F9F]  }
0x28: {  	s2 =	sld [smem:$0x3FA0]  }
0x29: {  	s4 =	sld [smem:$0x3FA2]  }
0x2a: {  	p0 =	seq.s32 s5, $0x0;
	s5 =	sld [smem:$0x3FA3]  }
0x2b: {  	s6 =	sld [smem:$0x3FA4]  }
0x2c: {  	s7 =	sld [smem:$0x3FA5]  }
0x2d: {  	s3 =	simm.s32 $0x108;
	s8 =	sld [smem:$0x3FA6]  }
0x2e: {  	s3 =	simm.s32 @!p0 $0x1082;
	s9 =	sld [smem:$0x3FA7]  }
0x2f: {  	lr =	sadd.s32 s0, s3;
	s0 =	sld [smem:$0x3F9E]  }
0x30: {  	s3 =	sld [smem:$0x3FA1]  }
0x31: {  	[smem:$0x3FAA] =	sst s10  }
0x32: {  	s10 =	sld [smem:$0x3FA8];
	_ =	sdelay $0x3  }
0x33: {  	p0 =	seq.s32 s10, $0x1;
	s10 =	sld [smem:$0x3FAA];
	_ =	sdelay $0x3  }
0x34: {  	[smem:$0x3FAA] =	sst s10  }
0x35: {  	s10 =	sld [smem:$0x3FA9];
	_ =	sdelay $0x3  }
0x36: {  	p1 =	seq.s32 s10, $0x1;
	s10 =	sld [smem:$0x3FAA];
	_ =	sdelay $0x3  }
0x37: {  	[smem:$0x3FAA] =	sst s10  }
0x38: {  	s10 =	sld [smem:$0x3FAB]  }
0x39: {  	_ = 	snop;
	(pc) =	sbr.ind lr, $3  }
0x3a: {  	_ = 	snop  }
0x3b: {  	_ = 	snop  }
0x3c: {  	p2 =	seq.s32 s10, $0x1;
	s10 =	sld [smem:$0x3FAA]  }
0x3d: {  	_ =	shalt  }
0x3e: {  	_ =	shalt  }
0x3f: {  	_ =	shalt  }
0x40: {  	_ =	shalt  }
0x41: {  	_ =	shalt  }
0x42: {  	_ =	shalt  }
0x43: {  	_ =	shalt  }
0x44: {  	_ =	shalt  }
0x45: {  	_ =	shalt  }
0x46: {  	_ =	shalt  }
0x47: {  	_ =	shalt  }
0x48: {  	_ =	shalt  }
0x49: {  	_ =	shalt  }
0x4a: {  	_ =	shalt  }
0x4b: {  	_ =	shalt  }
0x4c: {  	_ =	shalt  }
0x4d: {  	_ =	shalt  }
0x4e: {  	_ =	shalt  }
0x4f: {  	_ =	shalt  }
0x50: {  	_ =	shalt  }
0x51: {  	_ =	shalt  }
0x52: {  	_ =	shalt  }
0x53: {  	_ =	shalt  }
0x54: {  	_ =	shalt  }
0x55: {  	_ =	shalt  }
0x56: {  	_ =	shalt  }
0x57: {  	_ =	shalt  }
0x58: {  	_ =	shalt  }
0x59: {  	_ =	shalt  }
0x5a: {  	_ =	shalt  }
0x5b: {  	_ =	shalt  }
0x5c: {  	_ =	shalt  }
0x5d: {  	_ =	shalt  }
0x5e: {  	_ =	shalt  }
0x5f: {  	_ =	shalt  }
0x60: {  	_ =	shalt  }
0x61: {  	_ =	shalt  }
0x62: {  	_ =	shalt  }
0x63: {  	_ =	shalt  }
0x64: {  	_ =	shalt  }
0x65: {  	_ =	shalt  }
0x66: {  	_ =	shalt  }
0x67: {  	_ =	shalt  }
0x68: {  	_ =	shalt  }
0x69: {  	_ =	shalt  }
0x6a: {  	_ =	shalt  }
0x6b: {  	_ =	shalt  }
0x6c: {  	_ =	shalt  }
0x6d: {  	_ =	shalt  }
0x6e: {  	_ =	shalt  }
0x6f: {  	_ =	shalt  }
0x70: {  	_ =	shalt  }
0x71: {  	_ =	shalt  }
0x72: {  	_ =	shalt  }
0x73: {  	_ =	shalt  }
0x74: {  	_ =	shalt  }
0x75: {  	_ =	shalt  }
0x76: {  	_ =	shalt  }
0x77: {  	_ =	shalt  }
0x78: {  	_ =	shalt  }
0x79: {  	_ =	shalt  }
0x7a: {  	_ =	shalt  }
0x7b: {  	_ =	shalt  }
0x7c: {  	_ =	shalt  }
0x7d: {  	_ =	shalt  }
0x7e: {  	_ =	shalt  }
0x7f: {  	_ =	shalt  }
0x80: {  	_ =	shalt  }
0x81: {  	_ =	shalt  }
0x82: {  	_ =	shalt  }
0x83: {  	_ =	shalt  }
0x84: {  	_ =	shalt  }
0x85: {  	_ =	shalt  }
0x86: {  	_ =	shalt  }
0x87: {  	_ =	shalt  }
.Lfunc_end0:
.L_simem_size_0:
called_computation_lowered:
.L_overlay_start_0:
0x88: {  	s2 =	sld [smem:$0x3FD9]  }
0x89: {  	s3 =	sld [smem:$0x3FFE];
	_ =	sdelay $0x1  }
0x8a: {  	s1 =	srdreg.scid  }
0x8b: {  	s0 =	sand.u32 $0x1, s1  }
0x8c: {  	s15 =	sshll.u32 s0, $0xA;
	s2 =	sadd.s32 s3, s2  }
0x8d: {  	s2 =	sadd.s32 s2, s15  }
0x8e: {  	[smem:$0x3FB6] =	sst s2  }
0x8f: {  	_ = 	snop  }
0x90: {  	s2 =	sld [smem:$0x3FD0];
	_ =	sdelay $0x2  }
0x91: {  	s16 =	simm.s32 $0xC;
	s4 =	simm.s32 $0x10  }
0x92: {  	[smem:s4], [sflag:s16] =	dma.local [hbm:s2], $0x1  }
0x93: {  	_ =	swait.eq [sflag:s16], $0x1  }
0x94: {  	[sflag:s16] =	ssyncset.done $0x0  }
0x95: {  	[sflag:s16] =	ssyncadd.s32 $0xFFFFFFFF  }
0x96: {  	s17 =	sld [smem:$0x11];
	(tm) =	ssettm $0x1  }
0x97: {  	s18 =	sld [smem:$0x3FFB];
	_ =	sdelay $0x3  }
0x98: {  	_ =	strace s18  }
0x99: {  	s2 =	sld [smem:$0x3FFC];
	_ =	sdelay $0x3  }
0x9a: {  	_ =	strace s2  }
0x9b: {  	s2 =	sld [smem:$0x3FFD];
	_ =	sdelay $0x3  }
0x9c: {  	_ =	strace s2  }
0x9d: {  	_ =	strace $0x8FFFFFFF  }
0x9e: {  	s19 =	sld [smem:$0x3FDB];
	_ =	sdelay $0x1  }
0x9f: {  	s20 =	simm.s32 $_scs_section_size  }
0xa0: {  	s5 =	simm.s32 $_size__tile_overlayer_lowered;
	s6 =	simm.s32 $_tile_overlayer_lowered  }
0xa1: {  	s7 =	simm.s32 $0x1BFF;
	s21 =	sshll.u32 s6, $0x1;
	s4 =	sadd.s32 s20, s19  }
0xa2: {  	s22 =	simm.s32 $0x0;
	s5 =	sshll.u32 s5, $0x1;
	s6 =	sadd.s32 s21, s4  }
0xa3: {  	[timem:s22], [sflag:s7] =	dma.local [hbm:s6], s5  }
0xa4: {  	_ =	swait.ge [sflag:s7], s5  }
0xa5: {  	s5 =	ssub.s32 $0x0, s5;
	[sflag:s7] =	ssyncset.done $0x0  }
0xa6: {  	[sflag:s7] =	ssyncadd.s32 s5;
	_ =	sdelay $0x1  }
0xa7: {  	s23 =	simm.s32 $0x1B8B  }
0xa8: {  	_ =	swait.ge [sflag:s23], $0x1  }
0xa9: {  	[sflag:s23] =	ssyncset.done $0x0  }
0xaa: {  	[sflag:s23] =	ssyncadd.s32 $0xFFFFFFFF  }
0xab: {  	s5 =	sld [smem:$0x0]  }
0xac: {  	s6 =	sand.u32 $0xFFFFFFFE, s1  }
0xad: {  	p0 =	sne.s32 s1, s6  }
0xae: {  	s6 =	sshll.u32 @p0 s6, $0xE  }
0xaf: {  	s6 =	sadd.s32 @p0 $0x11B8D, s6;
	s7 =	sshll.u32 @p0 s5, $0x11  }
0xb0: {  	s6 =	sor.u32 @p0 s7, s6  }
0xb1: {  	[sflag:s6] =	ssyncadd.remote.s32 @p0 $0x1;
	_ =	sdelay $0x1  }
0xb2: {  	s6 =	simm.s32 @p0 $0x1B8D  }
0xb3: {  	_ =	swait.eq @p0 [sflag:s6], $0x1  }
0xb4: {  	[sflag:s6] =	ssyncadd.s32 @p0 $0xFFFFFFFF  }
0xb5: {  	s7 =	sshll.u32 @!p0 s1, $0xE  }
0xb6: {  	s7 =	sor.u32 @!p0 $0x4000, s7;
	s6 =	simm.s32 @!p0 $0x1B8D  }
0xb7: {  	s5 =	sshll.u32 @!p0 s5, $0x11;
	s7 =	sadd.s32 @!p0 $0x11B8D, s7;
	_ =	swait.eq @!p0 [sflag:s6], $0x1  }
0xb8: {  	s5 =	sor.u32 @!p0 s5, s7;
	[sflag:s6] =	ssyncadd.s32 @!p0 $0xFFFFFFFF  }
0xb9: {  	s25 =	simm.s32 $0x1B8E;
	s24 =	sld [smem:$0x3FFE];
	[sflag:s5] =	ssyncadd.remote.s32 @!p0 $0x1  }
0xba: {  	s26 =	simm.s32 $execute0_lowered;
	[smem:$0x3FD2] =	sst s25  }
0xbb: {  	s6 =	sshll.u32 s26, $0x1;
	_ =	strace $0x8000004C;
	[dreg:$0x1] =	wrdreg $0xFFFFFFFF  }
0xbc: {  	s28 =	simm.s32 $_size_execute0_lowered;
	s4 =	sadd.s32 s4, s6;
	[dreg:$0x0] =	wrdreg $0x0  }
0xbd: {  	s6 =	sshll.u32 s28, $0x1;
	[dreg:$0x2] =	wrdreg s4  }
0xbe: {  	[dreg:$0x3] =	wrdreg s6  }
0xbf: {  	[dreg:$0x4] =	wrdreg $0xC0  }
0xc0: {  	_ =	task [dreg:s22], $0x5FFFF  }
0xc1: {  	[dreg:$0x1] =	wrdreg $0xFFFFFFFF  }
0xc2: {  	[dreg:$0x0] =	wrdreg $0x60  }
0xc3: {  	[dreg:$0x2] =	wrdreg s24  }
0xc4: {  	[dreg:$0x3] =	wrdreg s17  }
0xc5: {  	[dreg:$0x4] =	wrdreg $0x0  }
0xc6: {  	[dreg:$0x5] =	wrdreg $0x9  }
0xc7: {  	_ =	task.clear_ibuf [dreg:s22], $0x6FFFF;
	_ =	strace $0x9000004C  }
0xc8: {  	s29 =	simm.s32 $0x9;
	_ =	strace $0x8000004E  }
0xc9: {  	_ =	swait.ge [sflag:s29], $0x1  }
0xca: {  	[sflag:s29] =	ssyncadd.s32 $0xFFFFFFFF  }
0xcb: {  	_ =	strace $0x9000004E  }
0xcc: {  	_ =	sfence  }
0xcd: {  	s30 =	sld [smem:$0x0];
	_ =	sdelay $0x2  }
0xce: {  	s31 =	sshll.u32 s1, $0xD;
	s1 =	sshrl.u32 s1, $0x2  }
0xcf: {  	s4 =	sand.u32 $0x4000, s31;
	s1 =	sadd.s32 s1, s30  }
0xd0: {  	s0 =	sor.u32 s4, s0;
	s1 =	sshll.u32 s1, $0x11  }
0xd1: {  	s0 =	sor.u32 s1, s0  }
0xd2: {  	s0 =	sadd.s32 $0x8F2B, s0  }
0xd3: {  	[sflag:s0] =	ssyncadd.remote.s32 $0x1  }
0xd4: {  	_ =	sfence.sel $0xFFFF  }
0xd5: {  	[dreg:$0x0] =	wrdreg $0xFFFFFFFF;
	(pc) =	sbr.abs _section_cstart, $3  }
0xd6: {  	[dreg:$0x1] =	wrdreg $0xFFFFFFFF  }
0xd7: {  	_ =	task.clear_ibuf [dreg:s22], $0x2FFFF;
	_ =	strace $0x9FFFFFFF  }
0xd8: {  	(tm) =	ssettm $0x7FFFFFFF  }
0xd9: {  	_ =	shalt  }
tec
execute0_lowered:
.L_overlay_start_1:
0x0: {  	(tag) =	ssettag $0x1  }
0x1: {  	s0 =	rddreg [dreg:$0x0]  }
0x2: {  	s2 =	rddreg [dreg:$0x1];
	s1 =	srdreg.scid  }
0x3: {  	s14 =	stileid.u32;
	s3 =	rddreg [dreg:$0x2]  }
0x4: {  	s4 =	simm.s32 $0x0;
	s28 =	simm.s32 $0x6400;
	s7 =	smul.u32 $0x6400, s14  }
0x5: {  	s29 =	simm.s32 $0x8340;
	s1 =	sand.u32 $0x1, s1;
	s18 =	smul.u32 $0x3200, s14  }
0x6: {  	[smem:$0x7FF] =	sst s4;
	s9 =	sadd.s32 $0xA0000, s0;
	s6 =	smul.u32 $0x64000, s1  }
0x7: {  	s20 =	sshll.u32 s14, $0x1;
	_ =	strace $0x8000004D;
	s16 =	smul.u32 $0x61A8, s1  }
0x8: {  	[dreg:$0x4] =	wrdreg s9;
	s9 =	sor.u32 s1, s20;
	s20 =	smul.u32 $0x1900, s1  }
0x9: {  	s30 =	simm.s32 $0x8728;
	s10 =	ssub.s32 $0x2, s1;
	s1 =	smul.u32 $0xC800, s1  }
0xa: {  	s31 =	simm.s32 $0x1;
	s5 =	sadd.s32 $0x1B400, s0;
	s13 =	smul.u32 $0x61A8, s9  }
0xb: {  	s19 =	sadd.s32 $0x9FC00, s0;
	s12 =	sshll.u32 s14, $0x6;
	s24 =	smul.u32 $0x1900, s9  }
0xc: {  	[dreg:$0x5] =	wrdreg s19;
	s21 =	sor.u32 $0x1C04, s12;
	s9 =	smul.u32 $0xC800, s9  }
0xd: {  	s11 =	sshrl.u32 s10, $0x1;
	[dreg:$0x7] =	wrdreg s21;
	s21 =	smul.u32 $0x19000, s14  }
0xe: {  	s8 =	sadd.s32 s7, s6;
	s6 =	sadd.s32 $0x99800, s0;
	s7 =	sadd.s32 s7, s3  }
0xf: {  	s11 =	ssub.s32 s10, s11;
	s8 =	sshrl.u32 s8, $0x3;
	[dreg:$0x6] =	wrdreg s7  }
0x10: {  	s22 =	sshrl.u32 s13, $0x3;
	s23 =	sadd.s32 $0x3E8, s13;
	s12 =	sshrl.u32 s24, $0x3  }
0x11: {  	s13 =	smul.u32 $0xC350, s14;
	s11 =	smax.u32 s11, $0x1;
	s8 =	sadd.s32 s8, s0  }
0x12: {  	s0 =	sadd.s32 $0xB9E00, s0;
	s15 =	sadd.s32 s6, s12;
	[dreg:$0xd] =	wrdreg s11  }
0x13: {  	s25 =	sadd.s32 s5, s22;
	s26 =	sshrl.u32 s23, $0x3;
	[dreg:$0xb] =	wrdreg s15  }
0x14: {  	s11 =	simm.s32 $0x13010;
	s7 =	sadd.s32 s5, s26;
	[dreg:$0x8] =	wrdreg s25  }
0x15: {  	s8 =	sadd.s32 $0xA0E00, s8;
	s17 =	sadd.s32 s0, s9;
	[dreg:$0x9] =	wrdreg s7  }
0x16: {  	s9 =	sadd.s32 s20, s18;
	s25 =	sadd.s32 $0xBB8, s25;
	[dreg:$0xa] =	wrdreg s8  }
0x17: {  	s8 =	sadd.s32 $0x50, s15;
	s19 =	sadd.s32 $0xA000, s17;
	s7 =	sadd.s32 s16, s13  }
0x18: {  	s23 =	sshll.u32 s9, $0x3;
	s24 =	sadd.s32 $0x780, s9;
	[dreg:$0x10] =	wrdreg s25  }
0x19: {  	s25 =	sadd.s32 $0x500, s9;
	s9 =	simm.s32 $0x9010;
	[dreg:$0xc] =	wrdreg s8  }
0x1a: {  	s13 =	simm.s32 $0x2;
	s15 =	simm.s32 $0x0;
	[dreg:$0xe] =	wrdreg s19  }
0x1b: {  	s8 =	sadd.s32 $0xB400, s17;
	s12 =	sadd.s32 $0xBB8, s7;
	s26 =	sshrl.u32 s24, $0x3  }
0x1c: {  	[dreg:$0xf] =	wrdreg s8;
	s22 =	sshrl.u32 s12, $0x3;
	s8 =	sadd.s32 s21, s0  }
0x1d: {  	s0 =	sadd.s32 s0, s23;
	s14 =	sadd.s32 s26, s6;
	s26 =	simm.s32 $0x4  }
0x1e: {  	s12 =	simm.s32 $0x8D90;
	s19 =	sadd.s32 s1, s8;
	s21 =	sadd.s32 s22, s5  }
0x1f: {  	s22 =	sadd.s32 $0x7D0, s7;
	s24 =	sadd.s32 $0x1400, s0;
	s1 =	simm.s32 $0x3E8  }
0x20: {  	s0 =	simm.s32 $0x8B10;
	s7 =	simm.s32 $0x3;
	s8 =	simm.s32 $0x280  }
.LBB2_1:
0x21: {  	s10 =	rddreg [dreg:$0x6]  }
0x22: {  	s23 =	rddreg [dreg:$0x4]  }
0x23: {  	s17 =	rddreg [dreg:$0x7];
	s16 =	sshrl.u32 s10, $0x3  }
0x24: {  	[spmem:s16], [sflag:s17] =	dma.local [hbm:s23], $0xC80  }
0x25: {  	_ =	swait.ge [sflag:s26], $0xC80  }
0x26: {  	[sflag:s26] =	ssyncset.done $0x0  }
0x27: {  	s17 =	rddreg [dreg:$0x5];
	[sflag:s26] =	ssyncadd.s32 $0xFFFFF380  }
0x28: {  	[tilespmem:s28], [sflag:$0x4] =	stream.linear.gather [hbm4b:s17+s4], $0x1F40, $0x38;
	[tilespmem:$0x1D010] =	vst v63  }
0x29: {  	_ =	swait.ge [sflag:s26], $0x1F40  }
0x2a: {  	[sflag:s26] =	ssyncset.done $0x0  }
0x2b: {  	[sflag:s26] =	ssyncadd.s32 $0xFFFFE0C0  }
0x2c: {  	[bflag:$0x0] =	sbarrier.arrive $0xFFFF  }
0x2d: {  	s18 =	rddreg [dreg:$0x8]  }
0x2e: {  	[tilespmem:s29], [sflag:$0x1] =	stream.linear.gather [hbm4b:s18+s4], $0x3E8, $0x38;
	[tilespmem:$0x1D010] =	vst v63  }
0x2f: {  	s20 =	rddreg [dreg:$0x9]  }
0x30: {  	[tilespmem:s30], [sflag:$0x1] =	stream.linear.gather [hbm4b:s20+s4], $0x3E8, $0x38;
	[tilespmem:$0x1D010] =	vst v63  }
0x31: {  	_ =	swait.ge [sflag:s31], $0x3E8  }
0x32: {  	[sflag:s31] =	ssyncset.done $0x0  }
0x33: {  	[sflag:s31] =	ssyncadd.s32 $0xFFFFFC18  }
0x34: {  	[spmem:s3] =	stream.indirect.scatter.add.f32 [tilespmem:s28], [sflag:$0x4], $0x8, s29, s1, $0xb8;
	[tilespmem:$0x1D010] =	vst v63  }
0x35: {  	_ =	swait.ge [sflag:s26], $0x1F40  }
0x36: {  	s23 =	sshrl.u32 s22, $0x3;
	[sflag:s26] =	ssyncset.done $0x0  }
0x37: {  	s17 =	sadd.s32 s5, s23;
	[sflag:s26] =	ssyncadd.s32 $0xFFFFE0C0  }
0x38: {  	[tilespmem:s29], [sflag:$0x1] =	stream.linear.gather [hbm4b:s17+s4], $0x3E8, $0x38;
	[tilespmem:$0x1D010] =	vst v63  }
0x39: {  	_ =	swait.ge [sflag:s31], $0x3E8  }
0x3a: {  	[sflag:s31] =	ssyncset.done $0x0  }
0x3b: {  	[sflag:s31] =	ssyncadd.s32 $0xFFFFFC18  }
0x3c: {  	[spmem:s3] =	stream.indirect.scatter.add.f32 [tilespmem:s28], [sflag:$0x4], $0x8, s30, s1, $0xb8;
	[tilespmem:$0x1D010] =	vst v63  }
0x3d: {  	_ =	swait.ge [sflag:s26], $0x1F40  }
0x3e: {  	s23 =	sadd.s32 $0x0, s21;
	[sflag:s26] =	ssyncset.done $0x0  }
0x3f: {  	s18 =	sadd.s32 $0x7D0, s22;
	s17 =	simm.s32 $0xFA;
	[sflag:s26] =	ssyncadd.s32 $0xFFFFE0C0  }
.LBB2_2:
0x40: {  	[tilespmem:s30], [sflag:$0x1] =	stream.linear.gather [hbm4b:s23+s4], $0x3E8, $0x38;
	[tilespmem:$0x1D010] =	vst v63  }
0x41: {  	s23 =	smov.u32 s17  }
0x42: {  	p0 =	sne.s32 s17, $0x9C4;
	s17 =	sadd.s32 $0xFA, s17;
	_ =	swait.ge [sflag:s31], $0x3E8  }
0x43: {  	[sflag:s31] =	ssyncset.done $0x0  }
0x44: {  	[sflag:s31] =	ssyncadd.s32 $0xFFFFFC18  }
0x45: {  	[spmem:s3] =	stream.indirect.scatter.add.f32 [tilespmem:s28], [sflag:$0x4], $0x8, s29, s1, $0xb8;
	[tilespmem:$0x1D010] =	vst v63  }
0x46: {  	_ =	swait.ge [sflag:s26], $0x1F40  }
0x47: {  	s20 =	sshrl.u32 s18, $0x3;
	[sflag:s26] =	ssyncset.done $0x0  }
0x48: {  	s20 =	sadd.s32 s5, s20;
	[sflag:s26] =	ssyncadd.s32 $0xFFFFE0C0  }
0x49: {  	[tilespmem:s29], [sflag:$0x1] =	stream.linear.gather [hbm4b:s20+s4], $0x3E8, $0x38;
	[tilespmem:$0x1D010] =	vst v63  }
0x4a: {  	_ =	swait.ge [sflag:s31], $0x3E8  }
0x4b: {  	[sflag:s31] =	ssyncset.done $0x0  }
.Ltmp0:
0x4c: {  	[sflag:s31] =	ssyncadd.s32 $0xFFFFFC18;
	(pc) =	sbr.rel @p0 .LBB2_2-.Ltmp0, $4  }
0x4d: {  	[spmem:s3] =	stream.indirect.scatter.add.f32 [tilespmem:s28], [sflag:$0x4], $0x8, s30, s1, $0xb8;
	[tilespmem:$0x1D010] =	vst v63  }
0x4e: {  	_ =	swait.ge [sflag:s26], $0x1F40  }
0x4f: {  	[sflag:s26] =	ssyncset.done $0x0  }
0x50: {  	s18 =	sadd.s32 $0x7D0, s18;
	s23 =	sadd.s32 s23, s21;
	[sflag:s26] =	ssyncadd.s32 $0xFFFFE0C0  }
0x51: {  	[tilespmem:s30], [sflag:$0x1] =	stream.linear.gather [hbm4b:s23+s4], $0x3E8, $0x38;
	[tilespmem:$0x1D010] =	vst v63  }
0x52: {  	_ =	swait.ge [sflag:s31], $0x3E8  }
0x53: {  	[sflag:s31] =	ssyncset.done $0x0  }
0x54: {  	[sflag:s31] =	ssyncadd.s32 $0xFFFFFC18  }
0x55: {  	[spmem:s3] =	stream.indirect.scatter.add.f32 [tilespmem:s28], [sflag:$0x4], $0x8, s29, s1, $0xb8;
	[tilespmem:$0x1D010] =	vst v63  }
0x56: {  	_ =	swait.ge [sflag:s26], $0x1F40  }
0x57: {  	[sflag:s26] =	ssyncset.done $0x0  }
0x58: {  	s17 =	simm.s32 $0x0;
	s10 =	rddreg [dreg:$0x10];
	[sflag:s26] =	ssyncadd.s32 $0xFFFFE0C0  }
0x59: {  	[tilespmem:s29], [sflag:$0x1] =	stream.linear.gather [hbm4b:s10+s17], $0x3E8, $0x38;
	[tilespmem:$0x1D010] =	vst v63  }
0x5a: {  	_ =	swait.ge [sflag:s31], $0x3E8  }
0x5b: {  	[sflag:s31] =	ssyncset.done $0x0  }
0x5c: {  	[sflag:s31] =	ssyncadd.s32 $0xFFFFFC18  }
0x5d: {  	[spmem:s3] =	stream.indirect.scatter.add.f32 [tilespmem:s28], [sflag:$0x4], $0x8, s30, s1, $0xb8;
	[tilespmem:$0x1D010] =	vst v63  }
0x5e: {  	_ =	swait.ge [sflag:s26], $0x1F40  }
0x5f: {  	[sflag:s26] =	ssyncset.done $0x0  }
0x60: {  	[sflag:s26] =	ssyncadd.s32 $0xFFFFE0C0  }
0x61: {  	_ =	swait.ge [sflag:s31], $0x3E8  }
0x62: {  	[sflag:s31] =	ssyncset.done $0x0  }
0x63: {  	[sflag:s31] =	ssyncadd.s32 $0xFFFFFC18  }
0x64: {  	[spmem:s3] =	stream.indirect.scatter.add.f32 [tilespmem:s28], [sflag:$0x4], $0x8, s29, s1, $0xb8;
	[tilespmem:$0x1D010] =	vst v63  }
0x65: {  	_ =	swait.ge [sflag:s26], $0x1F40  }
0x66: {  	[sflag:s26] =	ssyncset.done $0x0  }
0x67: {  	[sflag:s26] =	ssyncadd.s32 $0xFFFFE0C0  }
0x68: {  	[bflag:$0x0] =	sbarrier.arrive $0xFFFF  }
0x69: {  	s20 =	rddreg [dreg:$0x7]  }
0x6a: {  	s18 =	rddreg [dreg:$0xa]  }
0x6b: {  	[hbm:s18], [sflag:s20] =	dma.local [spmem:s16], $0xC80  }
0x6c: {  	_ =	swait.ge [sflag:s26], $0xC80  }
0x6d: {  	[sflag:s26] =	ssyncset.done $0x0  }
0x6e: {  	s23 =	rddreg [dreg:$0xb];
	[sflag:s26] =	ssyncadd.s32 $0xFFFFF380  }
0x6f: {  	[tilespmem:s0], [sflag:$0x3] =	stream.linear.gather [hbm4b:s23+s17], $0x280, $0x38;
	[tilespmem:$0x1D010] =	vst v63  }
0x70: {  	_ =	swait.ge [sflag:s7], $0x280  }
0x71: {  	[sflag:s7] =	ssyncset.done $0x0  }
0x72: {  	[sflag:s7] =	ssyncadd.s32 $0xFFFFFD80  }
0x73: {  	[tilespmem:s9], [sflag:$0x2] =	stream.indirect.gather [hbm4b:s2+s8], $0x40, s0, s8, $0xb8;
	[tilespmem:$0x1D010] =	vst v63  }
0x74: {  	s16 =	rddreg [dreg:$0xc]  }
0x75: {  	[tilespmem:s12], [sflag:$0x3] =	stream.linear.gather [hbm4b:s16+s17], $0x280, $0x38;
	[tilespmem:$0x1D010] =	vst v63  }
0x76: {  	_ =	swait.ge [sflag:s13], $0xA000  }
0x77: {  	[sflag:s13] =	ssyncset.done $0x0  }
0x78: {  	[sflag:s13] =	ssyncadd.s32 $0xFFFF6000  }
0x79: {  	_ =	swait.ge [sflag:s7], $0x280  }
0x7a: {  	[sflag:s7] =	ssyncset.done $0x0  }
0x7b: {  	[sflag:s7] =	ssyncadd.s32 $0xFFFFFD80  }
0x7c: {  	[tilespmem:s11], [sflag:$0x2] =	stream.indirect.gather [hbm4b:s2+s8], $0x40, s12, s8, $0xb8;
	[tilespmem:$0x1D010] =	vst v63  }
0x7d: {  	s18 =	sadd.s32 $0x0, s19  }
0x7e: {  	[hbm4b:s18+s4] =	stream.linear.scatter [tilespmem:s9], [sflag:$0x4], $0xA000, $0x38;
	[tilespmem:$0x1D010] =	vst v63  }
0x7f: {  	_ =	swait.ge [sflag:s26], $0xA000  }
0x80: {  	s20 =	sshrl.u32 s25, $0x3;
	[sflag:s26] =	ssyncset.done $0x0  }
0x81: {  	s16 =	sadd.s32 s6, s20;
	[sflag:s26] =	ssyncadd.s32 $0xFFFF6000  }
0x82: {  	[tilespmem:s0], [sflag:$0x3] =	stream.linear.gather [hbm4b:s16+s4], $0x280, $0x38;
	[tilespmem:$0x1D010] =	vst v63  }
0x83: {  	_ =	swait.ge [sflag:s13], $0xA000  }
0x84: {  	[sflag:s13] =	ssyncset.done $0x0  }
0x85: {  	[sflag:s13] =	ssyncadd.s32 $0xFFFF6000  }
0x86: {  	_ =	swait.ge [sflag:s7], $0x280  }
0x87: {  	[sflag:s7] =	ssyncset.done $0x0  }
0x88: {  	[sflag:s7] =	ssyncadd.s32 $0xFFFFFD80  }
0x89: {  	[tilespmem:s9], [sflag:$0x2] =	stream.indirect.gather [hbm4b:s2+s8], $0x40, s0, s8, $0xb8;
	[tilespmem:$0x1D010] =	vst v63  }
0x8a: {  	s23 =	sadd.s32 $0x0, s24  }
0x8b: {  	[hbm4b:s23+s4] =	stream.linear.scatter [tilespmem:s11], [sflag:$0x4], $0xA000, $0x38;
	[tilespmem:$0x1D010] =	vst v63  }
0x8c: {  	_ =	swait.ge [sflag:s26], $0xA000  }
0x8d: {  	s17 =	sadd.s32 $0xA0, s14;
	s18 =	sadd.s32 $0x500, s25;
	[sflag:s26] =	ssyncset.done $0x0  }
0x8e: {  	s16 =	simm.s32 $0x2800;
	s23 =	smov.u32 s14;
	[sflag:s26] =	ssyncadd.s32 $0xFFFF6000  }
.LBB2_4:
0x8f: {  	[tilespmem:s12], [sflag:$0x3] =	stream.linear.gather [hbm4b:s23+s4], $0x280, $0x38;
	[tilespmem:$0x1D010] =	vst v63  }
0x90: {  	s20 =	smov.u32 s16;
	s23 =	smov.u32 s17  }
0x91: {  	p0 =	sne.s32 s16, $0x7800;
	s16 =	sadd.s32 $0x2800, s16;
	_ =	swait.ge [sflag:s13], $0xA000  }
0x92: {  	[sflag:s13] =	ssyncset.done $0x0  }
0x93: {  	[sflag:s13] =	ssyncadd.s32 $0xFFFF6000  }
0x94: {  	_ =	swait.ge [sflag:s7], $0x280  }
0x95: {  	[sflag:s7] =	ssyncset.done $0x0  }
0x96: {  	[sflag:s7] =	ssyncadd.s32 $0xFFFFFD80  }
0x97: {  	[tilespmem:s11], [sflag:$0x2] =	stream.indirect.gather [hbm4b:s2+s8], $0x40, s12, s8, $0xb8;
	[tilespmem:$0x1D010] =	vst v63  }
0x98: {  	s10 =	sadd.s32 s20, s19  }
0x99: {  	[hbm4b:s10+s4] =	stream.linear.scatter [tilespmem:s9], [sflag:$0x4], $0xA000, $0x38;
	[tilespmem:$0x1D010] =	vst v63  }
0x9a: {  	_ =	swait.ge [sflag:s26], $0xA000  }
0x9b: {  	s10 =	sshrl.u32 s18, $0x3;
	[sflag:s26] =	ssyncset.done $0x0  }
0x9c: {  	s10 =	sadd.s32 s6, s10;
	[sflag:s26] =	ssyncadd.s32 $0xFFFF6000  }
0x9d: {  	[tilespmem:s0], [sflag:$0x3] =	stream.linear.gather [hbm4b:s10+s4], $0x280, $0x38;
	[tilespmem:$0x1D010] =	vst v63  }
0x9e: {  	_ =	swait.ge [sflag:s13], $0xA000  }
0x9f: {  	[sflag:s13] =	ssyncset.done $0x0  }
0xa0: {  	[sflag:s13] =	ssyncadd.s32 $0xFFFF6000  }
0xa1: {  	_ =	swait.ge [sflag:s7], $0x280  }
0xa2: {  	[sflag:s7] =	ssyncset.done $0x0  }
0xa3: {  	[sflag:s7] =	ssyncadd.s32 $0xFFFFFD80  }
0xa4: {  	[tilespmem:s9], [sflag:$0x2] =	stream.indirect.gather [hbm4b:s2+s8], $0x40, s0, s8, $0xb8;
	[tilespmem:$0x1D010] =	vst v63  }
.Ltmp1:
0xa5: {  	s10 =	sadd.s32 s20, s24;
	(pc) =	sbr.rel @p0 .LBB2_4-.Ltmp1, $4  }
0xa6: {  	[hbm4b:s10+s4] =	stream.linear.scatter [tilespmem:s11], [sflag:$0x4], $0xA000, $0x38;
	[tilespmem:$0x1D010] =	vst v63  }
0xa7: {  	_ =	swait.ge [sflag:s26], $0xA000  }
0xa8: {  	[sflag:s26] =	ssyncset.done $0x0  }
0xa9: {  	s17 =	sadd.s32 $0xA0, s17;
	s18 =	sadd.s32 $0x500, s18;
	[sflag:s26] =	ssyncadd.s32 $0xFFFF6000  }
0xaa: {  	[tilespmem:s12], [sflag:$0x3] =	stream.linear.gather [hbm4b:s23+s4], $0x280, $0x38;
	[tilespmem:$0x1D010] =	vst v63  }
0xab: {  	_ =	swait.ge [sflag:s13], $0xA000  }
0xac: {  	[sflag:s13] =	ssyncset.done $0x0  }
0xad: {  	[sflag:s13] =	ssyncadd.s32 $0xFFFF6000  }
0xae: {  	_ =	swait.ge [sflag:s7], $0x280  }
0xaf: {  	[sflag:s7] =	ssyncset.done $0x0  }
0xb0: {  	[sflag:s7] =	ssyncadd.s32 $0xFFFFFD80  }
0xb1: {  	[tilespmem:s11], [sflag:$0x2] =	stream.indirect.gather [hbm4b:s2+s8], $0x40, s12, s8, $0xb8;
	[tilespmem:$0x1D010] =	vst v63  }
0xb2: {  	s10 =	rddreg [dreg:$0xe]  }
0xb3: {  	[hbm4b:s10+s4] =	stream.linear.scatter [tilespmem:s9], [sflag:$0x4], $0xA000, $0x38;
	[tilespmem:$0x1D010] =	vst v63  }
0xb4: {  	_ =	swait.ge [sflag:s26], $0xA000  }
0xb5: {  	[sflag:s26] =	ssyncset.done $0x0  }
0xb6: {  	[sflag:s26] =	ssyncadd.s32 $0xFFFF6000  }
0xb7: {  	_ =	swait.ge [sflag:s13], $0xA000  }
0xb8: {  	[sflag:s13] =	ssyncset.done $0x0  }
0xb9: {  	s20 =	rddreg [dreg:$0xf];
	[sflag:s13] =	ssyncadd.s32 $0xFFFF6000  }
0xba: {  	[hbm4b:s20+s4] =	stream.linear.scatter [tilespmem:s11], [sflag:$0x4], $0xA000, $0x38;
	[tilespmem:$0x1D010] =	vst v63  }
0xbb: {  	_ =	swait.ge [sflag:s26], $0xA000  }
0xbc: {  	s15 =	sadd.s32 $0x1, s15;
	s23 =	rddreg [dreg:$0xd]  }
0xbd: {  	p0 =	sne.s32 s15, s23  }
.Ltmp2:
0xbe: {  	_ = 	snop;
	(pc) =	sbr.rel @p0 .LBB2_1-.Ltmp2, $3  }
0xbf: {  	_ =	sdelay $0x1  }
0xc0: {  	[sflag:s26] =	ssyncset.done $0x0  }
0xc1: {  	[sflag:s26] =	ssyncadd.s32 $0xFFFF6000  }
0xc2: {  	_ =	sfence.sel $0x180000  }
0xc3: {  	[bflag:$0x0] =	sbarrier.arrive $0xFFFF  }
0xc4: {  	_ =	strace $0x9000004D  }
0xc5: {  	s0 =	stileid.u32;
	[bflag:$0x2] =	sbarrier.arrive $0xFFFF  }
0xc6: {  	p0 =	sne.s32 s0, $0x0;
	s0 =	rddreg [dreg:$0x3]  }
0xc7: {  	s0 =	sadd.s32 @!p0 $0x100000, s0  }
0xc8: {  	[sflag:s0] =	ssyncadd.tile.s32 @!p0 $0x1;
	_ =	shalt  }
.Lfunc_end2:
_tile_overlayer_lowered:
.L_overlay_start_2:
0xc9: {  	(tag) =	ssettag $0x2  }
0xca: {  	s0 =	rddreg [dreg:$0x0];
	s2 =	stileid.u32  }
0xcb: {  	s1 =	rddreg [dreg:$0x1];
	p0 =	sne.s32 s2, $0x0  }
0xcc: {  	s3 =	rddreg [dreg:$0x2];
	[bflag:$0x3] =	sbarrier.arrive $0xFFFF;
	s2 =	simm.s32 @!p0 $0x1C04  }
0xcd: {  	[timem:s3], [sflag:s2] =	dma.local @!p0 [hbm:s0], s1  }
0xce: {  	s0 =	simm.s32 @!p0 $0x4  }
0xcf: {  	_ =	swait.ge @!p0 [sflag:s0], s1  }
0xd0: {  	s1 =	ssub.s32 @!p0 $0x0, s1;
	[sflag:s0] =	ssyncset.done @!p0 $0x0  }
0xd1: {  	[sflag:s0] =	ssyncadd.s32 @!p0 s1  }
0xd2: {  	[bflag:$0x3] =	sbarrier.arrive $0xFFFF  }
0xd3: {  	_ =	shalt  }

// kernel: kg_edge_aggregate_sc.4.cloned.1.call-start
scs
__scs_entry_jumppad:
0x0: {  	(pc) =	sbr.rel $0x88, $3  }
0x1: {  	(tag) =	ssettag $0x0;
	lr =	simm.s32 $0x1  }
0x2: {  	[smem:$0x3F8F] =	sst lr;
	_ =	strace $0xD0000000  }
0x3: {  	_ = 	snop  }
0x4: {  	_ = 	snop  }
0x5: {  	_ = 	snop  }
0x6: {  	_ = 	snop  }
0x7: {  	_ = 	snop  }
__scs_overlays_trampoline_lowered:
0x8: {  	[smem:$0x3F9E] =	sst s0  }
0x9: {  	[smem:$0x3F9F] =	sst s1  }
0xa: {  	[smem:$0x3FA0] =	sst s2  }
0xb: {  	[smem:$0x3FA1] =	sst s3  }
0xc: {  	[smem:$0x3FA2] =	sst s4  }
0xd: {  	[smem:$0x3FA3] =	sst s5  }
0xe: {  	[smem:$0x3FA4] =	sst s6  }
0xf: {  	[smem:$0x3FA5] =	sst s7  }
0x10: {  	[smem:$0x3FA6] =	sst s8  }
0x11: {  	[smem:$0x3FA7] =	sst s9;
	s0 =	simm.s32 @!p0 $0x0  }
0x12: {  	s1 =	sld [smem:$0x3F8D];
	s0 =	simm.s32 @p0 $0x1  }
0x13: {  	[smem:$0x3FA8] =	sst s0;
	s0 =	simm.s32 @!p1 $0x0  }
0x14: {  	s2 =	sld [smem:$0x3F8C];
	s0 =	simm.s32 @p1 $0x1  }
0x15: {  	[smem:$0x3FA9] =	sst s0;
	s0 =	simm.s32 @!p2 $0x0  }
0x16: {  	s3 =	sld [smem:$0x3FDB];
	s0 =	simm.s32 @p2 $0x1  }
0x17: {  	s4 =	simm.s32 $0x1BF5;
	[smem:$0x3FAB] =	sst s0  }
0x18: {  	s0 =	sld [smem:$0x3F8E];
	_ =	swait.ge [sflag:s4], $0x0  }
0x19: {  	s7 =	sld [smem:$0x3F8F]  }
0x1a: {  	s8 =	sadd.s32 $0xFFFFE003, lr  }
0x1b: {  	s9 =	sadd.s32 $0xFFFFFEF7, lr;
	s5 =	simm.s32 $0xFFFFFFFF;
	p2 =	slt.u32 s8, $0xFFFFF086  }
0x1c: {  	p1 =	slt.u32 s9, $0xF7A;
	s5 =	simm.s32 @!p2 $0x0  }
0x1d: {  	s5 =	simm.s32 @p1 $0x1;
	p0 =	seq.s32 s7, s2  }
0x1e: {  	s7 =	smul.u32 @!p0 $0xF7A, s2;
	p2 =	seq.s32 @!p0 s5, $0x0  }
0x1f: {  	s9 =	smul.u32 $0xF7A, s1;
	s8 =	simm.s32 @!p0 $0x1BF5;
	p2 =	por !p2, p0  }
0x20: {  	[sflag:s8] =	ssyncset.s32 @!p0 $0xFFFFF086;
	s6 =	sadd.s32 @!p0 s3, s7;
	s7 =	simm.s32 @!p0 $0x108  }
0x21: {  	s3 =	sadd.s32 s3, s9;
	s6 =	sadd.s32 @!p0 $0x88, s6;
	s7 =	simm.s32 @p2 $0x1082  }
0x22: {  	[simem:s7], [sflag:s8] =	dma.local @!p0 [hbm:s6], $0xF7A  }
0x23: {  	s9 =	sor.u32 $0xD0000000, s2;
	s6 =	simm.s32 $0x108;
	_ =	swait.ge @!p0 [sflag:s8], $0x0  }
0x24: {  	s3 =	sadd.s32 $0x88, s3;
	s6 =	simm.s32 @!p1 $0x1082;
	[sflag:s4] =	ssyncset.s32 $0xFFFFF086  }
0x25: {  	[simem:s6], [sflag:s4] =	dma.local [hbm:s3], $0xF7A  }
0x26: {  	[smem:$0x3F8F] =	sst s1;
	(tag) =	ssettag s2;
	_ =	strace s9  }
0x27: {  	s1 =	sld [smem:$0x3F9F]  }
0x28: {  	s2 =	sld [smem:$0x3FA0]  }
0x29: {  	s4 =	sld [smem:$0x3FA2]  }
0x2a: {  	p0 =	seq.s32 s5, $0x0;
	s5 =	sld [smem:$0x3FA3]  }
0x2b: {  	s6 =	sld [smem:$0x3FA4]  }
0x2c: {  	s7 =	sld [smem:$0x3FA5]  }
0x2d: {  	s3 =	simm.s32 $0x108;
	s8 =	sld [smem:$0x3FA6]  }
0x2e: {  	s3 =	simm.s32 @!p0 $0x1082;
	s9 =	sld [smem:$0x3FA7]  }
0x2f: {  	lr =	sadd.s32 s0, s3;
	s0 =	sld [smem:$0x3F9E]  }
0x30: {  	s3 =	sld [smem:$0x3FA1]  }
0x31: {  	[smem:$0x3FAA] =	sst s10  }
0x32: {  	s10 =	sld [smem:$0x3FA8];
	_ =	sdelay $0x3  }
0x33: {  	p0 =	seq.s32 s10, $0x1;
	s10 =	sld [smem:$0x3FAA];
	_ =	sdelay $0x3  }
0x34: {  	[smem:$0x3FAA] =	sst s10  }
0x35: {  	s10 =	sld [smem:$0x3FA9];
	_ =	sdelay $0x3  }
0x36: {  	p1 =	seq.s32 s10, $0x1;
	s10 =	sld [smem:$0x3FAA];
	_ =	sdelay $0x3  }
0x37: {  	[smem:$0x3FAA] =	sst s10  }
0x38: {  	s10 =	sld [smem:$0x3FAB]  }
0x39: {  	_ = 	snop;
	(pc) =	sbr.ind lr, $3  }
0x3a: {  	_ = 	snop  }
0x3b: {  	_ = 	snop  }
0x3c: {  	p2 =	seq.s32 s10, $0x1;
	s10 =	sld [smem:$0x3FAA]  }
0x3d: {  	_ =	shalt  }
0x3e: {  	_ =	shalt  }
0x3f: {  	_ =	shalt  }
0x40: {  	_ =	shalt  }
0x41: {  	_ =	shalt  }
0x42: {  	_ =	shalt  }
0x43: {  	_ =	shalt  }
0x44: {  	_ =	shalt  }
0x45: {  	_ =	shalt  }
0x46: {  	_ =	shalt  }
0x47: {  	_ =	shalt  }
0x48: {  	_ =	shalt  }
0x49: {  	_ =	shalt  }
0x4a: {  	_ =	shalt  }
0x4b: {  	_ =	shalt  }
0x4c: {  	_ =	shalt  }
0x4d: {  	_ =	shalt  }
0x4e: {  	_ =	shalt  }
0x4f: {  	_ =	shalt  }
0x50: {  	_ =	shalt  }
0x51: {  	_ =	shalt  }
0x52: {  	_ =	shalt  }
0x53: {  	_ =	shalt  }
0x54: {  	_ =	shalt  }
0x55: {  	_ =	shalt  }
0x56: {  	_ =	shalt  }
0x57: {  	_ =	shalt  }
0x58: {  	_ =	shalt  }
0x59: {  	_ =	shalt  }
0x5a: {  	_ =	shalt  }
0x5b: {  	_ =	shalt  }
0x5c: {  	_ =	shalt  }
0x5d: {  	_ =	shalt  }
0x5e: {  	_ =	shalt  }
0x5f: {  	_ =	shalt  }
0x60: {  	_ =	shalt  }
0x61: {  	_ =	shalt  }
0x62: {  	_ =	shalt  }
0x63: {  	_ =	shalt  }
0x64: {  	_ =	shalt  }
0x65: {  	_ =	shalt  }
0x66: {  	_ =	shalt  }
0x67: {  	_ =	shalt  }
0x68: {  	_ =	shalt  }
0x69: {  	_ =	shalt  }
0x6a: {  	_ =	shalt  }
0x6b: {  	_ =	shalt  }
0x6c: {  	_ =	shalt  }
0x6d: {  	_ =	shalt  }
0x6e: {  	_ =	shalt  }
0x6f: {  	_ =	shalt  }
0x70: {  	_ =	shalt  }
0x71: {  	_ =	shalt  }
0x72: {  	_ =	shalt  }
0x73: {  	_ =	shalt  }
0x74: {  	_ =	shalt  }
0x75: {  	_ =	shalt  }
0x76: {  	_ =	shalt  }
0x77: {  	_ =	shalt  }
0x78: {  	_ =	shalt  }
0x79: {  	_ =	shalt  }
0x7a: {  	_ =	shalt  }
0x7b: {  	_ =	shalt  }
0x7c: {  	_ =	shalt  }
0x7d: {  	_ =	shalt  }
0x7e: {  	_ =	shalt  }
0x7f: {  	_ =	shalt  }
0x80: {  	_ =	shalt  }
0x81: {  	_ =	shalt  }
0x82: {  	_ =	shalt  }
0x83: {  	_ =	shalt  }
0x84: {  	_ =	shalt  }
0x85: {  	_ =	shalt  }
0x86: {  	_ =	shalt  }
0x87: {  	_ =	shalt  }
.Lfunc_end0:
.L_simem_size_0:
called_computation.1_lowered:
.L_overlay_start_0:
0x88: {  	s2 =	sld [smem:$0x3FD9]  }
0x89: {  	s3 =	sld [smem:$0x3FFE];
	_ =	sdelay $0x1  }
0x8a: {  	s1 =	srdreg.scid  }
0x8b: {  	s0 =	sand.u32 $0x1, s1  }
0x8c: {  	s15 =	sshll.u32 s0, $0xA;
	s2 =	sadd.s32 s3, s2  }
0x8d: {  	s2 =	sadd.s32 s2, s15  }
0x8e: {  	[smem:$0x3FB6] =	sst s2  }
0x8f: {  	_ = 	snop  }
0x90: {  	s16 =	sld [smem:$0x3FD0];
	_ =	sdelay $0x2  }
0x91: {  	s4 =	simm.s32 $0xC;
	s5 =	simm.s32 $0x10;
	s2 =	sld [smem:$0x3FC6]  }
0x92: {  	[smem:s5], [sflag:s4] =	dma.local [hbm:s16], $0x1  }
0x93: {  	_ =	swait.eq [sflag:s4], $0x1  }
0x94: {  	[sflag:s4] =	ssyncset.done $0x0  }
0x95: {  	[sflag:s4] =	ssyncadd.s32 $0xFFFFFFFF  }
0x96: {  	s17 =	sld [smem:$0x10];
	(tm) =	ssettm $0x1  }
0x97: {  	s18 =	sld [smem:$0x3FFB];
	_ =	sdelay $0x3  }
0x98: {  	_ =	strace s18  }
0x99: {  	s3 =	sld [smem:$0x3FFC];
	_ =	sdelay $0x3  }
0x9a: {  	_ =	strace s3  }
0x9b: {  	s3 =	sld [smem:$0x3FFD];
	_ =	sdelay $0x3  }
0x9c: {  	_ =	strace s3  }
0x9d: {  	_ =	strace $0x8FFFFFFF  }
0x9e: {  	s19 =	sld [smem:$0x3FDB];
	_ =	sdelay $0x1  }
0x9f: {  	s20 =	simm.s32 $_scs_section_size  }
0xa0: {  	s6 =	simm.s32 $_size__tile_overlayer_lowered;
	s7 =	simm.s32 $_tile_overlayer_lowered  }
0xa1: {  	s8 =	simm.s32 $0x1BFF;
	s21 =	sshll.u32 s7, $0x1;
	s5 =	sadd.s32 s20, s19  }
0xa2: {  	s22 =	simm.s32 $0x0;
	s6 =	sshll.u32 s6, $0x1;
	s7 =	sadd.s32 s21, s5  }
0xa3: {  	[timem:s22], [sflag:s8] =	dma.local [hbm:s7], s6  }
0xa4: {  	_ =	swait.ge [sflag:s8], s6  }
0xa5: {  	s6 =	ssub.s32 $0x0, s6;
	[sflag:s8] =	ssyncset.done $0x0  }
0xa6: {  	[sflag:s8] =	ssyncadd.s32 s6;
	_ =	sdelay $0x1  }
0xa7: {  	s23 =	simm.s32 $0x1B8B  }
0xa8: {  	_ =	swait.ge [sflag:s23], $0x1  }
0xa9: {  	[sflag:s23] =	ssyncset.done $0x0  }
0xaa: {  	[sflag:s23] =	ssyncadd.s32 $0xFFFFFFFF  }
0xab: {  	s6 =	sld [smem:$0x0]  }
0xac: {  	s7 =	sand.u32 $0xFFFFFFFE, s1  }
0xad: {  	p0 =	sne.s32 s1, s7  }
0xae: {  	s7 =	sshll.u32 @p0 s7, $0xE  }
0xaf: {  	s7 =	sadd.s32 @p0 $0x11B8D, s7;
	s8 =	sshll.u32 @p0 s6, $0x11  }
0xb0: {  	s7 =	sor.u32 @p0 s8, s7  }
0xb1: {  	[sflag:s7] =	ssyncadd.remote.s32 @p0 $0x1;
	_ =	sdelay $0x1  }
0xb2: {  	s7 =	simm.s32 @p0 $0x1B8D  }
0xb3: {  	_ =	swait.eq @p0 [sflag:s7], $0x1  }
0xb4: {  	[sflag:s7] =	ssyncadd.s32 @p0 $0xFFFFFFFF  }
0xb5: {  	s8 =	sshll.u32 @!p0 s1, $0xE  }
0xb6: {  	s8 =	sor.u32 @!p0 $0x4000, s8;
	s7 =	simm.s32 @!p0 $0x1B8D  }
0xb7: {  	s6 =	sshll.u32 @!p0 s6, $0x11;
	s8 =	sadd.s32 @!p0 $0x11B8D, s8;
	_ =	swait.eq @!p0 [sflag:s7], $0x1  }
0xb8: {  	s6 =	sor.u32 @!p0 s6, s8;
	[sflag:s7] =	ssyncadd.s32 @!p0 $0xFFFFFFFF  }
0xb9: {  	s25 =	simm.s32 $0x1B8E;
	s24 =	sld [smem:$0x3FFE];
	[sflag:s6] =	ssyncadd.remote.s32 @!p0 $0x1  }
0xba: {  	s26 =	simm.s32 $execute0_lowered;
	[smem:$0x3FD2] =	sst s25  }
0xbb: {  	s7 =	sshll.u32 s26, $0x1;
	_ =	strace $0x80000049;
	[dreg:$0x1] =	wrdreg $0xFFFFFFFF  }
0xbc: {  	s28 =	simm.s32 $_size_execute0_lowered;
	s5 =	sadd.s32 s5, s7;
	[dreg:$0x0] =	wrdreg $0x0  }
0xbd: {  	s7 =	sshll.u32 s28, $0x1;
	[dreg:$0x2] =	wrdreg s5  }
0xbe: {  	[dreg:$0x3] =	wrdreg s7  }
0xbf: {  	[dreg:$0x4] =	wrdreg $0xC0  }
0xc0: {  	_ =	task [dreg:s22], $0x5FFFF  }
0xc1: {  	[dreg:$0x1] =	wrdreg $0xFFFFFFFF  }
0xc2: {  	[dreg:$0x0] =	wrdreg $0x60  }
0xc3: {  	[dreg:$0x2] =	wrdreg s17  }
0xc4: {  	[dreg:$0x3] =	wrdreg s24  }
0xc5: {  	[dreg:$0x4] =	wrdreg s2  }
0xc6: {  	[dreg:$0x5] =	wrdreg $0x0  }
0xc7: {  	[dreg:$0x6] =	wrdreg $0xC8000  }
0xc8: {  	[dreg:$0x7] =	wrdreg $0xA  }
0xc9: {  	_ =	task.clear_ibuf [dreg:s22], $0x8FFFF;
	_ =	strace $0x90000049  }
0xca: {  	s29 =	simm.s32 $0xA;
	_ =	strace $0x8000004B  }
0xcb: {  	_ =	swait.ge [sflag:s29], $0x1  }
0xcc: {  	[sflag:s29] =	ssyncadd.s32 $0xFFFFFFFF  }
0xcd: {  	_ =	strace $0x9000004B  }
0xce: {  	_ =	sfence  }
0xcf: {  	s30 =	sld [smem:$0x0];
	_ =	sdelay $0x2  }
0xd0: {  	s31 =	sshll.u32 s1, $0xD;
	s1 =	sshrl.u32 s1, $0x2  }
0xd1: {  	s4 =	sand.u32 $0x4000, s31;
	s1 =	sadd.s32 s1, s30  }
0xd2: {  	s0 =	sor.u32 s4, s0;
	s1 =	sshll.u32 s1, $0x11  }
0xd3: {  	s0 =	sor.u32 s1, s0  }
0xd4: {  	s0 =	sadd.s32 $0x8F2B, s0  }
0xd5: {  	[sflag:s0] =	ssyncadd.remote.s32 $0x1  }
0xd6: {  	_ =	sfence.sel $0xFFFF  }
0xd7: {  	[dreg:$0x0] =	wrdreg $0xFFFFFFFF;
	(pc) =	sbr.abs _section_cstart, $3  }
0xd8: {  	[dreg:$0x1] =	wrdreg $0xFFFFFFFF  }
0xd9: {  	_ =	task.clear_ibuf [dreg:s22], $0x2FFFF;
	_ =	strace $0x9FFFFFFF  }
0xda: {  	(tm) =	ssettm $0x7FFFFFFF  }
0xdb: {  	_ =	shalt  }
tec
execute0_lowered:
.L_overlay_start_1:
0x0: {  	(tag) =	ssettag $0x1  }
0x1: {  	s1 =	rddreg [dreg:$0x0]  }
0x2: {  	s0 =	rddreg [dreg:$0x1]  }
0x3: {  	s2 =	rddreg [dreg:$0x2]  }
0x4: {  	s3 =	rddreg [dreg:$0x3]  }
0x5: {  	s4 =	rddreg [dreg:$0x4]  }
0x6: {  	s6 =	srdreg.scid;
	s8 =	stileid.u32;
	s5 =	simm.s32 $0x0  }
0x7: {  	s28 =	simm.s32 $0x3E8;
	s29 =	simm.s32 $0xDF80;
	s30 =	simm.s32 $0xEF20  }
0x8: {  	s31 =	simm.s32 $0xE750;
	s9 =	sand.u32 $0x1, s6;
	s10 =	smul.u32 $0xC800, s8  }
0x9: {  	[smem:$0x7FF] =	sst s5;
	s6 =	sadd.s32 $0x2C00, s0;
	s7 =	sadd.s32 $0x1B400, s0  }
0xa: {  	s13 =	sadd.s32 $0x33E00, s0;
	s14 =	smul.u32 $0xC350, s8;
	s19 =	sshll.u32 s8, $0x6  }
0xb: {  	p0 =	sne.s32 s8, $0x0;
	s8 =	simm.s32 $0xDB98;
	s11 =	smul.u32 $0xC8000, s9  }
0xc: {  	_ =	strace $0x8000004A;
	s12 =	sshll.u32 s9, $0x5;
	[dreg:$0x6] =	wrdreg s13  }
0xd: {  	s17 =	ssub.s32 $0x2, s9;
	s16 =	sor.u32 $0x1C04, s19;
	s12 =	sadd.s32 s12, s0  }
0xe: {  	s18 =	sshrl.u32 s17, $0x1;
	s20 =	sshrl.u32 s14, $0x3;
	s15 =	sadd.s32 $0x3E8, s14  }
0xf: {  	[dreg:$0x7] =	wrdreg s16;
	s11 =	sadd.s32 s10, s11;
	s12 =	sadd.s32 $0x33C00, s12  }
0x10: {  	s10 =	sadd.s32 s10, s3;
	s21 =	sadd.s32 s6, s20;
	[dreg:$0x8] =	wrdreg s12  }
0x11: {  	s22 =	sshrl.u32 s15, $0x3;
	s23 =	sadd.s32 s7, s20;
	[dreg:$0x9] =	wrdreg s21  }
0x12: {  	s13 =	sadd.s32 s2, s20;
	s15 =	simm.s32 $0x0;
	[dreg:$0xa] =	wrdreg s23  }
0x13: {  	s11 =	sshrl.u32 s11, $0x3;
	[dreg:$0xb] =	wrdreg s13;
	s24 =	sadd.s32 s6, s22  }
0x14: {  	s25 =	sadd.s32 s7, s22;
	s12 =	sadd.s32 s2, s22;
	s19 =	sshrl.u32 s10, $0x3  }
0x15: {  	s22 =	simm.s32 $0x4;
	s23 =	simm.s32 $0xCBF8;
	[dreg:$0xc] =	wrdreg s24  }
0x16: {  	s10 =	simm.s32 $0x2;
	s13 =	simm.s32 $0x12DA0;
	[dreg:$0xd] =	wrdreg s25  }
0x17: {  	s0 =	sadd.s32 s11, s0;
	s11 =	ssub.s32 s17, s18;
	[dreg:$0xe] =	wrdreg s12  }
.Ltmp0:
0x18: {  	s17 =	sadd.s32 $0x7D0, s14;
	s18 =	sadd.s32 $0xBB8, s14;
	(pc) =	sbr.rel .LBB2_1-.Ltmp0, $4  }
0x19: {  	s24 =	simm.s32 $0xCFE0;
	s25 =	simm.s32 $0xD3C8;
	s12 =	simm.s32 $0xE368  }
0x1a: {  	s14 =	simm.s32 $0xEB38;
	[dreg:$0x11] =	wrdreg s19;
	s0 =	sadd.s32 $0x67800, s0  }
0x1b: {  	s26 =	smax.u32 s11, $0x1;
	s11 =	simm.s32 $0x3;
	[dreg:$0xf] =	wrdreg s0  }
0x1c: {  	v0 =	vmov s9;
	[dreg:$0x10] =	wrdreg s26;
	s26 =	simm.s32 $0x1;
	s0 =	simm.s32 $0x16C20  }
.LBB2_14:
0x1d: {  	[spmem:s3] =	stream.indirect.scatter.add.f32 [tilespmem:s13], [sflag:$0x4], $0x10, s25, s28, $0xb8;
	[tilespmem:$0x1AAA0] =	vst v63  }
0x1e: {  	_ =	swait.ge [sflag:s22], $0x3E80  }
0x1f: {  	[sflag:s22] =	ssyncset.done $0x0  }
0x20: {  	[sflag:s22] =	ssyncadd.s32 $0xFFFFC180  }
0x21: {  	[bflag:$0x0] =	sbarrier.arrive $0xFFFF  }
0x22: {  	s16 =	rddreg [dreg:$0x7]  }
0x23: {  	s9 =	rddreg [dreg:$0xf]  }
0x24: {  	s19 =	rddreg [dreg:$0x11]  }
0x25: {  	[hbm:s9], [sflag:s16] =	dma.local [spmem:s19], $0x1900  }
0x26: {  	_ =	swait.ge [sflag:s22], $0x1900  }
0x27: {  	s15 =	sadd.s32 $0x1, s15;
	s21 =	rddreg [dreg:$0x10]  }
0x28: {  	p1 =	sne.s32 s15, s21  }
.Ltmp1:
0x29: {  	_ = 	snop;
	(pc) =	sbr.rel @!p1 .LBB2_15-.Ltmp1, $3  }
0x2a: {  	_ =	sdelay $0x1  }
0x2b: {  	[sflag:s22] =	ssyncset.done $0x0  }
0x2c: {  	[sflag:s22] =	ssyncadd.s32 $0xFFFFE700  }
.LBB2_1:
0x2d: {  	s9 =	rddreg [dreg:$0x6]  }
0x2e: {  	[spmem:s19], [sflag:s16] =	dma.local [hbm:s9], $0x1900  }
0x2f: {  	_ =	swait.ge [sflag:s22], $0x1900  }
0x30: {  	[sflag:s22] =	ssyncset.done $0x0  }
0x31: {  	s9 =	sshrl.u32 @!p0 s4, $0x3;
	s19 =	rddreg [dreg:$0x8];
	[sflag:s22] =	ssyncadd.s32 $0xFFFFE700  }
0x32: {  	[spmem:s9], [sflag:s16] =	dma.local @!p0 [hbm:s19], $0x20  }
0x33: {  	s9 =	simm.s32 @!p0 $0x4  }
0x34: {  	_ =	swait.ge @!p0 [sflag:s9], $0x20  }
0x35: {  	[sflag:s9] =	ssyncset.done @!p0 $0x0  }
0x36: {  	[sflag:s9] =	ssyncadd.s32 @!p0 $0xFFFFFFE0  }
0x37: {  	[bflag:$0x0] =	sbarrier.arrive $0xFFFF  }
0x38: {  	s21 =	simm.s32 $0xC810;
	s20 =	rddreg [dreg:$0x9]  }
0x39: {  	[tilespmem:s21], [sflag:$0x1] =	stream.linear.gather [hbm4b:s20+s5], $0x3E8, $0x38;
	[tilespmem:$0x1AAA0] =	vst v63  }
0x3a: {  	s19 =	rddreg [dreg:$0xa]  }
0x3b: {  	[tilespmem:s24], [sflag:$0x1] =	stream.linear.gather [hbm4b:s19+s5], $0x3E8, $0x38;
	[tilespmem:$0x1AAA0] =	vst v63  }
0x3c: {  	s20 =	rddreg [dreg:$0xb];
	s21 =	simm.s32 $0xD7B0  }
0x3d: {  	[tilespmem:s21], [sflag:$0x1] =	stream.linear.gather [hbm4b:s20+s5], $0x3E8, $0x38;
	[tilespmem:$0x1AAA0] =	vst v63  }
0x3e: {  	_ =	swait.ge [sflag:s26], $0x3E8  }
0x3f: {  	[sflag:s26] =	ssyncset.done $0x0  }
0x40: {  	[sflag:s26] =	ssyncadd.s32 $0xFFFFFC18  }
0x41: {  	_ =	swait.ge [sflag:s26], $0x3E8  }
0x42: {  	[sflag:s26] =	ssyncset.done $0x0  }
0x43: {  	[sflag:s26] =	ssyncadd.s32 $0xFFFFFC18  }
0x44: {  	_ =	swait.ge [sflag:s26], $0x3E8  }
0x45: {  	[sflag:s26] =	ssyncset.done $0x0  }
0x46: {  	s9 =	simm.s32 $0x0;
	[sflag:s26] =	ssyncadd.s32 $0xFFFFFC18  }
0x47: {  	v1 =	vld [tilespmem:s9+$0xD7B0]  }
0x48: {  	v2 =	vld [tilespmem:s9+$0xC810]  }
0x49: {  	s16 =	simm.s32 $0x40  }
.LBB2_2:
0x4a: {  	p1 =	sne.s32 s16, $0xF40  }
.Ltmp2:
0x4b: {  	_ = 	snop;
	(pc) =	sbr.rel @p1 .LBB2_2-.Ltmp2, $4  }
0x4c: {  	s19 =	sshra.s32 s16, $0x2;
	v3 =	vadd.s32 $0xFFFFFFFF, v1  }
0x4d: {  	v1 =	vld [tilespmem:s19+$0xD7B0];
	v4 =	vshll.u32 v2, $0x2;
	v3 =	vand.u32 $0xF, v3  }
0x4e: {  	v2 =	vld [tilespmem:s19+$0xC810];
	v4 =	vor.u32 v0, v4;
	[tilespmem:s9+$0xE750] =	vst v3  }
0x4f: {  	s16 =	sadd.s32 $0x40, s16;
	[tilespmem:s9+$0xDF80] =	vst v4;
	s9 =	smov.u32 s19  }
0x50: {  	_ =	sdelay $0x1  }
0x51: {  	v1 =	vadd.s32 $0xFFFFFFFF, v1  }
0x52: {  	v2 =	vshll.u32 v2, $0x2;
	v1 =	vand.u32 $0xF, v1  }
0x53: {  	v2 =	vor.u32 v0, v2;
	[tilespmem:s9+$0xE750] =	vst v1  }
0x54: {  	[tilespmem:s9+$0xDF80] =	vst v2  }
0x55: {  	v1 =	vld [tilespmem:$0xCBE8]  }
0x56: {  	v2 =	vld [tilespmem:$0xDB88];
	_ =	sdelay $0x3  }
0x57: {  	v1 =	vshll.u32 v1, $0x2  }
0x58: {  	v2 =	vadd.s32 $0xFFFFFFFF, v2;
	v1 =	vor.u32 v0, v1  }
0x59: {  	[tilespmem:$0xE358] =	vst v1;
	v1 =	vand.u32 $0xF, v2  }
0x5a: {  	[tilespmem:$0xEB28] =	vst v1  }
0x5b: {  	[tilespmem:s30], [sflag:$0x2] =	stream.indirect.gather [hbm4b:s1+s28], $0x10, s29, s28, $0xb8;
	[tilespmem:$0x1AAA0] =	vst v63  }
0x5c: {  	_ = 	snop  }
0x5d: {  	[tilespmem:s0], [sflag:$0x3] =	stream.indirect.gather [spmem:s4], $0x10, s31, s28, $0xb8;
	[tilespmem:$0x1AAA0] =	vst v63  }
0x5e: {  	s16 =	simm.s32 $0x0;
	s19 =	rddreg [dreg:$0xc]  }
0x5f: {  	[tilespmem:s23], [sflag:$0x1] =	stream.linear.gather [hbm4b:s19+s16], $0x3E8, $0x38;
	[tilespmem:$0x1AAA0] =	vst v63  }
0x60: {  	s20 =	rddreg [dreg:$0xd]  }
0x61: {  	[tilespmem:s25], [sflag:$0x1] =	stream.linear.gather [hbm4b:s20+s16], $0x3E8, $0x38;
	[tilespmem:$0x1AAA0] =	vst v63  }
0x62: {  	s21 =	rddreg [dreg:$0xe]  }
0x63: {  	[tilespmem:s8], [sflag:$0x1] =	stream.linear.gather [hbm4b:s21+s16], $0x3E8, $0x38;
	[tilespmem:$0x1AAA0] =	vst v63  }
.LBB2_4:
0x64: {  	_ =	swait.ge [sflag:s10], $0x3E80  }
0x65: {  	[sflag:s10] =	ssyncset.done $0x0  }
0x66: {  	[sflag:s10] =	ssyncadd.s32 $0xFFFFC180  }
0x67: {  	_ =	swait.ge [sflag:s11], $0x3E80  }
0x68: {  	[sflag:s11] =	ssyncset.done $0x0  }
0x69: {  	s19 =	simm.s32 $0xEF60;
	[sflag:s11] =	ssyncadd.s32 $0xFFFFC180  }
0x6a: {  	s20 =	simm.s32 $0x16C60;
	v2 =	vld [tilespmem:s19+$0x30]  }
0x6b: {  	v3 =	vld [tilespmem:s20+$0x30]  }
0x6c: {  	v1 =	vld [tilespmem:s20+$0xFFFFFFC0]  }
0x6d: {  	v4 =	vld [tilespmem:s19+$0xFFFFFFD0]  }
0x6e: {  	v5 =	vld [tilespmem:s20+$0xFFFFFFD0]  }
0x6f: {  	v6 =	vld [tilespmem:s19+$0xFFFFFFE0]  }
0x70: {  	v7 =	vld [tilespmem:s20+$0xFFFFFFE0]  }
0x71: {  	v8 =	vld [tilespmem:s19+$0xFFFFFFF0]  }
0x72: {  	v9 =	vld [tilespmem:s20+$0xFFFFFFF0]  }
0x73: {  	v10 =	vld [tilespmem:s19+$0x0]  }
0x74: {  	v11 =	vld [tilespmem:s20+$0x0];
	v3 =	vmul.f32 v3, v2  }
0x75: {  	v5 =	vmul.f32 v5, v4;
	v2 =	vld [tilespmem:s19+$0x10]  }
0x76: {  	v6 =	vmul.f32 v7, v6;
	v4 =	vld [tilespmem:s20+$0x10];
	[tilespmem:s19+$0x30] =	vst v3  }
0x77: {  	v7 =	vmul.f32 v9, v8;
	[tilespmem:s19+$0xFFFFFFD0] =	vst v5;
	v3 =	vld [tilespmem:s19+$0x20]  }
0x78: {  	[tilespmem:s19+$0xFFFFFFE0] =	vst v6;
	v6 =	vld [tilespmem:s20+$0x20]  }
0x79: {  	s21 =	simm.s32 $0x0;
	s9 =	simm.s32 $0xEFE0;
	v5 =	vld [tilespmem:s19+$0xFFFFFFC0];
	[tilespmem:s19+$0xFFFFFFF0] =	vst v7;
	v7 =	vmul.f32 v11, v10  }
.LBB2_5:
0x7a: {  	v8 =	vld [tilespmem:s9+$0x30];
	s20 =	sadd.s32 $0x80, s20  }
0x7b: {  	s21 =	sadd.s32 $0x8, s21;
	v9 =	vld [tilespmem:s20+$0x30];
	[tilespmem:s19+$0x0] =	vst v7;
	v2 =	vmul.f32 v4, v2  }
0x7c: {  	p1 =	slt.u32 s21, $0x3E0;
	v4 =	vld [tilespmem:s20+$0xFFFFFFC0]  }
0x7d: {  	v7 =	vld [tilespmem:s9+$0xFFFFFFD0];
	[tilespmem:s19+$0x10] =	vst v2;
	v2 =	vmul.f32 v6, v3  }
0x7e: {  	v3 =	vld [tilespmem:s20+$0xFFFFFFD0];
	v10 =	vmul.f32 v1, v5  }
0x7f: {  	v5 =	vld [tilespmem:s9+$0xFFFFFFE0];
	[tilespmem:s19+$0x20] =	vst v2  }
0x80: {  	v2 =	vld [tilespmem:s20+$0xFFFFFFE0];
	v6 =	vmul.f32 v9, v8;
	[tilespmem:s19+$0xFFFFFFC0] =	vst v10;
	s19 =	smov.u32 s9  }
0x81: {  	v8 =	vld [tilespmem:s9+$0xFFFFFFF0];
	v1 =	vmov v4  }
0x82: {  	v9 =	vld [tilespmem:s20+$0xFFFFFFF0];
	[tilespmem:s9+$0x30] =	vst v6  }
0x83: {  	v3 =	vmul.f32 v3, v7;
	v7 =	vld [tilespmem:s9+$0x0]  }
0x84: {  	v10 =	vld [tilespmem:s20+$0x0]  }
.Ltmp3:
0x85: {  	[tilespmem:s9+$0xFFFFFFD0] =	vst v3;
	v3 =	vmul.f32 v2, v5;
	v2 =	vld [tilespmem:s9+$0x10];
	(pc) =	sbr.rel @p1 .LBB2_5-.Ltmp3, $4  }
0x86: {  	v4 =	vld [tilespmem:s20+$0x10]  }
0x87: {  	[tilespmem:s9+$0xFFFFFFE0] =	vst v3;
	v8 =	vmul.f32 v9, v8;
	v3 =	vld [tilespmem:s9+$0x20]  }
0x88: {  	v6 =	vld [tilespmem:s20+$0x20]  }
0x89: {  	s9 =	sadd.s32 $0x80, s9;
	v5 =	vld [tilespmem:s19+$0xFFFFFFC0];
	[tilespmem:s19+$0xFFFFFFF0] =	vst v8;
	v7 =	vmul.f32 v10, v7  }
0x8a: {  	_ =	sdelay $0x1  }
0x8b: {  	v2 =	vmul.f32 v4, v2  }
0x8c: {  	[tilespmem:s19+$0x0] =	vst v7;
	v3 =	vmul.f32 v6, v3  }
0x8d: {  	[tilespmem:s19+$0x10] =	vst v2;
	v1 =	vmul.f32 v1, v5  }
0x8e: {  	[tilespmem:s19+$0x20] =	vst v3  }
0x8f: {  	[tilespmem:s19+$0xFFFFFFC0] =	vst v1  }
0x90: {  	_ =	swait.ge [sflag:s26], $0x3E8  }
0x91: {  	[sflag:s26] =	ssyncset.done $0x0  }
0x92: {  	[sflag:s26] =	ssyncadd.s32 $0xFFFFFC18  }
0x93: {  	_ =	swait.ge [sflag:s26], $0x3E8  }
0x94: {  	[sflag:s26] =	ssyncset.done $0x0  }
0x95: {  	[sflag:s26] =	ssyncadd.s32 $0xFFFFFC18  }
0x96: {  	_ =	swait.ge [sflag:s26], $0x3E8  }
0x97: {  	[sflag:s26] =	ssyncset.done $0x0  }
0x98: {  	s9 =	simm.s32 $0x0;
	[sflag:s26] =	ssyncadd.s32 $0xFFFFFC18  }
0x99: {  	v1 =	vld [tilespmem:s9+$0xDB98]  }
0x9a: {  	v2 =	vld [tilespmem:s9+$0xCBF8]  }
0x9b: {  	s19 =	simm.s32 $0x40  }
.LBB2_7:
0x9c: {  	p1 =	sne.s32 s19, $0xF40  }
.Ltmp4:
0x9d: {  	_ = 	snop;
	(pc) =	sbr.rel @p1 .LBB2_7-.Ltmp4, $4  }
0x9e: {  	s20 =	sshra.s32 s19, $0x2;
	v3 =	vadd.s32 $0xFFFFFFFF, v1  }
0x9f: {  	v1 =	vld [tilespmem:s20+$0xDB98];
	v4 =	vshll.u32 v2, $0x2;
	v3 =	vand.u32 $0xF, v3  }
0xa0: {  	v2 =	vld [tilespmem:s20+$0xCBF8];
	v4 =	vor.u32 v0, v4;
	[tilespmem:s9+$0xEB38] =	vst v3  }
0xa1: {  	s19 =	sadd.s32 $0x40, s19;
	[tilespmem:s9+$0xE368] =	vst v4;
	s9 =	smov.u32 s20  }
0xa2: {  	_ =	sdelay $0x1  }
0xa3: {  	v1 =	vadd.s32 $0xFFFFFFFF, v1  }
0xa4: {  	v2 =	vshll.u32 v2, $0x2;
	v1 =	vand.u32 $0xF, v1  }
0xa5: {  	v2 =	vor.u32 v0, v2;
	[tilespmem:s9+$0xEB38] =	vst v1  }
0xa6: {  	[tilespmem:s9+$0xE368] =	vst v2  }
0xa7: {  	v1 =	vld [tilespmem:$0xCFD0]  }
0xa8: {  	v2 =	vld [tilespmem:$0xDF70];
	_ =	sdelay $0x3  }
0xa9: {  	v1 =	vshll.u32 v1, $0x2  }
0xaa: {  	v2 =	vadd.s32 $0xFFFFFFFF, v2;
	v1 =	vor.u32 v0, v1  }
0xab: {  	[tilespmem:$0xE740] =	vst v1;
	v1 =	vand.u32 $0xF, v2  }
0xac: {  	[tilespmem:$0xEF10] =	vst v1  }
0xad: {  	[tilespmem:s13], [sflag:$0x2] =	stream.indirect.gather [hbm4b:s1+s28], $0x10, s12, s28, $0xb8;
	[tilespmem:$0x1AAA0] =	vst v63  }
0xae: {  	p1 =	seq.s32 s16, $0x18  }
0xaf: {  	[tilespmem:s0], [sflag:$0x3] =	stream.indirect.gather [spmem:s4], $0x10, s14, s28, $0xb8;
	[tilespmem:$0x1AAA0] =	vst v63  }
0xb0: {  	s9 =	smul.u32 @!p1 $0x7D0, s16  }
0xb1: {  	[spmem:s3] =	stream.indirect.scatter.add.f32 [tilespmem:s30], [sflag:$0x4], $0x10, s24, s28, $0xb8;
	[tilespmem:$0x1AAA0] =	vst v63  }
0xb2: {  	s9 =	sadd.s32 @!p1 s9, s17;
	_ =	swait.ge [sflag:s22], $0x3E80  }
0xb3: {  	s20 =	simm.s32 @!p1 $0x0;
	s9 =	sshrl.u32 @!p1 s9, $0x3;
	[sflag:s22] =	ssyncset.done $0x0  }
0xb4: {  	s21 =	simm.s32 @!p1 $0xC810;
	s19 =	sadd.s32 @!p1 s6, s9;
	[sflag:s22] =	ssyncadd.s32 $0xFFFFC180  }
0xb5: {  	[tilespmem:s21], [sflag:$0x1] =	stream.linear.gather @!p1 [hbm4b:s19+s20], $0x3E8, $0x38;
	[tilespmem:$0x1AAA0] =	vst v63  }
0xb6: {  	s19 =	sadd.s32 @!p1 s7, s9;
	s21 =	simm.s32 @!p1 $0xCFE0  }
0xb7: {  	[tilespmem:s21], [sflag:$0x1] =	stream.linear.gather @!p1 [hbm4b:s19+s20], $0x3E8, $0x38;
	[tilespmem:$0x1AAA0] =	vst v63  }
0xb8: {  	s9 =	sadd.s32 @!p1 s2, s9;
	s19 =	simm.s32 @!p1 $0xD7B0  }
0xb9: {  	[tilespmem:s19], [sflag:$0x1] =	stream.linear.gather @!p1 [hbm4b:s9+s20], $0x3E8, $0x38;
	[tilespmem:$0x1AAA0] =	vst v63  }
0xba: {  	_ =	swait.ge [sflag:s10], $0x3E80  }
0xbb: {  	[sflag:s10] =	ssyncset.done $0x0  }
0xbc: {  	[sflag:s10] =	ssyncadd.s32 $0xFFFFC180  }
0xbd: {  	_ =	swait.ge [sflag:s11], $0x3E80  }
0xbe: {  	[sflag:s11] =	ssyncset.done $0x0  }
0xbf: {  	s19 =	simm.s32 $0x12DE0;
	[sflag:s11] =	ssyncadd.s32 $0xFFFFC180  }
0xc0: {  	s20 =	simm.s32 $0x16C60;
	v2 =	vld [tilespmem:s19+$0x30]  }
0xc1: {  	v3 =	vld [tilespmem:s20+$0x30]  }
0xc2: {  	v1 =	vld [tilespmem:s20+$0xFFFFFFC0]  }
0xc3: {  	v4 =	vld [tilespmem:s19+$0xFFFFFFD0]  }
0xc4: {  	v5 =	vld [tilespmem:s20+$0xFFFFFFD0]  }
0xc5: {  	v6 =	vld [tilespmem:s19+$0xFFFFFFE0]  }
0xc6: {  	v7 =	vld [tilespmem:s20+$0xFFFFFFE0]  }
0xc7: {  	v8 =	vld [tilespmem:s19+$0xFFFFFFF0]  }
0xc8: {  	v9 =	vld [tilespmem:s20+$0xFFFFFFF0]  }
0xc9: {  	v10 =	vld [tilespmem:s19+$0x0]  }
0xca: {  	v11 =	vld [tilespmem:s20+$0x0];
	v3 =	vmul.f32 v3, v2  }
0xcb: {  	v5 =	vmul.f32 v5, v4;
	v2 =	vld [tilespmem:s19+$0x10]  }
0xcc: {  	v6 =	vmul.f32 v7, v6;
	v4 =	vld [tilespmem:s20+$0x10];
	[tilespmem:s19+$0x30] =	vst v3  }
0xcd: {  	v7 =	vmul.f32 v9, v8;
	[tilespmem:s19+$0xFFFFFFD0] =	vst v5;
	v3 =	vld [tilespmem:s19+$0x20]  }
0xce: {  	[tilespmem:s19+$0xFFFFFFE0] =	vst v6;
	v6 =	vld [tilespmem:s20+$0x20]  }
0xcf: {  	s21 =	simm.s32 $0x0;
	s9 =	simm.s32 $0x12E60;
	v5 =	vld [tilespmem:s19+$0xFFFFFFC0];
	[tilespmem:s19+$0xFFFFFFF0] =	vst v7;
	v7 =	vmul.f32 v11, v10  }
.LBB2_9:
0xd0: {  	v8 =	vld [tilespmem:s9+$0x30];
	s20 =	sadd.s32 $0x80, s20  }
0xd1: {  	s21 =	sadd.s32 $0x8, s21;
	v9 =	vld [tilespmem:s20+$0x30];
	[tilespmem:s19+$0x0] =	vst v7;
	v2 =	vmul.f32 v4, v2  }
0xd2: {  	p2 =	slt.u32 s21, $0x3E0;
	v4 =	vld [tilespmem:s20+$0xFFFFFFC0]  }
0xd3: {  	v7 =	vld [tilespmem:s9+$0xFFFFFFD0];
	[tilespmem:s19+$0x10] =	vst v2;
	v2 =	vmul.f32 v6, v3  }
0xd4: {  	v3 =	vld [tilespmem:s20+$0xFFFFFFD0];
	v10 =	vmul.f32 v1, v5  }
0xd5: {  	v5 =	vld [tilespmem:s9+$0xFFFFFFE0];
	[tilespmem:s19+$0x20] =	vst v2  }
0xd6: {  	v2 =	vld [tilespmem:s20+$0xFFFFFFE0];
	v6 =	vmul.f32 v9, v8;
	[tilespmem:s19+$0xFFFFFFC0] =	vst v10;
	s19 =	smov.u32 s9  }
0xd7: {  	v8 =	vld [tilespmem:s9+$0xFFFFFFF0];
	v1 =	vmov v4  }
0xd8: {  	v9 =	vld [tilespmem:s20+$0xFFFFFFF0];
	[tilespmem:s9+$0x30] =	vst v6  }
0xd9: {  	v3 =	vmul.f32 v3, v7;
	v7 =	vld [tilespmem:s9+$0x0]  }
0xda: {  	v10 =	vld [tilespmem:s20+$0x0]  }
.Ltmp5:
0xdb: {  	[tilespmem:s9+$0xFFFFFFD0] =	vst v3;
	v3 =	vmul.f32 v2, v5;
	v2 =	vld [tilespmem:s9+$0x10];
	(pc) =	sbr.rel @p2 .LBB2_9-.Ltmp5, $4  }
0xdc: {  	v4 =	vld [tilespmem:s20+$0x10]  }
0xdd: {  	[tilespmem:s9+$0xFFFFFFE0] =	vst v3;
	v8 =	vmul.f32 v9, v8;
	v3 =	vld [tilespmem:s9+$0x20]  }
0xde: {  	v6 =	vld [tilespmem:s20+$0x20]  }
0xdf: {  	s9 =	sadd.s32 $0x80, s9;
	v5 =	vld [tilespmem:s19+$0xFFFFFFC0];
	[tilespmem:s19+$0xFFFFFFF0] =	vst v8;
	v7 =	vmul.f32 v10, v7  }
0xe0: {  	_ =	sdelay $0x1  }
.Ltmp6:
0xe1: {  	v2 =	vmul.f32 v4, v2;
	(pc) =	sbr.rel @p1 .LBB2_14-.Ltmp6, $4  }
0xe2: {  	[tilespmem:s19+$0x0] =	vst v7;
	v3 =	vmul.f32 v6, v3  }
0xe3: {  	[tilespmem:s19+$0x10] =	vst v2;
	v1 =	vmul.f32 v1, v5  }
0xe4: {  	[tilespmem:s19+$0x20] =	vst v3  }
0xe5: {  	[tilespmem:s19+$0xFFFFFFC0] =	vst v1  }
0xe6: {  	_ =	swait.ge [sflag:s26], $0x3E8  }
0xe7: {  	[sflag:s26] =	ssyncset.done $0x0  }
0xe8: {  	[sflag:s26] =	ssyncadd.s32 $0xFFFFFC18  }
0xe9: {  	_ =	swait.ge [sflag:s26], $0x3E8  }
0xea: {  	[sflag:s26] =	ssyncset.done $0x0  }
0xeb: {  	[sflag:s26] =	ssyncadd.s32 $0xFFFFFC18  }
0xec: {  	_ =	swait.ge [sflag:s26], $0x3E8  }
0xed: {  	[sflag:s26] =	ssyncset.done $0x0  }
0xee: {  	s9 =	simm.s32 $0x0;
	[sflag:s26] =	ssyncadd.s32 $0xFFFFFC18  }
0xef: {  	v1 =	vld [tilespmem:s9+$0xD7B0]  }
0xf0: {  	v2 =	vld [tilespmem:s9+$0xC810]  }
0xf1: {  	s19 =	simm.s32 $0x40  }
.LBB2_12:
0xf2: {  	p1 =	sne.s32 s19, $0xF40  }
.Ltmp7:
0xf3: {  	_ = 	snop;
	(pc) =	sbr.rel @p1 .LBB2_12-.Ltmp7, $4  }
0xf4: {  	s20 =	sshra.s32 s19, $0x2;
	v3 =	vadd.s32 $0xFFFFFFFF, v1  }
0xf5: {  	v1 =	vld [tilespmem:s20+$0xD7B0];
	v4 =	vshll.u32 v2, $0x2;
	v3 =	vand.u32 $0xF, v3  }
0xf6: {  	v2 =	vld [tilespmem:s20+$0xC810];
	v4 =	vor.u32 v0, v4;
	[tilespmem:s9+$0xE750] =	vst v3  }
0xf7: {  	s19 =	sadd.s32 $0x40, s19;
	[tilespmem:s9+$0xDF80] =	vst v4;
	s9 =	smov.u32 s20  }
0xf8: {  	_ =	sdelay $0x1  }
0xf9: {  	v1 =	vadd.s32 $0xFFFFFFFF, v1  }
0xfa: {  	v2 =	vshll.u32 v2, $0x2;
	v1 =	vand.u32 $0xF, v1  }
0xfb: {  	v2 =	vor.u32 v0, v2;
	[tilespmem:s9+$0xE750] =	vst v1  }
0xfc: {  	[tilespmem:s9+$0xDF80] =	vst v2  }
0xfd: {  	v1 =	vld [tilespmem:$0xCBE8]  }
0xfe: {  	v2 =	vld [tilespmem:$0xDB88];
	_ =	sdelay $0x3  }
0xff: {  	v1 =	vshll.u32 v1, $0x2  }
0x100: {  	v2 =	vadd.s32 $0xFFFFFFFF, v2;
	v1 =	vor.u32 v0, v1  }
0x101: {  	[tilespmem:$0xE358] =	vst v1;
	v1 =	vand.u32 $0xF, v2  }
0x102: {  	[tilespmem:$0xEB28] =	vst v1  }
0x103: {  	[tilespmem:s30], [sflag:$0x2] =	stream.indirect.gather [hbm4b:s1+s28], $0x10, s29, s28, $0xb8;
	[tilespmem:$0x1AAA0] =	vst v63  }
0x104: {  	_ = 	snop  }
0x105: {  	[tilespmem:s0], [sflag:$0x3] =	stream.indirect.gather [spmem:s4], $0x10, s31, s28, $0xb8;
	[tilespmem:$0x1AAA0] =	vst v63  }
0x106: {  	s20 =	smul.u32 $0x7D0, s16  }
0x107: {  	[spmem:s3] =	stream.indirect.scatter.add.f32 [tilespmem:s13], [sflag:$0x4], $0x10, s25, s28, $0xb8;
	[tilespmem:$0x1AAA0] =	vst v63  }
0x108: {  	s9 =	sadd.s32 s20, s18;
	_ =	swait.ge [sflag:s22], $0x3E80  }
0x109: {  	s9 =	sshrl.u32 s9, $0x3;
	[sflag:s22] =	ssyncset.done $0x0  }
0x10a: {  	s19 =	sadd.s32 s6, s9;
	[sflag:s22] =	ssyncadd.s32 $0xFFFFC180  }
0x10b: {  	[tilespmem:s23], [sflag:$0x1] =	stream.linear.gather [hbm4b:s19+s5], $0x3E8, $0x38;
	[tilespmem:$0x1AAA0] =	vst v63  }
.Ltmp8:
0x10c: {  	_ = 	snop;
	(pc) =	sbr.rel .LBB2_4-.Ltmp8, $4  }
0x10d: {  	s21 =	sadd.s32 s7, s9  }
0x10e: {  	[tilespmem:s25], [sflag:$0x1] =	stream.linear.gather [hbm4b:s21+s5], $0x3E8, $0x38;
	[tilespmem:$0x1AAA0] =	vst v63  }
0x10f: {  	s16 =	sadd.s32 $0x1, s16;
	s9 =	sadd.s32 s2, s9  }
0x110: {  	[tilespmem:s8], [sflag:$0x1] =	stream.linear.gather [hbm4b:s9+s5], $0x3E8, $0x38;
	[tilespmem:$0x1AAA0] =	vst v63  }
.LBB2_15:
0x111: {  	_ =	sfence.sel $0x180000  }
0x112: {  	[bflag:$0x0] =	sbarrier.arrive $0xFFFF  }
0x113: {  	_ =	strace $0x9000004A  }
0x114: {  	[bflag:$0x2] =	sbarrier.arrive $0xFFFF  }
0x115: {  	s0 =	rddreg [dreg:$0x5]  }
0x116: {  	s0 =	sadd.s32 @!p0 $0x100000, s0  }
0x117: {  	[sflag:s0] =	ssyncadd.tile.s32 @!p0 $0x1;
	_ =	shalt  }
.Lfunc_end2:
_tile_overlayer_lowered:
.L_overlay_start_2:
0x118: {  	(tag) =	ssettag $0x2  }
0x119: {  	s0 =	rddreg [dreg:$0x0];
	s2 =	stileid.u32  }
0x11a: {  	s1 =	rddreg [dreg:$0x1];
	p0 =	sne.s32 s2, $0x0  }
0x11b: {  	s3 =	rddreg [dreg:$0x2];
	[bflag:$0x3] =	sbarrier.arrive $0xFFFF;
	s2 =	simm.s32 @!p0 $0x1C04  }
0x11c: {  	[timem:s3], [sflag:s2] =	dma.local @!p0 [hbm:s0], s1  }
0x11d: {  	s0 =	simm.s32 @!p0 $0x4  }
0x11e: {  	_ =	swait.ge @!p0 [sflag:s0], s1  }
0x11f: {  	s1 =	ssub.s32 @!p0 $0x0, s1;
	[sflag:s0] =	ssyncset.done @!p0 $0x0  }
0x120: {  	[sflag:s0] =	ssyncadd.s32 @!p0 s1  }
0x121: {  	[bflag:$0x3] =	sbarrier.arrive $0xFFFF  }
0x122: {  	_ =	shalt  }

// kernel: kg_edge_aggregate_sc.7.cloned.1.call-start
scs
__scs_entry_jumppad:
0x0: {  	(pc) =	sbr.rel $0x88, $3  }
0x1: {  	(tag) =	ssettag $0x0;
	lr =	simm.s32 $0x1  }
0x2: {  	[smem:$0x3F8F] =	sst lr;
	_ =	strace $0xD0000000  }
0x3: {  	_ = 	snop  }
0x4: {  	_ = 	snop  }
0x5: {  	_ = 	snop  }
0x6: {  	_ = 	snop  }
0x7: {  	_ = 	snop  }
__scs_overlays_trampoline_lowered:
0x8: {  	[smem:$0x3F9E] =	sst s0  }
0x9: {  	[smem:$0x3F9F] =	sst s1  }
0xa: {  	[smem:$0x3FA0] =	sst s2  }
0xb: {  	[smem:$0x3FA1] =	sst s3  }
0xc: {  	[smem:$0x3FA2] =	sst s4  }
0xd: {  	[smem:$0x3FA3] =	sst s5  }
0xe: {  	[smem:$0x3FA4] =	sst s6  }
0xf: {  	[smem:$0x3FA5] =	sst s7  }
0x10: {  	[smem:$0x3FA6] =	sst s8  }
0x11: {  	[smem:$0x3FA7] =	sst s9;
	s0 =	simm.s32 @!p0 $0x0  }
0x12: {  	s1 =	sld [smem:$0x3F8D];
	s0 =	simm.s32 @p0 $0x1  }
0x13: {  	[smem:$0x3FA8] =	sst s0;
	s0 =	simm.s32 @!p1 $0x0  }
0x14: {  	s2 =	sld [smem:$0x3F8C];
	s0 =	simm.s32 @p1 $0x1  }
0x15: {  	[smem:$0x3FA9] =	sst s0;
	s0 =	simm.s32 @!p2 $0x0  }
0x16: {  	s3 =	sld [smem:$0x3FDB];
	s0 =	simm.s32 @p2 $0x1  }
0x17: {  	s4 =	simm.s32 $0x1BF5;
	[smem:$0x3FAB] =	sst s0  }
0x18: {  	s0 =	sld [smem:$0x3F8E];
	_ =	swait.ge [sflag:s4], $0x0  }
0x19: {  	s7 =	sld [smem:$0x3F8F]  }
0x1a: {  	s8 =	sadd.s32 $0xFFFFE003, lr  }
0x1b: {  	s9 =	sadd.s32 $0xFFFFFEF7, lr;
	s5 =	simm.s32 $0xFFFFFFFF;
	p2 =	slt.u32 s8, $0xFFFFF086  }
0x1c: {  	p1 =	slt.u32 s9, $0xF7A;
	s5 =	simm.s32 @!p2 $0x0  }
0x1d: {  	s5 =	simm.s32 @p1 $0x1;
	p0 =	seq.s32 s7, s2  }
0x1e: {  	s7 =	smul.u32 @!p0 $0xF7A, s2;
	p2 =	seq.s32 @!p0 s5, $0x0  }
0x1f: {  	s9 =	smul.u32 $0xF7A, s1;
	s8 =	simm.s32 @!p0 $0x1BF5;
	p2 =	por !p2, p0  }
0x20: {  	[sflag:s8] =	ssyncset.s32 @!p0 $0xFFFFF086;
	s6 =	sadd.s32 @!p0 s3, s7;
	s7 =	simm.s32 @!p0 $0x108  }
0x21: {  	s3 =	sadd.s32 s3, s9;
	s6 =	sadd.s32 @!p0 $0x88, s6;
	s7 =	simm.s32 @p2 $0x1082  }
0x22: {  	[simem:s7], [sflag:s8] =	dma.local @!p0 [hbm:s6], $0xF7A  }
0x23: {  	s9 =	sor.u32 $0xD0000000, s2;
	s6 =	simm.s32 $0x108;
	_ =	swait.ge @!p0 [sflag:s8], $0x0  }
0x24: {  	s3 =	sadd.s32 $0x88, s3;
	s6 =	simm.s32 @!p1 $0x1082;
	[sflag:s4] =	ssyncset.s32 $0xFFFFF086  }
0x25: {  	[simem:s6], [sflag:s4] =	dma.local [hbm:s3], $0xF7A  }
0x26: {  	[smem:$0x3F8F] =	sst s1;
	(tag) =	ssettag s2;
	_ =	strace s9  }
0x27: {  	s1 =	sld [smem:$0x3F9F]  }
0x28: {  	s2 =	sld [smem:$0x3FA0]  }
0x29: {  	s4 =	sld [smem:$0x3FA2]  }
0x2a: {  	p0 =	seq.s32 s5, $0x0;
	s5 =	sld [smem:$0x3FA3]  }
0x2b: {  	s6 =	sld [smem:$0x3FA4]  }
0x2c: {  	s7 =	sld [smem:$0x3FA5]  }
0x2d: {  	s3 =	simm.s32 $0x108;
	s8 =	sld [smem:$0x3FA6]  }
0x2e: {  	s3 =	simm.s32 @!p0 $0x1082;
	s9 =	sld [smem:$0x3FA7]  }
0x2f: {  	lr =	sadd.s32 s0, s3;
	s0 =	sld [smem:$0x3F9E]  }
0x30: {  	s3 =	sld [smem:$0x3FA1]  }
0x31: {  	[smem:$0x3FAA] =	sst s10  }
0x32: {  	s10 =	sld [smem:$0x3FA8];
	_ =	sdelay $0x3  }
0x33: {  	p0 =	seq.s32 s10, $0x1;
	s10 =	sld [smem:$0x3FAA];
	_ =	sdelay $0x3  }
0x34: {  	[smem:$0x3FAA] =	sst s10  }
0x35: {  	s10 =	sld [smem:$0x3FA9];
	_ =	sdelay $0x3  }
0x36: {  	p1 =	seq.s32 s10, $0x1;
	s10 =	sld [smem:$0x3FAA];
	_ =	sdelay $0x3  }
0x37: {  	[smem:$0x3FAA] =	sst s10  }
0x38: {  	s10 =	sld [smem:$0x3FAB]  }
0x39: {  	_ = 	snop;
	(pc) =	sbr.ind lr, $3  }
0x3a: {  	_ = 	snop  }
0x3b: {  	_ = 	snop  }
0x3c: {  	p2 =	seq.s32 s10, $0x1;
	s10 =	sld [smem:$0x3FAA]  }
0x3d: {  	_ =	shalt  }
0x3e: {  	_ =	shalt  }
0x3f: {  	_ =	shalt  }
0x40: {  	_ =	shalt  }
0x41: {  	_ =	shalt  }
0x42: {  	_ =	shalt  }
0x43: {  	_ =	shalt  }
0x44: {  	_ =	shalt  }
0x45: {  	_ =	shalt  }
0x46: {  	_ =	shalt  }
0x47: {  	_ =	shalt  }
0x48: {  	_ =	shalt  }
0x49: {  	_ =	shalt  }
0x4a: {  	_ =	shalt  }
0x4b: {  	_ =	shalt  }
0x4c: {  	_ =	shalt  }
0x4d: {  	_ =	shalt  }
0x4e: {  	_ =	shalt  }
0x4f: {  	_ =	shalt  }
0x50: {  	_ =	shalt  }
0x51: {  	_ =	shalt  }
0x52: {  	_ =	shalt  }
0x53: {  	_ =	shalt  }
0x54: {  	_ =	shalt  }
0x55: {  	_ =	shalt  }
0x56: {  	_ =	shalt  }
0x57: {  	_ =	shalt  }
0x58: {  	_ =	shalt  }
0x59: {  	_ =	shalt  }
0x5a: {  	_ =	shalt  }
0x5b: {  	_ =	shalt  }
0x5c: {  	_ =	shalt  }
0x5d: {  	_ =	shalt  }
0x5e: {  	_ =	shalt  }
0x5f: {  	_ =	shalt  }
0x60: {  	_ =	shalt  }
0x61: {  	_ =	shalt  }
0x62: {  	_ =	shalt  }
0x63: {  	_ =	shalt  }
0x64: {  	_ =	shalt  }
0x65: {  	_ =	shalt  }
0x66: {  	_ =	shalt  }
0x67: {  	_ =	shalt  }
0x68: {  	_ =	shalt  }
0x69: {  	_ =	shalt  }
0x6a: {  	_ =	shalt  }
0x6b: {  	_ =	shalt  }
0x6c: {  	_ =	shalt  }
0x6d: {  	_ =	shalt  }
0x6e: {  	_ =	shalt  }
0x6f: {  	_ =	shalt  }
0x70: {  	_ =	shalt  }
0x71: {  	_ =	shalt  }
0x72: {  	_ =	shalt  }
0x73: {  	_ =	shalt  }
0x74: {  	_ =	shalt  }
0x75: {  	_ =	shalt  }
0x76: {  	_ =	shalt  }
0x77: {  	_ =	shalt  }
0x78: {  	_ =	shalt  }
0x79: {  	_ =	shalt  }
0x7a: {  	_ =	shalt  }
0x7b: {  	_ =	shalt  }
0x7c: {  	_ =	shalt  }
0x7d: {  	_ =	shalt  }
0x7e: {  	_ =	shalt  }
0x7f: {  	_ =	shalt  }
0x80: {  	_ =	shalt  }
0x81: {  	_ =	shalt  }
0x82: {  	_ =	shalt  }
0x83: {  	_ =	shalt  }
0x84: {  	_ =	shalt  }
0x85: {  	_ =	shalt  }
0x86: {  	_ =	shalt  }
0x87: {  	_ =	shalt  }
.Lfunc_end0:
.L_simem_size_0:
called_computation.2_lowered:
.L_overlay_start_0:
0x88: {  	s2 =	sld [smem:$0x3FD9]  }
0x89: {  	s3 =	sld [smem:$0x3FFE];
	_ =	sdelay $0x1  }
0x8a: {  	s1 =	srdreg.scid  }
0x8b: {  	s0 =	sand.u32 $0x1, s1  }
0x8c: {  	s14 =	sshll.u32 s0, $0xA;
	s2 =	sadd.s32 s3, s2  }
0x8d: {  	s2 =	sadd.s32 s2, s14  }
0x8e: {  	[smem:$0x3FB6] =	sst s2  }
0x8f: {  	_ = 	snop  }
0x90: {  	s2 =	sld [smem:$0x3FD0];
	_ =	sdelay $0x2  }
0x91: {  	s4 =	simm.s32 $0xC;
	s5 =	simm.s32 $0x10;
	s15 =	sld [smem:$0x3FC6]  }
0x92: {  	[smem:s5], [sflag:s4] =	dma.local [hbm:s2], $0x1  }
0x93: {  	_ =	swait.eq [sflag:s4], $0x1  }
0x94: {  	[sflag:s4] =	ssyncset.done $0x0  }
0x95: {  	[sflag:s4] =	ssyncadd.s32 $0xFFFFFFFF  }
0x96: {  	s16 =	sld [smem:$0x10];
	(tm) =	ssettm $0x1  }
0x97: {  	s17 =	sld [smem:$0x3FFB];
	_ =	sdelay $0x3  }
0x98: {  	_ =	strace s17  }
0x99: {  	s4 =	sld [smem:$0x3FFC];
	_ =	sdelay $0x3  }
0x9a: {  	_ =	strace s4  }
0x9b: {  	s4 =	sld [smem:$0x3FFD];
	_ =	sdelay $0x3  }
0x9c: {  	_ =	strace s4  }
0x9d: {  	_ =	strace $0x8FFFFFFF  }
0x9e: {  	s18 =	sld [smem:$0x3FDB];
	_ =	sdelay $0x1  }
0x9f: {  	s19 =	simm.s32 $_scs_section_size  }
0xa0: {  	s6 =	simm.s32 $_size__tile_overlayer_lowered;
	s7 =	simm.s32 $_tile_overlayer_lowered  }
0xa1: {  	s22 =	simm.s32 $0x1BFF;
	s21 =	sshll.u32 s7, $0x1;
	s4 =	sadd.s32 s19, s18  }
0xa2: {  	s8 =	simm.s32 $0x0;
	s20 =	sshll.u32 s6, $0x1;
	s6 =	sadd.s32 s21, s4  }
0xa3: {  	[timem:s8], [sflag:s22] =	dma.local [hbm:s6], s20  }
0xa4: {  	_ =	swait.ge [sflag:s22], s20  }
0xa5: {  	s5 =	ssub.s32 $0x0, s20;
	[sflag:s22] =	ssyncset.done $0x0  }
0xa6: {  	[sflag:s22] =	ssyncadd.s32 s5;
	_ =	sdelay $0x1  }
0xa7: {  	s23 =	simm.s32 $0x1B8B  }
0xa8: {  	_ =	swait.ge [sflag:s23], $0x1  }
0xa9: {  	[sflag:s23] =	ssyncset.done $0x0  }
0xaa: {  	s25 =	simm.s32 $0x1B8E;
	s24 =	sld [smem:$0x3FFE];
	[sflag:s23] =	ssyncadd.s32 $0xFFFFFFFF  }
0xab: {  	s26 =	simm.s32 $execute0_lowered;
	[smem:$0x3FD2] =	sst s25  }
0xac: {  	s6 =	sshll.u32 s26, $0x1;
	_ =	strace $0x80000046;
	[dreg:$0x1] =	wrdreg $0xFFFFFFFF  }
0xad: {  	s28 =	simm.s32 $_size_execute0_lowered;
	s4 =	sadd.s32 s4, s6;
	[dreg:$0x0] =	wrdreg $0x0  }
0xae: {  	s6 =	sshll.u32 s28, $0x1;
	[dreg:$0x2] =	wrdreg s4  }
0xaf: {  	[dreg:$0x3] =	wrdreg s6  }
0xb0: {  	[dreg:$0x4] =	wrdreg $0xC0  }
0xb1: {  	_ =	task [dreg:s8], $0x5FFFF  }
0xb2: {  	[dreg:$0x1] =	wrdreg $0xFFFFFFFF  }
0xb3: {  	[dreg:$0x0] =	wrdreg $0x60  }
0xb4: {  	[dreg:$0x2] =	wrdreg s16  }
0xb5: {  	[dreg:$0x3] =	wrdreg s24  }
0xb6: {  	[dreg:$0x4] =	wrdreg s15  }
0xb7: {  	[dreg:$0x5] =	wrdreg $0x0  }
0xb8: {  	[dreg:$0x6] =	wrdreg $0xC8000  }
0xb9: {  	[dreg:$0x7] =	wrdreg $0xB  }
0xba: {  	_ =	task.clear_ibuf [dreg:s8], $0x8FFFF;
	_ =	strace $0x90000046  }
0xbb: {  	s29 =	simm.s32 $0xB;
	_ =	strace $0x80000048  }
0xbc: {  	_ =	swait.ge [sflag:s29], $0x1  }
0xbd: {  	[sflag:s29] =	ssyncadd.s32 $0xFFFFFFFF  }
0xbe: {  	_ =	strace $0x90000048  }
0xbf: {  	_ =	sfence  }
0xc0: {  	s30 =	sld [smem:$0x0];
	_ =	sdelay $0x2  }
0xc1: {  	s31 =	sshll.u32 s1, $0xD;
	s1 =	sshrl.u32 s1, $0x2  }
0xc2: {  	s3 =	sand.u32 $0x4000, s31;
	s1 =	sadd.s32 s1, s30  }
0xc3: {  	s0 =	sor.u32 s3, s0;
	s1 =	sshll.u32 s1, $0x11  }
0xc4: {  	s0 =	sor.u32 s1, s0  }
0xc5: {  	s0 =	sadd.s32 $0x8F2B, s0  }
0xc6: {  	[sflag:s0] =	ssyncadd.remote.s32 $0x1  }
0xc7: {  	_ =	sfence.sel $0xFFFF  }
0xc8: {  	[dreg:$0x0] =	wrdreg $0xFFFFFFFF;
	(pc) =	sbr.abs _section_cstart, $3  }
0xc9: {  	[dreg:$0x1] =	wrdreg $0xFFFFFFFF  }
0xca: {  	_ =	task.clear_ibuf [dreg:s8], $0x2FFFF;
	_ =	strace $0x9FFFFFFF  }
0xcb: {  	(tm) =	ssettm $0x7FFFFFFF  }
tec
execute0_lowered:
.L_overlay_start_1:
0x0: {  	(tag) =	ssettag $0x1  }
0x1: {  	s1 =	rddreg [dreg:$0x0]  }
0x2: {  	s0 =	rddreg [dreg:$0x1]  }
0x3: {  	s2 =	rddreg [dreg:$0x2]  }
0x4: {  	s3 =	rddreg [dreg:$0x3]  }
0x5: {  	s4 =	rddreg [dreg:$0x4]  }
0x6: {  	s6 =	srdreg.scid;
	s5 =	simm.s32 $0x0;
	s9 =	stileid.u32  }
0x7: {  	s28 =	simm.s32 $0x3E8;
	s29 =	simm.s32 $0xDF80;
	s30 =	simm.s32 $0xEF20  }
0x8: {  	s31 =	simm.s32 $0xE750;
	s8 =	sand.u32 $0x1, s6;
	[smem:$0x7FF] =	sst s5  }
0x9: {  	s11 =	smul.u32 $0xC800, s9;
	s6 =	sadd.s32 $0x2C00, s0;
	s7 =	sadd.s32 $0x1B400, s0  }
0xa: {  	s14 =	sadd.s32 $0x33E00, s0;
	s15 =	smul.u32 $0xC350, s9;
	s19 =	sshll.u32 s9, $0x6  }
0xb: {  	p0 =	sne.s32 s9, $0x0;
	s9 =	simm.s32 $0x2;
	s10 =	sor.u32 $0x2, s8  }
0xc: {  	_ =	strace $0x80000047;
	s13 =	smul.u32 $0xC8000, s8;
	[dreg:$0x6] =	wrdreg s14  }
0xd: {  	s8 =	ssub.s32 $0x2, s8;
	s16 =	sor.u32 $0x1C04, s19;
	s14 =	simm.s32 $0xEB38  }
0xe: {  	s12 =	sshll.u32 s10, $0x5;
	s18 =	sshrl.u32 s8, $0x1;
	s20 =	sshrl.u32 s15, $0x3  }
0xf: {  	s22 =	sadd.s32 $0x3E8, s15;
	s19 =	sadd.s32 $0xBB8, s15;
	[dreg:$0x8] =	wrdreg s16  }
0x10: {  	s12 =	sadd.s32 s12, s0;
	s13 =	sadd.s32 s11, s13;
	s8 =	ssub.s32 s8, s18  }
0x11: {  	s11 =	sadd.s32 s11, s3;
	s21 =	sadd.s32 s6, s20;
	s23 =	sadd.s32 s7, s20  }
0x12: {  	s24 =	sshrl.u32 s22, $0x3;
	s18 =	sadd.s32 $0x7D0, s15;
	[dreg:$0x7] =	wrdreg s11  }
0x13: {  	s22 =	simm.s32 $0x4;
	s15 =	simm.s32 $0x0;
	[dreg:$0xa] =	wrdreg s21  }
0x14: {  	s13 =	sshrl.u32 s13, $0x3;
	s12 =	sadd.s32 $0x33C00, s12;
	[dreg:$0xb] =	wrdreg s23  }
0x15: {  	s11 =	sadd.s32 s2, s20;
	s25 =	sadd.s32 s7, s24;
	s26 =	smax.u32 s8, $0x1  }
0x16: {  	s23 =	simm.s32 $0xCBF8;
	s8 =	simm.s32 $0xDB98;
	[dreg:$0x9] =	wrdreg s12  }
0x17: {  	s0 =	sadd.s32 s13, s0;
	[dreg:$0xc] =	wrdreg s11;
	s12 =	sadd.s32 s6, s24  }
.Ltmp0:
0x18: {  	[dreg:$0xe] =	wrdreg s25;
	s11 =	sadd.s32 s2, s24;
	(pc) =	sbr.rel .LBB2_1-.Ltmp0, $4  }
0x19: {  	[dreg:$0x11] =	wrdreg s26;
	s24 =	simm.s32 $0xCFE0;
	s26 =	simm.s32 $0x1  }
0x1a: {  	s25 =	simm.s32 $0xD3C8;
	s13 =	simm.s32 $0x12DA0;
	[dreg:$0xd] =	wrdreg s12  }
0x1b: {  	[dreg:$0xf] =	wrdreg s11;
	s0 =	sadd.s32 $0x35800, s0;
	s11 =	simm.s32 $0x3  }
0x1c: {  	v0 =	vmov s10;
	s12 =	simm.s32 $0xE368;
	[dreg:$0x10] =	wrdreg s0;
	s0 =	simm.s32 $0x16C20  }
.LBB2_14:
0x1d: {  	[spmem:s3] =	stream.indirect.scatter.add.f32 [tilespmem:s13], [sflag:$0x4], $0x10, s25, s28, $0xb8;
	[tilespmem:$0x1AAA0] =	vst v63  }
0x1e: {  	_ =	swait.ge [sflag:s22], $0x3E80  }
0x1f: {  	[sflag:s22] =	ssyncset.done $0x0  }
0x20: {  	[sflag:s22] =	ssyncadd.s32 $0xFFFFC180  }
0x21: {  	[bflag:$0x0] =	sbarrier.arrive $0xFFFF  }
0x22: {  	s16 =	rddreg [dreg:$0x8]  }
0x23: {  	s10 =	rddreg [dreg:$0x10]  }
0x24: {  	s17 =	rddreg [dreg:$0x12]  }
0x25: {  	[hbm:s10], [sflag:s16] =	dma.local [spmem:s17], $0x1900  }
0x26: {  	_ =	swait.ge [sflag:s22], $0x1900  }
0x27: {  	s15 =	sadd.s32 $0x1, s15;
	s21 =	rddreg [dreg:$0x11]  }
0x28: {  	p1 =	sne.s32 s15, s21  }
.Ltmp1:
0x29: {  	_ = 	snop;
	(pc) =	sbr.rel @!p1 .LBB2_15-.Ltmp1, $3  }
0x2a: {  	_ =	sdelay $0x1  }
0x2b: {  	[sflag:s22] =	ssyncset.done $0x0  }
0x2c: {  	[sflag:s22] =	ssyncadd.s32 $0xFFFFE700  }
.LBB2_1:
0x2d: {  	s10 =	rddreg [dreg:$0x7]  }
0x2e: {  	s21 =	rddreg [dreg:$0x6];
	s17 =	sshrl.u32 s10, $0x3  }
0x2f: {  	[dreg:$0x12] =	wrdreg s17  }
0x30: {  	[spmem:s17], [sflag:s16] =	dma.local [hbm:s21], $0x1900  }
0x31: {  	_ =	swait.ge [sflag:s22], $0x1900  }
0x32: {  	[sflag:s22] =	ssyncset.done $0x0  }
0x33: {  	s10 =	sshrl.u32 @!p0 s4, $0x3;
	s17 =	rddreg [dreg:$0x9];
	[sflag:s22] =	ssyncadd.s32 $0xFFFFE700  }
0x34: {  	[spmem:s10], [sflag:s16] =	dma.local @!p0 [hbm:s17], $0x20  }
0x35: {  	s10 =	simm.s32 @!p0 $0x4  }
0x36: {  	_ =	swait.ge @!p0 [sflag:s10], $0x20  }
0x37: {  	[sflag:s10] =	ssyncset.done @!p0 $0x0  }
0x38: {  	[sflag:s10] =	ssyncadd.s32 @!p0 $0xFFFFFFE0  }
0x39: {  	[bflag:$0x0] =	sbarrier.arrive $0xFFFF  }
0x3a: {  	s21 =	simm.s32 $0xC810;
	s20 =	rddreg [dreg:$0xa]  }
0x3b: {  	[tilespmem:s21], [sflag:$0x1] =	stream.linear.gather [hbm4b:s20+s5], $0x3E8, $0x38;
	[tilespmem:$0x1AAA0] =	vst v63  }
0x3c: {  	s17 =	rddreg [dreg:$0xb]  }
0x3d: {  	[tilespmem:s24], [sflag:$0x1] =	stream.linear.gather [hbm4b:s17+s5], $0x3E8, $0x38;
	[tilespmem:$0x1AAA0] =	vst v63  }
0x3e: {  	s20 =	rddreg [dreg:$0xc];
	s21 =	simm.s32 $0xD7B0  }
0x3f: {  	[tilespmem:s21], [sflag:$0x1] =	stream.linear.gather [hbm4b:s20+s5], $0x3E8, $0x38;
	[tilespmem:$0x1AAA0] =	vst v63  }
0x40: {  	_ =	swait.ge [sflag:s26], $0x3E8  }
0x41: {  	[sflag:s26] =	ssyncset.done $0x0  }
0x42: {  	[sflag:s26] =	ssyncadd.s32 $0xFFFFFC18  }
0x43: {  	_ =	swait.ge [sflag:s26], $0x3E8  }
0x44: {  	[sflag:s26] =	ssyncset.done $0x0  }
0x45: {  	[sflag:s26] =	ssyncadd.s32 $0xFFFFFC18  }
0x46: {  	_ =	swait.ge [sflag:s26], $0x3E8  }
0x47: {  	[sflag:s26] =	ssyncset.done $0x0  }
0x48: {  	s10 =	simm.s32 $0x0;
	[sflag:s26] =	ssyncadd.s32 $0xFFFFFC18  }
0x49: {  	v1 =	vld [tilespmem:s10+$0xD7B0]  }
0x4a: {  	v2 =	vld [tilespmem:s10+$0xC810]  }
0x4b: {  	s16 =	simm.s32 $0x40  }
.LBB2_2:
0x4c: {  	p1 =	sne.s32 s16, $0xF40  }
.Ltmp2:
0x4d: {  	_ = 	snop;
	(pc) =	sbr.rel @p1 .LBB2_2-.Ltmp2, $4  }
0x4e: {  	s17 =	sshra.s32 s16, $0x2;
	v3 =	vadd.s32 $0xFFFFFFFF, v1  }
0x4f: {  	v1 =	vld [tilespmem:s17+$0xD7B0];
	v4 =	vshll.u32 v2, $0x2;
	v3 =	vand.u32 $0xF, v3  }
0x50: {  	v2 =	vld [tilespmem:s17+$0xC810];
	v4 =	vor.u32 v0, v4;
	[tilespmem:s10+$0xE750] =	vst v3  }
0x51: {  	s16 =	sadd.s32 $0x40, s16;
	[tilespmem:s10+$0xDF80] =	vst v4;
	s10 =	smov.u32 s17  }
0x52: {  	_ =	sdelay $0x1  }
0x53: {  	v1 =	vadd.s32 $0xFFFFFFFF, v1  }
0x54: {  	v2 =	vshll.u32 v2, $0x2;
	v1 =	vand.u32 $0xF, v1  }
0x55: {  	v2 =	vor.u32 v0, v2;
	[tilespmem:s10+$0xE750] =	vst v1  }
0x56: {  	[tilespmem:s10+$0xDF80] =	vst v2  }
0x57: {  	v1 =	vld [tilespmem:$0xCBE8]  }
0x58: {  	v2 =	vld [tilespmem:$0xDB88];
	_ =	sdelay $0x3  }
0x59: {  	v1 =	vshll.u32 v1, $0x2  }
0x5a: {  	v2 =	vadd.s32 $0xFFFFFFFF, v2;
	v1 =	vor.u32 v0, v1  }
0x5b: {  	[tilespmem:$0xE358] =	vst v1;
	v1 =	vand.u32 $0xF, v2  }
0x5c: {  	[tilespmem:$0xEB28] =	vst v1  }
0x5d: {  	[tilespmem:s30], [sflag:$0x2] =	stream.indirect.gather [hbm4b:s1+s28], $0x10, s29, s28, $0xb8;
	[tilespmem:$0x1AAA0] =	vst v63  }
0x5e: {  	_ = 	snop  }
0x5f: {  	[tilespmem:s0], [sflag:$0x3] =	stream.indirect.gather [spmem:s4], $0x10, s31, s28, $0xb8;
	[tilespmem:$0x1AAA0] =	vst v63  }
0x60: {  	s17 =	simm.s32 $0x0;
	s16 =	rddreg [dreg:$0xd]  }
0x61: {  	[tilespmem:s23], [sflag:$0x1] =	stream.linear.gather [hbm4b:s16+s17], $0x3E8, $0x38;
	[tilespmem:$0x1AAA0] =	vst v63  }
0x62: {  	s20 =	rddreg [dreg:$0xe]  }
0x63: {  	[tilespmem:s25], [sflag:$0x1] =	stream.linear.gather [hbm4b:s20+s17], $0x3E8, $0x38;
	[tilespmem:$0x1AAA0] =	vst v63  }
0x64: {  	s21 =	rddreg [dreg:$0xf]  }
0x65: {  	[tilespmem:s8], [sflag:$0x1] =	stream.linear.gather [hbm4b:s21+s17], $0x3E8, $0x38;
	[tilespmem:$0x1AAA0] =	vst v63  }
.LBB2_4:
0x66: {  	_ =	swait.ge [sflag:s9], $0x3E80  }
0x67: {  	[sflag:s9] =	ssyncset.done $0x0  }
0x68: {  	[sflag:s9] =	ssyncadd.s32 $0xFFFFC180  }
0x69: {  	_ =	swait.ge [sflag:s11], $0x3E80  }
0x6a: {  	[sflag:s11] =	ssyncset.done $0x0  }
0x6b: {  	s20 =	simm.s32 $0xEF60;
	[sflag:s11] =	ssyncadd.s32 $0xFFFFC180  }
0x6c: {  	s21 =	simm.s32 $0x16C60;
	v2 =	vld [tilespmem:s20+$0x30]  }
0x6d: {  	v3 =	vld [tilespmem:s21+$0x30]  }
0x6e: {  	v1 =	vld [tilespmem:s21+$0xFFFFFFC0]  }
0x6f: {  	v4 =	vld [tilespmem:s20+$0xFFFFFFD0]  }
0x70: {  	v5 =	vld [tilespmem:s21+$0xFFFFFFD0]  }
0x71: {  	v6 =	vld [tilespmem:s20+$0xFFFFFFE0]  }
0x72: {  	v7 =	vld [tilespmem:s21+$0xFFFFFFE0]  }
0x73: {  	v8 =	vld [tilespmem:s20+$0xFFFFFFF0]  }
0x74: {  	v9 =	vld [tilespmem:s21+$0xFFFFFFF0]  }
0x75: {  	v10 =	vld [tilespmem:s20+$0x0]  }
0x76: {  	v11 =	vld [tilespmem:s21+$0x0];
	v3 =	vmul.f32 v3, v2  }
0x77: {  	v5 =	vmul.f32 v5, v4;
	v2 =	vld [tilespmem:s20+$0x10]  }
0x78: {  	v6 =	vmul.f32 v7, v6;
	v4 =	vld [tilespmem:s21+$0x10];
	[tilespmem:s20+$0x30] =	vst v3  }
0x79: {  	v7 =	vmul.f32 v9, v8;
	[tilespmem:s20+$0xFFFFFFD0] =	vst v5;
	v3 =	vld [tilespmem:s20+$0x20]  }
0x7a: {  	[tilespmem:s20+$0xFFFFFFE0] =	vst v6;
	v6 =	vld [tilespmem:s21+$0x20]  }
0x7b: {  	s10 =	simm.s32 $0x0;
	s16 =	simm.s32 $0xEFE0;
	v5 =	vld [tilespmem:s20+$0xFFFFFFC0];
	[tilespmem:s20+$0xFFFFFFF0] =	vst v7;
	v7 =	vmul.f32 v11, v10  }
.LBB2_5:
0x7c: {  	v8 =	vld [tilespmem:s16+$0x30];
	s21 =	sadd.s32 $0x80, s21  }
0x7d: {  	s10 =	sadd.s32 $0x8, s10;
	v9 =	vld [tilespmem:s21+$0x30];
	[tilespmem:s20+$0x0] =	vst v7;
	v2 =	vmul.f32 v4, v2  }
0x7e: {  	p1 =	slt.u32 s10, $0x3E0;
	v4 =	vld [tilespmem:s21+$0xFFFFFFC0]  }
0x7f: {  	v7 =	vld [tilespmem:s16+$0xFFFFFFD0];
	[tilespmem:s20+$0x10] =	vst v2;
	v2 =	vmul.f32 v6, v3  }
0x80: {  	v3 =	vld [tilespmem:s21+$0xFFFFFFD0];
	v10 =	vmul.f32 v1, v5  }
0x81: {  	v5 =	vld [tilespmem:s16+$0xFFFFFFE0];
	[tilespmem:s20+$0x20] =	vst v2  }
0x82: {  	v2 =	vld [tilespmem:s21+$0xFFFFFFE0];
	v6 =	vmul.f32 v9, v8;
	[tilespmem:s20+$0xFFFFFFC0] =	vst v10;
	s20 =	smov.u32 s16  }
0x83: {  	v8 =	vld [tilespmem:s16+$0xFFFFFFF0];
	v1 =	vmov v4  }
0x84: {  	v9 =	vld [tilespmem:s21+$0xFFFFFFF0];
	[tilespmem:s16+$0x30] =	vst v6  }
0x85: {  	v3 =	vmul.f32 v3, v7;
	v7 =	vld [tilespmem:s16+$0x0]  }
0x86: {  	v10 =	vld [tilespmem:s21+$0x0]  }
.Ltmp3:
0x87: {  	[tilespmem:s16+$0xFFFFFFD0] =	vst v3;
	v3 =	vmul.f32 v2, v5;
	v2 =	vld [tilespmem:s16+$0x10];
	(pc) =	sbr.rel @p1 .LBB2_5-.Ltmp3, $4  }
0x88: {  	v4 =	vld [tilespmem:s21+$0x10]  }
0x89: {  	[tilespmem:s16+$0xFFFFFFE0] =	vst v3;
	v8 =	vmul.f32 v9, v8;
	v3 =	vld [tilespmem:s16+$0x20]  }
0x8a: {  	v6 =	vld [tilespmem:s21+$0x20]  }
0x8b: {  	s16 =	sadd.s32 $0x80, s16;
	v5 =	vld [tilespmem:s20+$0xFFFFFFC0];
	[tilespmem:s20+$0xFFFFFFF0] =	vst v8;
	v7 =	vmul.f32 v10, v7  }
0x8c: {  	_ =	sdelay $0x1  }
0x8d: {  	v2 =	vmul.f32 v4, v2  }
0x8e: {  	[tilespmem:s20+$0x0] =	vst v7;
	v3 =	vmul.f32 v6, v3  }
0x8f: {  	[tilespmem:s20+$0x10] =	vst v2;
	v1 =	vmul.f32 v1, v5  }
0x90: {  	[tilespmem:s20+$0x20] =	vst v3  }
0x91: {  	[tilespmem:s20+$0xFFFFFFC0] =	vst v1  }
0x92: {  	_ =	swait.ge [sflag:s26], $0x3E8  }
0x93: {  	[sflag:s26] =	ssyncset.done $0x0  }
0x94: {  	[sflag:s26] =	ssyncadd.s32 $0xFFFFFC18  }
0x95: {  	_ =	swait.ge [sflag:s26], $0x3E8  }
0x96: {  	[sflag:s26] =	ssyncset.done $0x0  }
0x97: {  	[sflag:s26] =	ssyncadd.s32 $0xFFFFFC18  }
0x98: {  	_ =	swait.ge [sflag:s26], $0x3E8  }
0x99: {  	[sflag:s26] =	ssyncset.done $0x0  }
0x9a: {  	s10 =	simm.s32 $0x0;
	[sflag:s26] =	ssyncadd.s32 $0xFFFFFC18  }
0x9b: {  	v1 =	vld [tilespmem:s10+$0xDB98]  }
0x9c: {  	v2 =	vld [tilespmem:s10+$0xCBF8]  }
0x9d: {  	s16 =	simm.s32 $0x40  }
.LBB2_7:
0x9e: {  	p1 =	sne.s32 s16, $0xF40  }
.Ltmp4:
0x9f: {  	_ = 	snop;
	(pc) =	sbr.rel @p1 .LBB2_7-.Ltmp4, $4  }
0xa0: {  	s20 =	sshra.s32 s16, $0x2;
	v3 =	vadd.s32 $0xFFFFFFFF, v1  }
0xa1: {  	v1 =	vld [tilespmem:s20+$0xDB98];
	v4 =	vshll.u32 v2, $0x2;
	v3 =	vand.u32 $0xF, v3  }
0xa2: {  	v2 =	vld [tilespmem:s20+$0xCBF8];
	v4 =	vor.u32 v0, v4;
	[tilespmem:s10+$0xEB38] =	vst v3  }
0xa3: {  	s16 =	sadd.s32 $0x40, s16;
	[tilespmem:s10+$0xE368] =	vst v4;
	s10 =	smov.u32 s20  }
0xa4: {  	_ =	sdelay $0x1  }
0xa5: {  	v1 =	vadd.s32 $0xFFFFFFFF, v1  }
0xa6: {  	v2 =	vshll.u32 v2, $0x2;
	v1 =	vand.u32 $0xF, v1  }
0xa7: {  	v2 =	vor.u32 v0, v2;
	[tilespmem:s10+$0xEB38] =	vst v1  }
0xa8: {  	[tilespmem:s10+$0xE368] =	vst v2  }
0xa9: {  	v1 =	vld [tilespmem:$0xCFD0]  }
0xaa: {  	v2 =	vld [tilespmem:$0xDF70];
	_ =	sdelay $0x3  }
0xab: {  	v1 =	vshll.u32 v1, $0x2  }
0xac: {  	v2 =	vadd.s32 $0xFFFFFFFF, v2;
	v1 =	vor.u32 v0, v1  }
0xad: {  	[tilespmem:$0xE740] =	vst v1;
	v1 =	vand.u32 $0xF, v2  }
0xae: {  	[tilespmem:$0xEF10] =	vst v1  }
0xaf: {  	[tilespmem:s13], [sflag:$0x2] =	stream.indirect.gather [hbm4b:s1+s28], $0x10, s12, s28, $0xb8;
	[tilespmem:$0x1AAA0] =	vst v63  }
0xb0: {  	p1 =	seq.s32 s17, $0x18  }
0xb1: {  	[tilespmem:s0], [sflag:$0x3] =	stream.indirect.gather [spmem:s4], $0x10, s14, s28, $0xb8;
	[tilespmem:$0x1AAA0] =	vst v63  }
0xb2: {  	s10 =	smul.u32 @!p1 $0x7D0, s17  }
0xb3: {  	[spmem:s3] =	stream.indirect.scatter.add.f32 [tilespmem:s30], [sflag:$0x4], $0x10, s24, s28, $0xb8;
	[tilespmem:$0x1AAA0] =	vst v63  }
0xb4: {  	s10 =	sadd.s32 @!p1 s10, s18;
	_ =	swait.ge [sflag:s22], $0x3E80  }
0xb5: {  	s20 =	simm.s32 @!p1 $0x0;
	s10 =	sshrl.u32 @!p1 s10, $0x3;
	[sflag:s22] =	ssyncset.done $0x0  }
0xb6: {  	s21 =	simm.s32 @!p1 $0xC810;
	s16 =	sadd.s32 @!p1 s6, s10;
	[sflag:s22] =	ssyncadd.s32 $0xFFFFC180  }
0xb7: {  	[tilespmem:s21], [sflag:$0x1] =	stream.linear.gather @!p1 [hbm4b:s16+s20], $0x3E8, $0x38;
	[tilespmem:$0x1AAA0] =	vst v63  }
0xb8: {  	s16 =	sadd.s32 @!p1 s7, s10;
	s21 =	simm.s32 @!p1 $0xCFE0  }
0xb9: {  	[tilespmem:s21], [sflag:$0x1] =	stream.linear.gather @!p1 [hbm4b:s16+s20], $0x3E8, $0x38;
	[tilespmem:$0x1AAA0] =	vst v63  }
0xba: {  	s10 =	sadd.s32 @!p1 s2, s10;
	s16 =	simm.s32 @!p1 $0xD7B0  }
0xbb: {  	[tilespmem:s16], [sflag:$0x1] =	stream.linear.gather @!p1 [hbm4b:s10+s20], $0x3E8, $0x38;
	[tilespmem:$0x1AAA0] =	vst v63  }
0xbc: {  	_ =	swait.ge [sflag:s9], $0x3E80  }
0xbd: {  	[sflag:s9] =	ssyncset.done $0x0  }
0xbe: {  	[sflag:s9] =	ssyncadd.s32 $0xFFFFC180  }
0xbf: {  	_ =	swait.ge [sflag:s11], $0x3E80  }
0xc0: {  	[sflag:s11] =	ssyncset.done $0x0  }
0xc1: {  	s20 =	simm.s32 $0x12DE0;
	[sflag:s11] =	ssyncadd.s32 $0xFFFFC180  }
0xc2: {  	s21 =	simm.s32 $0x16C60;
	v2 =	vld [tilespmem:s20+$0x30]  }
0xc3: {  	v3 =	vld [tilespmem:s21+$0x30]  }
0xc4: {  	v1 =	vld [tilespmem:s21+$0xFFFFFFC0]  }
0xc5: {  	v4 =	vld [tilespmem:s20+$0xFFFFFFD0]  }
0xc6: {  	v5 =	vld [tilespmem:s21+$0xFFFFFFD0]  }
0xc7: {  	v6 =	vld [tilespmem:s20+$0xFFFFFFE0]  }
0xc8: {  	v7 =	vld [tilespmem:s21+$0xFFFFFFE0]  }
0xc9: {  	v8 =	vld [tilespmem:s20+$0xFFFFFFF0]  }
0xca: {  	v9 =	vld [tilespmem:s21+$0xFFFFFFF0]  }
0xcb: {  	v10 =	vld [tilespmem:s20+$0x0]  }
0xcc: {  	v11 =	vld [tilespmem:s21+$0x0];
	v3 =	vmul.f32 v3, v2  }
0xcd: {  	v5 =	vmul.f32 v5, v4;
	v2 =	vld [tilespmem:s20+$0x10]  }
0xce: {  	v6 =	vmul.f32 v7, v6;
	v4 =	vld [tilespmem:s21+$0x10];
	[tilespmem:s20+$0x30] =	vst v3  }
0xcf: {  	v7 =	vmul.f32 v9, v8;
	[tilespmem:s20+$0xFFFFFFD0] =	vst v5;
	v3 =	vld [tilespmem:s20+$0x20]  }
0xd0: {  	[tilespmem:s20+$0xFFFFFFE0] =	vst v6;
	v6 =	vld [tilespmem:s21+$0x20]  }
0xd1: {  	s10 =	simm.s32 $0x0;
	s16 =	simm.s32 $0x12E60;
	v5 =	vld [tilespmem:s20+$0xFFFFFFC0];
	[tilespmem:s20+$0xFFFFFFF0] =	vst v7;
	v7 =	vmul.f32 v11, v10  }
.LBB2_9:
0xd2: {  	v8 =	vld [tilespmem:s16+$0x30];
	s21 =	sadd.s32 $0x80, s21  }
0xd3: {  	s10 =	sadd.s32 $0x8, s10;
	v9 =	vld [tilespmem:s21+$0x30];
	[tilespmem:s20+$0x0] =	vst v7;
	v2 =	vmul.f32 v4, v2  }
0xd4: {  	p2 =	slt.u32 s10, $0x3E0;
	v4 =	vld [tilespmem:s21+$0xFFFFFFC0]  }
0xd5: {  	v7 =	vld [tilespmem:s16+$0xFFFFFFD0];
	[tilespmem:s20+$0x10] =	vst v2;
	v2 =	vmul.f32 v6, v3  }
0xd6: {  	v3 =	vld [tilespmem:s21+$0xFFFFFFD0];
	v10 =	vmul.f32 v1, v5  }
0xd7: {  	v5 =	vld [tilespmem:s16+$0xFFFFFFE0];
	[tilespmem:s20+$0x20] =	vst v2  }
0xd8: {  	v2 =	vld [tilespmem:s21+$0xFFFFFFE0];
	v6 =	vmul.f32 v9, v8;
	[tilespmem:s20+$0xFFFFFFC0] =	vst v10;
	s20 =	smov.u32 s16  }
0xd9: {  	v8 =	vld [tilespmem:s16+$0xFFFFFFF0];
	v1 =	vmov v4  }
0xda: {  	v9 =	vld [tilespmem:s21+$0xFFFFFFF0];
	[tilespmem:s16+$0x30] =	vst v6  }
0xdb: {  	v3 =	vmul.f32 v3, v7;
	v7 =	vld [tilespmem:s16+$0x0]  }
0xdc: {  	v10 =	vld [tilespmem:s21+$0x0]  }
.Ltmp5:
0xdd: {  	[tilespmem:s16+$0xFFFFFFD0] =	vst v3;
	v3 =	vmul.f32 v2, v5;
	v2 =	vld [tilespmem:s16+$0x10];
	(pc) =	sbr.rel @p2 .LBB2_9-.Ltmp5, $4  }
0xde: {  	v4 =	vld [tilespmem:s21+$0x10]  }
0xdf: {  	[tilespmem:s16+$0xFFFFFFE0] =	vst v3;
	v8 =	vmul.f32 v9, v8;
	v3 =	vld [tilespmem:s16+$0x20]  }
0xe0: {  	v6 =	vld [tilespmem:s21+$0x20]  }
0xe1: {  	s16 =	sadd.s32 $0x80, s16;
	v5 =	vld [tilespmem:s20+$0xFFFFFFC0];
	[tilespmem:s20+$0xFFFFFFF0] =	vst v8;
	v7 =	vmul.f32 v10, v7  }
0xe2: {  	_ =	sdelay $0x1  }
.Ltmp6:
0xe3: {  	v2 =	vmul.f32 v4, v2;
	(pc) =	sbr.rel @p1 .LBB2_14-.Ltmp6, $4  }
0xe4: {  	[tilespmem:s20+$0x0] =	vst v7;
	v3 =	vmul.f32 v6, v3  }
0xe5: {  	[tilespmem:s20+$0x10] =	vst v2;
	v1 =	vmul.f32 v1, v5  }
0xe6: {  	[tilespmem:s20+$0x20] =	vst v3  }
0xe7: {  	[tilespmem:s20+$0xFFFFFFC0] =	vst v1  }
0xe8: {  	_ =	swait.ge [sflag:s26], $0x3E8  }
0xe9: {  	[sflag:s26] =	ssyncset.done $0x0  }
0xea: {  	[sflag:s26] =	ssyncadd.s32 $0xFFFFFC18  }
0xeb: {  	_ =	swait.ge [sflag:s26], $0x3E8  }
0xec: {  	[sflag:s26] =	ssyncset.done $0x0  }
0xed: {  	[sflag:s26] =	ssyncadd.s32 $0xFFFFFC18  }
0xee: {  	_ =	swait.ge [sflag:s26], $0x3E8  }
0xef: {  	[sflag:s26] =	ssyncset.done $0x0  }
0xf0: {  	s10 =	simm.s32 $0x0;
	[sflag:s26] =	ssyncadd.s32 $0xFFFFFC18  }
0xf1: {  	v1 =	vld [tilespmem:s10+$0xD7B0]  }
0xf2: {  	v2 =	vld [tilespmem:s10+$0xC810]  }
0xf3: {  	s16 =	simm.s32 $0x40  }
.LBB2_12:
0xf4: {  	p1 =	sne.s32 s16, $0xF40  }
.Ltmp7:
0xf5: {  	_ = 	snop;
	(pc) =	sbr.rel @p1 .LBB2_12-.Ltmp7, $4  }
0xf6: {  	s20 =	sshra.s32 s16, $0x2;
	v3 =	vadd.s32 $0xFFFFFFFF, v1  }
0xf7: {  	v1 =	vld [tilespmem:s20+$0xD7B0];
	v4 =	vshll.u32 v2, $0x2;
	v3 =	vand.u32 $0xF, v3  }
0xf8: {  	v2 =	vld [tilespmem:s20+$0xC810];
	v4 =	vor.u32 v0, v4;
	[tilespmem:s10+$0xE750] =	vst v3  }
0xf9: {  	s16 =	sadd.s32 $0x40, s16;
	[tilespmem:s10+$0xDF80] =	vst v4;
	s10 =	smov.u32 s20  }
0xfa: {  	_ =	sdelay $0x1  }
0xfb: {  	v1 =	vadd.s32 $0xFFFFFFFF, v1  }
0xfc: {  	v2 =	vshll.u32 v2, $0x2;
	v1 =	vand.u32 $0xF, v1  }
0xfd: {  	v2 =	vor.u32 v0, v2;
	[tilespmem:s10+$0xE750] =	vst v1  }
0xfe: {  	[tilespmem:s10+$0xDF80] =	vst v2  }
0xff: {  	v1 =	vld [tilespmem:$0xCBE8]  }
0x100: {  	v2 =	vld [tilespmem:$0xDB88];
	_ =	sdelay $0x3  }
0x101: {  	v1 =	vshll.u32 v1, $0x2  }
0x102: {  	v2 =	vadd.s32 $0xFFFFFFFF, v2;
	v1 =	vor.u32 v0, v1  }
0x103: {  	[tilespmem:$0xE358] =	vst v1;
	v1 =	vand.u32 $0xF, v2  }
0x104: {  	[tilespmem:$0xEB28] =	vst v1  }
0x105: {  	[tilespmem:s30], [sflag:$0x2] =	stream.indirect.gather [hbm4b:s1+s28], $0x10, s29, s28, $0xb8;
	[tilespmem:$0x1AAA0] =	vst v63  }
0x106: {  	_ = 	snop  }
0x107: {  	[tilespmem:s0], [sflag:$0x3] =	stream.indirect.gather [spmem:s4], $0x10, s31, s28, $0xb8;
	[tilespmem:$0x1AAA0] =	vst v63  }
0x108: {  	s20 =	smul.u32 $0x7D0, s17  }
0x109: {  	[spmem:s3] =	stream.indirect.scatter.add.f32 [tilespmem:s13], [sflag:$0x4], $0x10, s25, s28, $0xb8;
	[tilespmem:$0x1AAA0] =	vst v63  }
0x10a: {  	s10 =	sadd.s32 s20, s19;
	_ =	swait.ge [sflag:s22], $0x3E80  }
0x10b: {  	s10 =	sshrl.u32 s10, $0x3;
	[sflag:s22] =	ssyncset.done $0x0  }
0x10c: {  	s16 =	sadd.s32 s6, s10;
	[sflag:s22] =	ssyncadd.s32 $0xFFFFC180  }
0x10d: {  	[tilespmem:s23], [sflag:$0x1] =	stream.linear.gather [hbm4b:s16+s5], $0x3E8, $0x38;
	[tilespmem:$0x1AAA0] =	vst v63  }
.Ltmp8:
0x10e: {  	_ = 	snop;
	(pc) =	sbr.rel .LBB2_4-.Ltmp8, $4  }
0x10f: {  	s21 =	sadd.s32 s7, s10  }
0x110: {  	[tilespmem:s25], [sflag:$0x1] =	stream.linear.gather [hbm4b:s21+s5], $0x3E8, $0x38;
	[tilespmem:$0x1AAA0] =	vst v63  }
0x111: {  	s17 =	sadd.s32 $0x1, s17;
	s10 =	sadd.s32 s2, s10  }
0x112: {  	[tilespmem:s8], [sflag:$0x1] =	stream.linear.gather [hbm4b:s10+s5], $0x3E8, $0x38;
	[tilespmem:$0x1AAA0] =	vst v63  }
.LBB2_15:
0x113: {  	_ =	sfence.sel $0x180000  }
0x114: {  	[bflag:$0x0] =	sbarrier.arrive $0xFFFF  }
0x115: {  	_ =	strace $0x90000047  }
0x116: {  	[bflag:$0x2] =	sbarrier.arrive $0xFFFF  }
0x117: {  	s0 =	rddreg [dreg:$0x5]  }
0x118: {  	s0 =	sadd.s32 @!p0 $0x100000, s0  }
0x119: {  	[sflag:s0] =	ssyncadd.tile.s32 @!p0 $0x1;
	_ =	shalt  }
.Lfunc_end2:
_tile_overlayer_lowered:
.L_overlay_start_2:
0x11a: {  	(tag) =	ssettag $0x2  }
0x11b: {  	s0 =	rddreg [dreg:$0x0];
	s2 =	stileid.u32  }
0x11c: {  	s1 =	rddreg [dreg:$0x1];
	p0 =	sne.s32 s2, $0x0  }
0x11d: {  	s3 =	rddreg [dreg:$0x2];
	[bflag:$0x3] =	sbarrier.arrive $0xFFFF;
	s2 =	simm.s32 @!p0 $0x1C04  }
0x11e: {  	[timem:s3], [sflag:s2] =	dma.local @!p0 [hbm:s0], s1  }
0x11f: {  	s0 =	simm.s32 @!p0 $0x4  }
0x120: {  	_ =	swait.ge @!p0 [sflag:s0], s1  }
0x121: {  	s1 =	ssub.s32 @!p0 $0x0, s1;
	[sflag:s0] =	ssyncset.done @!p0 $0x0  }
0x122: {  	[sflag:s0] =	ssyncadd.s32 @!p0 s1  }
0x123: {  	[bflag:$0x3] =	sbarrier.arrive $0xFFFF  }
0x124: {  	_ =	shalt  }

</sc_bundles>
